<compile_context>
chip_gen: v7x
topology: tpu7x:2x2x1
jax: 0.10.2.dev20260603
libtpu: 0.0.44.dev20260713+nightly
codegen_flags: <defaults>
</compile_context>

<pallas_src>
import functools

import jax
import jax.numpy as jnp
from jax import lax
from jax.experimental import pallas as pl
from jax.experimental.pallas import tpu as pltpu
from jax.experimental.pallas import tpu_sc as plsc

D = 1536
H = 4
C = 128
HC = H * C
N = 10000
E = 160000
HID = 128

NC = 2
NS = 16
NW = NC * NS
EW = E // NW
GA = 16
NBA = (EW + GA - 1) // GA
EWP = 5120
GB = 16
NBB = (EW + GB - 1) // GB
DENP = 40960
ROW_BLK = 400


def _iota16():
    return lax.broadcasted_iota(jnp.int32, (16,), 0)


def _proj_body(x_ref, w_ref, b_ref, q_ref, k_ref, v_ref, s_ref):
    y = (
        jnp.dot(x_ref[...], w_ref[...], preferred_element_type=jnp.float32)
        + b_ref[...]
    )
    q_ref[...] = y[:, :HC]
    k_ref[...] = y[:, HC : 2 * HC]
    v_ref[...] = y[:, 2 * HC : 3 * HC]
    s_ref[...] = y[:, 3 * HC :]


def _project(x, W_all, b_all):
    m, kdim = x.shape
    n_out = W_all.shape[1]
    return pl.pallas_call(
        _proj_body,
        grid=(m // ROW_BLK,),
        in_specs=[
            pl.BlockSpec((ROW_BLK, kdim), lambda i: (i, 0)),
            pl.BlockSpec((kdim, n_out), lambda i: (0, 0)),
            pl.BlockSpec((1, n_out), lambda i: (0, 0)),
        ],
        out_specs=[
            pl.BlockSpec((ROW_BLK, HC), lambda i: (i, 0)),
            pl.BlockSpec((ROW_BLK, HC), lambda i: (i, 0)),
            pl.BlockSpec((ROW_BLK, HC), lambda i: (i, 0)),
            pl.BlockSpec((ROW_BLK, HID), lambda i: (i, 0)),
        ],
        out_shape=[
            jax.ShapeDtypeStruct((m, HC), jnp.float32),
            jax.ShapeDtypeStruct((m, HC), jnp.float32),
            jax.ShapeDtypeStruct((m, HC), jnp.float32),
            jax.ShapeDtypeStruct((m, HID), jnp.float32),
        ],
    )(x, W_all, b_all)


def _edge_alpha_kernel(q_hbm, k_hbm, src_hbm, dst_hbm, expa_out, dpart_out,
                       den_spm, srcv, dstv, qrows, krows, accflat, expabuf,
                       idxrow, valrow, zflat, sem):
    cid = lax.axis_index("c")
    sid = lax.axis_index("s")
    w = cid * NS + sid
    zero16f = jnp.zeros((16,), jnp.float32)
    zero16i = jnp.zeros((16,), jnp.int32)
    iota = _iota16()

    def _zf(i, _):
        zflat[pl.ds(i * 16, 16)] = zero16f
        return _

    lax.fori_loop(0, 160, _zf, None)
    pltpu.sync_copy(zflat, den_spm.at[pl.ds(sid * 2560, 2560)])
    plsc.subcore_barrier()

    srcv[pl.ds(4992, 16)] = zero16i
    pltpu.sync_copy(src_hbm.at[pl.ds(w * EW, EW)], srcv.at[pl.ds(0, EW)])
    dstv[pl.ds(4992, 16)] = zero16i
    pltpu.sync_copy(dst_hbm.at[pl.ds(w * EW, EW)], dstv.at[pl.ds(0, EW)])
    for c8 in range(8):
        idxrow[0, pl.ds(c8 * 16, 16)] = zero16i
        valrow[0, pl.ds(c8 * 16, 16)] = zero16f

    def _qk_start(bi, par):
        pltpu.async_copy(q_hbm.at[dstv.at[pl.ds(bi * GA, GA)]],
                         qrows.at[pl.ds(par, GA), :], sem)
        pltpu.async_copy(k_hbm.at[srcv.at[pl.ds(bi * GA, GA)]],
                         krows.at[pl.ds(par, GA), :], sem)

    def _qk_wait(bi, par):
        pltpu.make_async_copy(q_hbm.at[dstv.at[pl.ds(bi * GA, GA)]],
                              qrows.at[pl.ds(par, GA), :], sem).wait()
        pltpu.make_async_copy(k_hbm.at[srcv.at[pl.ds(bi * GA, GA)]],
                              krows.at[pl.ds(par, GA), :], sem).wait()

    _qk_start(0, 0)

    def _block(bi, _):
        base = bi * GA
        par = (bi % 2) * GA
        _qk_wait(bi, par)

        @pl.when(bi < NBA - 1)
        def _():
            _qk_start(bi + 1, GA - par)

        def _rec(rec, _):
            for h in range(H):
                acc = zero16f
                for j in range(8):
                    off = h * C + j * 16
                    acc = acc + (qrows[par + rec, pl.ds(off, 16)]
                                 * krows[par + rec, pl.ds(off, 16)])
                accflat[pl.ds(h * 256 + rec * 16, 16)] = acc
            return _

        lax.fori_loop(0, GA, _rec, None)

        mask = (base + iota) < EW
        for h in range(H):
            dotv = zero16f
            for i in range(16):
                dotv = dotv + plsc.load_gather(accflat, [h * 256 + iota * 16 + i])
            evec = jnp.exp(dotv)
            expabuf[h, pl.ds(base, 16)] = evec
            t16 = h * GA + iota
            dvec = dstv[pl.ds(base, 16)]
            plsc.store_scatter(idxrow, [zero16i, t16], dvec + h * N)
            plsc.store_scatter(valrow, [zero16i, t16],
                               jnp.where(mask, evec, 0.0))
        pltpu.sync_copy(valrow.at[0], den_spm.at[idxrow.at[0]], add=True)
        return _

    lax.fori_loop(0, NBA, _block, None)

    pltpu.sync_copy(expabuf, expa_out.at[w])
    plsc.subcore_barrier()
    pltpu.sync_copy(den_spm.at[pl.ds(sid * 2560, 2560)],
                    dpart_out.at[cid, pl.ds(sid * 2560, 2560)])


def _edge_alpha(q, k, src, dst):
    mesh = plsc.VectorSubcoreMesh(
        core_axis_name="c", subcore_axis_name="s", num_cores=NC, num_subcores=NS
    )
    f = pl.kernel(
        _edge_alpha_kernel,
        out_type=[
            jax.ShapeDtypeStruct((NW, H, EWP), jnp.float32),
            jax.ShapeDtypeStruct((NC, DENP), jnp.float32),
        ],
        mesh=mesh,
        compiler_params=pltpu.CompilerParams(needs_layout_passes=False),
        scratch_types=[
            pltpu.VMEM_SHARED((DENP,), jnp.float32),
            pltpu.VMEM((EW + 8,), jnp.int32),
            pltpu.VMEM((EW + 8,), jnp.int32),
            pltpu.VMEM((2 * GA, HC), jnp.float32),
            pltpu.VMEM((2 * GA, HC), jnp.float32),
            pltpu.VMEM((H * 256,), jnp.float32),
            pltpu.VMEM((H, EWP), jnp.float32),
            pltpu.VMEM((1, 128), jnp.int32),
            pltpu.VMEM((1, 128), jnp.float32),
            pltpu.VMEM((2560,), jnp.float32),
            pltpu.SemaphoreType.DMA,
        ],
    )
    return f(q, k, src, dst)


def _invd_body(d_ref, o_ref):
    o_ref[...] = 0.25 / (d_ref[0] + d_ref[1] + 1e-16)


def _invd(dpart):
    d3 = dpart.reshape(NC, 8, DENP // 8)
    out = pl.pallas_call(
        _invd_body,
        grid=(1,),
        in_specs=[pl.BlockSpec((NC, 8, DENP // 8), lambda i: (0, 0, 0))],
        out_specs=pl.BlockSpec((8, DENP // 8), lambda i: (0, 0)),
        out_shape=jax.ShapeDtypeStruct((8, DENP // 8), jnp.float32),
    )(d3)
    return out.reshape(DENP)


def _edge_agg_kernel(v_hbm, srcp_hbm, dstp_hbm, expa_hbm, invd_hbm,
                     pout, outm_spm, invd_spm, srcseg, dstseg, dstrows,
                     expaseg, idx2, invdbuf, vbuf, msgbuf, zbuf, sem,
                     sems0, sems1):
    cid = lax.axis_index("c")
    sid = lax.axis_index("s")
    w = cid * NS + sid
    zero16f = jnp.zeros((16,), jnp.float32)
    iota = _iota16()

    for i in range(64):
        zbuf[i // 8, pl.ds((i % 8) * 16, 16)] = zero16f
    nchunk = jnp.where(sid == NS - 1, 80, 78)

    def _zo(t, _):
        pltpu.sync_copy(zbuf, outm_spm.at[pl.ds(sid * 624 + t * 8, 8), :])
        return _

    lax.fori_loop(0, nchunk, _zo, None)

    pltpu.sync_copy(invd_hbm.at[pl.ds(sid * 2560, 2560)],
                    invd_spm.at[pl.ds(sid * 2560, 2560)])
    plsc.subcore_barrier()

    def _seg(sg, _):
        pltpu.sync_copy(srcp_hbm.at[w, pl.ds(sg * 512, 512)], srcseg)
        pltpu.sync_copy(dstp_hbm.at[w, pl.ds(sg * 512, 512)], dstseg)
        pltpu.sync_copy(expa_hbm.at[w, :, pl.ds(sg * 512, 512)], expaseg)

        def _dr(r, _):
            dstrows[r, pl.ds(0, 16)] = dstseg[pl.ds(r * 16, 16)]
            return _

        lax.fori_loop(0, 32, _dr, None)

        def _fi(i, _):
            r = i // 8
            col = (i % 8) * 16
            e = (r % 4) * 128 + col
            idx2[r, pl.ds(col, 16)] = dstseg[pl.ds(e, 16)] + (r // 4) * N
            return _

        lax.fori_loop(0, 128, _fi, None)

        def _gi(j, _):
            pltpu.async_copy(invd_spm.at[idx2.at[j]], invdbuf.at[j], sem)
            return _

        lax.fori_loop(0, 16, _gi, None)

        def _gw(j, _):
            pltpu.make_async_copy(invd_spm.at[idx2.at[j]], invdbuf.at[j],
                                  sem).wait()
            return _

        lax.fori_loop(0, 16, _gw, None)

        for h in range(H):
            def _wm(i, _):
                t = i * 16
                u = h * 512 + t
                msk = (sg * 512 + t + iota) < EW
                expaseg[h, pl.ds(t, 16)] = jnp.where(
                    msk,
                    expaseg[h, pl.ds(t, 16)]
                    * invdbuf[u // 128, pl.ds(u % 128, 16)],
                    0.0,
                )
                return _

            lax.fori_loop(0, 32, _wm, None)

        def _v_start(bi, par):
            pltpu.async_copy(v_hbm.at[srcseg.at[pl.ds(bi * GB, GB)]],
                             vbuf.at[pl.ds(par, GB), :], sem)

        def _v_wait(bi, par):
            pltpu.make_async_copy(v_hbm.at[srcseg.at[pl.ds(bi * GB, GB)]],
                                  vbuf.at[pl.ds(par, GB), :], sem).wait()

        _v_start(0, 0)

        def _block(bi, _):
            base = bi * GB
            par = (bi % 2) * GB
            _v_wait(bi, par)

            @pl.when(bi < 31)
            def _():
                _v_start(bi + 1, GB - par)

            @pl.when(jnp.logical_and(bi >= 2, bi % 2 == 0))
            def _():
                pltpu.make_async_copy(msgbuf.at[pl.ds(0, GB), :],
                                      outm_spm.at[dstrows.at[bi]], sems0).wait()

            @pl.when(jnp.logical_and(bi >= 2, bi % 2 == 1))
            def _():
                pltpu.make_async_copy(msgbuf.at[pl.ds(GB, GB), :],
                                      outm_spm.at[dstrows.at[bi]], sems1).wait()

            zero16i2 = jnp.full((16,), 0, jnp.int32)

            def _rec(rec, _):
                e16 = zero16i2 + base + rec
                w0 = plsc.load_gather(expaseg, [zero16i2, e16])
                w1 = plsc.load_gather(expaseg, [zero16i2 + 1, e16])
                w2 = plsc.load_gather(expaseg, [zero16i2 + 2, e16])
                w3 = plsc.load_gather(expaseg, [zero16i2 + 3, e16])
                pr = par + rec
                for j in range(8):
                    o = j * 16
                    m = (
                        vbuf[pr, pl.ds(o, 16)] * w0
                        + vbuf[pr, pl.ds(C + o, 16)] * w1
                        + vbuf[pr, pl.ds(2 * C + o, 16)] * w2
                        + vbuf[pr, pl.ds(3 * C + o, 16)] * w3
                    )
                    msgbuf[pr, pl.ds(o, 16)] = m
                return _

            lax.fori_loop(0, GB, _rec, None, unroll=2)

            @pl.when(bi % 2 == 0)
            def _():
                pltpu.async_copy(msgbuf.at[pl.ds(0, GB), :],
                                 outm_spm.at[dstrows.at[bi]], sems0, add=True)

            @pl.when(bi % 2 == 1)
            def _():
                pltpu.async_copy(msgbuf.at[pl.ds(GB, GB), :],
                                 outm_spm.at[dstrows.at[bi]], sems1, add=True)

            return _

        lax.fori_loop(0, 32, _block, None)
        pltpu.make_async_copy(msgbuf.at[pl.ds(0, GB), :],
                              outm_spm.at[dstrows.at[0]], sems0).wait()
        pltpu.make_async_copy(msgbuf.at[pl.ds(GB, GB), :],
                              outm_spm.at[dstrows.at[1]], sems1).wait()
        return _

    lax.fori_loop(0, EWP // 512, _seg, None)

    plsc.subcore_barrier()

    def _po(t, _):
        r = sid * 624 + t * 8
        pltpu.sync_copy(outm_spm.at[pl.ds(r, 8), :],
                        pout.at[cid, pl.ds(r, 8), :])
        return _

    lax.fori_loop(0, nchunk, _po, None)


def _edge_agg(v, srcp, dstp, expa, invd):
    mesh = plsc.VectorSubcoreMesh(
        core_axis_name="c", subcore_axis_name="s", num_cores=NC, num_subcores=NS
    )
    f = pl.kernel(
        _edge_agg_kernel,
        out_type=[jax.ShapeDtypeStruct((NC, N, C), jnp.float32)],
        mesh=mesh,
        compiler_params=pltpu.CompilerParams(needs_layout_passes=False),
        scratch_types=[
            pltpu.VMEM_SHARED((N, C), jnp.float32),
            pltpu.VMEM_SHARED((DENP,), jnp.float32),
            pltpu.VMEM((512,), jnp.int32),
            pltpu.VMEM((512,), jnp.int32),
            pltpu.VMEM((32, 16), jnp.int32),
            pltpu.VMEM((H, 512), jnp.float32),
            pltpu.VMEM((16, 128), jnp.int32),
            pltpu.VMEM((16, 128), jnp.float32),
            pltpu.VMEM((2 * GB, HC), jnp.float32),
            pltpu.VMEM((2 * GB, C), jnp.float32),
            pltpu.VMEM((8, C), jnp.float32),
            pltpu.SemaphoreType.DMA,
            pltpu.SemaphoreType.DMA,
            pltpu.SemaphoreType.DMA,
        ],
    )
    return f(v, srcp, dstp, expa, invd)[0]


def _mlp_body(p_ref, s_ref, wl_ref, bl_ref, wl1_ref, bl1_ref, o_ref):
    x = p_ref[0] + p_ref[1]
    h = jax.nn.relu(x + s_ref[...])
    h = jax.nn.relu(
        jnp.dot(h, wl_ref[...], preferred_element_type=jnp.float32) + bl_ref[...]
    )
    h = jax.nn.relu(
        jnp.dot(h, wl1_ref[...], preferred_element_type=jnp.float32) + bl1_ref[...]
    )
    part = jnp.sum(h, axis=0, keepdims=True) * (1.0 / N)

    @pl.when(pl.program_id(0) == 0)
    def _():
        o_ref[...] = jnp.zeros_like(o_ref)

    o_ref[...] += part


def _graph_mlp(p, s, W_lin, b_lin, W_lin1, b_lin1):
    out = pl.pallas_call(
        _mlp_body,
        grid=(N // ROW_BLK,),
        in_specs=[
            pl.BlockSpec((NC, ROW_BLK, C), lambda i: (0, i, 0)),
            pl.BlockSpec((ROW_BLK, HID), lambda i: (i, 0)),
            pl.BlockSpec((HID, 1024), lambda i: (0, 0)),
            pl.BlockSpec((1, 1024), lambda i: (0, 0)),
            pl.BlockSpec((1024, 300), lambda i: (0, 0)),
            pl.BlockSpec((1, 300), lambda i: (0, 0)),
        ],
        out_specs=pl.BlockSpec((1, 300), lambda i: (0, 0)),
        out_shape=jax.ShapeDtypeStruct((1, 300), jnp.float32),
    )(p, s, W_lin, b_lin, W_lin1, b_lin1)
    return out[0]


def _text_body(x_ref, w0_ref, b0_ref, w1_ref, b1_ref, o_ref):
    h = jax.nn.relu(
        jnp.dot(x_ref[...], w0_ref[...], preferred_element_type=jnp.float32)
        + b0_ref[...]
    )
    o_ref[...] = jax.nn.relu(
        jnp.dot(h, w1_ref[...], preferred_element_type=jnp.float32) + b1_ref[...]
    )


def _text_branch(x_text, W_text, b_text, W_text1, b_text1):
    m = x_text.shape[0]
    return pl.pallas_call(
        _text_body,
        grid=(1,),
        in_specs=[
            pl.BlockSpec((m, D), lambda i: (0, 0)),
            pl.BlockSpec((D, HID), lambda i: (0, 0)),
            pl.BlockSpec((1, HID), lambda i: (0, 0)),
            pl.BlockSpec((HID, 300), lambda i: (0, 0)),
            pl.BlockSpec((1, 300), lambda i: (0, 0)),
        ],
        out_specs=pl.BlockSpec((m, 300), lambda i: (0, 0)),
        out_shape=jax.ShapeDtypeStruct((m, 300), jnp.float32),
    )(x_text, W_text, b_text, W_text1, b_text1)


def kernel(x_text, x_graph, edge_index, edge_attr, place_node,
           Wq, bq, Wk, bk, Wv, bv, Ws, bs,
           W_lin, b_lin, W_lin1, b_lin1,
           W_text, b_text, W_text1, b_text1):
    rsq = 1.0 / jnp.sqrt(jnp.float32(C))
    W_all = jnp.concatenate([Wq * rsq, Wk, Wv, Ws], axis=1)
    b_all = jnp.concatenate([bq * rsq, bk, bv, bs])[None, :]
    q, k, v, s = _project(x_graph, W_all, b_all)

    src = edge_index[0]
    dst = edge_index[1]
    srcp = jnp.pad(src.reshape(NW, EW), ((0, 0), (0, EWP - EW)))
    dstp = jnp.pad(dst.reshape(NW, EW), ((0, 0), (0, EWP - EW)))

    expa, dpart = _edge_alpha(q, k, src, dst)
    invd = _invd(dpart)
    pout = _edge_agg(v, srcp, dstp, expa, invd)

    xg = _graph_mlp(pout, s, W_lin, b_lin[None, :], W_lin1, b_lin1[None, :])
    xt = _text_branch(x_text, W_text, b_text[None, :], W_text1, b_text1[None, :])
    return (xt, xg)

# --- scband reference (transcript-rebuilt; emitter-appended) ---
"""Pipeline reference for scband-text-gcn-37125697307198 (READ-ONLY COPY).

The authoritative reference and input builder live on the scoring server;
editing this copy changes nothing except your own understanding.
"""

import jax, jax.numpy as jnp
import numpy as np

D = 1536
H = 4
C = 128
HC = H * C
N = 10000
E = 160000
HID = 128


def setup_inputs(seed: int = 0) -> dict:
    key = jax.random.key(seed)
    ks = jax.random.split(key, 24)
    s = 0.02
    inp = {}
    inp["x_text"] = jax.random.normal(ks[0], (1024, D), dtype=jnp.float32)
    inp["x_graph"] = jax.random.normal(ks[1], (N, D), dtype=jnp.float32)
    inp["edge_index"] = jax.random.randint(ks[2], (2, E), 0, N, dtype=jnp.int32)
    inp["edge_attr"] = jax.random.normal(ks[3], (E, 16), dtype=jnp.float32)
    inp["place_node"] = jax.random.randint(ks[4], (N,), 0, N, dtype=jnp.int32)
    inp["Wq"] = jax.random.normal(ks[5], (D, HC), dtype=jnp.float32) * s
    inp["bq"] = jnp.zeros((HC,), dtype=jnp.float32)
    inp["Wk"] = jax.random.normal(ks[6], (D, HC), dtype=jnp.float32) * s
    inp["bk"] = jnp.zeros((HC,), dtype=jnp.float32)
    inp["Wv"] = jax.random.normal(ks[7], (D, HC), dtype=jnp.float32) * s
    inp["bv"] = jnp.zeros((HC,), dtype=jnp.float32)
    inp["Ws"] = jax.random.normal(ks[8], (D, HID), dtype=jnp.float32) * s
    inp["bs"] = jnp.zeros((HID,), dtype=jnp.float32)
    inp["W_lin"] = jax.random.normal(ks[9], (HID, 1024), dtype=jnp.float32) * s
    inp["b_lin"] = jnp.zeros((1024,), dtype=jnp.float32)
    inp["W_lin1"] = jax.random.normal(ks[10], (1024, 300), dtype=jnp.float32) * s
    inp["b_lin1"] = jnp.zeros((300,), dtype=jnp.float32)
    inp["W_text"] = jax.random.normal(ks[11], (D, HID), dtype=jnp.float32) * s
    inp["b_text"] = jnp.zeros((HID,), dtype=jnp.float32)
    inp["W_text1"] = jax.random.normal(ks[12], (HID, 300), dtype=jnp.float32) * s
    inp["b_text1"] = jnp.zeros((300,), dtype=jnp.float32)
    return inp


def _transformer_conv(x, edge_index, Wq, bq, Wk, bk, Wv, bv, Ws, bs):
    # PyG TransformerConv, heads=4, concat=False, root_weight=True, eval mode (no dropout)
    n = x.shape[0]
    src = edge_index[0]
    dst = edge_index[1]
    q = (x @ Wq + bq).reshape(n, H, C)
    k = (x @ Wk + bk).reshape(n, H, C)
    v = (x @ Wv + bv).reshape(n, H, C)
    alpha = jnp.sum(q[dst] * k[src], axis=-1) / jnp.sqrt(jnp.float32(C))  # [E, H]
    amax = jax.ops.segment_max(alpha, dst, num_segments=n)  # [N, H]
    amax = jnp.where(jnp.isfinite(amax), amax, 0.0)
    expa = jnp.exp(alpha - amax[dst])
    denom = jax.ops.segment_sum(expa, dst, num_segments=n)
    alpha_n = expa / (denom[dst] + 1e-16)  # softmax over incoming edges per dst
    msg = v[src] * alpha_n[:, :, None]  # [E, H, C]
    out = jax.ops.segment_sum(msg, dst, num_segments=n)  # [N, H, C]
    out = jnp.mean(out, axis=1)  # concat=False -> mean over heads
    out = out + (x @ Ws + bs)  # root/skip connection
    return out


def reference(x_text, x_graph, edge_index, edge_attr, place_node,
              Wq, bq, Wk, bk, Wv, bv, Ws, bs,
              W_lin, b_lin, W_lin1, b_lin1,
              W_text, b_text, W_text1, b_text1):
    # graph branch
    xg = _transformer_conv(x_graph, edge_index, Wq, bq, Wk, bk, Wv, bv, Ws, bs)
    xg = jax.nn.relu(xg)
    xg = jax.nn.relu(xg @ W_lin + b_lin)
    xg = jax.nn.relu(xg @ W_lin1 + b_lin1)
    # dropout is identity in eval mode
    xg = jnp.mean(xg, axis=0)  # [300]
    # text branch
    xt = jax.nn.relu(x_text @ W_text + b_text)
    xt = jax.nn.relu(xt @ W_text1 + b_text1)
    return (xt, xg)

if __name__ == "__main__":
    import jax
    _d = setup_inputs()
    print(jax.jit(kernel)(*tuple(_d.values())))

</pallas_src>

<mosaic_0001>
#map = affine_map<(d0, d1) -> (0, 0)>
#map1 = affine_map<(d0, d1) -> (0)>
#map2 = affine_map<(d0, d1) -> (0, 0, 0)>
module attributes {stable_mosaic.version = 14 : i64} {
  func.func @_edge_alpha_kernel(%arg0: i32, %arg1: i32, %arg2: memref<10000x512xf32, #tpu.memory_space<hbm>>, %arg3: memref<10000x512xf32, #tpu.memory_space<hbm>>, %arg4: memref<160000xi32, #tpu.memory_space<hbm>>, %arg5: memref<160000xi32, #tpu.memory_space<hbm>>, %arg6: memref<32x4x5120xf32, #tpu.memory_space<hbm>>, %arg7: memref<2x40960xf32, #tpu.memory_space<hbm>>, %arg8: memref<40960xf32, #tpu.memory_space<vmem_shared>>, %arg9: memref<5008xi32, #tpu.memory_space<vmem>>, %arg10: memref<5008xi32, #tpu.memory_space<vmem>>, %arg11: memref<32x512xf32, #tpu.memory_space<vmem>>, %arg12: memref<32x512xf32, #tpu.memory_space<vmem>>, %arg13: memref<1024xf32, #tpu.memory_space<vmem>>, %arg14: memref<4x5120xf32, #tpu.memory_space<vmem>>, %arg15: memref<1x128xi32, #tpu.memory_space<vmem>>, %arg16: memref<1x128xf32, #tpu.memory_space<vmem>>, %arg17: memref<2560xf32, #tpu.memory_space<vmem>>, %arg18: memref<!tpu.dma_semaphore, #tpu.memory_space<semaphore_mem>>) attributes {dimension_semantics = [#tpu.dimension_semantics<core_parallel>, #tpu.dimension_semantics<subcore_parallel>], iteration_bounds = array<i64: 2, 16>, scalar_prefetch = 0 : i64, scratch_operands = 11 : i64, tpu.core_type = #tpu.core_type<sc_vector_subcore>, window_params = [{transform_indices = #map}, {transform_indices = #map}, {transform_indices = #map1}, {transform_indices = #map1}, {transform_indices = #map2}, {transform_indices = #map}]} {
    %mul3A = arith.constant 16 : i32
    %mul3A_0 = arith.muli %arg0, %mul3A : i32
    %add3A = arith.addi %mul3A_0, %arg1 : i32
    %broadcast_in_dim3A = arith.constant 0.000000e+00 : f32
    %broadcast_in_dim3A_1 = vector.broadcast %broadcast_in_dim3A : f32 to vector<16xf32>
    %broadcast_in_dim3A_2 = arith.constant 0 : i32
    %broadcast_in_dim3A_3 = vector.broadcast %broadcast_in_dim3A_2 : i32 to vector<16xi32>
    %iota3A = tpu.iota {dimensions = array<i32: 0>} : vector<16xi32>
    %scan3A = arith.constant 0 : i32
    %scan3A_4 = arith.constant 160 : i32
    %scan3A_5 = arith.addi %scan3A, %scan3A_4 : i32
    %scan3A_6 = arith.constant 1 : i32
    scf.for %scan3A_106 = %scan3A to %scan3A_5 step %scan3A_6  : i32 {
      %mul3A_107 = arith.constant 16 : i32
      %mul3A_108 = arith.muli %scan3A_106, %mul3A_107 : i32
      %swap3A_109 = arith.index_cast %mul3A_108 : i32 to index
      %swap3A_110 = tpu.vector_load %arg17[%swap3A_109] {strides = array<i32>} : memref<2560xf32, #tpu.memory_space<vmem>>, vector<16xf32>,
      tpu.vector_store %arg17[%swap3A_109], %broadcast_in_dim3A_1 {strides = array<i32>} : memref<2560xf32, #tpu.memory_space<vmem>>, vector<16xf32>,
    }
    %scan3A_7 = arith.constant 160 : i32
    %mul3A_8 = arith.constant 2560 : i32
    %mul3A_9 = arith.muli %arg1, %mul3A_8 : i32
    "tpu.region"() ({
      %run_scoped3A = tpu.sem_alloc : memref<!tpu.dma_semaphore, #tpu.memory_space<semaphore_mem>>
      %dma_start3A_106 = tpu.memref_slice %arg8[%mul3A_9] : memref<40960xf32, #tpu.memory_space<vmem_shared>> -> memref<2560xf32, #tpu.memory_space<vmem_shared>>
      %dma_start3A_107 = tpu.memref_slice %arg8[%mul3A_9] : memref<40960xf32, #tpu.memory_space<vmem_shared>> -> memref<2560xf32, #tpu.memory_space<vmem_shared>>
      tpu.enqueue_dma source(%arg17 : memref<2560xf32, #tpu.memory_space<vmem>>) target(%dma_start3A_107 : memref<2560xf32, #tpu.memory_space<vmem_shared>>) target_semaphore(%run_scoped3A : memref<!tpu.dma_semaphore, #tpu.memory_space<semaphore_mem>>)
      %dma_wait3A = tpu.memref_slice %arg8[%mul3A_9] : memref<40960xf32, #tpu.memory_space<vmem_shared>> -> memref<2560xf32, #tpu.memory_space<vmem_shared>>
      %dma_wait3A_108 = tpu.memref_slice %arg8[%mul3A_9] : memref<40960xf32, #tpu.memory_space<vmem_shared>> -> memref<2560xf32, #tpu.memory_space<vmem_shared>>
      tpu.wait_dma2 semaphore(%run_scoped3A : memref<!tpu.dma_semaphore, #tpu.memory_space<semaphore_mem>>) src(%arg17 : memref<2560xf32, #tpu.memory_space<vmem>>) dst(%dma_wait3A_108 : memref<2560xf32, #tpu.memory_space<vmem_shared>>)
      tpu.yield
    }) : () -> ()
    %barrier3A = arith.constant 0 : index
    tpu.barrier barrier_id(%barrier3A)
    %swap3A = arith.constant 4992 : index
    %swap3A_10 = tpu.vector_load %arg9[%swap3A] {strides = array<i32>} : memref<5008xi32, #tpu.memory_space<vmem>>, vector<16xi32>,
    tpu.vector_store %arg9[%swap3A], %broadcast_in_dim3A_3 {strides = array<i32>} : memref<5008xi32, #tpu.memory_space<vmem>>, vector<16xi32>,
    %mul3A_11 = arith.constant 5000 : i32
    %mul3A_12 = arith.muli %add3A, %mul3A_11 : i32
    "tpu.region"() ({
      %run_scoped3A = tpu.sem_alloc : memref<!tpu.dma_semaphore, #tpu.memory_space<semaphore_mem>>
      %dma_start3A_106 = arith.constant 0 : i32
      %dma_start3A_107 = tpu.memref_slice %arg9[%dma_start3A_106] : memref<5008xi32, #tpu.memory_space<vmem>> -> memref<5000xi32, #tpu.memory_space<vmem>>
      %dma_start3A_108 = tpu.memref_slice %arg4[%mul3A_12] : memref<160000xi32, #tpu.memory_space<hbm>> -> memref<5000xi32, #tpu.memory_space<hbm>>
      %dma_start3A_109 = arith.constant 0 : i32
      %dma_start3A_110 = tpu.memref_slice %arg9[%dma_start3A_109] : memref<5008xi32, #tpu.memory_space<vmem>> -> memref<5000xi32, #tpu.memory_space<vmem>>
      %dma_start3A_111 = tpu.memref_slice %arg4[%mul3A_12] : memref<160000xi32, #tpu.memory_space<hbm>> -> memref<5000xi32, #tpu.memory_space<hbm>>
      tpu.enqueue_dma source(%dma_start3A_111 : memref<5000xi32, #tpu.memory_space<hbm>>) target(%dma_start3A_110 : memref<5000xi32, #tpu.memory_space<vmem>>) target_semaphore(%run_scoped3A : memref<!tpu.dma_semaphore, #tpu.memory_space<semaphore_mem>>)
      %dma_wait3A = arith.constant 0 : i32
      %dma_wait3A_112 = tpu.memref_slice %arg9[%dma_wait3A] : memref<5008xi32, #tpu.memory_space<vmem>> -> memref<5000xi32, #tpu.memory_space<vmem>>
      %dma_wait3A_113 = tpu.memref_slice %arg4[%mul3A_12] : memref<160000xi32, #tpu.memory_space<hbm>> -> memref<5000xi32, #tpu.memory_space<hbm>>
      %dma_wait3A_114 = arith.constant 0 : i32
      %dma_wait3A_115 = tpu.memref_slice %arg9[%dma_wait3A_114] : memref<5008xi32, #tpu.memory_space<vmem>> -> memref<5000xi32, #tpu.memory_space<vmem>>
      %dma_wait3A_116 = tpu.memref_slice %arg4[%mul3A_12] : memref<160000xi32, #tpu.memory_space<hbm>> -> memref<5000xi32, #tpu.memory_space<hbm>>
      tpu.wait_dma2 semaphore(%run_scoped3A : memref<!tpu.dma_semaphore, #tpu.memory_space<semaphore_mem>>) src(%dma_wait3A_116 : memref<5000xi32, #tpu.memory_space<hbm>>) dst(%dma_wait3A_115 : memref<5000xi32, #tpu.memory_space<vmem>>)
      tpu.yield
    }) : () -> ()
    %swap3A_13 = arith.constant 4992 : index
    %swap3A_14 = tpu.vector_load %arg10[%swap3A_13] {strides = array<i32>} : memref<5008xi32, #tpu.memory_space<vmem>>, vector<16xi32>,
    tpu.vector_store %arg10[%swap3A_13], %broadcast_in_dim3A_3 {strides = array<i32>} : memref<5008xi32, #tpu.memory_space<vmem>>, vector<16xi32>,
    %mul3A_15 = arith.constant 5000 : i32
    %mul3A_16 = arith.muli %add3A, %mul3A_15 : i32
    "tpu.region"() ({
      %run_scoped3A = tpu.sem_alloc : memref<!tpu.dma_semaphore, #tpu.memory_space<semaphore_mem>>
      %dma_start3A_106 = arith.constant 0 : i32
      %dma_start3A_107 = tpu.memref_slice %arg10[%dma_start3A_106] : memref<5008xi32, #tpu.memory_space<vmem>> -> memref<5000xi32, #tpu.memory_space<vmem>>
      %dma_start3A_108 = tpu.memref_slice %arg5[%mul3A_16] : memref<160000xi32, #tpu.memory_space<hbm>> -> memref<5000xi32, #tpu.memory_space<hbm>>
      %dma_start3A_109 = arith.constant 0 : i32
      %dma_start3A_110 = tpu.memref_slice %arg10[%dma_start3A_109] : memref<5008xi32, #tpu.memory_space<vmem>> -> memref<5000xi32, #tpu.memory_space<vmem>>
      %dma_start3A_111 = tpu.memref_slice %arg5[%mul3A_16] : memref<160000xi32, #tpu.memory_space<hbm>> -> memref<5000xi32, #tpu.memory_space<hbm>>
      tpu.enqueue_dma source(%dma_start3A_111 : memref<5000xi32, #tpu.memory_space<hbm>>) target(%dma_start3A_110 : memref<5000xi32, #tpu.memory_space<vmem>>) target_semaphore(%run_scoped3A : memref<!tpu.dma_semaphore, #tpu.memory_space<semaphore_mem>>)
      %dma_wait3A = arith.constant 0 : i32
      %dma_wait3A_112 = tpu.memref_slice %arg10[%dma_wait3A] : memref<5008xi32, #tpu.memory_space<vmem>> -> memref<5000xi32, #tpu.memory_space<vmem>>
      %dma_wait3A_113 = tpu.memref_slice %arg5[%mul3A_16] : memref<160000xi32, #tpu.memory_space<hbm>> -> memref<5000xi32, #tpu.memory_space<hbm>>
      %dma_wait3A_114 = arith.constant 0 : i32
      %dma_wait3A_115 = tpu.memref_slice %arg10[%dma_wait3A_114] : memref<5008xi32, #tpu.memory_space<vmem>> -> memref<5000xi32, #tpu.memory_space<vmem>>
      %dma_wait3A_116 = tpu.memref_slice %arg5[%mul3A_16] : memref<160000xi32, #tpu.memory_space<hbm>> -> memref<5000xi32, #tpu.memory_space<hbm>>
      tpu.wait_dma2 semaphore(%run_scoped3A : memref<!tpu.dma_semaphore, #tpu.memory_space<semaphore_mem>>) src(%dma_wait3A_116 : memref<5000xi32, #tpu.memory_space<hbm>>) dst(%dma_wait3A_115 : memref<5000xi32, #tpu.memory_space<vmem>>)
      tpu.yield
    }) : () -> ()
    %swap3A_17 = arith.constant 0 : i32
    %swap3A_18 = arith.index_cast %swap3A_17 : i32 to index
    %swap3A_19 = arith.constant 0 : index
    %swap3A_20 = tpu.vector_load %arg15[%swap3A_18, %swap3A_19] {strides = array<i32>} : memref<1x128xi32, #tpu.memory_space<vmem>>, vector<16xi32>,
    tpu.vector_store %arg15[%swap3A_18, %swap3A_19], %broadcast_in_dim3A_3 {strides = array<i32>} : memref<1x128xi32, #tpu.memory_space<vmem>>, vector<16xi32>,
    %swap3A_21 = arith.constant 0 : i32
    %swap3A_22 = arith.index_cast %swap3A_21 : i32 to index
    %swap3A_23 = arith.constant 0 : index
    %swap3A_24 = tpu.vector_load %arg16[%swap3A_22, %swap3A_23] {strides = array<i32>} : memref<1x128xf32, #tpu.memory_space<vmem>>, vector<16xf32>,
    tpu.vector_store %arg16[%swap3A_22, %swap3A_23], %broadcast_in_dim3A_1 {strides = array<i32>} : memref<1x128xf32, #tpu.memory_space<vmem>>, vector<16xf32>,
    %swap3A_25 = arith.constant 0 : i32
    %swap3A_26 = arith.index_cast %swap3A_25 : i32 to index
    %swap3A_27 = arith.constant 16 : index
    %swap3A_28 = tpu.vector_load %arg15[%swap3A_26, %swap3A_27] {strides = array<i32>} : memref<1x128xi32, #tpu.memory_space<vmem>>, vector<16xi32>,
    tpu.vector_store %arg15[%swap3A_26, %swap3A_27], %broadcast_in_dim3A_3 {strides = array<i32>} : memref<1x128xi32, #tpu.memory_space<vmem>>, vector<16xi32>,
    %swap3A_29 = arith.constant 0 : i32
    %swap3A_30 = arith.index_cast %swap3A_29 : i32 to index
    %swap3A_31 = arith.constant 16 : index
    %swap3A_32 = tpu.vector_load %arg16[%swap3A_30, %swap3A_31] {strides = array<i32>} : memref<1x128xf32, #tpu.memory_space<vmem>>, vector<16xf32>,
    tpu.vector_store %arg16[%swap3A_30, %swap3A_31], %broadcast_in_dim3A_1 {strides = array<i32>} : memref<1x128xf32, #tpu.memory_space<vmem>>, vector<16xf32>,
    %swap3A_33 = arith.constant 0 : i32
    %swap3A_34 = arith.index_cast %swap3A_33 : i32 to index
    %swap3A_35 = arith.constant 32 : index
    %swap3A_36 = tpu.vector_load %arg15[%swap3A_34, %swap3A_35] {strides = array<i32>} : memref<1x128xi32, #tpu.memory_space<vmem>>, vector<16xi32>,
    tpu.vector_store %arg15[%swap3A_34, %swap3A_35], %broadcast_in_dim3A_3 {strides = array<i32>} : memref<1x128xi32, #tpu.memory_space<vmem>>, vector<16xi32>,
    %swap3A_37 = arith.constant 0 : i32
    %swap3A_38 = arith.index_cast %swap3A_37 : i32 to index
    %swap3A_39 = arith.constant 32 : index
    %swap3A_40 = tpu.vector_load %arg16[%swap3A_38, %swap3A_39] {strides = array<i32>} : memref<1x128xf32, #tpu.memory_space<vmem>>, vector<16xf32>,
    tpu.vector_store %arg16[%swap3A_38, %swap3A_39], %broadcast_in_dim3A_1 {strides = array<i32>} : memref<1x128xf32, #tpu.memory_space<vmem>>, vector<16xf32>,
    %swap3A_41 = arith.constant 0 : i32
    %swap3A_42 = arith.index_cast %swap3A_41 : i32 to index
    %swap3A_43 = arith.constant 48 : index
    %swap3A_44 = tpu.vector_load %arg15[%swap3A_42, %swap3A_43] {strides = array<i32>} : memref<1x128xi32, #tpu.memory_space<vmem>>, vector<16xi32>,
    tpu.vector_store %arg15[%swap3A_42, %swap3A_43], %broadcast_in_dim3A_3 {strides = array<i32>} : memref<1x128xi32, #tpu.memory_space<vmem>>, vector<16xi32>,
    %swap3A_45 = arith.constant 0 : i32
    %swap3A_46 = arith.index_cast %swap3A_45 : i32 to index
    %swap3A_47 = arith.constant 48 : index
    %swap3A_48 = tpu.vector_load %arg16[%swap3A_46, %swap3A_47] {strides = array<i32>} : memref<1x128xf32, #tpu.memory_space<vmem>>, vector<16xf32>,
    tpu.vector_store %arg16[%swap3A_46, %swap3A_47], %broadcast_in_dim3A_1 {strides = array<i32>} : memref<1x128xf32, #tpu.memory_space<vmem>>, vector<16xf32>,
    %swap3A_49 = arith.constant 0 : i32
    %swap3A_50 = arith.index_cast %swap3A_49 : i32 to index
    %swap3A_51 = arith.constant 64 : index
    %swap3A_52 = tpu.vector_load %arg15[%swap3A_50, %swap3A_51] {strides = array<i32>} : memref<1x128xi32, #tpu.memory_space<vmem>>, vector<16xi32>,
    tpu.vector_store %arg15[%swap3A_50, %swap3A_51], %broadcast_in_dim3A_3 {strides = array<i32>} : memref<1x128xi32, #tpu.memory_space<vmem>>, vector<16xi32>,
    %swap3A_53 = arith.constant 0 : i32
    %swap3A_54 = arith.index_cast %swap3A_53 : i32 to index
    %swap3A_55 = arith.constant 64 : index
    %swap3A_56 = tpu.vector_load %arg16[%swap3A_54, %swap3A_55] {strides = array<i32>} : memref<1x128xf32, #tpu.memory_space<vmem>>, vector<16xf32>,
    tpu.vector_store %arg16[%swap3A_54, %swap3A_55], %broadcast_in_dim3A_1 {strides = array<i32>} : memref<1x128xf32, #tpu.memory_space<vmem>>, vector<16xf32>,
    %swap3A_57 = arith.constant 0 : i32
    %swap3A_58 = arith.index_cast %swap3A_57 : i32 to index
    %swap3A_59 = arith.constant 80 : index
    %swap3A_60 = tpu.vector_load %arg15[%swap3A_58, %swap3A_59] {strides = array<i32>} : memref<1x128xi32, #tpu.memory_space<vmem>>, vector<16xi32>,
    tpu.vector_store %arg15[%swap3A_58, %swap3A_59], %broadcast_in_dim3A_3 {strides = array<i32>} : memref<1x128xi32, #tpu.memory_space<vmem>>, vector<16xi32>,
    %swap3A_61 = arith.constant 0 : i32
    %swap3A_62 = arith.index_cast %swap3A_61 : i32 to index
    %swap3A_63 = arith.constant 80 : index
    %swap3A_64 = tpu.vector_load %arg16[%swap3A_62, %swap3A_63] {strides = array<i32>} : memref<1x128xf32, #tpu.memory_space<vmem>>, vector<16xf32>,
    tpu.vector_store %arg16[%swap3A_62, %swap3A_63], %broadcast_in_dim3A_1 {strides = array<i32>} : memref<1x128xf32, #tpu.memory_space<vmem>>, vector<16xf32>,
    %swap3A_65 = arith.constant 0 : i32
    %swap3A_66 = arith.index_cast %swap3A_65 : i32 to index
    %swap3A_67 = arith.constant 96 : index
    %swap3A_68 = tpu.vector_load %arg15[%swap3A_66, %swap3A_67] {strides = array<i32>} : memref<1x128xi32, #tpu.memory_space<vmem>>, vector<16xi32>,
    tpu.vector_store %arg15[%swap3A_66, %swap3A_67], %broadcast_in_dim3A_3 {strides = array<i32>} : memref<1x128xi32, #tpu.memory_space<vmem>>, vector<16xi32>,
    %swap3A_69 = arith.constant 0 : i32
    %swap3A_70 = arith.index_cast %swap3A_69 : i32 to index
    %swap3A_71 = arith.constant 96 : index
    %swap3A_72 = tpu.vector_load %arg16[%swap3A_70, %swap3A_71] {strides = array<i32>} : memref<1x128xf32, #tpu.memory_space<vmem>>, vector<16xf32>,
    tpu.vector_store %arg16[%swap3A_70, %swap3A_71], %broadcast_in_dim3A_1 {strides = array<i32>} : memref<1x128xf32, #tpu.memory_space<vmem>>, vector<16xf32>,
    %swap3A_73 = arith.constant 0 : i32
    %swap3A_74 = arith.index_cast %swap3A_73 : i32 to index
    %swap3A_75 = arith.constant 112 : index
    %swap3A_76 = tpu.vector_load %arg15[%swap3A_74, %swap3A_75] {strides = array<i32>} : memref<1x128xi32, #tpu.memory_space<vmem>>, vector<16xi32>,
    tpu.vector_store %arg15[%swap3A_74, %swap3A_75], %broadcast_in_dim3A_3 {strides = array<i32>} : memref<1x128xi32, #tpu.memory_space<vmem>>, vector<16xi32>,
    %swap3A_77 = arith.constant 0 : i32
    %swap3A_78 = arith.index_cast %swap3A_77 : i32 to index
    %swap3A_79 = arith.constant 112 : index
    %swap3A_80 = tpu.vector_load %arg16[%swap3A_78, %swap3A_79] {strides = array<i32>} : memref<1x128xf32, #tpu.memory_space<vmem>>, vector<16xf32>,
    tpu.vector_store %arg16[%swap3A_78, %swap3A_79], %broadcast_in_dim3A_1 {strides = array<i32>} : memref<1x128xf32, #tpu.memory_space<vmem>>, vector<16xf32>,
    %dma_start3A = arith.constant 0 : i32
    %dma_start3A_81 = arith.constant 0 : i32
    %dma_start3A_82 = tpu.memref_slice %arg11[%dma_start3A, %dma_start3A_81] : memref<32x512xf32, #tpu.memory_space<vmem>> -> memref<16x512xf32, #tpu.memory_space<vmem>>
    %dma_start3A_83 = arith.constant 0 : i32
    %dma_start3A_84 = tpu.memref_slice %arg10[%dma_start3A_83] : memref<5008xi32, #tpu.memory_space<vmem>> -> memref<16xi32, #tpu.memory_space<vmem>>
    %dma_start3A_85 = arith.constant 0 : i32
    %dma_start3A_86 = arith.constant 0 : i32
    %dma_start3A_87 = tpu.memref_slice %arg2[%dma_start3A_85, %dma_start3A_86] : memref<10000x512xf32, #tpu.memory_space<hbm>> -> memref<10000x512xf32, #tpu.memory_space<hbm>>
    tpu.enqueue_indirect_dma source(%dma_start3A_87 : memref<10000x512xf32, #tpu.memory_space<hbm>>) target(%dma_start3A_82 : memref<16x512xf32, #tpu.memory_space<vmem>>) offsets(%dma_start3A_84 : memref<16xi32, #tpu.memory_space<vmem>>) semaphore(%arg18 : memref<!tpu.dma_semaphore, #tpu.memory_space<semaphore_mem>>)
    %dma_start3A_88 = arith.constant 0 : i32
    %dma_start3A_89 = arith.constant 0 : i32
    %dma_start3A_90 = tpu.memref_slice %arg12[%dma_start3A_88, %dma_start3A_89] : memref<32x512xf32, #tpu.memory_space<vmem>> -> memref<16x512xf32, #tpu.memory_space<vmem>>
    %dma_start3A_91 = arith.constant 0 : i32
    %dma_start3A_92 = tpu.memref_slice %arg9[%dma_start3A_91] : memref<5008xi32, #tpu.memory_space<vmem>> -> memref<16xi32, #tpu.memory_space<vmem>>
    %dma_start3A_93 = arith.constant 0 : i32
    %dma_start3A_94 = arith.constant 0 : i32
    %dma_start3A_95 = tpu.memref_slice %arg3[%dma_start3A_93, %dma_start3A_94] : memref<10000x512xf32, #tpu.memory_space<hbm>> -> memref<10000x512xf32, #tpu.memory_space<hbm>>
    tpu.enqueue_indirect_dma source(%dma_start3A_95 : memref<10000x512xf32, #tpu.memory_space<hbm>>) target(%dma_start3A_90 : memref<16x512xf32, #tpu.memory_space<vmem>>) offsets(%dma_start3A_92 : memref<16xi32, #tpu.memory_space<vmem>>) semaphore(%arg18 : memref<!tpu.dma_semaphore, #tpu.memory_space<semaphore_mem>>)
    %scan3A_96 = arith.constant 0 : i32
    %scan3A_97 = arith.constant 313 : i32
    %scan3A_98 = arith.addi %scan3A_96, %scan3A_97 : i32
    %scan3A_99 = arith.constant 1 : i32
    scf.for %scan3A_106 = %scan3A_96 to %scan3A_98 step %scan3A_99  : i32 {
      %mul3A_107 = arith.constant 16 : i32
      %mul3A_108 = arith.muli %scan3A_106, %mul3A_107 : i32
      %jit3A = arith.constant 2 : i32
      %eq3A = arith.constant 0 : i32
      %eq3A_109 = arith.cmpi eq, %jit3A, %eq3A : i32
      %jit3A_110 = arith.constant 1 : i32
      %select_n3A = arith.select %eq3A_109, %jit3A_110, %jit3A : i32
      %rem3A = arith.remsi %scan3A_106, %select_n3A : i32
      %ne3A = arith.constant 0 : i32
      %ne3A_111 = arith.cmpi ne, %rem3A, %ne3A : i32
      %lt3A = arith.constant 0 : i32
      %lt3A_112 = arith.cmpi slt, %rem3A, %lt3A : i32
      %lt3A_113 = arith.constant 0 : i32
      %lt3A_114 = arith.cmpi slt, %select_n3A, %lt3A_113 : i32
      %ne3A_115 = arith.xori %lt3A_112, %lt3A_114 : i1
      %and3A = arith.andi %ne3A_115, %ne3A_111 : i1
      %add3A_116 = arith.addi %rem3A, %select_n3A : i32
      %select_n3A_117 = arith.select %and3A, %add3A_116, %rem3A : i32
      %mul3A_118 = arith.constant 16 : i32
      %mul3A_119 = arith.muli %select_n3A_117, %mul3A_118 : i32
      %mul3A_120 = arith.constant 16 : i32
      %mul3A_121 = arith.muli %scan3A_106, %mul3A_120 : i32
      %dma_wait3A = arith.constant 0 : i32
      %dma_wait3A_122 = tpu.memref_slice %arg11[%mul3A_119, %dma_wait3A] : memref<32x512xf32, #tpu.memory_space<vmem>> -> memref<16x512xf32, #tpu.memory_space<vmem>>
      %dma_wait3A_123 = tpu.memref_slice %arg10[%mul3A_121] : memref<5008xi32, #tpu.memory_space<vmem>> -> memref<16xi32, #tpu.memory_space<vmem>>
      %dma_wait3A_124 = arith.constant 0 : i32
      %dma_wait3A_125 = arith.constant 0 : i32
      %dma_wait3A_126 = tpu.memref_slice %arg2[%dma_wait3A_124, %dma_wait3A_125] : memref<10000x512xf32, #tpu.memory_space<hbm>> -> memref<10000x512xf32, #tpu.memory_space<hbm>>
      tpu.wait_indirect_dma semaphore(%arg18 : memref<!tpu.dma_semaphore, #tpu.memory_space<semaphore_mem>>) src(%dma_wait3A_126 : memref<10000x512xf32, #tpu.memory_space<hbm>>) dst(%dma_wait3A_122 : memref<16x512xf32, #tpu.memory_space<vmem>>)
      %mul3A_127 = arith.constant 16 : i32
      %mul3A_128 = arith.muli %scan3A_106, %mul3A_127 : i32
      %dma_wait3A_129 = arith.constant 0 : i32
      %dma_wait3A_130 = tpu.memref_slice %arg12[%mul3A_119, %dma_wait3A_129] : memref<32x512xf32, #tpu.memory_space<vmem>> -> memref<16x512xf32, #tpu.memory_space<vmem>>
      %dma_wait3A_131 = tpu.memref_slice %arg9[%mul3A_128] : memref<5008xi32, #tpu.memory_space<vmem>> -> memref<16xi32, #tpu.memory_space<vmem>>
      %dma_wait3A_132 = arith.constant 0 : i32
      %dma_wait3A_133 = arith.constant 0 : i32
      %dma_wait3A_134 = tpu.memref_slice %arg3[%dma_wait3A_132, %dma_wait3A_133] : memref<10000x512xf32, #tpu.memory_space<hbm>> -> memref<10000x512xf32, #tpu.memory_space<hbm>>
      tpu.wait_indirect_dma semaphore(%arg18 : memref<!tpu.dma_semaphore, #tpu.memory_space<semaphore_mem>>) src(%dma_wait3A_134 : memref<10000x512xf32, #tpu.memory_space<hbm>>) dst(%dma_wait3A_130 : memref<16x512xf32, #tpu.memory_space<vmem>>)
      %lt3A_135 = arith.constant 312 : i32
      %lt3A_136 = arith.cmpi slt, %scan3A_106, %lt3A_135 : i32
      %convert_element_type3A = arith.extui %lt3A_136 : i1 to i32
      %cond3A = arith.constant 0 : i32
      %cond3A_137 = arith.cmpi ne, %convert_element_type3A, %cond3A : i32
      scf.if %cond3A_137 {
        %add3A_914 = arith.constant 1 : i32
        %add3A_915 = arith.addi %scan3A_106, %add3A_914 : i32
        %sub3A = arith.constant 16 : i32
        %sub3A_916 = arith.subi %sub3A, %mul3A_119 : i32
        %mul3A_917 = arith.constant 16 : i32
        %mul3A_918 = arith.muli %add3A_915, %mul3A_917 : i32
        %dma_start3A_919 = arith.constant 0 : i32
        %dma_start3A_920 = tpu.memref_slice %arg11[%sub3A_916, %dma_start3A_919] : memref<32x512xf32, #tpu.memory_space<vmem>> -> memref<16x512xf32, #tpu.memory_space<vmem>>
        %dma_start3A_921 = tpu.memref_slice %arg10[%mul3A_918] : memref<5008xi32, #tpu.memory_space<vmem>> -> memref<16xi32, #tpu.memory_space<vmem>>
        %dma_start3A_922 = arith.constant 0 : i32
        %dma_start3A_923 = arith.constant 0 : i32
        %dma_start3A_924 = tpu.memref_slice %arg2[%dma_start3A_922, %dma_start3A_923] : memref<10000x512xf32, #tpu.memory_space<hbm>> -> memref<10000x512xf32, #tpu.memory_space<hbm>>
        tpu.enqueue_indirect_dma source(%dma_start3A_924 : memref<10000x512xf32, #tpu.memory_space<hbm>>) target(%dma_start3A_920 : memref<16x512xf32, #tpu.memory_space<vmem>>) offsets(%dma_start3A_921 : memref<16xi32, #tpu.memory_space<vmem>>) semaphore(%arg18 : memref<!tpu.dma_semaphore, #tpu.memory_space<semaphore_mem>>)
        %mul3A_925 = arith.constant 16 : i32
        %mul3A_926 = arith.muli %add3A_915, %mul3A_925 : i32
        %dma_start3A_927 = arith.constant 0 : i32
        %dma_start3A_928 = tpu.memref_slice %arg12[%sub3A_916, %dma_start3A_927] : memref<32x512xf32, #tpu.memory_space<vmem>> -> memref<16x512xf32, #tpu.memory_space<vmem>>
        %dma_start3A_929 = tpu.memref_slice %arg9[%mul3A_926] : memref<5008xi32, #tpu.memory_space<vmem>> -> memref<16xi32, #tpu.memory_space<vmem>>
        %dma_start3A_930 = arith.constant 0 : i32
        %dma_start3A_931 = arith.constant 0 : i32
        %dma_start3A_932 = tpu.memref_slice %arg3[%dma_start3A_930, %dma_start3A_931] : memref<10000x512xf32, #tpu.memory_space<hbm>> -> memref<10000x512xf32, #tpu.memory_space<hbm>>
        tpu.enqueue_indirect_dma source(%dma_start3A_932 : memref<10000x512xf32, #tpu.memory_space<hbm>>) target(%dma_start3A_928 : memref<16x512xf32, #tpu.memory_space<vmem>>) offsets(%dma_start3A_929 : memref<16xi32, #tpu.memory_space<vmem>>) semaphore(%arg18 : memref<!tpu.dma_semaphore, #tpu.memory_space<semaphore_mem>>)
      } else {
      }
      %scan3A_138 = arith.constant 0 : i32
      %scan3A_139 = arith.constant 16 : i32
      %scan3A_140 = arith.addi %scan3A_138, %scan3A_139 : i32
      %scan3A_141 = arith.constant 1 : i32
      scf.for %scan3A_914 = %scan3A_138 to %scan3A_140 step %scan3A_141  : i32 {
        %add3A_915 = arith.addi %mul3A_119, %scan3A_914 : i32
        %get3A_916 = arith.index_cast %add3A_915 : i32 to index
        %get3A_917 = arith.constant 0 : index
        %get3A_918 = tpu.vector_load %arg11[%get3A_916, %get3A_917] {strides = array<i32>} : memref<32x512xf32, #tpu.memory_space<vmem>>, vector<16xf32>,
        %add3A_919 = arith.addi %mul3A_119, %scan3A_914 : i32
        %get3A_920 = arith.index_cast %add3A_919 : i32 to index
        %get3A_921 = arith.constant 0 : index
        %get3A_922 = tpu.vector_load %arg12[%get3A_920, %get3A_921] {strides = array<i32>} : memref<32x512xf32, #tpu.memory_space<vmem>>, vector<16xf32>,
        %mul3A_923 = arith.mulf %get3A_918, %get3A_922 : vector<16xf32>
        %add3A_924 = arith.addf %broadcast_in_dim3A_1, %mul3A_923 : vector<16xf32>
        %add3A_925 = arith.addi %mul3A_119, %scan3A_914 : i32
        %get3A_926 = arith.index_cast %add3A_925 : i32 to index
        %get3A_927 = arith.constant 16 : index
        %get3A_928 = tpu.vector_load %arg11[%get3A_926, %get3A_927] {strides = array<i32>} : memref<32x512xf32, #tpu.memory_space<vmem>>, vector<16xf32>,
        %add3A_929 = arith.addi %mul3A_119, %scan3A_914 : i32
        %get3A_930 = arith.index_cast %add3A_929 : i32 to index
        %get3A_931 = arith.constant 16 : index
        %get3A_932 = tpu.vector_load %arg12[%get3A_930, %get3A_931] {strides = array<i32>} : memref<32x512xf32, #tpu.memory_space<vmem>>, vector<16xf32>,
        %mul3A_933 = arith.mulf %get3A_928, %get3A_932 : vector<16xf32>
        %add3A_934 = arith.addf %add3A_924, %mul3A_933 : vector<16xf32>
        %add3A_935 = arith.addi %mul3A_119, %scan3A_914 : i32
        %get3A_936 = arith.index_cast %add3A_935 : i32 to index
        %get3A_937 = arith.constant 32 : index
        %get3A_938 = tpu.vector_load %arg11[%get3A_936, %get3A_937] {strides = array<i32>} : memref<32x512xf32, #tpu.memory_space<vmem>>, vector<16xf32>,
        %add3A_939 = arith.addi %mul3A_119, %scan3A_914 : i32
        %get3A_940 = arith.index_cast %add3A_939 : i32 to index
        %get3A_941 = arith.constant 32 : index
        %get3A_942 = tpu.vector_load %arg12[%get3A_940, %get3A_941] {strides = array<i32>} : memref<32x512xf32, #tpu.memory_space<vmem>>, vector<16xf32>,
        %mul3A_943 = arith.mulf %get3A_938, %get3A_942 : vector<16xf32>
        %add3A_944 = arith.addf %add3A_934, %mul3A_943 : vector<16xf32>
        %add3A_945 = arith.addi %mul3A_119, %scan3A_914 : i32
        %get3A_946 = arith.index_cast %add3A_945 : i32 to index
        %get3A_947 = arith.constant 48 : index
        %get3A_948 = tpu.vector_load %arg11[%get3A_946, %get3A_947] {strides = array<i32>} : memref<32x512xf32, #tpu.memory_space<vmem>>, vector<16xf32>,
        %add3A_949 = arith.addi %mul3A_119, %scan3A_914 : i32
        %get3A_950 = arith.index_cast %add3A_949 : i32 to index
        %get3A_951 = arith.constant 48 : index
        %get3A_952 = tpu.vector_load %arg12[%get3A_950, %get3A_951] {strides = array<i32>} : memref<32x512xf32, #tpu.memory_space<vmem>>, vector<16xf32>,
        %mul3A_953 = arith.mulf %get3A_948, %get3A_952 : vector<16xf32>
        %add3A_954 = arith.addf %add3A_944, %mul3A_953 : vector<16xf32>
        %add3A_955 = arith.addi %mul3A_119, %scan3A_914 : i32
        %get3A_956 = arith.index_cast %add3A_955 : i32 to index
        %get3A_957 = arith.constant 64 : index
        %get3A_958 = tpu.vector_load %arg11[%get3A_956, %get3A_957] {strides = array<i32>} : memref<32x512xf32, #tpu.memory_space<vmem>>, vector<16xf32>,
        %add3A_959 = arith.addi %mul3A_119, %scan3A_914 : i32
        %get3A_960 = arith.index_cast %add3A_959 : i32 to index
        %get3A_961 = arith.constant 64 : index
        %get3A_962 = tpu.vector_load %arg12[%get3A_960, %get3A_961] {strides = array<i32>} : memref<32x512xf32, #tpu.memory_space<vmem>>, vector<16xf32>,
        %mul3A_963 = arith.mulf %get3A_958, %get3A_962 : vector<16xf32>
        %add3A_964 = arith.addf %add3A_954, %mul3A_963 : vector<16xf32>
        %add3A_965 = arith.addi %mul3A_119, %scan3A_914 : i32
        %get3A_966 = arith.index_cast %add3A_965 : i32 to index
        %get3A_967 = arith.constant 80 : index
        %get3A_968 = tpu.vector_load %arg11[%get3A_966, %get3A_967] {strides = array<i32>} : memref<32x512xf32, #tpu.memory_space<vmem>>, vector<16xf32>,
        %add3A_969 = arith.addi %mul3A_119, %scan3A_914 : i32
        %get3A_970 = arith.index_cast %add3A_969 : i32 to index
        %get3A_971 = arith.constant 80 : index
        %get3A_972 = tpu.vector_load %arg12[%get3A_970, %get3A_971] {strides = array<i32>} : memref<32x512xf32, #tpu.memory_space<vmem>>, vector<16xf32>,
        %mul3A_973 = arith.mulf %get3A_968, %get3A_972 : vector<16xf32>
        %add3A_974 = arith.addf %add3A_964, %mul3A_973 : vector<16xf32>
        %add3A_975 = arith.addi %mul3A_119, %scan3A_914 : i32
        %get3A_976 = arith.index_cast %add3A_975 : i32 to index
        %get3A_977 = arith.constant 96 : index
        %get3A_978 = tpu.vector_load %arg11[%get3A_976, %get3A_977] {strides = array<i32>} : memref<32x512xf32, #tpu.memory_space<vmem>>, vector<16xf32>,
        %add3A_979 = arith.addi %mul3A_119, %scan3A_914 : i32
        %get3A_980 = arith.index_cast %add3A_979 : i32 to index
        %get3A_981 = arith.constant 96 : index
        %get3A_982 = tpu.vector_load %arg12[%get3A_980, %get3A_981] {strides = array<i32>} : memref<32x512xf32, #tpu.memory_space<vmem>>, vector<16xf32>,
        %mul3A_983 = arith.mulf %get3A_978, %get3A_982 : vector<16xf32>
        %add3A_984 = arith.addf %add3A_974, %mul3A_983 : vector<16xf32>
        %add3A_985 = arith.addi %mul3A_119, %scan3A_914 : i32
        %get3A_986 = arith.index_cast %add3A_985 : i32 to index
        %get3A_987 = arith.constant 112 : index
        %get3A_988 = tpu.vector_load %arg11[%get3A_986, %get3A_987] {strides = array<i32>} : memref<32x512xf32, #tpu.memory_space<vmem>>, vector<16xf32>,
        %add3A_989 = arith.addi %mul3A_119, %scan3A_914 : i32
        %get3A_990 = arith.index_cast %add3A_989 : i32 to index
        %get3A_991 = arith.constant 112 : index
        %get3A_992 = tpu.vector_load %arg12[%get3A_990, %get3A_991] {strides = array<i32>} : memref<32x512xf32, #tpu.memory_space<vmem>>, vector<16xf32>,
        %mul3A_993 = arith.mulf %get3A_988, %get3A_992 : vector<16xf32>
        %add3A_994 = arith.addf %add3A_984, %mul3A_993 : vector<16xf32>
        %mul3A_995 = arith.constant 16 : i32
        %mul3A_996 = arith.muli %scan3A_914, %mul3A_995 : i32
        %add3A_997 = arith.constant 0 : i32
        %add3A_998 = arith.addi %add3A_997, %mul3A_996 : i32
        %swap3A_999 = arith.index_cast %add3A_998 : i32 to index
        %swap3A_1000 = tpu.vector_load %arg13[%swap3A_999] {strides = array<i32>} : memref<1024xf32, #tpu.memory_space<vmem>>, vector<16xf32>,
        tpu.vector_store %arg13[%swap3A_999], %add3A_994 {strides = array<i32>} : memref<1024xf32, #tpu.memory_space<vmem>>, vector<16xf32>,
        %add3A_1001 = arith.addi %mul3A_119, %scan3A_914 : i32
        %get3A_1002 = arith.index_cast %add3A_1001 : i32 to index
        %get3A_1003 = arith.constant 128 : index
        %get3A_1004 = tpu.vector_load %arg11[%get3A_1002, %get3A_1003] {strides = array<i32>} : memref<32x512xf32, #tpu.memory_space<vmem>>, vector<16xf32>,
        %add3A_1005 = arith.addi %mul3A_119, %scan3A_914 : i32
        %get3A_1006 = arith.index_cast %add3A_1005 : i32 to index
        %get3A_1007 = arith.constant 128 : index
        %get3A_1008 = tpu.vector_load %arg12[%get3A_1006, %get3A_1007] {strides = array<i32>} : memref<32x512xf32, #tpu.memory_space<vmem>>, vector<16xf32>,
        %mul3A_1009 = arith.mulf %get3A_1004, %get3A_1008 : vector<16xf32>
        %add3A_1010 = arith.addf %broadcast_in_dim3A_1, %mul3A_1009 : vector<16xf32>
        %add3A_1011 = arith.addi %mul3A_119, %scan3A_914 : i32
        %get3A_1012 = arith.index_cast %add3A_1011 : i32 to index
        %get3A_1013 = arith.constant 144 : index
        %get3A_1014 = tpu.vector_load %arg11[%get3A_1012, %get3A_1013] {strides = array<i32>} : memref<32x512xf32, #tpu.memory_space<vmem>>, vector<16xf32>,
        %add3A_1015 = arith.addi %mul3A_119, %scan3A_914 : i32
        %get3A_1016 = arith.index_cast %add3A_1015 : i32 to index
        %get3A_1017 = arith.constant 144 : index
        %get3A_1018 = tpu.vector_load %arg12[%get3A_1016, %get3A_1017] {strides = array<i32>} : memref<32x512xf32, #tpu.memory_space<vmem>>, vector<16xf32>,
        %mul3A_1019 = arith.mulf %get3A_1014, %get3A_1018 : vector<16xf32>
        %add3A_1020 = arith.addf %add3A_1010, %mul3A_1019 : vector<16xf32>
        %add3A_1021 = arith.addi %mul3A_119, %scan3A_914 : i32
        %get3A_1022 = arith.index_cast %add3A_1021 : i32 to index
        %get3A_1023 = arith.constant 160 : index
        %get3A_1024 = tpu.vector_load %arg11[%get3A_1022, %get3A_1023] {strides = array<i32>} : memref<32x512xf32, #tpu.memory_space<vmem>>, vector<16xf32>,
        %add3A_1025 = arith.addi %mul3A_119, %scan3A_914 : i32
        %get3A_1026 = arith.index_cast %add3A_1025 : i32 to index
        %get3A_1027 = arith.constant 160 : index
        %get3A_1028 = tpu.vector_load %arg12[%get3A_1026, %get3A_1027] {strides = array<i32>} : memref<32x512xf32, #tpu.memory_space<vmem>>, vector<16xf32>,
        %mul3A_1029 = arith.mulf %get3A_1024, %get3A_1028 : vector<16xf32>
        %add3A_1030 = arith.addf %add3A_1020, %mul3A_1029 : vector<16xf32>
        %add3A_1031 = arith.addi %mul3A_119, %scan3A_914 : i32
        %get3A_1032 = arith.index_cast %add3A_1031 : i32 to index
        %get3A_1033 = arith.constant 176 : index
        %get3A_1034 = tpu.vector_load %arg11[%get3A_1032, %get3A_1033] {strides = array<i32>} : memref<32x512xf32, #tpu.memory_space<vmem>>, vector<16xf32>,
        %add3A_1035 = arith.addi %mul3A_119, %scan3A_914 : i32
        %get3A_1036 = arith.index_cast %add3A_1035 : i32 to index
        %get3A_1037 = arith.constant 176 : index
        %get3A_1038 = tpu.vector_load %arg12[%get3A_1036, %get3A_1037] {strides = array<i32>} : memref<32x512xf32, #tpu.memory_space<vmem>>, vector<16xf32>,
        %mul3A_1039 = arith.mulf %get3A_1034, %get3A_1038 : vector<16xf32>
        %add3A_1040 = arith.addf %add3A_1030, %mul3A_1039 : vector<16xf32>
        %add3A_1041 = arith.addi %mul3A_119, %scan3A_914 : i32
        %get3A_1042 = arith.index_cast %add3A_1041 : i32 to index
        %get3A_1043 = arith.constant 192 : index
        %get3A_1044 = tpu.vector_load %arg11[%get3A_1042, %get3A_1043] {strides = array<i32>} : memref<32x512xf32, #tpu.memory_space<vmem>>, vector<16xf32>,
        %add3A_1045 = arith.addi %mul3A_119, %scan3A_914 : i32
        %get3A_1046 = arith.index_cast %add3A_1045 : i32 to index
        %get3A_1047 = arith.constant 192 : index
        %get3A_1048 = tpu.vector_load %arg12[%get3A_1046, %get3A_1047] {strides = array<i32>} : memref<32x512xf32, #tpu.memory_space<vmem>>, vector<16xf32>,
        %mul3A_1049 = arith.mulf %get3A_1044, %get3A_1048 : vector<16xf32>
        %add3A_1050 = arith.addf %add3A_1040, %mul3A_1049 : vector<16xf32>
        %add3A_1051 = arith.addi %mul3A_119, %scan3A_914 : i32
        %get3A_1052 = arith.index_cast %add3A_1051 : i32 to index
        %get3A_1053 = arith.constant 208 : index
        %get3A_1054 = tpu.vector_load %arg11[%get3A_1052, %get3A_1053] {strides = array<i32>} : memref<32x512xf32, #tpu.memory_space<vmem>>, vector<16xf32>,
        %add3A_1055 = arith.addi %mul3A_119, %scan3A_914 : i32
        %get3A_1056 = arith.index_cast %add3A_1055 : i32 to index
        %get3A_1057 = arith.constant 208 : index
        %get3A_1058 = tpu.vector_load %arg12[%get3A_1056, %get3A_1057] {strides = array<i32>} : memref<32x512xf32, #tpu.memory_space<vmem>>, vector<16xf32>,
        %mul3A_1059 = arith.mulf %get3A_1054, %get3A_1058 : vector<16xf32>
        %add3A_1060 = arith.addf %add3A_1050, %mul3A_1059 : vector<16xf32>
        %add3A_1061 = arith.addi %mul3A_119, %scan3A_914 : i32
        %get3A_1062 = arith.index_cast %add3A_1061 : i32 to index
        %get3A_1063 = arith.constant 224 : index
        %get3A_1064 = tpu.vector_load %arg11[%get3A_1062, %get3A_1063] {strides = array<i32>} : memref<32x512xf32, #tpu.memory_space<vmem>>, vector<16xf32>,
        %add3A_1065 = arith.addi %mul3A_119, %scan3A_914 : i32
        %get3A_1066 = arith.index_cast %add3A_1065 : i32 to index
        %get3A_1067 = arith.constant 224 : index
        %get3A_1068 = tpu.vector_load %arg12[%get3A_1066, %get3A_1067] {strides = array<i32>} : memref<32x512xf32, #tpu.memory_space<vmem>>, vector<16xf32>,
        %mul3A_1069 = arith.mulf %get3A_1064, %get3A_1068 : vector<16xf32>
        %add3A_1070 = arith.addf %add3A_1060, %mul3A_1069 : vector<16xf32>
        %add3A_1071 = arith.addi %mul3A_119, %scan3A_914 : i32
        %get3A_1072 = arith.index_cast %add3A_1071 : i32 to index
        %get3A_1073 = arith.constant 240 : index
        %get3A_1074 = tpu.vector_load %arg11[%get3A_1072, %get3A_1073] {strides = array<i32>} : memref<32x512xf32, #tpu.memory_space<vmem>>, vector<16xf32>,
        %add3A_1075 = arith.addi %mul3A_119, %scan3A_914 : i32
        %get3A_1076 = arith.index_cast %add3A_1075 : i32 to index
        %get3A_1077 = arith.constant 240 : index
        %get3A_1078 = tpu.vector_load %arg12[%get3A_1076, %get3A_1077] {strides = array<i32>} : memref<32x512xf32, #tpu.memory_space<vmem>>, vector<16xf32>,
        %mul3A_1079 = arith.mulf %get3A_1074, %get3A_1078 : vector<16xf32>
        %add3A_1080 = arith.addf %add3A_1070, %mul3A_1079 : vector<16xf32>
        %mul3A_1081 = arith.constant 16 : i32
        %mul3A_1082 = arith.muli %scan3A_914, %mul3A_1081 : i32
        %add3A_1083 = arith.constant 256 : i32
        %add3A_1084 = arith.addi %add3A_1083, %mul3A_1082 : i32
        %swap3A_1085 = arith.index_cast %add3A_1084 : i32 to index
        %swap3A_1086 = tpu.vector_load %arg13[%swap3A_1085] {strides = array<i32>} : memref<1024xf32, #tpu.memory_space<vmem>>, vector<16xf32>,
        tpu.vector_store %arg13[%swap3A_1085], %add3A_1080 {strides = array<i32>} : memref<1024xf32, #tpu.memory_space<vmem>>, vector<16xf32>,
        %add3A_1087 = arith.addi %mul3A_119, %scan3A_914 : i32
        %get3A_1088 = arith.index_cast %add3A_1087 : i32 to index
        %get3A_1089 = arith.constant 256 : index
        %get3A_1090 = tpu.vector_load %arg11[%get3A_1088, %get3A_1089] {strides = array<i32>} : memref<32x512xf32, #tpu.memory_space<vmem>>, vector<16xf32>,
        %add3A_1091 = arith.addi %mul3A_119, %scan3A_914 : i32
        %get3A_1092 = arith.index_cast %add3A_1091 : i32 to index
        %get3A_1093 = arith.constant 256 : index
        %get3A_1094 = tpu.vector_load %arg12[%get3A_1092, %get3A_1093] {strides = array<i32>} : memref<32x512xf32, #tpu.memory_space<vmem>>, vector<16xf32>,
        %mul3A_1095 = arith.mulf %get3A_1090, %get3A_1094 : vector<16xf32>
        %add3A_1096 = arith.addf %broadcast_in_dim3A_1, %mul3A_1095 : vector<16xf32>
        %add3A_1097 = arith.addi %mul3A_119, %scan3A_914 : i32
        %get3A_1098 = arith.index_cast %add3A_1097 : i32 to index
        %get3A_1099 = arith.constant 272 : index
        %get3A_1100 = tpu.vector_load %arg11[%get3A_1098, %get3A_1099] {strides = array<i32>} : memref<32x512xf32, #tpu.memory_space<vmem>>, vector<16xf32>,
        %add3A_1101 = arith.addi %mul3A_119, %scan3A_914 : i32
        %get3A_1102 = arith.index_cast %add3A_1101 : i32 to index
        %get3A_1103 = arith.constant 272 : index
        %get3A_1104 = tpu.vector_load %arg12[%get3A_1102, %get3A_1103] {strides = array<i32>} : memref<32x512xf32, #tpu.memory_space<vmem>>, vector<16xf32>,
        %mul3A_1105 = arith.mulf %get3A_1100, %get3A_1104 : vector<16xf32>
        %add3A_1106 = arith.addf %add3A_1096, %mul3A_1105 : vector<16xf32>
        %add3A_1107 = arith.addi %mul3A_119, %scan3A_914 : i32
        %get3A_1108 = arith.index_cast %add3A_1107 : i32 to index
        %get3A_1109 = arith.constant 288 : index
        %get3A_1110 = tpu.vector_load %arg11[%get3A_1108, %get3A_1109] {strides = array<i32>} : memref<32x512xf32, #tpu.memory_space<vmem>>, vector<16xf32>,
        %add3A_1111 = arith.addi %mul3A_119, %scan3A_914 : i32
        %get3A_1112 = arith.index_cast %add3A_1111 : i32 to index
        %get3A_1113 = arith.constant 288 : index
        %get3A_1114 = tpu.vector_load %arg12[%get3A_1112, %get3A_1113] {strides = array<i32>} : memref<32x512xf32, #tpu.memory_space<vmem>>, vector<16xf32>,
        %mul3A_1115 = arith.mulf %get3A_1110, %get3A_1114 : vector<16xf32>
        %add3A_1116 = arith.addf %add3A_1106, %mul3A_1115 : vector<16xf32>
        %add3A_1117 = arith.addi %mul3A_119, %scan3A_914 : i32
        %get3A_1118 = arith.index_cast %add3A_1117 : i32 to index
        %get3A_1119 = arith.constant 304 : index
        %get3A_1120 = tpu.vector_load %arg11[%get3A_1118, %get3A_1119] {strides = array<i32>} : memref<32x512xf32, #tpu.memory_space<vmem>>, vector<16xf32>,
        %add3A_1121 = arith.addi %mul3A_119, %scan3A_914 : i32
        %get3A_1122 = arith.index_cast %add3A_1121 : i32 to index
        %get3A_1123 = arith.constant 304 : index
        %get3A_1124 = tpu.vector_load %arg12[%get3A_1122, %get3A_1123] {strides = array<i32>} : memref<32x512xf32, #tpu.memory_space<vmem>>, vector<16xf32>,
        %mul3A_1125 = arith.mulf %get3A_1120, %get3A_1124 : vector<16xf32>
        %add3A_1126 = arith.addf %add3A_1116, %mul3A_1125 : vector<16xf32>
        %add3A_1127 = arith.addi %mul3A_119, %scan3A_914 : i32
        %get3A_1128 = arith.index_cast %add3A_1127 : i32 to index
        %get3A_1129 = arith.constant 320 : index
        %get3A_1130 = tpu.vector_load %arg11[%get3A_1128, %get3A_1129] {strides = array<i32>} : memref<32x512xf32, #tpu.memory_space<vmem>>, vector<16xf32>,
        %add3A_1131 = arith.addi %mul3A_119, %scan3A_914 : i32
        %get3A_1132 = arith.index_cast %add3A_1131 : i32 to index
        %get3A_1133 = arith.constant 320 : index
        %get3A_1134 = tpu.vector_load %arg12[%get3A_1132, %get3A_1133] {strides = array<i32>} : memref<32x512xf32, #tpu.memory_space<vmem>>, vector<16xf32>,
        %mul3A_1135 = arith.mulf %get3A_1130, %get3A_1134 : vector<16xf32>
        %add3A_1136 = arith.addf %add3A_1126, %mul3A_1135 : vector<16xf32>
        %add3A_1137 = arith.addi %mul3A_119, %scan3A_914 : i32
        %get3A_1138 = arith.index_cast %add3A_1137 : i32 to index
        %get3A_1139 = arith.constant 336 : index
        %get3A_1140 = tpu.vector_load %arg11[%get3A_1138, %get3A_1139] {strides = array<i32>} : memref<32x512xf32, #tpu.memory_space<vmem>>, vector<16xf32>,
        %add3A_1141 = arith.addi %mul3A_119, %scan3A_914 : i32
        %get3A_1142 = arith.index_cast %add3A_1141 : i32 to index
        %get3A_1143 = arith.constant 336 : index
        %get3A_1144 = tpu.vector_load %arg12[%get3A_1142, %get3A_1143] {strides = array<i32>} : memref<32x512xf32, #tpu.memory_space<vmem>>, vector<16xf32>,
        %mul3A_1145 = arith.mulf %get3A_1140, %get3A_1144 : vector<16xf32>
        %add3A_1146 = arith.addf %add3A_1136, %mul3A_1145 : vector<16xf32>
        %add3A_1147 = arith.addi %mul3A_119, %scan3A_914 : i32
        %get3A_1148 = arith.index_cast %add3A_1147 : i32 to index
        %get3A_1149 = arith.constant 352 : index
        %get3A_1150 = tpu.vector_load %arg11[%get3A_1148, %get3A_1149] {strides = array<i32>} : memref<32x512xf32, #tpu.memory_space<vmem>>, vector<16xf32>,
        %add3A_1151 = arith.addi %mul3A_119, %scan3A_914 : i32
        %get3A_1152 = arith.index_cast %add3A_1151 : i32 to index
        %get3A_1153 = arith.constant 352 : index
        %get3A_1154 = tpu.vector_load %arg12[%get3A_1152, %get3A_1153] {strides = array<i32>} : memref<32x512xf32, #tpu.memory_space<vmem>>, vector<16xf32>,
        %mul3A_1155 = arith.mulf %get3A_1150, %get3A_1154 : vector<16xf32>
        %add3A_1156 = arith.addf %add3A_1146, %mul3A_1155 : vector<16xf32>
        %add3A_1157 = arith.addi %mul3A_119, %scan3A_914 : i32
        %get3A_1158 = arith.index_cast %add3A_1157 : i32 to index
        %get3A_1159 = arith.constant 368 : index
        %get3A_1160 = tpu.vector_load %arg11[%get3A_1158, %get3A_1159] {strides = array<i32>} : memref<32x512xf32, #tpu.memory_space<vmem>>, vector<16xf32>,
        %add3A_1161 = arith.addi %mul3A_119, %scan3A_914 : i32
        %get3A_1162 = arith.index_cast %add3A_1161 : i32 to index
        %get3A_1163 = arith.constant 368 : index
        %get3A_1164 = tpu.vector_load %arg12[%get3A_1162, %get3A_1163] {strides = array<i32>} : memref<32x512xf32, #tpu.memory_space<vmem>>, vector<16xf32>,
        %mul3A_1165 = arith.mulf %get3A_1160, %get3A_1164 : vector<16xf32>
        %add3A_1166 = arith.addf %add3A_1156, %mul3A_1165 : vector<16xf32>
        %mul3A_1167 = arith.constant 16 : i32
        %mul3A_1168 = arith.muli %scan3A_914, %mul3A_1167 : i32
        %add3A_1169 = arith.constant 512 : i32
        %add3A_1170 = arith.addi %add3A_1169, %mul3A_1168 : i32
        %swap3A_1171 = arith.index_cast %add3A_1170 : i32 to index
        %swap3A_1172 = tpu.vector_load %arg13[%swap3A_1171] {strides = array<i32>} : memref<1024xf32, #tpu.memory_space<vmem>>, vector<16xf32>,
        tpu.vector_store %arg13[%swap3A_1171], %add3A_1166 {strides = array<i32>} : memref<1024xf32, #tpu.memory_space<vmem>>, vector<16xf32>,
        %add3A_1173 = arith.addi %mul3A_119, %scan3A_914 : i32
        %get3A_1174 = arith.index_cast %add3A_1173 : i32 to index
        %get3A_1175 = arith.constant 384 : index
        %get3A_1176 = tpu.vector_load %arg11[%get3A_1174, %get3A_1175] {strides = array<i32>} : memref<32x512xf32, #tpu.memory_space<vmem>>, vector<16xf32>,
        %add3A_1177 = arith.addi %mul3A_119, %scan3A_914 : i32
        %get3A_1178 = arith.index_cast %add3A_1177 : i32 to index
        %get3A_1179 = arith.constant 384 : index
        %get3A_1180 = tpu.vector_load %arg12[%get3A_1178, %get3A_1179] {strides = array<i32>} : memref<32x512xf32, #tpu.memory_space<vmem>>, vector<16xf32>,
        %mul3A_1181 = arith.mulf %get3A_1176, %get3A_1180 : vector<16xf32>
        %add3A_1182 = arith.addf %broadcast_in_dim3A_1, %mul3A_1181 : vector<16xf32>
        %add3A_1183 = arith.addi %mul3A_119, %scan3A_914 : i32
        %get3A_1184 = arith.index_cast %add3A_1183 : i32 to index
        %get3A_1185 = arith.constant 400 : index
        %get3A_1186 = tpu.vector_load %arg11[%get3A_1184, %get3A_1185] {strides = array<i32>} : memref<32x512xf32, #tpu.memory_space<vmem>>, vector<16xf32>,
        %add3A_1187 = arith.addi %mul3A_119, %scan3A_914 : i32
        %get3A_1188 = arith.index_cast %add3A_1187 : i32 to index
        %get3A_1189 = arith.constant 400 : index
        %get3A_1190 = tpu.vector_load %arg12[%get3A_1188, %get3A_1189] {strides = array<i32>} : memref<32x512xf32, #tpu.memory_space<vmem>>, vector<16xf32>,
        %mul3A_1191 = arith.mulf %get3A_1186, %get3A_1190 : vector<16xf32>
        %add3A_1192 = arith.addf %add3A_1182, %mul3A_1191 : vector<16xf32>
        %add3A_1193 = arith.addi %mul3A_119, %scan3A_914 : i32
        %get3A_1194 = arith.index_cast %add3A_1193 : i32 to index
        %get3A_1195 = arith.constant 416 : index
        %get3A_1196 = tpu.vector_load %arg11[%get3A_1194, %get3A_1195] {strides = array<i32>} : memref<32x512xf32, #tpu.memory_space<vmem>>, vector<16xf32>,
        %add3A_1197 = arith.addi %mul3A_119, %scan3A_914 : i32
        %get3A_1198 = arith.index_cast %add3A_1197 : i32 to index
        %get3A_1199 = arith.constant 416 : index
        %get3A_1200 = tpu.vector_load %arg12[%get3A_1198, %get3A_1199] {strides = array<i32>} : memref<32x512xf32, #tpu.memory_space<vmem>>, vector<16xf32>,
        %mul3A_1201 = arith.mulf %get3A_1196, %get3A_1200 : vector<16xf32>
        %add3A_1202 = arith.addf %add3A_1192, %mul3A_1201 : vector<16xf32>
        %add3A_1203 = arith.addi %mul3A_119, %scan3A_914 : i32
        %get3A_1204 = arith.index_cast %add3A_1203 : i32 to index
        %get3A_1205 = arith.constant 432 : index
        %get3A_1206 = tpu.vector_load %arg11[%get3A_1204, %get3A_1205] {strides = array<i32>} : memref<32x512xf32, #tpu.memory_space<vmem>>, vector<16xf32>,
        %add3A_1207 = arith.addi %mul3A_119, %scan3A_914 : i32
        %get3A_1208 = arith.index_cast %add3A_1207 : i32 to index
        %get3A_1209 = arith.constant 432 : index
        %get3A_1210 = tpu.vector_load %arg12[%get3A_1208, %get3A_1209] {strides = array<i32>} : memref<32x512xf32, #tpu.memory_space<vmem>>, vector<16xf32>,
        %mul3A_1211 = arith.mulf %get3A_1206, %get3A_1210 : vector<16xf32>
        %add3A_1212 = arith.addf %add3A_1202, %mul3A_1211 : vector<16xf32>
        %add3A_1213 = arith.addi %mul3A_119, %scan3A_914 : i32
        %get3A_1214 = arith.index_cast %add3A_1213 : i32 to index
        %get3A_1215 = arith.constant 448 : index
        %get3A_1216 = tpu.vector_load %arg11[%get3A_1214, %get3A_1215] {strides = array<i32>} : memref<32x512xf32, #tpu.memory_space<vmem>>, vector<16xf32>,
        %add3A_1217 = arith.addi %mul3A_119, %scan3A_914 : i32
        %get3A_1218 = arith.index_cast %add3A_1217 : i32 to index
        %get3A_1219 = arith.constant 448 : index
        %get3A_1220 = tpu.vector_load %arg12[%get3A_1218, %get3A_1219] {strides = array<i32>} : memref<32x512xf32, #tpu.memory_space<vmem>>, vector<16xf32>,
        %mul3A_1221 = arith.mulf %get3A_1216, %get3A_1220 : vector<16xf32>
        %add3A_1222 = arith.addf %add3A_1212, %mul3A_1221 : vector<16xf32>
        %add3A_1223 = arith.addi %mul3A_119, %scan3A_914 : i32
        %get3A_1224 = arith.index_cast %add3A_1223 : i32 to index
        %get3A_1225 = arith.constant 464 : index
        %get3A_1226 = tpu.vector_load %arg11[%get3A_1224, %get3A_1225] {strides = array<i32>} : memref<32x512xf32, #tpu.memory_space<vmem>>, vector<16xf32>,
        %add3A_1227 = arith.addi %mul3A_119, %scan3A_914 : i32
        %get3A_1228 = arith.index_cast %add3A_1227 : i32 to index
        %get3A_1229 = arith.constant 464 : index
        %get3A_1230 = tpu.vector_load %arg12[%get3A_1228, %get3A_1229] {strides = array<i32>} : memref<32x512xf32, #tpu.memory_space<vmem>>, vector<16xf32>,
        %mul3A_1231 = arith.mulf %get3A_1226, %get3A_1230 : vector<16xf32>
        %add3A_1232 = arith.addf %add3A_1222, %mul3A_1231 : vector<16xf32>
        %add3A_1233 = arith.addi %mul3A_119, %scan3A_914 : i32
        %get3A_1234 = arith.index_cast %add3A_1233 : i32 to index
        %get3A_1235 = arith.constant 480 : index
        %get3A_1236 = tpu.vector_load %arg11[%get3A_1234, %get3A_1235] {strides = array<i32>} : memref<32x512xf32, #tpu.memory_space<vmem>>, vector<16xf32>,
        %add3A_1237 = arith.addi %mul3A_119, %scan3A_914 : i32
        %get3A_1238 = arith.index_cast %add3A_1237 : i32 to index
        %get3A_1239 = arith.constant 480 : index
        %get3A_1240 = tpu.vector_load %arg12[%get3A_1238, %get3A_1239] {strides = array<i32>} : memref<32x512xf32, #tpu.memory_space<vmem>>, vector<16xf32>,
        %mul3A_1241 = arith.mulf %get3A_1236, %get3A_1240 : vector<16xf32>
        %add3A_1242 = arith.addf %add3A_1232, %mul3A_1241 : vector<16xf32>
        %add3A_1243 = arith.addi %mul3A_119, %scan3A_914 : i32
        %get3A_1244 = arith.index_cast %add3A_1243 : i32 to index
        %get3A_1245 = arith.constant 496 : index
        %get3A_1246 = tpu.vector_load %arg11[%get3A_1244, %get3A_1245] {strides = array<i32>} : memref<32x512xf32, #tpu.memory_space<vmem>>, vector<16xf32>,
        %add3A_1247 = arith.addi %mul3A_119, %scan3A_914 : i32
        %get3A_1248 = arith.index_cast %add3A_1247 : i32 to index
        %get3A_1249 = arith.constant 496 : index
        %get3A_1250 = tpu.vector_load %arg12[%get3A_1248, %get3A_1249] {strides = array<i32>} : memref<32x512xf32, #tpu.memory_space<vmem>>, vector<16xf32>,
        %mul3A_1251 = arith.mulf %get3A_1246, %get3A_1250 : vector<16xf32>
        %add3A_1252 = arith.addf %add3A_1242, %mul3A_1251 : vector<16xf32>
        %mul3A_1253 = arith.constant 16 : i32
        %mul3A_1254 = arith.muli %scan3A_914, %mul3A_1253 : i32
        %add3A_1255 = arith.constant 768 : i32
        %add3A_1256 = arith.addi %add3A_1255, %mul3A_1254 : i32
        %swap3A_1257 = arith.index_cast %add3A_1256 : i32 to index
        %swap3A_1258 = tpu.vector_load %arg13[%swap3A_1257] {strides = array<i32>} : memref<1024xf32, #tpu.memory_space<vmem>>, vector<16xf32>,
        tpu.vector_store %arg13[%swap3A_1257], %add3A_1252 {strides = array<i32>} : memref<1024xf32, #tpu.memory_space<vmem>>, vector<16xf32>,
      }
      %scan3A_142 = arith.constant 16 : i32
      %add3A_143 = vector.broadcast %mul3A_108 : i32 to vector<16xi32>
      %add3A_144 = arith.addi %add3A_143, %iota3A : vector<16xi32>
      %lt3A_145 = arith.constant 5000 : i32
      %lt3A_146 = vector.broadcast %lt3A_145 : i32 to vector<16xi32>
      %lt3A_147 = arith.cmpi slt, %add3A_144, %lt3A_146 : vector<16xi32>
      %mul3A_148 = arith.constant 16 : i32
      %mul3A_149 = vector.broadcast %mul3A_148 : i32 to vector<16xi32>
      %mul3A_150 = arith.muli %iota3A, %mul3A_149 : vector<16xi32>
      %add3A_151 = arith.constant 0 : i32
      %add3A_152 = vector.broadcast %add3A_151 : i32 to vector<16xi32>
      %add3A_153 = arith.addi %add3A_152, %mul3A_150 : vector<16xi32>
      %add3A_154 = arith.constant 0 : i32
      %add3A_155 = vector.broadcast %add3A_154 : i32 to vector<16xi32>
      %add3A_156 = arith.addi %add3A_153, %add3A_155 : vector<16xi32>
      %gather3A = tpu.vector_load_idx %arg13[%add3A_156] : memref<1024xf32, #tpu.memory_space<vmem>>[vector<16xi32>], vector<16xf32>,
      %add3A_157 = arith.addf %broadcast_in_dim3A_1, %gather3A : vector<16xf32>
      %mul3A_158 = arith.constant 16 : i32
      %mul3A_159 = vector.broadcast %mul3A_158 : i32 to vector<16xi32>
      %mul3A_160 = arith.muli %iota3A, %mul3A_159 : vector<16xi32>
      %add3A_161 = arith.constant 0 : i32
      %add3A_162 = vector.broadcast %add3A_161 : i32 to vector<16xi32>
      %add3A_163 = arith.addi %add3A_162, %mul3A_160 : vector<16xi32>
      %add3A_164 = arith.constant 1 : i32
      %add3A_165 = vector.broadcast %add3A_164 : i32 to vector<16xi32>
      %add3A_166 = arith.addi %add3A_163, %add3A_165 : vector<16xi32>
      %gather3A_167 = tpu.vector_load_idx %arg13[%add3A_166] : memref<1024xf32, #tpu.memory_space<vmem>>[vector<16xi32>], vector<16xf32>,
      %add3A_168 = arith.addf %add3A_157, %gather3A_167 : vector<16xf32>
      %mul3A_169 = arith.constant 16 : i32
      %mul3A_170 = vector.broadcast %mul3A_169 : i32 to vector<16xi32>
      %mul3A_171 = arith.muli %iota3A, %mul3A_170 : vector<16xi32>
      %add3A_172 = arith.constant 0 : i32
      %add3A_173 = vector.broadcast %add3A_172 : i32 to vector<16xi32>
      %add3A_174 = arith.addi %add3A_173, %mul3A_171 : vector<16xi32>
      %add3A_175 = arith.constant 2 : i32
      %add3A_176 = vector.broadcast %add3A_175 : i32 to vector<16xi32>
      %add3A_177 = arith.addi %add3A_174, %add3A_176 : vector<16xi32>
      %gather3A_178 = tpu.vector_load_idx %arg13[%add3A_177] : memref<1024xf32, #tpu.memory_space<vmem>>[vector<16xi32>], vector<16xf32>,
      %add3A_179 = arith.addf %add3A_168, %gather3A_178 : vector<16xf32>
      %mul3A_180 = arith.constant 16 : i32
      %mul3A_181 = vector.broadcast %mul3A_180 : i32 to vector<16xi32>
      %mul3A_182 = arith.muli %iota3A, %mul3A_181 : vector<16xi32>
      %add3A_183 = arith.constant 0 : i32
      %add3A_184 = vector.broadcast %add3A_183 : i32 to vector<16xi32>
      %add3A_185 = arith.addi %add3A_184, %mul3A_182 : vector<16xi32>
      %add3A_186 = arith.constant 3 : i32
      %add3A_187 = vector.broadcast %add3A_186 : i32 to vector<16xi32>
      %add3A_188 = arith.addi %add3A_185, %add3A_187 : vector<16xi32>
      %gather3A_189 = tpu.vector_load_idx %arg13[%add3A_188] : memref<1024xf32, #tpu.memory_space<vmem>>[vector<16xi32>], vector<16xf32>,
      %add3A_190 = arith.addf %add3A_179, %gather3A_189 : vector<16xf32>
      %mul3A_191 = arith.constant 16 : i32
      %mul3A_192 = vector.broadcast %mul3A_191 : i32 to vector<16xi32>
      %mul3A_193 = arith.muli %iota3A, %mul3A_192 : vector<16xi32>
      %add3A_194 = arith.constant 0 : i32
      %add3A_195 = vector.broadcast %add3A_194 : i32 to vector<16xi32>
      %add3A_196 = arith.addi %add3A_195, %mul3A_193 : vector<16xi32>
      %add3A_197 = arith.constant 4 : i32
      %add3A_198 = vector.broadcast %add3A_197 : i32 to vector<16xi32>
      %add3A_199 = arith.addi %add3A_196, %add3A_198 : vector<16xi32>
      %gather3A_200 = tpu.vector_load_idx %arg13[%add3A_199] : memref<1024xf32, #tpu.memory_space<vmem>>[vector<16xi32>], vector<16xf32>,
      %add3A_201 = arith.addf %add3A_190, %gather3A_200 : vector<16xf32>
      %mul3A_202 = arith.constant 16 : i32
      %mul3A_203 = vector.broadcast %mul3A_202 : i32 to vector<16xi32>
      %mul3A_204 = arith.muli %iota3A, %mul3A_203 : vector<16xi32>
      %add3A_205 = arith.constant 0 : i32
      %add3A_206 = vector.broadcast %add3A_205 : i32 to vector<16xi32>
      %add3A_207 = arith.addi %add3A_206, %mul3A_204 : vector<16xi32>
      %add3A_208 = arith.constant 5 : i32
      %add3A_209 = vector.broadcast %add3A_208 : i32 to vector<16xi32>
      %add3A_210 = arith.addi %add3A_207, %add3A_209 : vector<16xi32>
      %gather3A_211 = tpu.vector_load_idx %arg13[%add3A_210] : memref<1024xf32, #tpu.memory_space<vmem>>[vector<16xi32>], vector<16xf32>,
      %add3A_212 = arith.addf %add3A_201, %gather3A_211 : vector<16xf32>
      %mul3A_213 = arith.constant 16 : i32
      %mul3A_214 = vector.broadcast %mul3A_213 : i32 to vector<16xi32>
      %mul3A_215 = arith.muli %iota3A, %mul3A_214 : vector<16xi32>
      %add3A_216 = arith.constant 0 : i32
      %add3A_217 = vector.broadcast %add3A_216 : i32 to vector<16xi32>
      %add3A_218 = arith.addi %add3A_217, %mul3A_215 : vector<16xi32>
      %add3A_219 = arith.constant 6 : i32
      %add3A_220 = vector.broadcast %add3A_219 : i32 to vector<16xi32>
      %add3A_221 = arith.addi %add3A_218, %add3A_220 : vector<16xi32>
      %gather3A_222 = tpu.vector_load_idx %arg13[%add3A_221] : memref<1024xf32, #tpu.memory_space<vmem>>[vector<16xi32>], vector<16xf32>,
      %add3A_223 = arith.addf %add3A_212, %gather3A_222 : vector<16xf32>
      %mul3A_224 = arith.constant 16 : i32
      %mul3A_225 = vector.broadcast %mul3A_224 : i32 to vector<16xi32>
      %mul3A_226 = arith.muli %iota3A, %mul3A_225 : vector<16xi32>
      %add3A_227 = arith.constant 0 : i32
      %add3A_228 = vector.broadcast %add3A_227 : i32 to vector<16xi32>
      %add3A_229 = arith.addi %add3A_228, %mul3A_226 : vector<16xi32>
      %add3A_230 = arith.constant 7 : i32
      %add3A_231 = vector.broadcast %add3A_230 : i32 to vector<16xi32>
      %add3A_232 = arith.addi %add3A_229, %add3A_231 : vector<16xi32>
      %gather3A_233 = tpu.vector_load_idx %arg13[%add3A_232] : memref<1024xf32, #tpu.memory_space<vmem>>[vector<16xi32>], vector<16xf32>,
      %add3A_234 = arith.addf %add3A_223, %gather3A_233 : vector<16xf32>
      %mul3A_235 = arith.constant 16 : i32
      %mul3A_236 = vector.broadcast %mul3A_235 : i32 to vector<16xi32>
      %mul3A_237 = arith.muli %iota3A, %mul3A_236 : vector<16xi32>
      %add3A_238 = arith.constant 0 : i32
      %add3A_239 = vector.broadcast %add3A_238 : i32 to vector<16xi32>
      %add3A_240 = arith.addi %add3A_239, %mul3A_237 : vector<16xi32>
      %add3A_241 = arith.constant 8 : i32
      %add3A_242 = vector.broadcast %add3A_241 : i32 to vector<16xi32>
      %add3A_243 = arith.addi %add3A_240, %add3A_242 : vector<16xi32>
      %gather3A_244 = tpu.vector_load_idx %arg13[%add3A_243] : memref<1024xf32, #tpu.memory_space<vmem>>[vector<16xi32>], vector<16xf32>,
      %add3A_245 = arith.addf %add3A_234, %gather3A_244 : vector<16xf32>
      %mul3A_246 = arith.constant 16 : i32
      %mul3A_247 = vector.broadcast %mul3A_246 : i32 to vector<16xi32>
      %mul3A_248 = arith.muli %iota3A, %mul3A_247 : vector<16xi32>
      %add3A_249 = arith.constant 0 : i32
      %add3A_250 = vector.broadcast %add3A_249 : i32 to vector<16xi32>
      %add3A_251 = arith.addi %add3A_250, %mul3A_248 : vector<16xi32>
      %add3A_252 = arith.constant 9 : i32
      %add3A_253 = vector.broadcast %add3A_252 : i32 to vector<16xi32>
      %add3A_254 = arith.addi %add3A_251, %add3A_253 : vector<16xi32>
      %gather3A_255 = tpu.vector_load_idx %arg13[%add3A_254] : memref<1024xf32, #tpu.memory_space<vmem>>[vector<16xi32>], vector<16xf32>,
      %add3A_256 = arith.addf %add3A_245, %gather3A_255 : vector<16xf32>
      %mul3A_257 = arith.constant 16 : i32
      %mul3A_258 = vector.broadcast %mul3A_257 : i32 to vector<16xi32>
      %mul3A_259 = arith.muli %iota3A, %mul3A_258 : vector<16xi32>
      %add3A_260 = arith.constant 0 : i32
      %add3A_261 = vector.broadcast %add3A_260 : i32 to vector<16xi32>
      %add3A_262 = arith.addi %add3A_261, %mul3A_259 : vector<16xi32>
      %add3A_263 = arith.constant 10 : i32
      %add3A_264 = vector.broadcast %add3A_263 : i32 to vector<16xi32>
      %add3A_265 = arith.addi %add3A_262, %add3A_264 : vector<16xi32>
      %gather3A_266 = tpu.vector_load_idx %arg13[%add3A_265] : memref<1024xf32, #tpu.memory_space<vmem>>[vector<16xi32>], vector<16xf32>,
      %add3A_267 = arith.addf %add3A_256, %gather3A_266 : vector<16xf32>
      %mul3A_268 = arith.constant 16 : i32
      %mul3A_269 = vector.broadcast %mul3A_268 : i32 to vector<16xi32>
      %mul3A_270 = arith.muli %iota3A, %mul3A_269 : vector<16xi32>
      %add3A_271 = arith.constant 0 : i32
      %add3A_272 = vector.broadcast %add3A_271 : i32 to vector<16xi32>
      %add3A_273 = arith.addi %add3A_272, %mul3A_270 : vector<16xi32>
      %add3A_274 = arith.constant 11 : i32
      %add3A_275 = vector.broadcast %add3A_274 : i32 to vector<16xi32>
      %add3A_276 = arith.addi %add3A_273, %add3A_275 : vector<16xi32>
      %gather3A_277 = tpu.vector_load_idx %arg13[%add3A_276] : memref<1024xf32, #tpu.memory_space<vmem>>[vector<16xi32>], vector<16xf32>,
      %add3A_278 = arith.addf %add3A_267, %gather3A_277 : vector<16xf32>
      %mul3A_279 = arith.constant 16 : i32
      %mul3A_280 = vector.broadcast %mul3A_279 : i32 to vector<16xi32>
      %mul3A_281 = arith.muli %iota3A, %mul3A_280 : vector<16xi32>
      %add3A_282 = arith.constant 0 : i32
      %add3A_283 = vector.broadcast %add3A_282 : i32 to vector<16xi32>
      %add3A_284 = arith.addi %add3A_283, %mul3A_281 : vector<16xi32>
      %add3A_285 = arith.constant 12 : i32
      %add3A_286 = vector.broadcast %add3A_285 : i32 to vector<16xi32>
      %add3A_287 = arith.addi %add3A_284, %add3A_286 : vector<16xi32>
      %gather3A_288 = tpu.vector_load_idx %arg13[%add3A_287] : memref<1024xf32, #tpu.memory_space<vmem>>[vector<16xi32>], vector<16xf32>,
      %add3A_289 = arith.addf %add3A_278, %gather3A_288 : vector<16xf32>
      %mul3A_290 = arith.constant 16 : i32
      %mul3A_291 = vector.broadcast %mul3A_290 : i32 to vector<16xi32>
      %mul3A_292 = arith.muli %iota3A, %mul3A_291 : vector<16xi32>
      %add3A_293 = arith.constant 0 : i32
      %add3A_294 = vector.broadcast %add3A_293 : i32 to vector<16xi32>
      %add3A_295 = arith.addi %add3A_294, %mul3A_292 : vector<16xi32>
      %add3A_296 = arith.constant 13 : i32
      %add3A_297 = vector.broadcast %add3A_296 : i32 to vector<16xi32>
      %add3A_298 = arith.addi %add3A_295, %add3A_297 : vector<16xi32>
      %gather3A_299 = tpu.vector_load_idx %arg13[%add3A_298] : memref<1024xf32, #tpu.memory_space<vmem>>[vector<16xi32>], vector<16xf32>,
      %add3A_300 = arith.addf %add3A_289, %gather3A_299 : vector<16xf32>
      %mul3A_301 = arith.constant 16 : i32
      %mul3A_302 = vector.broadcast %mul3A_301 : i32 to vector<16xi32>
      %mul3A_303 = arith.muli %iota3A, %mul3A_302 : vector<16xi32>
      %add3A_304 = arith.constant 0 : i32
      %add3A_305 = vector.broadcast %add3A_304 : i32 to vector<16xi32>
      %add3A_306 = arith.addi %add3A_305, %mul3A_303 : vector<16xi32>
      %add3A_307 = arith.constant 14 : i32
      %add3A_308 = vector.broadcast %add3A_307 : i32 to vector<16xi32>
      %add3A_309 = arith.addi %add3A_306, %add3A_308 : vector<16xi32>
      %gather3A_310 = tpu.vector_load_idx %arg13[%add3A_309] : memref<1024xf32, #tpu.memory_space<vmem>>[vector<16xi32>], vector<16xf32>,
      %add3A_311 = arith.addf %add3A_300, %gather3A_310 : vector<16xf32>
      %mul3A_312 = arith.constant 16 : i32
      %mul3A_313 = vector.broadcast %mul3A_312 : i32 to vector<16xi32>
      %mul3A_314 = arith.muli %iota3A, %mul3A_313 : vector<16xi32>
      %add3A_315 = arith.constant 0 : i32
      %add3A_316 = vector.broadcast %add3A_315 : i32 to vector<16xi32>
      %add3A_317 = arith.addi %add3A_316, %mul3A_314 : vector<16xi32>
      %add3A_318 = arith.constant 15 : i32
      %add3A_319 = vector.broadcast %add3A_318 : i32 to vector<16xi32>
      %add3A_320 = arith.addi %add3A_317, %add3A_319 : vector<16xi32>
      %gather3A_321 = tpu.vector_load_idx %arg13[%add3A_320] : memref<1024xf32, #tpu.memory_space<vmem>>[vector<16xi32>], vector<16xf32>,
      %add3A_322 = arith.addf %add3A_311, %gather3A_321 : vector<16xf32>
      %exp3A = math.exp %add3A_322 : vector<16xf32>
      %swap3A_323 = arith.constant 0 : i32
      %swap3A_324 = arith.index_cast %swap3A_323 : i32 to index
      %swap3A_325 = arith.index_cast %mul3A_108 : i32 to index
      %swap3A_326 = tpu.vector_load %arg14[%swap3A_324, %swap3A_325] {strides = array<i32>} : memref<4x5120xf32, #tpu.memory_space<vmem>>, vector<16xf32>,
      tpu.vector_store %arg14[%swap3A_324, %swap3A_325], %exp3A {strides = array<i32>} : memref<4x5120xf32, #tpu.memory_space<vmem>>, vector<16xf32>,
      %add3A_327 = arith.constant 0 : i32
      %add3A_328 = vector.broadcast %add3A_327 : i32 to vector<16xi32>
      %add3A_329 = arith.addi %add3A_328, %iota3A : vector<16xi32>
      %get3A = arith.index_cast %mul3A_108 : i32 to index
      %get3A_330 = tpu.vector_load %arg10[%get3A] {strides = array<i32>} : memref<5008xi32, #tpu.memory_space<vmem>>, vector<16xi32>,
      %add3A_331 = arith.constant 0 : i32
      %add3A_332 = vector.broadcast %add3A_331 : i32 to vector<16xi32>
      %add3A_333 = arith.addi %get3A_330, %add3A_332 : vector<16xi32>
      tpu.vector_store_idx %arg15[%broadcast_in_dim3A_3, %add3A_329], %add3A_333 : memref<1x128xi32, #tpu.memory_space<vmem>>[vector<16xi32>, vector<16xi32>], vector<16xi32>,
      %jit3A_334 = arith.constant 0.000000e+00 : f32
      %broadcast_in_dim3A_335 = vector.broadcast %jit3A_334 : f32 to vector<16xf32>
      %select_n3A_336 = arith.select %lt3A_147, %exp3A, %broadcast_in_dim3A_335 : vector<16xi1>, vector<16xf32>
      tpu.vector_store_idx %arg16[%broadcast_in_dim3A_3, %add3A_329], %select_n3A_336 : memref<1x128xf32, #tpu.memory_space<vmem>>[vector<16xi32>, vector<16xi32>], vector<16xf32>,
      %mul3A_337 = arith.constant 16 : i32
      %mul3A_338 = vector.broadcast %mul3A_337 : i32 to vector<16xi32>
      %mul3A_339 = arith.muli %iota3A, %mul3A_338 : vector<16xi32>
      %add3A_340 = arith.constant 256 : i32
      %add3A_341 = vector.broadcast %add3A_340 : i32 to vector<16xi32>
      %add3A_342 = arith.addi %add3A_341, %mul3A_339 : vector<16xi32>
      %add3A_343 = arith.constant 0 : i32
      %add3A_344 = vector.broadcast %add3A_343 : i32 to vector<16xi32>
      %add3A_345 = arith.addi %add3A_342, %add3A_344 : vector<16xi32>
      %gather3A_346 = tpu.vector_load_idx %arg13[%add3A_345] : memref<1024xf32, #tpu.memory_space<vmem>>[vector<16xi32>], vector<16xf32>,
      %add3A_347 = arith.addf %broadcast_in_dim3A_1, %gather3A_346 : vector<16xf32>
      %mul3A_348 = arith.constant 16 : i32
      %mul3A_349 = vector.broadcast %mul3A_348 : i32 to vector<16xi32>
      %mul3A_350 = arith.muli %iota3A, %mul3A_349 : vector<16xi32>
      %add3A_351 = arith.constant 256 : i32
      %add3A_352 = vector.broadcast %add3A_351 : i32 to vector<16xi32>
      %add3A_353 = arith.addi %add3A_352, %mul3A_350 : vector<16xi32>
      %add3A_354 = arith.constant 1 : i32
      %add3A_355 = vector.broadcast %add3A_354 : i32 to vector<16xi32>
      %add3A_356 = arith.addi %add3A_353, %add3A_355 : vector<16xi32>
      %gather3A_357 = tpu.vector_load_idx %arg13[%add3A_356] : memref<1024xf32, #tpu.memory_space<vmem>>[vector<16xi32>], vector<16xf32>,
      %add3A_358 = arith.addf %add3A_347, %gather3A_357 : vector<16xf32>
      %mul3A_359 = arith.constant 16 : i32
      %mul3A_360 = vector.broadcast %mul3A_359 : i32 to vector<16xi32>
      %mul3A_361 = arith.muli %iota3A, %mul3A_360 : vector<16xi32>
      %add3A_362 = arith.constant 256 : i32
      %add3A_363 = vector.broadcast %add3A_362 : i32 to vector<16xi32>
      %add3A_364 = arith.addi %add3A_363, %mul3A_361 : vector<16xi32>
      %add3A_365 = arith.constant 2 : i32
      %add3A_366 = vector.broadcast %add3A_365 : i32 to vector<16xi32>
      %add3A_367 = arith.addi %add3A_364, %add3A_366 : vector<16xi32>
      %gather3A_368 = tpu.vector_load_idx %arg13[%add3A_367] : memref<1024xf32, #tpu.memory_space<vmem>>[vector<16xi32>], vector<16xf32>,
      %add3A_369 = arith.addf %add3A_358, %gather3A_368 : vector<16xf32>
      %mul3A_370 = arith.constant 16 : i32
      %mul3A_371 = vector.broadcast %mul3A_370 : i32 to vector<16xi32>
      %mul3A_372 = arith.muli %iota3A, %mul3A_371 : vector<16xi32>
      %add3A_373 = arith.constant 256 : i32
      %add3A_374 = vector.broadcast %add3A_373 : i32 to vector<16xi32>
      %add3A_375 = arith.addi %add3A_374, %mul3A_372 : vector<16xi32>
      %add3A_376 = arith.constant 3 : i32
      %add3A_377 = vector.broadcast %add3A_376 : i32 to vector<16xi32>
      %add3A_378 = arith.addi %add3A_375, %add3A_377 : vector<16xi32>
      %gather3A_379 = tpu.vector_load_idx %arg13[%add3A_378] : memref<1024xf32, #tpu.memory_space<vmem>>[vector<16xi32>], vector<16xf32>,
      %add3A_380 = arith.addf %add3A_369, %gather3A_379 : vector<16xf32>
      %mul3A_381 = arith.constant 16 : i32
      %mul3A_382 = vector.broadcast %mul3A_381 : i32 to vector<16xi32>
      %mul3A_383 = arith.muli %iota3A, %mul3A_382 : vector<16xi32>
      %add3A_384 = arith.constant 256 : i32
      %add3A_385 = vector.broadcast %add3A_384 : i32 to vector<16xi32>
      %add3A_386 = arith.addi %add3A_385, %mul3A_383 : vector<16xi32>
      %add3A_387 = arith.constant 4 : i32
      %add3A_388 = vector.broadcast %add3A_387 : i32 to vector<16xi32>
      %add3A_389 = arith.addi %add3A_386, %add3A_388 : vector<16xi32>
      %gather3A_390 = tpu.vector_load_idx %arg13[%add3A_389] : memref<1024xf32, #tpu.memory_space<vmem>>[vector<16xi32>], vector<16xf32>,
      %add3A_391 = arith.addf %add3A_380, %gather3A_390 : vector<16xf32>
      %mul3A_392 = arith.constant 16 : i32
      %mul3A_393 = vector.broadcast %mul3A_392 : i32 to vector<16xi32>
      %mul3A_394 = arith.muli %iota3A, %mul3A_393 : vector<16xi32>
      %add3A_395 = arith.constant 256 : i32
      %add3A_396 = vector.broadcast %add3A_395 : i32 to vector<16xi32>
      %add3A_397 = arith.addi %add3A_396, %mul3A_394 : vector<16xi32>
      %add3A_398 = arith.constant 5 : i32
      %add3A_399 = vector.broadcast %add3A_398 : i32 to vector<16xi32>
      %add3A_400 = arith.addi %add3A_397, %add3A_399 : vector<16xi32>
      %gather3A_401 = tpu.vector_load_idx %arg13[%add3A_400] : memref<1024xf32, #tpu.memory_space<vmem>>[vector<16xi32>], vector<16xf32>,
      %add3A_402 = arith.addf %add3A_391, %gather3A_401 : vector<16xf32>
      %mul3A_403 = arith.constant 16 : i32
      %mul3A_404 = vector.broadcast %mul3A_403 : i32 to vector<16xi32>
      %mul3A_405 = arith.muli %iota3A, %mul3A_404 : vector<16xi32>
      %add3A_406 = arith.constant 256 : i32
      %add3A_407 = vector.broadcast %add3A_406 : i32 to vector<16xi32>
      %add3A_408 = arith.addi %add3A_407, %mul3A_405 : vector<16xi32>
      %add3A_409 = arith.constant 6 : i32
      %add3A_410 = vector.broadcast %add3A_409 : i32 to vector<16xi32>
      %add3A_411 = arith.addi %add3A_408, %add3A_410 : vector<16xi32>
      %gather3A_412 = tpu.vector_load_idx %arg13[%add3A_411] : memref<1024xf32, #tpu.memory_space<vmem>>[vector<16xi32>], vector<16xf32>,
      %add3A_413 = arith.addf %add3A_402, %gather3A_412 : vector<16xf32>
      %mul3A_414 = arith.constant 16 : i32
      %mul3A_415 = vector.broadcast %mul3A_414 : i32 to vector<16xi32>
      %mul3A_416 = arith.muli %iota3A, %mul3A_415 : vector<16xi32>
      %add3A_417 = arith.constant 256 : i32
      %add3A_418 = vector.broadcast %add3A_417 : i32 to vector<16xi32>
      %add3A_419 = arith.addi %add3A_418, %mul3A_416 : vector<16xi32>
      %add3A_420 = arith.constant 7 : i32
      %add3A_421 = vector.broadcast %add3A_420 : i32 to vector<16xi32>
      %add3A_422 = arith.addi %add3A_419, %add3A_421 : vector<16xi32>
      %gather3A_423 = tpu.vector_load_idx %arg13[%add3A_422] : memref<1024xf32, #tpu.memory_space<vmem>>[vector<16xi32>], vector<16xf32>,
      %add3A_424 = arith.addf %add3A_413, %gather3A_423 : vector<16xf32>
      %mul3A_425 = arith.constant 16 : i32
      %mul3A_426 = vector.broadcast %mul3A_425 : i32 to vector<16xi32>
      %mul3A_427 = arith.muli %iota3A, %mul3A_426 : vector<16xi32>
      %add3A_428 = arith.constant 256 : i32
      %add3A_429 = vector.broadcast %add3A_428 : i32 to vector<16xi32>
      %add3A_430 = arith.addi %add3A_429, %mul3A_427 : vector<16xi32>
      %add3A_431 = arith.constant 8 : i32
      %add3A_432 = vector.broadcast %add3A_431 : i32 to vector<16xi32>
      %add3A_433 = arith.addi %add3A_430, %add3A_432 : vector<16xi32>
      %gather3A_434 = tpu.vector_load_idx %arg13[%add3A_433] : memref<1024xf32, #tpu.memory_space<vmem>>[vector<16xi32>], vector<16xf32>,
      %add3A_435 = arith.addf %add3A_424, %gather3A_434 : vector<16xf32>
      %mul3A_436 = arith.constant 16 : i32
      %mul3A_437 = vector.broadcast %mul3A_436 : i32 to vector<16xi32>
      %mul3A_438 = arith.muli %iota3A, %mul3A_437 : vector<16xi32>
      %add3A_439 = arith.constant 256 : i32
      %add3A_440 = vector.broadcast %add3A_439 : i32 to vector<16xi32>
      %add3A_441 = arith.addi %add3A_440, %mul3A_438 : vector<16xi32>
      %add3A_442 = arith.constant 9 : i32
      %add3A_443 = vector.broadcast %add3A_442 : i32 to vector<16xi32>
      %add3A_444 = arith.addi %add3A_441, %add3A_443 : vector<16xi32>
      %gather3A_445 = tpu.vector_load_idx %arg13[%add3A_444] : memref<1024xf32, #tpu.memory_space<vmem>>[vector<16xi32>], vector<16xf32>,
      %add3A_446 = arith.addf %add3A_435, %gather3A_445 : vector<16xf32>
      %mul3A_447 = arith.constant 16 : i32
      %mul3A_448 = vector.broadcast %mul3A_447 : i32 to vector<16xi32>
      %mul3A_449 = arith.muli %iota3A, %mul3A_448 : vector<16xi32>
      %add3A_450 = arith.constant 256 : i32
      %add3A_451 = vector.broadcast %add3A_450 : i32 to vector<16xi32>
      %add3A_452 = arith.addi %add3A_451, %mul3A_449 : vector<16xi32>
      %add3A_453 = arith.constant 10 : i32
      %add3A_454 = vector.broadcast %add3A_453 : i32 to vector<16xi32>
      %add3A_455 = arith.addi %add3A_452, %add3A_454 : vector<16xi32>
      %gather3A_456 = tpu.vector_load_idx %arg13[%add3A_455] : memref<1024xf32, #tpu.memory_space<vmem>>[vector<16xi32>], vector<16xf32>,
      %add3A_457 = arith.addf %add3A_446, %gather3A_456 : vector<16xf32>
      %mul3A_458 = arith.constant 16 : i32
      %mul3A_459 = vector.broadcast %mul3A_458 : i32 to vector<16xi32>
      %mul3A_460 = arith.muli %iota3A, %mul3A_459 : vector<16xi32>
      %add3A_461 = arith.constant 256 : i32
      %add3A_462 = vector.broadcast %add3A_461 : i32 to vector<16xi32>
      %add3A_463 = arith.addi %add3A_462, %mul3A_460 : vector<16xi32>
      %add3A_464 = arith.constant 11 : i32
      %add3A_465 = vector.broadcast %add3A_464 : i32 to vector<16xi32>
      %add3A_466 = arith.addi %add3A_463, %add3A_465 : vector<16xi32>
      %gather3A_467 = tpu.vector_load_idx %arg13[%add3A_466] : memref<1024xf32, #tpu.memory_space<vmem>>[vector<16xi32>], vector<16xf32>,
      %add3A_468 = arith.addf %add3A_457, %gather3A_467 : vector<16xf32>
      %mul3A_469 = arith.constant 16 : i32
      %mul3A_470 = vector.broadcast %mul3A_469 : i32 to vector<16xi32>
      %mul3A_471 = arith.muli %iota3A, %mul3A_470 : vector<16xi32>
      %add3A_472 = arith.constant 256 : i32
      %add3A_473 = vector.broadcast %add3A_472 : i32 to vector<16xi32>
      %add3A_474 = arith.addi %add3A_473, %mul3A_471 : vector<16xi32>
      %add3A_475 = arith.constant 12 : i32
      %add3A_476 = vector.broadcast %add3A_475 : i32 to vector<16xi32>
      %add3A_477 = arith.addi %add3A_474, %add3A_476 : vector<16xi32>
      %gather3A_478 = tpu.vector_load_idx %arg13[%add3A_477] : memref<1024xf32, #tpu.memory_space<vmem>>[vector<16xi32>], vector<16xf32>,
      %add3A_479 = arith.addf %add3A_468, %gather3A_478 : vector<16xf32>
      %mul3A_480 = arith.constant 16 : i32
      %mul3A_481 = vector.broadcast %mul3A_480 : i32 to vector<16xi32>
      %mul3A_482 = arith.muli %iota3A, %mul3A_481 : vector<16xi32>
      %add3A_483 = arith.constant 256 : i32
      %add3A_484 = vector.broadcast %add3A_483 : i32 to vector<16xi32>
      %add3A_485 = arith.addi %add3A_484, %mul3A_482 : vector<16xi32>
      %add3A_486 = arith.constant 13 : i32
      %add3A_487 = vector.broadcast %add3A_486 : i32 to vector<16xi32>
      %add3A_488 = arith.addi %add3A_485, %add3A_487 : vector<16xi32>
      %gather3A_489 = tpu.vector_load_idx %arg13[%add3A_488] : memref<1024xf32, #tpu.memory_space<vmem>>[vector<16xi32>], vector<16xf32>,
      %add3A_490 = arith.addf %add3A_479, %gather3A_489 : vector<16xf32>
      %mul3A_491 = arith.constant 16 : i32
      %mul3A_492 = vector.broadcast %mul3A_491 : i32 to vector<16xi32>
      %mul3A_493 = arith.muli %iota3A, %mul3A_492 : vector<16xi32>
      %add3A_494 = arith.constant 256 : i32
      %add3A_495 = vector.broadcast %add3A_494 : i32 to vector<16xi32>
      %add3A_496 = arith.addi %add3A_495, %mul3A_493 : vector<16xi32>
      %add3A_497 = arith.constant 14 : i32
      %add3A_498 = vector.broadcast %add3A_497 : i32 to vector<16xi32>
      %add3A_499 = arith.addi %add3A_496, %add3A_498 : vector<16xi32>
      %gather3A_500 = tpu.vector_load_idx %arg13[%add3A_499] : memref<1024xf32, #tpu.memory_space<vmem>>[vector<16xi32>], vector<16xf32>,
      %add3A_501 = arith.addf %add3A_490, %gather3A_500 : vector<16xf32>
      %mul3A_502 = arith.constant 16 : i32
      %mul3A_503 = vector.broadcast %mul3A_502 : i32 to vector<16xi32>
      %mul3A_504 = arith.muli %iota3A, %mul3A_503 : vector<16xi32>
      %add3A_505 = arith.constant 256 : i32
      %add3A_506 = vector.broadcast %add3A_505 : i32 to vector<16xi32>
      %add3A_507 = arith.addi %add3A_506, %mul3A_504 : vector<16xi32>
      %add3A_508 = arith.constant 15 : i32
      %add3A_509 = vector.broadcast %add3A_508 : i32 to vector<16xi32>
      %add3A_510 = arith.addi %add3A_507, %add3A_509 : vector<16xi32>
      %gather3A_511 = tpu.vector_load_idx %arg13[%add3A_510] : memref<1024xf32, #tpu.memory_space<vmem>>[vector<16xi32>], vector<16xf32>,
      %add3A_512 = arith.addf %add3A_501, %gather3A_511 : vector<16xf32>
      %exp3A_513 = math.exp %add3A_512 : vector<16xf32>
      %swap3A_514 = arith.constant 1 : i32
      %swap3A_515 = arith.index_cast %swap3A_514 : i32 to index
      %swap3A_516 = arith.index_cast %mul3A_108 : i32 to index
      %swap3A_517 = tpu.vector_load %arg14[%swap3A_515, %swap3A_516] {strides = array<i32>} : memref<4x5120xf32, #tpu.memory_space<vmem>>, vector<16xf32>,
      tpu.vector_store %arg14[%swap3A_515, %swap3A_516], %exp3A_513 {strides = array<i32>} : memref<4x5120xf32, #tpu.memory_space<vmem>>, vector<16xf32>,
      %add3A_518 = arith.constant 16 : i32
      %add3A_519 = vector.broadcast %add3A_518 : i32 to vector<16xi32>
      %add3A_520 = arith.addi %add3A_519, %iota3A : vector<16xi32>
      %get3A_521 = arith.index_cast %mul3A_108 : i32 to index
      %get3A_522 = tpu.vector_load %arg10[%get3A_521] {strides = array<i32>} : memref<5008xi32, #tpu.memory_space<vmem>>, vector<16xi32>,
      %add3A_523 = arith.constant 10000 : i32
      %add3A_524 = vector.broadcast %add3A_523 : i32 to vector<16xi32>
      %add3A_525 = arith.addi %get3A_522, %add3A_524 : vector<16xi32>
      tpu.vector_store_idx %arg15[%broadcast_in_dim3A_3, %add3A_520], %add3A_525 : memref<1x128xi32, #tpu.memory_space<vmem>>[vector<16xi32>, vector<16xi32>], vector<16xi32>,
      %jit3A_526 = arith.constant 0.000000e+00 : f32
      %broadcast_in_dim3A_527 = vector.broadcast %jit3A_526 : f32 to vector<16xf32>
      %select_n3A_528 = arith.select %lt3A_147, %exp3A_513, %broadcast_in_dim3A_527 : vector<16xi1>, vector<16xf32>
      tpu.vector_store_idx %arg16[%broadcast_in_dim3A_3, %add3A_520], %select_n3A_528 : memref<1x128xf32, #tpu.memory_space<vmem>>[vector<16xi32>, vector<16xi32>], vector<16xf32>,
      %mul3A_529 = arith.constant 16 : i32
      %mul3A_530 = vector.broadcast %mul3A_529 : i32 to vector<16xi32>
      %mul3A_531 = arith.muli %iota3A, %mul3A_530 : vector<16xi32>
      %add3A_532 = arith.constant 512 : i32
      %add3A_533 = vector.broadcast %add3A_532 : i32 to vector<16xi32>
      %add3A_534 = arith.addi %add3A_533, %mul3A_531 : vector<16xi32>
      %add3A_535 = arith.constant 0 : i32
      %add3A_536 = vector.broadcast %add3A_535 : i32 to vector<16xi32>
      %add3A_537 = arith.addi %add3A_534, %add3A_536 : vector<16xi32>
      %gather3A_538 = tpu.vector_load_idx %arg13[%add3A_537] : memref<1024xf32, #tpu.memory_space<vmem>>[vector<16xi32>], vector<16xf32>,
      %add3A_539 = arith.addf %broadcast_in_dim3A_1, %gather3A_538 : vector<16xf32>
      %mul3A_540 = arith.constant 16 : i32
      %mul3A_541 = vector.broadcast %mul3A_540 : i32 to vector<16xi32>
      %mul3A_542 = arith.muli %iota3A, %mul3A_541 : vector<16xi32>
      %add3A_543 = arith.constant 512 : i32
      %add3A_544 = vector.broadcast %add3A_543 : i32 to vector<16xi32>
      %add3A_545 = arith.addi %add3A_544, %mul3A_542 : vector<16xi32>
      %add3A_546 = arith.constant 1 : i32
      %add3A_547 = vector.broadcast %add3A_546 : i32 to vector<16xi32>
      %add3A_548 = arith.addi %add3A_545, %add3A_547 : vector<16xi32>
      %gather3A_549 = tpu.vector_load_idx %arg13[%add3A_548] : memref<1024xf32, #tpu.memory_space<vmem>>[vector<16xi32>], vector<16xf32>,
      %add3A_550 = arith.addf %add3A_539, %gather3A_549 : vector<16xf32>
      %mul3A_551 = arith.constant 16 : i32
      %mul3A_552 = vector.broadcast %mul3A_551 : i32 to vector<16xi32>
      %mul3A_553 = arith.muli %iota3A, %mul3A_552 : vector<16xi32>
      %add3A_554 = arith.constant 512 : i32
      %add3A_555 = vector.broadcast %add3A_554 : i32 to vector<16xi32>
      %add3A_556 = arith.addi %add3A_555, %mul3A_553 : vector<16xi32>
      %add3A_557 = arith.constant 2 : i32
      %add3A_558 = vector.broadcast %add3A_557 : i32 to vector<16xi32>
      %add3A_559 = arith.addi %add3A_556, %add3A_558 : vector<16xi32>
      %gather3A_560 = tpu.vector_load_idx %arg13[%add3A_559] : memref<1024xf32, #tpu.memory_space<vmem>>[vector<16xi32>], vector<16xf32>,
      %add3A_561 = arith.addf %add3A_550, %gather3A_560 : vector<16xf32>
      %mul3A_562 = arith.constant 16 : i32
      %mul3A_563 = vector.broadcast %mul3A_562 : i32 to vector<16xi32>
      %mul3A_564 = arith.muli %iota3A, %mul3A_563 : vector<16xi32>
      %add3A_565 = arith.constant 512 : i32
      %add3A_566 = vector.broadcast %add3A_565 : i32 to vector<16xi32>
      %add3A_567 = arith.addi %add3A_566, %mul3A_564 : vector<16xi32>
      %add3A_568 = arith.constant 3 : i32
      %add3A_569 = vector.broadcast %add3A_568 : i32 to vector<16xi32>
      %add3A_570 = arith.addi %add3A_567, %add3A_569 : vector<16xi32>
      %gather3A_571 = tpu.vector_load_idx %arg13[%add3A_570] : memref<1024xf32, #tpu.memory_space<vmem>>[vector<16xi32>], vector<16xf32>,
      %add3A_572 = arith.addf %add3A_561, %gather3A_571 : vector<16xf32>
      %mul3A_573 = arith.constant 16 : i32
      %mul3A_574 = vector.broadcast %mul3A_573 : i32 to vector<16xi32>
      %mul3A_575 = arith.muli %iota3A, %mul3A_574 : vector<16xi32>
      %add3A_576 = arith.constant 512 : i32
      %add3A_577 = vector.broadcast %add3A_576 : i32 to vector<16xi32>
      %add3A_578 = arith.addi %add3A_577, %mul3A_575 : vector<16xi32>
      %add3A_579 = arith.constant 4 : i32
      %add3A_580 = vector.broadcast %add3A_579 : i32 to vector<16xi32>
      %add3A_581 = arith.addi %add3A_578, %add3A_580 : vector<16xi32>
      %gather3A_582 = tpu.vector_load_idx %arg13[%add3A_581] : memref<1024xf32, #tpu.memory_space<vmem>>[vector<16xi32>], vector<16xf32>,
      %add3A_583 = arith.addf %add3A_572, %gather3A_582 : vector<16xf32>
      %mul3A_584 = arith.constant 16 : i32
      %mul3A_585 = vector.broadcast %mul3A_584 : i32 to vector<16xi32>
      %mul3A_586 = arith.muli %iota3A, %mul3A_585 : vector<16xi32>
      %add3A_587 = arith.constant 512 : i32
      %add3A_588 = vector.broadcast %add3A_587 : i32 to vector<16xi32>
      %add3A_589 = arith.addi %add3A_588, %mul3A_586 : vector<16xi32>
      %add3A_590 = arith.constant 5 : i32
      %add3A_591 = vector.broadcast %add3A_590 : i32 to vector<16xi32>
      %add3A_592 = arith.addi %add3A_589, %add3A_591 : vector<16xi32>
      %gather3A_593 = tpu.vector_load_idx %arg13[%add3A_592] : memref<1024xf32, #tpu.memory_space<vmem>>[vector<16xi32>], vector<16xf32>,
      %add3A_594 = arith.addf %add3A_583, %gather3A_593 : vector<16xf32>
      %mul3A_595 = arith.constant 16 : i32
      %mul3A_596 = vector.broadcast %mul3A_595 : i32 to vector<16xi32>
      %mul3A_597 = arith.muli %iota3A, %mul3A_596 : vector<16xi32>
      %add3A_598 = arith.constant 512 : i32
      %add3A_599 = vector.broadcast %add3A_598 : i32 to vector<16xi32>
      %add3A_600 = arith.addi %add3A_599, %mul3A_597 : vector<16xi32>
      %add3A_601 = arith.constant 6 : i32
      %add3A_602 = vector.broadcast %add3A_601 : i32 to vector<16xi32>
      %add3A_603 = arith.addi %add3A_600, %add3A_602 : vector<16xi32>
      %gather3A_604 = tpu.vector_load_idx %arg13[%add3A_603] : memref<1024xf32, #tpu.memory_space<vmem>>[vector<16xi32>], vector<16xf32>,
      %add3A_605 = arith.addf %add3A_594, %gather3A_604 : vector<16xf32>
      %mul3A_606 = arith.constant 16 : i32
      %mul3A_607 = vector.broadcast %mul3A_606 : i32 to vector<16xi32>
      %mul3A_608 = arith.muli %iota3A, %mul3A_607 : vector<16xi32>
      %add3A_609 = arith.constant 512 : i32
      %add3A_610 = vector.broadcast %add3A_609 : i32 to vector<16xi32>
      %add3A_611 = arith.addi %add3A_610, %mul3A_608 : vector<16xi32>
      %add3A_612 = arith.constant 7 : i32
      %add3A_613 = vector.broadcast %add3A_612 : i32 to vector<16xi32>
      %add3A_614 = arith.addi %add3A_611, %add3A_613 : vector<16xi32>
      %gather3A_615 = tpu.vector_load_idx %arg13[%add3A_614] : memref<1024xf32, #tpu.memory_space<vmem>>[vector<16xi32>], vector<16xf32>,
      %add3A_616 = arith.addf %add3A_605, %gather3A_615 : vector<16xf32>
      %mul3A_617 = arith.constant 16 : i32
      %mul3A_618 = vector.broadcast %mul3A_617 : i32 to vector<16xi32>
      %mul3A_619 = arith.muli %iota3A, %mul3A_618 : vector<16xi32>
      %add3A_620 = arith.constant 512 : i32
      %add3A_621 = vector.broadcast %add3A_620 : i32 to vector<16xi32>
      %add3A_622 = arith.addi %add3A_621, %mul3A_619 : vector<16xi32>
      %add3A_623 = arith.constant 8 : i32
      %add3A_624 = vector.broadcast %add3A_623 : i32 to vector<16xi32>
      %add3A_625 = arith.addi %add3A_622, %add3A_624 : vector<16xi32>
      %gather3A_626 = tpu.vector_load_idx %arg13[%add3A_625] : memref<1024xf32, #tpu.memory_space<vmem>>[vector<16xi32>], vector<16xf32>,
      %add3A_627 = arith.addf %add3A_616, %gather3A_626 : vector<16xf32>
      %mul3A_628 = arith.constant 16 : i32
      %mul3A_629 = vector.broadcast %mul3A_628 : i32 to vector<16xi32>
      %mul3A_630 = arith.muli %iota3A, %mul3A_629 : vector<16xi32>
      %add3A_631 = arith.constant 512 : i32
      %add3A_632 = vector.broadcast %add3A_631 : i32 to vector<16xi32>
      %add3A_633 = arith.addi %add3A_632, %mul3A_630 : vector<16xi32>
      %add3A_634 = arith.constant 9 : i32
      %add3A_635 = vector.broadcast %add3A_634 : i32 to vector<16xi32>
      %add3A_636 = arith.addi %add3A_633, %add3A_635 : vector<16xi32>
      %gather3A_637 = tpu.vector_load_idx %arg13[%add3A_636] : memref<1024xf32, #tpu.memory_space<vmem>>[vector<16xi32>], vector<16xf32>,
      %add3A_638 = arith.addf %add3A_627, %gather3A_637 : vector<16xf32>
      %mul3A_639 = arith.constant 16 : i32
      %mul3A_640 = vector.broadcast %mul3A_639 : i32 to vector<16xi32>
      %mul3A_641 = arith.muli %iota3A, %mul3A_640 : vector<16xi32>
      %add3A_642 = arith.constant 512 : i32
      %add3A_643 = vector.broadcast %add3A_642 : i32 to vector<16xi32>
      %add3A_644 = arith.addi %add3A_643, %mul3A_641 : vector<16xi32>
      %add3A_645 = arith.constant 10 : i32
      %add3A_646 = vector.broadcast %add3A_645 : i32 to vector<16xi32>
      %add3A_647 = arith.addi %add3A_644, %add3A_646 : vector<16xi32>
      %gather3A_648 = tpu.vector_load_idx %arg13[%add3A_647] : memref<1024xf32, #tpu.memory_space<vmem>>[vector<16xi32>], vector<16xf32>,
      %add3A_649 = arith.addf %add3A_638, %gather3A_648 : vector<16xf32>
      %mul3A_650 = arith.constant 16 : i32
      %mul3A_651 = vector.broadcast %mul3A_650 : i32 to vector<16xi32>
      %mul3A_652 = arith.muli %iota3A, %mul3A_651 : vector<16xi32>
      %add3A_653 = arith.constant 512 : i32
      %add3A_654 = vector.broadcast %add3A_653 : i32 to vector<16xi32>
      %add3A_655 = arith.addi %add3A_654, %mul3A_652 : vector<16xi32>
      %add3A_656 = arith.constant 11 : i32
      %add3A_657 = vector.broadcast %add3A_656 : i32 to vector<16xi32>
      %add3A_658 = arith.addi %add3A_655, %add3A_657 : vector<16xi32>
      %gather3A_659 = tpu.vector_load_idx %arg13[%add3A_658] : memref<1024xf32, #tpu.memory_space<vmem>>[vector<16xi32>], vector<16xf32>,
      %add3A_660 = arith.addf %add3A_649, %gather3A_659 : vector<16xf32>
      %mul3A_661 = arith.constant 16 : i32
      %mul3A_662 = vector.broadcast %mul3A_661 : i32 to vector<16xi32>
      %mul3A_663 = arith.muli %iota3A, %mul3A_662 : vector<16xi32>
      %add3A_664 = arith.constant 512 : i32
      %add3A_665 = vector.broadcast %add3A_664 : i32 to vector<16xi32>
      %add3A_666 = arith.addi %add3A_665, %mul3A_663 : vector<16xi32>
      %add3A_667 = arith.constant 12 : i32
      %add3A_668 = vector.broadcast %add3A_667 : i32 to vector<16xi32>
      %add3A_669 = arith.addi %add3A_666, %add3A_668 : vector<16xi32>
      %gather3A_670 = tpu.vector_load_idx %arg13[%add3A_669] : memref<1024xf32, #tpu.memory_space<vmem>>[vector<16xi32>], vector<16xf32>,
      %add3A_671 = arith.addf %add3A_660, %gather3A_670 : vector<16xf32>
      %mul3A_672 = arith.constant 16 : i32
      %mul3A_673 = vector.broadcast %mul3A_672 : i32 to vector<16xi32>
      %mul3A_674 = arith.muli %iota3A, %mul3A_673 : vector<16xi32>
      %add3A_675 = arith.constant 512 : i32
      %add3A_676 = vector.broadcast %add3A_675 : i32 to vector<16xi32>
      %add3A_677 = arith.addi %add3A_676, %mul3A_674 : vector<16xi32>
      %add3A_678 = arith.constant 13 : i32
      %add3A_679 = vector.broadcast %add3A_678 : i32 to vector<16xi32>
      %add3A_680 = arith.addi %add3A_677, %add3A_679 : vector<16xi32>
      %gather3A_681 = tpu.vector_load_idx %arg13[%add3A_680] : memref<1024xf32, #tpu.memory_space<vmem>>[vector<16xi32>], vector<16xf32>,
      %add3A_682 = arith.addf %add3A_671, %gather3A_681 : vector<16xf32>
      %mul3A_683 = arith.constant 16 : i32
      %mul3A_684 = vector.broadcast %mul3A_683 : i32 to vector<16xi32>
      %mul3A_685 = arith.muli %iota3A, %mul3A_684 : vector<16xi32>
      %add3A_686 = arith.constant 512 : i32
      %add3A_687 = vector.broadcast %add3A_686 : i32 to vector<16xi32>
      %add3A_688 = arith.addi %add3A_687, %mul3A_685 : vector<16xi32>
      %add3A_689 = arith.constant 14 : i32
      %add3A_690 = vector.broadcast %add3A_689 : i32 to vector<16xi32>
      %add3A_691 = arith.addi %add3A_688, %add3A_690 : vector<16xi32>
      %gather3A_692 = tpu.vector_load_idx %arg13[%add3A_691] : memref<1024xf32, #tpu.memory_space<vmem>>[vector<16xi32>], vector<16xf32>,
      %add3A_693 = arith.addf %add3A_682, %gather3A_692 : vector<16xf32>
      %mul3A_694 = arith.constant 16 : i32
      %mul3A_695 = vector.broadcast %mul3A_694 : i32 to vector<16xi32>
      %mul3A_696 = arith.muli %iota3A, %mul3A_695 : vector<16xi32>
      %add3A_697 = arith.constant 512 : i32
      %add3A_698 = vector.broadcast %add3A_697 : i32 to vector<16xi32>
      %add3A_699 = arith.addi %add3A_698, %mul3A_696 : vector<16xi32>
      %add3A_700 = arith.constant 15 : i32
      %add3A_701 = vector.broadcast %add3A_700 : i32 to vector<16xi32>
      %add3A_702 = arith.addi %add3A_699, %add3A_701 : vector<16xi32>
      %gather3A_703 = tpu.vector_load_idx %arg13[%add3A_702] : memref<1024xf32, #tpu.memory_space<vmem>>[vector<16xi32>], vector<16xf32>,
      %add3A_704 = arith.addf %add3A_693, %gather3A_703 : vector<16xf32>
      %exp3A_705 = math.exp %add3A_704 : vector<16xf32>
      %swap3A_706 = arith.constant 2 : i32
      %swap3A_707 = arith.index_cast %swap3A_706 : i32 to index
      %swap3A_708 = arith.index_cast %mul3A_108 : i32 to index
      %swap3A_709 = tpu.vector_load %arg14[%swap3A_707, %swap3A_708] {strides = array<i32>} : memref<4x5120xf32, #tpu.memory_space<vmem>>, vector<16xf32>,
      tpu.vector_store %arg14[%swap3A_707, %swap3A_708], %exp3A_705 {strides = array<i32>} : memref<4x5120xf32, #tpu.memory_space<vmem>>, vector<16xf32>,
      %add3A_710 = arith.constant 32 : i32
      %add3A_711 = vector.broadcast %add3A_710 : i32 to vector<16xi32>
      %add3A_712 = arith.addi %add3A_711, %iota3A : vector<16xi32>
      %get3A_713 = arith.index_cast %mul3A_108 : i32 to index
      %get3A_714 = tpu.vector_load %arg10[%get3A_713] {strides = array<i32>} : memref<5008xi32, #tpu.memory_space<vmem>>, vector<16xi32>,
      %add3A_715 = arith.constant 20000 : i32
      %add3A_716 = vector.broadcast %add3A_715 : i32 to vector<16xi32>
      %add3A_717 = arith.addi %get3A_714, %add3A_716 : vector<16xi32>
      tpu.vector_store_idx %arg15[%broadcast_in_dim3A_3, %add3A_712], %add3A_717 : memref<1x128xi32, #tpu.memory_space<vmem>>[vector<16xi32>, vector<16xi32>], vector<16xi32>,
      %jit3A_718 = arith.constant 0.000000e+00 : f32
      %broadcast_in_dim3A_719 = vector.broadcast %jit3A_718 : f32 to vector<16xf32>
      %select_n3A_720 = arith.select %lt3A_147, %exp3A_705, %broadcast_in_dim3A_719 : vector<16xi1>, vector<16xf32>
      tpu.vector_store_idx %arg16[%broadcast_in_dim3A_3, %add3A_712], %select_n3A_720 : memref<1x128xf32, #tpu.memory_space<vmem>>[vector<16xi32>, vector<16xi32>], vector<16xf32>,
      %mul3A_721 = arith.constant 16 : i32
      %mul3A_722 = vector.broadcast %mul3A_721 : i32 to vector<16xi32>
      %mul3A_723 = arith.muli %iota3A, %mul3A_722 : vector<16xi32>
      %add3A_724 = arith.constant 768 : i32
      %add3A_725 = vector.broadcast %add3A_724 : i32 to vector<16xi32>
      %add3A_726 = arith.addi %add3A_725, %mul3A_723 : vector<16xi32>
      %add3A_727 = arith.constant 0 : i32
      %add3A_728 = vector.broadcast %add3A_727 : i32 to vector<16xi32>
      %add3A_729 = arith.addi %add3A_726, %add3A_728 : vector<16xi32>
      %gather3A_730 = tpu.vector_load_idx %arg13[%add3A_729] : memref<1024xf32, #tpu.memory_space<vmem>>[vector<16xi32>], vector<16xf32>,
      %add3A_731 = arith.addf %broadcast_in_dim3A_1, %gather3A_730 : vector<16xf32>
      %mul3A_732 = arith.constant 16 : i32
      %mul3A_733 = vector.broadcast %mul3A_732 : i32 to vector<16xi32>
      %mul3A_734 = arith.muli %iota3A, %mul3A_733 : vector<16xi32>
      %add3A_735 = arith.constant 768 : i32
      %add3A_736 = vector.broadcast %add3A_735 : i32 to vector<16xi32>
      %add3A_737 = arith.addi %add3A_736, %mul3A_734 : vector<16xi32>
      %add3A_738 = arith.constant 1 : i32
      %add3A_739 = vector.broadcast %add3A_738 : i32 to vector<16xi32>
      %add3A_740 = arith.addi %add3A_737, %add3A_739 : vector<16xi32>
      %gather3A_741 = tpu.vector_load_idx %arg13[%add3A_740] : memref<1024xf32, #tpu.memory_space<vmem>>[vector<16xi32>], vector<16xf32>,
      %add3A_742 = arith.addf %add3A_731, %gather3A_741 : vector<16xf32>
      %mul3A_743 = arith.constant 16 : i32
      %mul3A_744 = vector.broadcast %mul3A_743 : i32 to vector<16xi32>
      %mul3A_745 = arith.muli %iota3A, %mul3A_744 : vector<16xi32>
      %add3A_746 = arith.constant 768 : i32
      %add3A_747 = vector.broadcast %add3A_746 : i32 to vector<16xi32>
      %add3A_748 = arith.addi %add3A_747, %mul3A_745 : vector<16xi32>
      %add3A_749 = arith.constant 2 : i32
      %add3A_750 = vector.broadcast %add3A_749 : i32 to vector<16xi32>
      %add3A_751 = arith.addi %add3A_748, %add3A_750 : vector<16xi32>
      %gather3A_752 = tpu.vector_load_idx %arg13[%add3A_751] : memref<1024xf32, #tpu.memory_space<vmem>>[vector<16xi32>], vector<16xf32>,
      %add3A_753 = arith.addf %add3A_742, %gather3A_752 : vector<16xf32>
      %mul3A_754 = arith.constant 16 : i32
      %mul3A_755 = vector.broadcast %mul3A_754 : i32 to vector<16xi32>
      %mul3A_756 = arith.muli %iota3A, %mul3A_755 : vector<16xi32>
      %add3A_757 = arith.constant 768 : i32
      %add3A_758 = vector.broadcast %add3A_757 : i32 to vector<16xi32>
      %add3A_759 = arith.addi %add3A_758, %mul3A_756 : vector<16xi32>
      %add3A_760 = arith.constant 3 : i32
      %add3A_761 = vector.broadcast %add3A_760 : i32 to vector<16xi32>
      %add3A_762 = arith.addi %add3A_759, %add3A_761 : vector<16xi32>
      %gather3A_763 = tpu.vector_load_idx %arg13[%add3A_762] : memref<1024xf32, #tpu.memory_space<vmem>>[vector<16xi32>], vector<16xf32>,
      %add3A_764 = arith.addf %add3A_753, %gather3A_763 : vector<16xf32>
      %mul3A_765 = arith.constant 16 : i32
      %mul3A_766 = vector.broadcast %mul3A_765 : i32 to vector<16xi32>
      %mul3A_767 = arith.muli %iota3A, %mul3A_766 : vector<16xi32>
      %add3A_768 = arith.constant 768 : i32
      %add3A_769 = vector.broadcast %add3A_768 : i32 to vector<16xi32>
      %add3A_770 = arith.addi %add3A_769, %mul3A_767 : vector<16xi32>
      %add3A_771 = arith.constant 4 : i32
      %add3A_772 = vector.broadcast %add3A_771 : i32 to vector<16xi32>
      %add3A_773 = arith.addi %add3A_770, %add3A_772 : vector<16xi32>
      %gather3A_774 = tpu.vector_load_idx %arg13[%add3A_773] : memref<1024xf32, #tpu.memory_space<vmem>>[vector<16xi32>], vector<16xf32>,
      %add3A_775 = arith.addf %add3A_764, %gather3A_774 : vector<16xf32>
      %mul3A_776 = arith.constant 16 : i32
      %mul3A_777 = vector.broadcast %mul3A_776 : i32 to vector<16xi32>
      %mul3A_778 = arith.muli %iota3A, %mul3A_777 : vector<16xi32>
      %add3A_779 = arith.constant 768 : i32
      %add3A_780 = vector.broadcast %add3A_779 : i32 to vector<16xi32>
      %add3A_781 = arith.addi %add3A_780, %mul3A_778 : vector<16xi32>
      %add3A_782 = arith.constant 5 : i32
      %add3A_783 = vector.broadcast %add3A_782 : i32 to vector<16xi32>
      %add3A_784 = arith.addi %add3A_781, %add3A_783 : vector<16xi32>
      %gather3A_785 = tpu.vector_load_idx %arg13[%add3A_784] : memref<1024xf32, #tpu.memory_space<vmem>>[vector<16xi32>], vector<16xf32>,
      %add3A_786 = arith.addf %add3A_775, %gather3A_785 : vector<16xf32>
      %mul3A_787 = arith.constant 16 : i32
      %mul3A_788 = vector.broadcast %mul3A_787 : i32 to vector<16xi32>
      %mul3A_789 = arith.muli %iota3A, %mul3A_788 : vector<16xi32>
      %add3A_790 = arith.constant 768 : i32
      %add3A_791 = vector.broadcast %add3A_790 : i32 to vector<16xi32>
      %add3A_792 = arith.addi %add3A_791, %mul3A_789 : vector<16xi32>
      %add3A_793 = arith.constant 6 : i32
      %add3A_794 = vector.broadcast %add3A_793 : i32 to vector<16xi32>
      %add3A_795 = arith.addi %add3A_792, %add3A_794 : vector<16xi32>
      %gather3A_796 = tpu.vector_load_idx %arg13[%add3A_795] : memref<1024xf32, #tpu.memory_space<vmem>>[vector<16xi32>], vector<16xf32>,
      %add3A_797 = arith.addf %add3A_786, %gather3A_796 : vector<16xf32>
      %mul3A_798 = arith.constant 16 : i32
      %mul3A_799 = vector.broadcast %mul3A_798 : i32 to vector<16xi32>
      %mul3A_800 = arith.muli %iota3A, %mul3A_799 : vector<16xi32>
      %add3A_801 = arith.constant 768 : i32
      %add3A_802 = vector.broadcast %add3A_801 : i32 to vector<16xi32>
      %add3A_803 = arith.addi %add3A_802, %mul3A_800 : vector<16xi32>
      %add3A_804 = arith.constant 7 : i32
      %add3A_805 = vector.broadcast %add3A_804 : i32 to vector<16xi32>
      %add3A_806 = arith.addi %add3A_803, %add3A_805 : vector<16xi32>
      %gather3A_807 = tpu.vector_load_idx %arg13[%add3A_806] : memref<1024xf32, #tpu.memory_space<vmem>>[vector<16xi32>], vector<16xf32>,
      %add3A_808 = arith.addf %add3A_797, %gather3A_807 : vector<16xf32>
      %mul3A_809 = arith.constant 16 : i32
      %mul3A_810 = vector.broadcast %mul3A_809 : i32 to vector<16xi32>
      %mul3A_811 = arith.muli %iota3A, %mul3A_810 : vector<16xi32>
      %add3A_812 = arith.constant 768 : i32
      %add3A_813 = vector.broadcast %add3A_812 : i32 to vector<16xi32>
      %add3A_814 = arith.addi %add3A_813, %mul3A_811 : vector<16xi32>
      %add3A_815 = arith.constant 8 : i32
      %add3A_816 = vector.broadcast %add3A_815 : i32 to vector<16xi32>
      %add3A_817 = arith.addi %add3A_814, %add3A_816 : vector<16xi32>
      %gather3A_818 = tpu.vector_load_idx %arg13[%add3A_817] : memref<1024xf32, #tpu.memory_space<vmem>>[vector<16xi32>], vector<16xf32>,
      %add3A_819 = arith.addf %add3A_808, %gather3A_818 : vector<16xf32>
      %mul3A_820 = arith.constant 16 : i32
      %mul3A_821 = vector.broadcast %mul3A_820 : i32 to vector<16xi32>
      %mul3A_822 = arith.muli %iota3A, %mul3A_821 : vector<16xi32>
      %add3A_823 = arith.constant 768 : i32
      %add3A_824 = vector.broadcast %add3A_823 : i32 to vector<16xi32>
      %add3A_825 = arith.addi %add3A_824, %mul3A_822 : vector<16xi32>
      %add3A_826 = arith.constant 9 : i32
      %add3A_827 = vector.broadcast %add3A_826 : i32 to vector<16xi32>
      %add3A_828 = arith.addi %add3A_825, %add3A_827 : vector<16xi32>
      %gather3A_829 = tpu.vector_load_idx %arg13[%add3A_828] : memref<1024xf32, #tpu.memory_space<vmem>>[vector<16xi32>], vector<16xf32>,
      %add3A_830 = arith.addf %add3A_819, %gather3A_829 : vector<16xf32>
      %mul3A_831 = arith.constant 16 : i32
      %mul3A_832 = vector.broadcast %mul3A_831 : i32 to vector<16xi32>
      %mul3A_833 = arith.muli %iota3A, %mul3A_832 : vector<16xi32>
      %add3A_834 = arith.constant 768 : i32
      %add3A_835 = vector.broadcast %add3A_834 : i32 to vector<16xi32>
      %add3A_836 = arith.addi %add3A_835, %mul3A_833 : vector<16xi32>
      %add3A_837 = arith.constant 10 : i32
      %add3A_838 = vector.broadcast %add3A_837 : i32 to vector<16xi32>
      %add3A_839 = arith.addi %add3A_836, %add3A_838 : vector<16xi32>
      %gather3A_840 = tpu.vector_load_idx %arg13[%add3A_839] : memref<1024xf32, #tpu.memory_space<vmem>>[vector<16xi32>], vector<16xf32>,
      %add3A_841 = arith.addf %add3A_830, %gather3A_840 : vector<16xf32>
      %mul3A_842 = arith.constant 16 : i32
      %mul3A_843 = vector.broadcast %mul3A_842 : i32 to vector<16xi32>
      %mul3A_844 = arith.muli %iota3A, %mul3A_843 : vector<16xi32>
      %add3A_845 = arith.constant 768 : i32
      %add3A_846 = vector.broadcast %add3A_845 : i32 to vector<16xi32>
      %add3A_847 = arith.addi %add3A_846, %mul3A_844 : vector<16xi32>
      %add3A_848 = arith.constant 11 : i32
      %add3A_849 = vector.broadcast %add3A_848 : i32 to vector<16xi32>
      %add3A_850 = arith.addi %add3A_847, %add3A_849 : vector<16xi32>
      %gather3A_851 = tpu.vector_load_idx %arg13[%add3A_850] : memref<1024xf32, #tpu.memory_space<vmem>>[vector<16xi32>], vector<16xf32>,
      %add3A_852 = arith.addf %add3A_841, %gather3A_851 : vector<16xf32>
      %mul3A_853 = arith.constant 16 : i32
      %mul3A_854 = vector.broadcast %mul3A_853 : i32 to vector<16xi32>
      %mul3A_855 = arith.muli %iota3A, %mul3A_854 : vector<16xi32>
      %add3A_856 = arith.constant 768 : i32
      %add3A_857 = vector.broadcast %add3A_856 : i32 to vector<16xi32>
      %add3A_858 = arith.addi %add3A_857, %mul3A_855 : vector<16xi32>
      %add3A_859 = arith.constant 12 : i32
      %add3A_860 = vector.broadcast %add3A_859 : i32 to vector<16xi32>
      %add3A_861 = arith.addi %add3A_858, %add3A_860 : vector<16xi32>
      %gather3A_862 = tpu.vector_load_idx %arg13[%add3A_861] : memref<1024xf32, #tpu.memory_space<vmem>>[vector<16xi32>], vector<16xf32>,
      %add3A_863 = arith.addf %add3A_852, %gather3A_862 : vector<16xf32>
      %mul3A_864 = arith.constant 16 : i32
      %mul3A_865 = vector.broadcast %mul3A_864 : i32 to vector<16xi32>
      %mul3A_866 = arith.muli %iota3A, %mul3A_865 : vector<16xi32>
      %add3A_867 = arith.constant 768 : i32
      %add3A_868 = vector.broadcast %add3A_867 : i32 to vector<16xi32>
      %add3A_869 = arith.addi %add3A_868, %mul3A_866 : vector<16xi32>
      %add3A_870 = arith.constant 13 : i32
      %add3A_871 = vector.broadcast %add3A_870 : i32 to vector<16xi32>
      %add3A_872 = arith.addi %add3A_869, %add3A_871 : vector<16xi32>
      %gather3A_873 = tpu.vector_load_idx %arg13[%add3A_872] : memref<1024xf32, #tpu.memory_space<vmem>>[vector<16xi32>], vector<16xf32>,
      %add3A_874 = arith.addf %add3A_863, %gather3A_873 : vector<16xf32>
      %mul3A_875 = arith.constant 16 : i32
      %mul3A_876 = vector.broadcast %mul3A_875 : i32 to vector<16xi32>
      %mul3A_877 = arith.muli %iota3A, %mul3A_876 : vector<16xi32>
      %add3A_878 = arith.constant 768 : i32
      %add3A_879 = vector.broadcast %add3A_878 : i32 to vector<16xi32>
      %add3A_880 = arith.addi %add3A_879, %mul3A_877 : vector<16xi32>
      %add3A_881 = arith.constant 14 : i32
      %add3A_882 = vector.broadcast %add3A_881 : i32 to vector<16xi32>
      %add3A_883 = arith.addi %add3A_880, %add3A_882 : vector<16xi32>
      %gather3A_884 = tpu.vector_load_idx %arg13[%add3A_883] : memref<1024xf32, #tpu.memory_space<vmem>>[vector<16xi32>], vector<16xf32>,
      %add3A_885 = arith.addf %add3A_874, %gather3A_884 : vector<16xf32>
      %mul3A_886 = arith.constant 16 : i32
      %mul3A_887 = vector.broadcast %mul3A_886 : i32 to vector<16xi32>
      %mul3A_888 = arith.muli %iota3A, %mul3A_887 : vector<16xi32>
      %add3A_889 = arith.constant 768 : i32
      %add3A_890 = vector.broadcast %add3A_889 : i32 to vector<16xi32>
      %add3A_891 = arith.addi %add3A_890, %mul3A_888 : vector<16xi32>
      %add3A_892 = arith.constant 15 : i32
      %add3A_893 = vector.broadcast %add3A_892 : i32 to vector<16xi32>
      %add3A_894 = arith.addi %add3A_891, %add3A_893 : vector<16xi32>
      %gather3A_895 = tpu.vector_load_idx %arg13[%add3A_894] : memref<1024xf32, #tpu.memory_space<vmem>>[vector<16xi32>], vector<16xf32>,
      %add3A_896 = arith.addf %add3A_885, %gather3A_895 : vector<16xf32>
      %exp3A_897 = math.exp %add3A_896 : vector<16xf32>
      %swap3A_898 = arith.constant 3 : i32
      %swap3A_899 = arith.index_cast %swap3A_898 : i32 to index
      %swap3A_900 = arith.index_cast %mul3A_108 : i32 to index
      %swap3A_901 = tpu.vector_load %arg14[%swap3A_899, %swap3A_900] {strides = array<i32>} : memref<4x5120xf32, #tpu.memory_space<vmem>>, vector<16xf32>,
      tpu.vector_store %arg14[%swap3A_899, %swap3A_900], %exp3A_897 {strides = array<i32>} : memref<4x5120xf32, #tpu.memory_space<vmem>>, vector<16xf32>,
      %add3A_902 = arith.constant 48 : i32
      %add3A_903 = vector.broadcast %add3A_902 : i32 to vector<16xi32>
      %add3A_904 = arith.addi %add3A_903, %iota3A : vector<16xi32>
      %get3A_905 = arith.index_cast %mul3A_108 : i32 to index
      %get3A_906 = tpu.vector_load %arg10[%get3A_905] {strides = array<i32>} : memref<5008xi32, #tpu.memory_space<vmem>>, vector<16xi32>,
      %add3A_907 = arith.constant 30000 : i32
      %add3A_908 = vector.broadcast %add3A_907 : i32 to vector<16xi32>
      %add3A_909 = arith.addi %get3A_906, %add3A_908 : vector<16xi32>
      tpu.vector_store_idx %arg15[%broadcast_in_dim3A_3, %add3A_904], %add3A_909 : memref<1x128xi32, #tpu.memory_space<vmem>>[vector<16xi32>, vector<16xi32>], vector<16xi32>,
      %jit3A_910 = arith.constant 0.000000e+00 : f32
      %broadcast_in_dim3A_911 = vector.broadcast %jit3A_910 : f32 to vector<16xf32>
      %select_n3A_912 = arith.select %lt3A_147, %exp3A_897, %broadcast_in_dim3A_911 : vector<16xi1>, vector<16xf32>
      tpu.vector_store_idx %arg16[%broadcast_in_dim3A_3, %add3A_904], %select_n3A_912 : memref<1x128xf32, #tpu.memory_space<vmem>>[vector<16xi32>, vector<16xi32>], vector<16xf32>,
      %run_scoped3A = arith.constant 0 : i32
      %run_scoped3A_913 = arith.constant 0 : i32
      "tpu.region"() ({
        %run_scoped3A_914 = tpu.sem_alloc : memref<!tpu.dma_semaphore, #tpu.memory_space<semaphore_mem>>
        %dma_start3A_915 = arith.constant 0 : i32
        %dma_start3A_916 = tpu.memref_slice %arg16[%run_scoped3A, %dma_start3A_915] : memref<1x128xf32, #tpu.memory_space<vmem>> -> memref<1x128xf32, #tpu.memory_space<vmem>>
        %dma_start3A_917 = tpu.memref_squeeze %dma_start3A_916 : memref<1x128xf32, #tpu.memory_space<vmem>> -> memref<128xf32, #tpu.memory_space<vmem>>
        %dma_start3A_918 = arith.constant 0 : i32
        %dma_start3A_919 = tpu.memref_slice %arg15[%run_scoped3A_913, %dma_start3A_918] : memref<1x128xi32, #tpu.memory_space<vmem>> -> memref<1x128xi32, #tpu.memory_space<vmem>>
        %dma_start3A_920 = tpu.memref_squeeze %dma_start3A_919 : memref<1x128xi32, #tpu.memory_space<vmem>> -> memref<128xi32, #tpu.memory_space<vmem>>
        %dma_start3A_921 = arith.constant 0 : i32
        %dma_start3A_922 = tpu.memref_slice %arg8[%dma_start3A_921] : memref<40960xf32, #tpu.memory_space<vmem_shared>> -> memref<40960xf32, #tpu.memory_space<vmem_shared>>
        tpu.enqueue_indirect_dma source(%dma_start3A_917 : memref<128xf32, #tpu.memory_space<vmem>>) target(%dma_start3A_922 : memref<40960xf32, #tpu.memory_space<vmem_shared>>) offsets(%dma_start3A_920 : memref<128xi32, #tpu.memory_space<vmem>>) semaphore(%run_scoped3A_914 : memref<!tpu.dma_semaphore, #tpu.memory_space<semaphore_mem>>) {add = true}
        %dma_wait3A_923 = arith.constant 0 : i32
        %dma_wait3A_924 = tpu.memref_slice %arg16[%run_scoped3A, %dma_wait3A_923] : memref<1x128xf32, #tpu.memory_space<vmem>> -> memref<1x128xf32, #tpu.memory_space<vmem>>
        %dma_wait3A_925 = tpu.memref_squeeze %dma_wait3A_924 : memref<1x128xf32, #tpu.memory_space<vmem>> -> memref<128xf32, #tpu.memory_space<vmem>>
        %dma_wait3A_926 = arith.constant 0 : i32
        %dma_wait3A_927 = tpu.memref_slice %arg15[%run_scoped3A_913, %dma_wait3A_926] : memref<1x128xi32, #tpu.memory_space<vmem>> -> memref<1x128xi32, #tpu.memory_space<vmem>>
        %dma_wait3A_928 = tpu.memref_squeeze %dma_wait3A_927 : memref<1x128xi32, #tpu.memory_space<vmem>> -> memref<128xi32, #tpu.memory_space<vmem>>
        %dma_wait3A_929 = arith.constant 0 : i32
        %dma_wait3A_930 = tpu.memref_slice %arg8[%dma_wait3A_929] : memref<40960xf32, #tpu.memory_space<vmem_shared>> -> memref<40960xf32, #tpu.memory_space<vmem_shared>>
        tpu.wait_indirect_dma semaphore(%run_scoped3A_914 : memref<!tpu.dma_semaphore, #tpu.memory_space<semaphore_mem>>) src(%dma_wait3A_925 : memref<128xf32, #tpu.memory_space<vmem>>) dst(%dma_wait3A_930 : memref<40960xf32, #tpu.memory_space<vmem_shared>>)
        tpu.yield
      }) : () -> ()
    }
    %scan3A_100 = arith.constant 313 : i32
    "tpu.region"() ({
      %run_scoped3A = tpu.sem_alloc : memref<!tpu.dma_semaphore, #tpu.memory_space<semaphore_mem>>
      %dma_start3A_106 = arith.constant 0 : i32
      %dma_start3A_107 = arith.constant 0 : i32
      %dma_start3A_108 = tpu.memref_slice %arg6[%add3A, %dma_start3A_106, %dma_start3A_107] : memref<32x4x5120xf32, #tpu.memory_space<hbm>> -> memref<1x4x5120xf32, #tpu.memory_space<hbm>>
      %dma_start3A_109 = tpu.memref_squeeze %dma_start3A_108 : memref<1x4x5120xf32, #tpu.memory_space<hbm>> -> memref<4x5120xf32, #tpu.memory_space<hbm>>
      %dma_start3A_110 = arith.constant 0 : i32
      %dma_start3A_111 = arith.constant 0 : i32
      %dma_start3A_112 = tpu.memref_slice %arg6[%add3A, %dma_start3A_110, %dma_start3A_111] : memref<32x4x5120xf32, #tpu.memory_space<hbm>> -> memref<1x4x5120xf32, #tpu.memory_space<hbm>>
      %dma_start3A_113 = tpu.memref_squeeze %dma_start3A_112 : memref<1x4x5120xf32, #tpu.memory_space<hbm>> -> memref<4x5120xf32, #tpu.memory_space<hbm>>
      tpu.enqueue_dma source(%arg14 : memref<4x5120xf32, #tpu.memory_space<vmem>>) target(%dma_start3A_113 : memref<4x5120xf32, #tpu.memory_space<hbm>>) target_semaphore(%run_scoped3A : memref<!tpu.dma_semaphore, #tpu.memory_space<semaphore_mem>>)
      %dma_wait3A = arith.constant 0 : i32
      %dma_wait3A_114 = arith.constant 0 : i32
      %dma_wait3A_115 = tpu.memref_slice %arg6[%add3A, %dma_wait3A, %dma_wait3A_114] : memref<32x4x5120xf32, #tpu.memory_space<hbm>> -> memref<1x4x5120xf32, #tpu.memory_space<hbm>>
      %dma_wait3A_116 = tpu.memref_squeeze %dma_wait3A_115 : memref<1x4x5120xf32, #tpu.memory_space<hbm>> -> memref<4x5120xf32, #tpu.memory_space<hbm>>
      %dma_wait3A_117 = arith.constant 0 : i32
      %dma_wait3A_118 = arith.constant 0 : i32
      %dma_wait3A_119 = tpu.memref_slice %arg6[%add3A, %dma_wait3A_117, %dma_wait3A_118] : memref<32x4x5120xf32, #tpu.memory_space<hbm>> -> memref<1x4x5120xf32, #tpu.memory_space<hbm>>
      %dma_wait3A_120 = tpu.memref_squeeze %dma_wait3A_119 : memref<1x4x5120xf32, #tpu.memory_space<hbm>> -> memref<4x5120xf32, #tpu.memory_space<hbm>>
      tpu.wait_dma2 semaphore(%run_scoped3A : memref<!tpu.dma_semaphore, #tpu.memory_space<semaphore_mem>>) src(%arg14 : memref<4x5120xf32, #tpu.memory_space<vmem>>) dst(%dma_wait3A_120 : memref<4x5120xf32, #tpu.memory_space<hbm>>)
      tpu.yield
    }) : () -> ()
    %barrier3A_101 = arith.constant 0 : index
    tpu.barrier barrier_id(%barrier3A_101)
    %mul3A_102 = arith.constant 2560 : i32
    %mul3A_103 = arith.muli %arg1, %mul3A_102 : i32
    %mul3A_104 = arith.constant 2560 : i32
    %mul3A_105 = arith.muli %arg1, %mul3A_104 : i32
    "tpu.region"() ({
      %run_scoped3A = tpu.sem_alloc : memref<!tpu.dma_semaphore, #tpu.memory_space<semaphore_mem>>
      %dma_start3A_106 = tpu.memref_slice %arg7[%arg0, %mul3A_105] : memref<2x40960xf32, #tpu.memory_space<hbm>> -> memref<1x2560xf32, #tpu.memory_space<hbm>>
      %dma_start3A_107 = tpu.memref_squeeze %dma_start3A_106 : memref<1x2560xf32, #tpu.memory_space<hbm>> -> memref<2560xf32, #tpu.memory_space<hbm>>
      %dma_start3A_108 = tpu.memref_slice %arg8[%mul3A_103] : memref<40960xf32, #tpu.memory_space<vmem_shared>> -> memref<2560xf32, #tpu.memory_space<vmem_shared>>
      tpu.enqueue_dma source(%dma_start3A_108 : memref<2560xf32, #tpu.memory_space<vmem_shared>>) target(%dma_start3A_107 : memref<2560xf32, #tpu.memory_space<hbm>>) target_semaphore(%run_scoped3A : memref<!tpu.dma_semaphore, #tpu.memory_space<semaphore_mem>>)
      %dma_wait3A = tpu.memref_slice %arg7[%arg0, %mul3A_105] : memref<2x40960xf32, #tpu.memory_space<hbm>> -> memref<1x2560xf32, #tpu.memory_space<hbm>>
      %dma_wait3A_109 = tpu.memref_squeeze %dma_wait3A : memref<1x2560xf32, #tpu.memory_space<hbm>> -> memref<2560xf32, #tpu.memory_space<hbm>>
      %dma_wait3A_110 = tpu.memref_slice %arg8[%mul3A_103] : memref<40960xf32, #tpu.memory_space<vmem_shared>> -> memref<2560xf32, #tpu.memory_space<vmem_shared>>
      tpu.wait_dma2 semaphore(%run_scoped3A : memref<!tpu.dma_semaphore, #tpu.memory_space<semaphore_mem>>) src(%dma_wait3A_110 : memref<2560xf32, #tpu.memory_space<vmem_shared>>) dst(%dma_wait3A_109 : memref<2560xf32, #tpu.memory_space<hbm>>)
      tpu.yield
    }) : () -> ()
    return
  }
}

#map = affine_map<(d0, d1) -> (0, 0)>
#map1 = affine_map<(d0, d1) -> (0, 0, 0)>
#map2 = affine_map<(d0, d1) -> (0)>
module attributes {stable_mosaic.version = 14 : i64} {
  func.func @_edge_agg_kernel(%arg0: i32, %arg1: i32, %arg2: memref<10000x512xf32, #tpu.memory_space<hbm>>, %arg3: memref<32x5120xi32, #tpu.memory_space<hbm>>, %arg4: memref<32x5120xi32, #tpu.memory_space<hbm>>, %arg5: memref<32x4x5120xf32, #tpu.memory_space<hbm>>, %arg6: memref<40960xf32, #tpu.memory_space<hbm>>, %arg7: memref<2x10000x128xf32, #tpu.memory_space<hbm>>, %arg8: memref<10000x128xf32, #tpu.memory_space<vmem_shared>>, %arg9: memref<40960xf32, #tpu.memory_space<vmem_shared>>, %arg10: memref<512xi32, #tpu.memory_space<vmem>>, %arg11: memref<512xi32, #tpu.memory_space<vmem>>, %arg12: memref<32x16xi32, #tpu.memory_space<vmem>>, %arg13: memref<4x512xf32, #tpu.memory_space<vmem>>, %arg14: memref<16x128xi32, #tpu.memory_space<vmem>>, %arg15: memref<16x128xf32, #tpu.memory_space<vmem>>, %arg16: memref<32x512xf32, #tpu.memory_space<vmem>>, %arg17: memref<32x128xf32, #tpu.memory_space<vmem>>, %arg18: memref<8x128xf32, #tpu.memory_space<vmem>>, %arg19: memref<!tpu.dma_semaphore, #tpu.memory_space<semaphore_mem>>, %arg20: memref<!tpu.dma_semaphore, #tpu.memory_space<semaphore_mem>>, %arg21: memref<!tpu.dma_semaphore, #tpu.memory_space<semaphore_mem>>) attributes {dimension_semantics = [#tpu.dimension_semantics<core_parallel>, #tpu.dimension_semantics<subcore_parallel>], iteration_bounds = array<i64: 2, 16>, scalar_prefetch = 0 : i64, scratch_operands = 14 : i64, tpu.core_type = #tpu.core_type<sc_vector_subcore>, window_params = [{transform_indices = #map}, {transform_indices = #map}, {transform_indices = #map}, {transform_indices = #map1}, {transform_indices = #map2}, {transform_indices = #map1}]} {
    %mul3A = arith.constant 16 : i32
    %mul3A_0 = arith.muli %arg0, %mul3A : i32
    %add3A = arith.addi %mul3A_0, %arg1 : i32
    %broadcast_in_dim3A = arith.constant 0.000000e+00 : f32
    %broadcast_in_dim3A_1 = vector.broadcast %broadcast_in_dim3A : f32 to vector<16xf32>
    %iota3A = tpu.iota {dimensions = array<i32: 0>} : vector<16xi32>
    %swap3A = arith.constant 0 : i32
    %swap3A_2 = arith.index_cast %swap3A : i32 to index
    %swap3A_3 = arith.constant 0 : index
    %swap3A_4 = tpu.vector_load %arg18[%swap3A_2, %swap3A_3] {strides = array<i32>} : memref<8x128xf32, #tpu.memory_space<vmem>>, vector<16xf32>,
    tpu.vector_store %arg18[%swap3A_2, %swap3A_3], %broadcast_in_dim3A_1 {strides = array<i32>} : memref<8x128xf32, #tpu.memory_space<vmem>>, vector<16xf32>,
    %swap3A_5 = arith.constant 0 : i32
    %swap3A_6 = arith.index_cast %swap3A_5 : i32 to index
    %swap3A_7 = arith.constant 16 : index
    %swap3A_8 = tpu.vector_load %arg18[%swap3A_6, %swap3A_7] {strides = array<i32>} : memref<8x128xf32, #tpu.memory_space<vmem>>, vector<16xf32>,
    tpu.vector_store %arg18[%swap3A_6, %swap3A_7], %broadcast_in_dim3A_1 {strides = array<i32>} : memref<8x128xf32, #tpu.memory_space<vmem>>, vector<16xf32>,
    %swap3A_9 = arith.constant 0 : i32
    %swap3A_10 = arith.index_cast %swap3A_9 : i32 to index
    %swap3A_11 = arith.constant 32 : index
    %swap3A_12 = tpu.vector_load %arg18[%swap3A_10, %swap3A_11] {strides = array<i32>} : memref<8x128xf32, #tpu.memory_space<vmem>>, vector<16xf32>,
    tpu.vector_store %arg18[%swap3A_10, %swap3A_11], %broadcast_in_dim3A_1 {strides = array<i32>} : memref<8x128xf32, #tpu.memory_space<vmem>>, vector<16xf32>,
    %swap3A_13 = arith.constant 0 : i32
    %swap3A_14 = arith.index_cast %swap3A_13 : i32 to index
    %swap3A_15 = arith.constant 48 : index
    %swap3A_16 = tpu.vector_load %arg18[%swap3A_14, %swap3A_15] {strides = array<i32>} : memref<8x128xf32, #tpu.memory_space<vmem>>, vector<16xf32>,
    tpu.vector_store %arg18[%swap3A_14, %swap3A_15], %broadcast_in_dim3A_1 {strides = array<i32>} : memref<8x128xf32, #tpu.memory_space<vmem>>, vector<16xf32>,
    %swap3A_17 = arith.constant 0 : i32
    %swap3A_18 = arith.index_cast %swap3A_17 : i32 to index
    %swap3A_19 = arith.constant 64 : index
    %swap3A_20 = tpu.vector_load %arg18[%swap3A_18, %swap3A_19] {strides = array<i32>} : memref<8x128xf32, #tpu.memory_space<vmem>>, vector<16xf32>,
    tpu.vector_store %arg18[%swap3A_18, %swap3A_19], %broadcast_in_dim3A_1 {strides = array<i32>} : memref<8x128xf32, #tpu.memory_space<vmem>>, vector<16xf32>,
    %swap3A_21 = arith.constant 0 : i32
    %swap3A_22 = arith.index_cast %swap3A_21 : i32 to index
    %swap3A_23 = arith.constant 80 : index
    %swap3A_24 = tpu.vector_load %arg18[%swap3A_22, %swap3A_23] {strides = array<i32>} : memref<8x128xf32, #tpu.memory_space<vmem>>, vector<16xf32>,
    tpu.vector_store %arg18[%swap3A_22, %swap3A_23], %broadcast_in_dim3A_1 {strides = array<i32>} : memref<8x128xf32, #tpu.memory_space<vmem>>, vector<16xf32>,
    %swap3A_25 = arith.constant 0 : i32
    %swap3A_26 = arith.index_cast %swap3A_25 : i32 to index
    %swap3A_27 = arith.constant 96 : index
    %swap3A_28 = tpu.vector_load %arg18[%swap3A_26, %swap3A_27] {strides = array<i32>} : memref<8x128xf32, #tpu.memory_space<vmem>>, vector<16xf32>,
    tpu.vector_store %arg18[%swap3A_26, %swap3A_27], %broadcast_in_dim3A_1 {strides = array<i32>} : memref<8x128xf32, #tpu.memory_space<vmem>>, vector<16xf32>,
    %swap3A_29 = arith.constant 0 : i32
    %swap3A_30 = arith.index_cast %swap3A_29 : i32 to index
    %swap3A_31 = arith.constant 112 : index
    %swap3A_32 = tpu.vector_load %arg18[%swap3A_30, %swap3A_31] {strides = array<i32>} : memref<8x128xf32, #tpu.memory_space<vmem>>, vector<16xf32>,
    tpu.vector_store %arg18[%swap3A_30, %swap3A_31], %broadcast_in_dim3A_1 {strides = array<i32>} : memref<8x128xf32, #tpu.memory_space<vmem>>, vector<16xf32>,
    %swap3A_33 = arith.constant 1 : i32
    %swap3A_34 = arith.index_cast %swap3A_33 : i32 to index
    %swap3A_35 = arith.constant 0 : index
    %swap3A_36 = tpu.vector_load %arg18[%swap3A_34, %swap3A_35] {strides = array<i32>} : memref<8x128xf32, #tpu.memory_space<vmem>>, vector<16xf32>,
    tpu.vector_store %arg18[%swap3A_34, %swap3A_35], %broadcast_in_dim3A_1 {strides = array<i32>} : memref<8x128xf32, #tpu.memory_space<vmem>>, vector<16xf32>,
    %swap3A_37 = arith.constant 1 : i32
    %swap3A_38 = arith.index_cast %swap3A_37 : i32 to index
    %swap3A_39 = arith.constant 16 : index
    %swap3A_40 = tpu.vector_load %arg18[%swap3A_38, %swap3A_39] {strides = array<i32>} : memref<8x128xf32, #tpu.memory_space<vmem>>, vector<16xf32>,
    tpu.vector_store %arg18[%swap3A_38, %swap3A_39], %broadcast_in_dim3A_1 {strides = array<i32>} : memref<8x128xf32, #tpu.memory_space<vmem>>, vector<16xf32>,
    %swap3A_41 = arith.constant 1 : i32
    %swap3A_42 = arith.index_cast %swap3A_41 : i32 to index
    %swap3A_43 = arith.constant 32 : index
    %swap3A_44 = tpu.vector_load %arg18[%swap3A_42, %swap3A_43] {strides = array<i32>} : memref<8x128xf32, #tpu.memory_space<vmem>>, vector<16xf32>,
    tpu.vector_store %arg18[%swap3A_42, %swap3A_43], %broadcast_in_dim3A_1 {strides = array<i32>} : memref<8x128xf32, #tpu.memory_space<vmem>>, vector<16xf32>,
    %swap3A_45 = arith.constant 1 : i32
    %swap3A_46 = arith.index_cast %swap3A_45 : i32 to index
    %swap3A_47 = arith.constant 48 : index
    %swap3A_48 = tpu.vector_load %arg18[%swap3A_46, %swap3A_47] {strides = array<i32>} : memref<8x128xf32, #tpu.memory_space<vmem>>, vector<16xf32>,
    tpu.vector_store %arg18[%swap3A_46, %swap3A_47], %broadcast_in_dim3A_1 {strides = array<i32>} : memref<8x128xf32, #tpu.memory_space<vmem>>, vector<16xf32>,
    %swap3A_49 = arith.constant 1 : i32
    %swap3A_50 = arith.index_cast %swap3A_49 : i32 to index
    %swap3A_51 = arith.constant 64 : index
    %swap3A_52 = tpu.vector_load %arg18[%swap3A_50, %swap3A_51] {strides = array<i32>} : memref<8x128xf32, #tpu.memory_space<vmem>>, vector<16xf32>,
    tpu.vector_store %arg18[%swap3A_50, %swap3A_51], %broadcast_in_dim3A_1 {strides = array<i32>} : memref<8x128xf32, #tpu.memory_space<vmem>>, vector<16xf32>,
    %swap3A_53 = arith.constant 1 : i32
    %swap3A_54 = arith.index_cast %swap3A_53 : i32 to index
    %swap3A_55 = arith.constant 80 : index
    %swap3A_56 = tpu.vector_load %arg18[%swap3A_54, %swap3A_55] {strides = array<i32>} : memref<8x128xf32, #tpu.memory_space<vmem>>, vector<16xf32>,
    tpu.vector_store %arg18[%swap3A_54, %swap3A_55], %broadcast_in_dim3A_1 {strides = array<i32>} : memref<8x128xf32, #tpu.memory_space<vmem>>, vector<16xf32>,
    %swap3A_57 = arith.constant 1 : i32
    %swap3A_58 = arith.index_cast %swap3A_57 : i32 to index
    %swap3A_59 = arith.constant 96 : index
    %swap3A_60 = tpu.vector_load %arg18[%swap3A_58, %swap3A_59] {strides = array<i32>} : memref<8x128xf32, #tpu.memory_space<vmem>>, vector<16xf32>,
    tpu.vector_store %arg18[%swap3A_58, %swap3A_59], %broadcast_in_dim3A_1 {strides = array<i32>} : memref<8x128xf32, #tpu.memory_space<vmem>>, vector<16xf32>,
    %swap3A_61 = arith.constant 1 : i32
    %swap3A_62 = arith.index_cast %swap3A_61 : i32 to index
    %swap3A_63 = arith.constant 112 : index
    %swap3A_64 = tpu.vector_load %arg18[%swap3A_62, %swap3A_63] {strides = array<i32>} : memref<8x128xf32, #tpu.memory_space<vmem>>, vector<16xf32>,
    tpu.vector_store %arg18[%swap3A_62, %swap3A_63], %broadcast_in_dim3A_1 {strides = array<i32>} : memref<8x128xf32, #tpu.memory_space<vmem>>, vector<16xf32>,
    %swap3A_65 = arith.constant 2 : i32
    %swap3A_66 = arith.index_cast %swap3A_65 : i32 to index
    %swap3A_67 = arith.constant 0 : index
    %swap3A_68 = tpu.vector_load %arg18[%swap3A_66, %swap3A_67] {strides = array<i32>} : memref<8x128xf32, #tpu.memory_space<vmem>>, vector<16xf32>,
    tpu.vector_store %arg18[%swap3A_66, %swap3A_67], %broadcast_in_dim3A_1 {strides = array<i32>} : memref<8x128xf32, #tpu.memory_space<vmem>>, vector<16xf32>,
    %swap3A_69 = arith.constant 2 : i32
    %swap3A_70 = arith.index_cast %swap3A_69 : i32 to index
    %swap3A_71 = arith.constant 16 : index
    %swap3A_72 = tpu.vector_load %arg18[%swap3A_70, %swap3A_71] {strides = array<i32>} : memref<8x128xf32, #tpu.memory_space<vmem>>, vector<16xf32>,
    tpu.vector_store %arg18[%swap3A_70, %swap3A_71], %broadcast_in_dim3A_1 {strides = array<i32>} : memref<8x128xf32, #tpu.memory_space<vmem>>, vector<16xf32>,
    %swap3A_73 = arith.constant 2 : i32
    %swap3A_74 = arith.index_cast %swap3A_73 : i32 to index
    %swap3A_75 = arith.constant 32 : index
    %swap3A_76 = tpu.vector_load %arg18[%swap3A_74, %swap3A_75] {strides = array<i32>} : memref<8x128xf32, #tpu.memory_space<vmem>>, vector<16xf32>,
    tpu.vector_store %arg18[%swap3A_74, %swap3A_75], %broadcast_in_dim3A_1 {strides = array<i32>} : memref<8x128xf32, #tpu.memory_space<vmem>>, vector<16xf32>,
    %swap3A_77 = arith.constant 2 : i32
    %swap3A_78 = arith.index_cast %swap3A_77 : i32 to index
    %swap3A_79 = arith.constant 48 : index
    %swap3A_80 = tpu.vector_load %arg18[%swap3A_78, %swap3A_79] {strides = array<i32>} : memref<8x128xf32, #tpu.memory_space<vmem>>, vector<16xf32>,
    tpu.vector_store %arg18[%swap3A_78, %swap3A_79], %broadcast_in_dim3A_1 {strides = array<i32>} : memref<8x128xf32, #tpu.memory_space<vmem>>, vector<16xf32>,
    %swap3A_81 = arith.constant 2 : i32
    %swap3A_82 = arith.index_cast %swap3A_81 : i32 to index
    %swap3A_83 = arith.constant 64 : index
    %swap3A_84 = tpu.vector_load %arg18[%swap3A_82, %swap3A_83] {strides = array<i32>} : memref<8x128xf32, #tpu.memory_space<vmem>>, vector<16xf32>,
    tpu.vector_store %arg18[%swap3A_82, %swap3A_83], %broadcast_in_dim3A_1 {strides = array<i32>} : memref<8x128xf32, #tpu.memory_space<vmem>>, vector<16xf32>,
    %swap3A_85 = arith.constant 2 : i32
    %swap3A_86 = arith.index_cast %swap3A_85 : i32 to index
    %swap3A_87 = arith.constant 80 : index
    %swap3A_88 = tpu.vector_load %arg18[%swap3A_86, %swap3A_87] {strides = array<i32>} : memref<8x128xf32, #tpu.memory_space<vmem>>, vector<16xf32>,
    tpu.vector_store %arg18[%swap3A_86, %swap3A_87], %broadcast_in_dim3A_1 {strides = array<i32>} : memref<8x128xf32, #tpu.memory_space<vmem>>, vector<16xf32>,
    %swap3A_89 = arith.constant 2 : i32
    %swap3A_90 = arith.index_cast %swap3A_89 : i32 to index
    %swap3A_91 = arith.constant 96 : index
    %swap3A_92 = tpu.vector_load %arg18[%swap3A_90, %swap3A_91] {strides = array<i32>} : memref<8x128xf32, #tpu.memory_space<vmem>>, vector<16xf32>,
    tpu.vector_store %arg18[%swap3A_90, %swap3A_91], %broadcast_in_dim3A_1 {strides = array<i32>} : memref<8x128xf32, #tpu.memory_space<vmem>>, vector<16xf32>,
    %swap3A_93 = arith.constant 2 : i32
    %swap3A_94 = arith.index_cast %swap3A_93 : i32 to index
    %swap3A_95 = arith.constant 112 : index
    %swap3A_96 = tpu.vector_load %arg18[%swap3A_94, %swap3A_95] {strides = array<i32>} : memref<8x128xf32, #tpu.memory_space<vmem>>, vector<16xf32>,
    tpu.vector_store %arg18[%swap3A_94, %swap3A_95], %broadcast_in_dim3A_1 {strides = array<i32>} : memref<8x128xf32, #tpu.memory_space<vmem>>, vector<16xf32>,
    %swap3A_97 = arith.constant 3 : i32
    %swap3A_98 = arith.index_cast %swap3A_97 : i32 to index
    %swap3A_99 = arith.constant 0 : index
    %swap3A_100 = tpu.vector_load %arg18[%swap3A_98, %swap3A_99] {strides = array<i32>} : memref<8x128xf32, #tpu.memory_space<vmem>>, vector<16xf32>,
    tpu.vector_store %arg18[%swap3A_98, %swap3A_99], %broadcast_in_dim3A_1 {strides = array<i32>} : memref<8x128xf32, #tpu.memory_space<vmem>>, vector<16xf32>,
    %swap3A_101 = arith.constant 3 : i32
    %swap3A_102 = arith.index_cast %swap3A_101 : i32 to index
    %swap3A_103 = arith.constant 16 : index
    %swap3A_104 = tpu.vector_load %arg18[%swap3A_102, %swap3A_103] {strides = array<i32>} : memref<8x128xf32, #tpu.memory_space<vmem>>, vector<16xf32>,
    tpu.vector_store %arg18[%swap3A_102, %swap3A_103], %broadcast_in_dim3A_1 {strides = array<i32>} : memref<8x128xf32, #tpu.memory_space<vmem>>, vector<16xf32>,
    %swap3A_105 = arith.constant 3 : i32
    %swap3A_106 = arith.index_cast %swap3A_105 : i32 to index
    %swap3A_107 = arith.constant 32 : index
    %swap3A_108 = tpu.vector_load %arg18[%swap3A_106, %swap3A_107] {strides = array<i32>} : memref<8x128xf32, #tpu.memory_space<vmem>>, vector<16xf32>,
    tpu.vector_store %arg18[%swap3A_106, %swap3A_107], %broadcast_in_dim3A_1 {strides = array<i32>} : memref<8x128xf32, #tpu.memory_space<vmem>>, vector<16xf32>,
    %swap3A_109 = arith.constant 3 : i32
    %swap3A_110 = arith.index_cast %swap3A_109 : i32 to index
    %swap3A_111 = arith.constant 48 : index
    %swap3A_112 = tpu.vector_load %arg18[%swap3A_110, %swap3A_111] {strides = array<i32>} : memref<8x128xf32, #tpu.memory_space<vmem>>, vector<16xf32>,
    tpu.vector_store %arg18[%swap3A_110, %swap3A_111], %broadcast_in_dim3A_1 {strides = array<i32>} : memref<8x128xf32, #tpu.memory_space<vmem>>, vector<16xf32>,
    %swap3A_113 = arith.constant 3 : i32
    %swap3A_114 = arith.index_cast %swap3A_113 : i32 to index
    %swap3A_115 = arith.constant 64 : index
    %swap3A_116 = tpu.vector_load %arg18[%swap3A_114, %swap3A_115] {strides = array<i32>} : memref<8x128xf32, #tpu.memory_space<vmem>>, vector<16xf32>,
    tpu.vector_store %arg18[%swap3A_114, %swap3A_115], %broadcast_in_dim3A_1 {strides = array<i32>} : memref<8x128xf32, #tpu.memory_space<vmem>>, vector<16xf32>,
    %swap3A_117 = arith.constant 3 : i32
    %swap3A_118 = arith.index_cast %swap3A_117 : i32 to index
    %swap3A_119 = arith.constant 80 : index
    %swap3A_120 = tpu.vector_load %arg18[%swap3A_118, %swap3A_119] {strides = array<i32>} : memref<8x128xf32, #tpu.memory_space<vmem>>, vector<16xf32>,
    tpu.vector_store %arg18[%swap3A_118, %swap3A_119], %broadcast_in_dim3A_1 {strides = array<i32>} : memref<8x128xf32, #tpu.memory_space<vmem>>, vector<16xf32>,
    %swap3A_121 = arith.constant 3 : i32
    %swap3A_122 = arith.index_cast %swap3A_121 : i32 to index
    %swap3A_123 = arith.constant 96 : index
    %swap3A_124 = tpu.vector_load %arg18[%swap3A_122, %swap3A_123] {strides = array<i32>} : memref<8x128xf32, #tpu.memory_space<vmem>>, vector<16xf32>,
    tpu.vector_store %arg18[%swap3A_122, %swap3A_123], %broadcast_in_dim3A_1 {strides = array<i32>} : memref<8x128xf32, #tpu.memory_space<vmem>>, vector<16xf32>,
    %swap3A_125 = arith.constant 3 : i32
    %swap3A_126 = arith.index_cast %swap3A_125 : i32 to index
    %swap3A_127 = arith.constant 112 : index
    %swap3A_128 = tpu.vector_load %arg18[%swap3A_126, %swap3A_127] {strides = array<i32>} : memref<8x128xf32, #tpu.memory_space<vmem>>, vector<16xf32>,
    tpu.vector_store %arg18[%swap3A_126, %swap3A_127], %broadcast_in_dim3A_1 {strides = array<i32>} : memref<8x128xf32, #tpu.memory_space<vmem>>, vector<16xf32>,
    %swap3A_129 = arith.constant 4 : i32
    %swap3A_130 = arith.index_cast %swap3A_129 : i32 to index
    %swap3A_131 = arith.constant 0 : index
    %swap3A_132 = tpu.vector_load %arg18[%swap3A_130, %swap3A_131] {strides = array<i32>} : memref<8x128xf32, #tpu.memory_space<vmem>>, vector<16xf32>,
    tpu.vector_store %arg18[%swap3A_130, %swap3A_131], %broadcast_in_dim3A_1 {strides = array<i32>} : memref<8x128xf32, #tpu.memory_space<vmem>>, vector<16xf32>,
    %swap3A_133 = arith.constant 4 : i32
    %swap3A_134 = arith.index_cast %swap3A_133 : i32 to index
    %swap3A_135 = arith.constant 16 : index
    %swap3A_136 = tpu.vector_load %arg18[%swap3A_134, %swap3A_135] {strides = array<i32>} : memref<8x128xf32, #tpu.memory_space<vmem>>, vector<16xf32>,
    tpu.vector_store %arg18[%swap3A_134, %swap3A_135], %broadcast_in_dim3A_1 {strides = array<i32>} : memref<8x128xf32, #tpu.memory_space<vmem>>, vector<16xf32>,
    %swap3A_137 = arith.constant 4 : i32
    %swap3A_138 = arith.index_cast %swap3A_137 : i32 to index
    %swap3A_139 = arith.constant 32 : index
    %swap3A_140 = tpu.vector_load %arg18[%swap3A_138, %swap3A_139] {strides = array<i32>} : memref<8x128xf32, #tpu.memory_space<vmem>>, vector<16xf32>,
    tpu.vector_store %arg18[%swap3A_138, %swap3A_139], %broadcast_in_dim3A_1 {strides = array<i32>} : memref<8x128xf32, #tpu.memory_space<vmem>>, vector<16xf32>,
    %swap3A_141 = arith.constant 4 : i32
    %swap3A_142 = arith.index_cast %swap3A_141 : i32 to index
    %swap3A_143 = arith.constant 48 : index
    %swap3A_144 = tpu.vector_load %arg18[%swap3A_142, %swap3A_143] {strides = array<i32>} : memref<8x128xf32, #tpu.memory_space<vmem>>, vector<16xf32>,
    tpu.vector_store %arg18[%swap3A_142, %swap3A_143], %broadcast_in_dim3A_1 {strides = array<i32>} : memref<8x128xf32, #tpu.memory_space<vmem>>, vector<16xf32>,
    %swap3A_145 = arith.constant 4 : i32
    %swap3A_146 = arith.index_cast %swap3A_145 : i32 to index
    %swap3A_147 = arith.constant 64 : index
    %swap3A_148 = tpu.vector_load %arg18[%swap3A_146, %swap3A_147] {strides = array<i32>} : memref<8x128xf32, #tpu.memory_space<vmem>>, vector<16xf32>,
    tpu.vector_store %arg18[%swap3A_146, %swap3A_147], %broadcast_in_dim3A_1 {strides = array<i32>} : memref<8x128xf32, #tpu.memory_space<vmem>>, vector<16xf32>,
    %swap3A_149 = arith.constant 4 : i32
    %swap3A_150 = arith.index_cast %swap3A_149 : i32 to index
    %swap3A_151 = arith.constant 80 : index
    %swap3A_152 = tpu.vector_load %arg18[%swap3A_150, %swap3A_151] {strides = array<i32>} : memref<8x128xf32, #tpu.memory_space<vmem>>, vector<16xf32>,
    tpu.vector_store %arg18[%swap3A_150, %swap3A_151], %broadcast_in_dim3A_1 {strides = array<i32>} : memref<8x128xf32, #tpu.memory_space<vmem>>, vector<16xf32>,
    %swap3A_153 = arith.constant 4 : i32
    %swap3A_154 = arith.index_cast %swap3A_153 : i32 to index
    %swap3A_155 = arith.constant 96 : index
    %swap3A_156 = tpu.vector_load %arg18[%swap3A_154, %swap3A_155] {strides = array<i32>} : memref<8x128xf32, #tpu.memory_space<vmem>>, vector<16xf32>,
    tpu.vector_store %arg18[%swap3A_154, %swap3A_155], %broadcast_in_dim3A_1 {strides = array<i32>} : memref<8x128xf32, #tpu.memory_space<vmem>>, vector<16xf32>,
    %swap3A_157 = arith.constant 4 : i32
    %swap3A_158 = arith.index_cast %swap3A_157 : i32 to index
    %swap3A_159 = arith.constant 112 : index
    %swap3A_160 = tpu.vector_load %arg18[%swap3A_158, %swap3A_159] {strides = array<i32>} : memref<8x128xf32, #tpu.memory_space<vmem>>, vector<16xf32>,
    tpu.vector_store %arg18[%swap3A_158, %swap3A_159], %broadcast_in_dim3A_1 {strides = array<i32>} : memref<8x128xf32, #tpu.memory_space<vmem>>, vector<16xf32>,
    %swap3A_161 = arith.constant 5 : i32
    %swap3A_162 = arith.index_cast %swap3A_161 : i32 to index
    %swap3A_163 = arith.constant 0 : index
    %swap3A_164 = tpu.vector_load %arg18[%swap3A_162, %swap3A_163] {strides = array<i32>} : memref<8x128xf32, #tpu.memory_space<vmem>>, vector<16xf32>,
    tpu.vector_store %arg18[%swap3A_162, %swap3A_163], %broadcast_in_dim3A_1 {strides = array<i32>} : memref<8x128xf32, #tpu.memory_space<vmem>>, vector<16xf32>,
    %swap3A_165 = arith.constant 5 : i32
    %swap3A_166 = arith.index_cast %swap3A_165 : i32 to index
    %swap3A_167 = arith.constant 16 : index
    %swap3A_168 = tpu.vector_load %arg18[%swap3A_166, %swap3A_167] {strides = array<i32>} : memref<8x128xf32, #tpu.memory_space<vmem>>, vector<16xf32>,
    tpu.vector_store %arg18[%swap3A_166, %swap3A_167], %broadcast_in_dim3A_1 {strides = array<i32>} : memref<8x128xf32, #tpu.memory_space<vmem>>, vector<16xf32>,
    %swap3A_169 = arith.constant 5 : i32
    %swap3A_170 = arith.index_cast %swap3A_169 : i32 to index
    %swap3A_171 = arith.constant 32 : index
    %swap3A_172 = tpu.vector_load %arg18[%swap3A_170, %swap3A_171] {strides = array<i32>} : memref<8x128xf32, #tpu.memory_space<vmem>>, vector<16xf32>,
    tpu.vector_store %arg18[%swap3A_170, %swap3A_171], %broadcast_in_dim3A_1 {strides = array<i32>} : memref<8x128xf32, #tpu.memory_space<vmem>>, vector<16xf32>,
    %swap3A_173 = arith.constant 5 : i32
    %swap3A_174 = arith.index_cast %swap3A_173 : i32 to index
    %swap3A_175 = arith.constant 48 : index
    %swap3A_176 = tpu.vector_load %arg18[%swap3A_174, %swap3A_175] {strides = array<i32>} : memref<8x128xf32, #tpu.memory_space<vmem>>, vector<16xf32>,
    tpu.vector_store %arg18[%swap3A_174, %swap3A_175], %broadcast_in_dim3A_1 {strides = array<i32>} : memref<8x128xf32, #tpu.memory_space<vmem>>, vector<16xf32>,
    %swap3A_177 = arith.constant 5 : i32
    %swap3A_178 = arith.index_cast %swap3A_177 : i32 to index
    %swap3A_179 = arith.constant 64 : index
    %swap3A_180 = tpu.vector_load %arg18[%swap3A_178, %swap3A_179] {strides = array<i32>} : memref<8x128xf32, #tpu.memory_space<vmem>>, vector<16xf32>,
    tpu.vector_store %arg18[%swap3A_178, %swap3A_179], %broadcast_in_dim3A_1 {strides = array<i32>} : memref<8x128xf32, #tpu.memory_space<vmem>>, vector<16xf32>,
    %swap3A_181 = arith.constant 5 : i32
    %swap3A_182 = arith.index_cast %swap3A_181 : i32 to index
    %swap3A_183 = arith.constant 80 : index
    %swap3A_184 = tpu.vector_load %arg18[%swap3A_182, %swap3A_183] {strides = array<i32>} : memref<8x128xf32, #tpu.memory_space<vmem>>, vector<16xf32>,
    tpu.vector_store %arg18[%swap3A_182, %swap3A_183], %broadcast_in_dim3A_1 {strides = array<i32>} : memref<8x128xf32, #tpu.memory_space<vmem>>, vector<16xf32>,
    %swap3A_185 = arith.constant 5 : i32
    %swap3A_186 = arith.index_cast %swap3A_185 : i32 to index
    %swap3A_187 = arith.constant 96 : index
    %swap3A_188 = tpu.vector_load %arg18[%swap3A_186, %swap3A_187] {strides = array<i32>} : memref<8x128xf32, #tpu.memory_space<vmem>>, vector<16xf32>,
    tpu.vector_store %arg18[%swap3A_186, %swap3A_187], %broadcast_in_dim3A_1 {strides = array<i32>} : memref<8x128xf32, #tpu.memory_space<vmem>>, vector<16xf32>,
    %swap3A_189 = arith.constant 5 : i32
    %swap3A_190 = arith.index_cast %swap3A_189 : i32 to index
    %swap3A_191 = arith.constant 112 : index
    %swap3A_192 = tpu.vector_load %arg18[%swap3A_190, %swap3A_191] {strides = array<i32>} : memref<8x128xf32, #tpu.memory_space<vmem>>, vector<16xf32>,
    tpu.vector_store %arg18[%swap3A_190, %swap3A_191], %broadcast_in_dim3A_1 {strides = array<i32>} : memref<8x128xf32, #tpu.memory_space<vmem>>, vector<16xf32>,
    %swap3A_193 = arith.constant 6 : i32
    %swap3A_194 = arith.index_cast %swap3A_193 : i32 to index
    %swap3A_195 = arith.constant 0 : index
    %swap3A_196 = tpu.vector_load %arg18[%swap3A_194, %swap3A_195] {strides = array<i32>} : memref<8x128xf32, #tpu.memory_space<vmem>>, vector<16xf32>,
    tpu.vector_store %arg18[%swap3A_194, %swap3A_195], %broadcast_in_dim3A_1 {strides = array<i32>} : memref<8x128xf32, #tpu.memory_space<vmem>>, vector<16xf32>,
    %swap3A_197 = arith.constant 6 : i32
    %swap3A_198 = arith.index_cast %swap3A_197 : i32 to index
    %swap3A_199 = arith.constant 16 : index
    %swap3A_200 = tpu.vector_load %arg18[%swap3A_198, %swap3A_199] {strides = array<i32>} : memref<8x128xf32, #tpu.memory_space<vmem>>, vector<16xf32>,
    tpu.vector_store %arg18[%swap3A_198, %swap3A_199], %broadcast_in_dim3A_1 {strides = array<i32>} : memref<8x128xf32, #tpu.memory_space<vmem>>, vector<16xf32>,
    %swap3A_201 = arith.constant 6 : i32
    %swap3A_202 = arith.index_cast %swap3A_201 : i32 to index
    %swap3A_203 = arith.constant 32 : index
    %swap3A_204 = tpu.vector_load %arg18[%swap3A_202, %swap3A_203] {strides = array<i32>} : memref<8x128xf32, #tpu.memory_space<vmem>>, vector<16xf32>,
    tpu.vector_store %arg18[%swap3A_202, %swap3A_203], %broadcast_in_dim3A_1 {strides = array<i32>} : memref<8x128xf32, #tpu.memory_space<vmem>>, vector<16xf32>,
    %swap3A_205 = arith.constant 6 : i32
    %swap3A_206 = arith.index_cast %swap3A_205 : i32 to index
    %swap3A_207 = arith.constant 48 : index
    %swap3A_208 = tpu.vector_load %arg18[%swap3A_206, %swap3A_207] {strides = array<i32>} : memref<8x128xf32, #tpu.memory_space<vmem>>, vector<16xf32>,
    tpu.vector_store %arg18[%swap3A_206, %swap3A_207], %broadcast_in_dim3A_1 {strides = array<i32>} : memref<8x128xf32, #tpu.memory_space<vmem>>, vector<16xf32>,
    %swap3A_209 = arith.constant 6 : i32
    %swap3A_210 = arith.index_cast %swap3A_209 : i32 to index
    %swap3A_211 = arith.constant 64 : index
    %swap3A_212 = tpu.vector_load %arg18[%swap3A_210, %swap3A_211] {strides = array<i32>} : memref<8x128xf32, #tpu.memory_space<vmem>>, vector<16xf32>,
    tpu.vector_store %arg18[%swap3A_210, %swap3A_211], %broadcast_in_dim3A_1 {strides = array<i32>} : memref<8x128xf32, #tpu.memory_space<vmem>>, vector<16xf32>,
    %swap3A_213 = arith.constant 6 : i32
    %swap3A_214 = arith.index_cast %swap3A_213 : i32 to index
    %swap3A_215 = arith.constant 80 : index
    %swap3A_216 = tpu.vector_load %arg18[%swap3A_214, %swap3A_215] {strides = array<i32>} : memref<8x128xf32, #tpu.memory_space<vmem>>, vector<16xf32>,
    tpu.vector_store %arg18[%swap3A_214, %swap3A_215], %broadcast_in_dim3A_1 {strides = array<i32>} : memref<8x128xf32, #tpu.memory_space<vmem>>, vector<16xf32>,
    %swap3A_217 = arith.constant 6 : i32
    %swap3A_218 = arith.index_cast %swap3A_217 : i32 to index
    %swap3A_219 = arith.constant 96 : index
    %swap3A_220 = tpu.vector_load %arg18[%swap3A_218, %swap3A_219] {strides = array<i32>} : memref<8x128xf32, #tpu.memory_space<vmem>>, vector<16xf32>,
    tpu.vector_store %arg18[%swap3A_218, %swap3A_219], %broadcast_in_dim3A_1 {strides = array<i32>} : memref<8x128xf32, #tpu.memory_space<vmem>>, vector<16xf32>,
    %swap3A_221 = arith.constant 6 : i32
    %swap3A_222 = arith.index_cast %swap3A_221 : i32 to index
    %swap3A_223 = arith.constant 112 : index
    %swap3A_224 = tpu.vector_load %arg18[%swap3A_222, %swap3A_223] {strides = array<i32>} : memref<8x128xf32, #tpu.memory_space<vmem>>, vector<16xf32>,
    tpu.vector_store %arg18[%swap3A_222, %swap3A_223], %broadcast_in_dim3A_1 {strides = array<i32>} : memref<8x128xf32, #tpu.memory_space<vmem>>, vector<16xf32>,
    %swap3A_225 = arith.constant 7 : i32
    %swap3A_226 = arith.index_cast %swap3A_225 : i32 to index
    %swap3A_227 = arith.constant 0 : index
    %swap3A_228 = tpu.vector_load %arg18[%swap3A_226, %swap3A_227] {strides = array<i32>} : memref<8x128xf32, #tpu.memory_space<vmem>>, vector<16xf32>,
    tpu.vector_store %arg18[%swap3A_226, %swap3A_227], %broadcast_in_dim3A_1 {strides = array<i32>} : memref<8x128xf32, #tpu.memory_space<vmem>>, vector<16xf32>,
    %swap3A_229 = arith.constant 7 : i32
    %swap3A_230 = arith.index_cast %swap3A_229 : i32 to index
    %swap3A_231 = arith.constant 16 : index
    %swap3A_232 = tpu.vector_load %arg18[%swap3A_230, %swap3A_231] {strides = array<i32>} : memref<8x128xf32, #tpu.memory_space<vmem>>, vector<16xf32>,
    tpu.vector_store %arg18[%swap3A_230, %swap3A_231], %broadcast_in_dim3A_1 {strides = array<i32>} : memref<8x128xf32, #tpu.memory_space<vmem>>, vector<16xf32>,
    %swap3A_233 = arith.constant 7 : i32
    %swap3A_234 = arith.index_cast %swap3A_233 : i32 to index
    %swap3A_235 = arith.constant 32 : index
    %swap3A_236 = tpu.vector_load %arg18[%swap3A_234, %swap3A_235] {strides = array<i32>} : memref<8x128xf32, #tpu.memory_space<vmem>>, vector<16xf32>,
    tpu.vector_store %arg18[%swap3A_234, %swap3A_235], %broadcast_in_dim3A_1 {strides = array<i32>} : memref<8x128xf32, #tpu.memory_space<vmem>>, vector<16xf32>,
    %swap3A_237 = arith.constant 7 : i32
    %swap3A_238 = arith.index_cast %swap3A_237 : i32 to index
    %swap3A_239 = arith.constant 48 : index
    %swap3A_240 = tpu.vector_load %arg18[%swap3A_238, %swap3A_239] {strides = array<i32>} : memref<8x128xf32, #tpu.memory_space<vmem>>, vector<16xf32>,
    tpu.vector_store %arg18[%swap3A_238, %swap3A_239], %broadcast_in_dim3A_1 {strides = array<i32>} : memref<8x128xf32, #tpu.memory_space<vmem>>, vector<16xf32>,
    %swap3A_241 = arith.constant 7 : i32
    %swap3A_242 = arith.index_cast %swap3A_241 : i32 to index
    %swap3A_243 = arith.constant 64 : index
    %swap3A_244 = tpu.vector_load %arg18[%swap3A_242, %swap3A_243] {strides = array<i32>} : memref<8x128xf32, #tpu.memory_space<vmem>>, vector<16xf32>,
    tpu.vector_store %arg18[%swap3A_242, %swap3A_243], %broadcast_in_dim3A_1 {strides = array<i32>} : memref<8x128xf32, #tpu.memory_space<vmem>>, vector<16xf32>,
    %swap3A_245 = arith.constant 7 : i32
    %swap3A_246 = arith.index_cast %swap3A_245 : i32 to index
    %swap3A_247 = arith.constant 80 : index
    %swap3A_248 = tpu.vector_load %arg18[%swap3A_246, %swap3A_247] {strides = array<i32>} : memref<8x128xf32, #tpu.memory_space<vmem>>, vector<16xf32>,
    tpu.vector_store %arg18[%swap3A_246, %swap3A_247], %broadcast_in_dim3A_1 {strides = array<i32>} : memref<8x128xf32, #tpu.memory_space<vmem>>, vector<16xf32>,
    %swap3A_249 = arith.constant 7 : i32
    %swap3A_250 = arith.index_cast %swap3A_249 : i32 to index
    %swap3A_251 = arith.constant 96 : index
    %swap3A_252 = tpu.vector_load %arg18[%swap3A_250, %swap3A_251] {strides = array<i32>} : memref<8x128xf32, #tpu.memory_space<vmem>>, vector<16xf32>,
    tpu.vector_store %arg18[%swap3A_250, %swap3A_251], %broadcast_in_dim3A_1 {strides = array<i32>} : memref<8x128xf32, #tpu.memory_space<vmem>>, vector<16xf32>,
    %swap3A_253 = arith.constant 7 : i32
    %swap3A_254 = arith.index_cast %swap3A_253 : i32 to index
    %swap3A_255 = arith.constant 112 : index
    %swap3A_256 = tpu.vector_load %arg18[%swap3A_254, %swap3A_255] {strides = array<i32>} : memref<8x128xf32, #tpu.memory_space<vmem>>, vector<16xf32>,
    tpu.vector_store %arg18[%swap3A_254, %swap3A_255], %broadcast_in_dim3A_1 {strides = array<i32>} : memref<8x128xf32, #tpu.memory_space<vmem>>, vector<16xf32>,
    %eq3A = arith.constant 15 : i32
    %eq3A_257 = arith.cmpi eq, %arg1, %eq3A : i32
    %jit3A = arith.constant 80 : i32
    %jit3A_258 = arith.constant 78 : i32
    %select_n3A = arith.select %eq3A_257, %jit3A, %jit3A_258 : i32
    %while3A = arith.constant 0 : i32
    %while3A_259 = arith.subi %select_n3A, %while3A : i32
    %while3A_260 = arith.addi %while3A, %while3A_259 : i32
    %while3A_261 = arith.constant 1 : i32
    %while3A_262 = arith.divsi %while3A_259, %while3A_261 : i32
    %while3A_263 = arith.muli %while3A_262, %while3A_261 : i32
    %while3A_264 = arith.addi %while3A, %while3A_263 : i32
    %while3A_265 = arith.constant 1 : i32
    scf.for %while3A_285 = %while3A to %while3A_264 step %while3A_265  : i32 {
      %mul3A_286 = arith.constant 624 : i32
      %mul3A_287 = arith.muli %arg1, %mul3A_286 : i32
      %mul3A_288 = arith.constant 8 : i32
      %mul3A_289 = arith.muli %while3A_285, %mul3A_288 : i32
      %add3A_290 = arith.addi %mul3A_287, %mul3A_289 : i32
      "tpu.region"() ({
        %run_scoped3A = tpu.sem_alloc : memref<!tpu.dma_semaphore, #tpu.memory_space<semaphore_mem>>
        %dma_start3A = arith.constant 0 : i32
        %dma_start3A_291 = tpu.memref_slice %arg8[%add3A_290, %dma_start3A] : memref<10000x128xf32, #tpu.memory_space<vmem_shared>> -> memref<8x128xf32, #tpu.memory_space<vmem_shared>>
        %dma_start3A_292 = arith.constant 0 : i32
        %dma_start3A_293 = tpu.memref_slice %arg8[%add3A_290, %dma_start3A_292] : memref<10000x128xf32, #tpu.memory_space<vmem_shared>> -> memref<8x128xf32, #tpu.memory_space<vmem_shared>>
        tpu.enqueue_dma source(%arg18 : memref<8x128xf32, #tpu.memory_space<vmem>>) target(%dma_start3A_293 : memref<8x128xf32, #tpu.memory_space<vmem_shared>>) target_semaphore(%run_scoped3A : memref<!tpu.dma_semaphore, #tpu.memory_space<semaphore_mem>>)
        %dma_wait3A = arith.constant 0 : i32
        %dma_wait3A_294 = tpu.memref_slice %arg8[%add3A_290, %dma_wait3A] : memref<10000x128xf32, #tpu.memory_space<vmem_shared>> -> memref<8x128xf32, #tpu.memory_space<vmem_shared>>
        %dma_wait3A_295 = arith.constant 0 : i32
        %dma_wait3A_296 = tpu.memref_slice %arg8[%add3A_290, %dma_wait3A_295] : memref<10000x128xf32, #tpu.memory_space<vmem_shared>> -> memref<8x128xf32, #tpu.memory_space<vmem_shared>>
        tpu.wait_dma2 semaphore(%run_scoped3A : memref<!tpu.dma_semaphore, #tpu.memory_space<semaphore_mem>>) src(%arg18 : memref<8x128xf32, #tpu.memory_space<vmem>>) dst(%dma_wait3A_296 : memref<8x128xf32, #tpu.memory_space<vmem_shared>>)
        tpu.yield
      }) : () -> ()
    }
    %while3A_266 = arith.constant 1 : i32
    scf.for %while3A_285 = %while3A_264 to %while3A_260 step %while3A_266  : i32 {
      %mul3A_286 = arith.constant 624 : i32
      %mul3A_287 = arith.muli %arg1, %mul3A_286 : i32
      %mul3A_288 = arith.constant 8 : i32
      %mul3A_289 = arith.muli %while3A_285, %mul3A_288 : i32
      %add3A_290 = arith.addi %mul3A_287, %mul3A_289 : i32
      "tpu.region"() ({
        %run_scoped3A = tpu.sem_alloc : memref<!tpu.dma_semaphore, #tpu.memory_space<semaphore_mem>>
        %dma_start3A = arith.constant 0 : i32
        %dma_start3A_291 = tpu.memref_slice %arg8[%add3A_290, %dma_start3A] : memref<10000x128xf32, #tpu.memory_space<vmem_shared>> -> memref<8x128xf32, #tpu.memory_space<vmem_shared>>
        %dma_start3A_292 = arith.constant 0 : i32
        %dma_start3A_293 = tpu.memref_slice %arg8[%add3A_290, %dma_start3A_292] : memref<10000x128xf32, #tpu.memory_space<vmem_shared>> -> memref<8x128xf32, #tpu.memory_space<vmem_shared>>
        tpu.enqueue_dma source(%arg18 : memref<8x128xf32, #tpu.memory_space<vmem>>) target(%dma_start3A_293 : memref<8x128xf32, #tpu.memory_space<vmem_shared>>) target_semaphore(%run_scoped3A : memref<!tpu.dma_semaphore, #tpu.memory_space<semaphore_mem>>)
        %dma_wait3A = arith.constant 0 : i32
        %dma_wait3A_294 = tpu.memref_slice %arg8[%add3A_290, %dma_wait3A] : memref<10000x128xf32, #tpu.memory_space<vmem_shared>> -> memref<8x128xf32, #tpu.memory_space<vmem_shared>>
        %dma_wait3A_295 = arith.constant 0 : i32
        %dma_wait3A_296 = tpu.memref_slice %arg8[%add3A_290, %dma_wait3A_295] : memref<10000x128xf32, #tpu.memory_space<vmem_shared>> -> memref<8x128xf32, #tpu.memory_space<vmem_shared>>
        tpu.wait_dma2 semaphore(%run_scoped3A : memref<!tpu.dma_semaphore, #tpu.memory_space<semaphore_mem>>) src(%arg18 : memref<8x128xf32, #tpu.memory_space<vmem>>) dst(%dma_wait3A_296 : memref<8x128xf32, #tpu.memory_space<vmem_shared>>)
        tpu.yield
      }) : () -> ()
    }
    %mul3A_267 = arith.constant 2560 : i32
    %mul3A_268 = arith.muli %arg1, %mul3A_267 : i32
    %mul3A_269 = arith.constant 2560 : i32
    %mul3A_270 = arith.muli %arg1, %mul3A_269 : i32
    "tpu.region"() ({
      %run_scoped3A = tpu.sem_alloc : memref<!tpu.dma_semaphore, #tpu.memory_space<semaphore_mem>>
      %dma_start3A = tpu.memref_slice %arg9[%mul3A_270] : memref<40960xf32, #tpu.memory_space<vmem_shared>> -> memref<2560xf32, #tpu.memory_space<vmem_shared>>
      %dma_start3A_285 = tpu.memref_slice %arg6[%mul3A_268] : memref<40960xf32, #tpu.memory_space<hbm>> -> memref<2560xf32, #tpu.memory_space<hbm>>
      tpu.enqueue_dma source(%dma_start3A_285 : memref<2560xf32, #tpu.memory_space<hbm>>) target(%dma_start3A : memref<2560xf32, #tpu.memory_space<vmem_shared>>) target_semaphore(%run_scoped3A : memref<!tpu.dma_semaphore, #tpu.memory_space<semaphore_mem>>)
      %dma_wait3A = tpu.memref_slice %arg9[%mul3A_270] : memref<40960xf32, #tpu.memory_space<vmem_shared>> -> memref<2560xf32, #tpu.memory_space<vmem_shared>>
      %dma_wait3A_286 = tpu.memref_slice %arg6[%mul3A_268] : memref<40960xf32, #tpu.memory_space<hbm>> -> memref<2560xf32, #tpu.memory_space<hbm>>
      tpu.wait_dma2 semaphore(%run_scoped3A : memref<!tpu.dma_semaphore, #tpu.memory_space<semaphore_mem>>) src(%dma_wait3A_286 : memref<2560xf32, #tpu.memory_space<hbm>>) dst(%dma_wait3A : memref<2560xf32, #tpu.memory_space<vmem_shared>>)
      tpu.yield
    }) : () -> ()
    %barrier3A = arith.constant 0 : index
    tpu.barrier barrier_id(%barrier3A)
    %scan3A = arith.constant 0 : i32
    %scan3A_271 = arith.constant 10 : i32
    %scan3A_272 = arith.addi %scan3A, %scan3A_271 : i32
    %scan3A_273 = arith.constant 1 : i32
    scf.for %scan3A_285 = %scan3A to %scan3A_272 step %scan3A_273  : i32 {
      %mul3A_286 = arith.constant 512 : i32
      %mul3A_287 = arith.muli %scan3A_285, %mul3A_286 : i32
      "tpu.region"() ({
        %run_scoped3A = tpu.sem_alloc : memref<!tpu.dma_semaphore, #tpu.memory_space<semaphore_mem>>
        %dma_start3A_363 = tpu.memref_slice %arg3[%add3A, %mul3A_287] : memref<32x5120xi32, #tpu.memory_space<hbm>> -> memref<1x512xi32, #tpu.memory_space<hbm>>
        %dma_start3A_364 = tpu.memref_squeeze %dma_start3A_363 : memref<1x512xi32, #tpu.memory_space<hbm>> -> memref<512xi32, #tpu.memory_space<hbm>>
        %dma_start3A_365 = tpu.memref_slice %arg3[%add3A, %mul3A_287] : memref<32x5120xi32, #tpu.memory_space<hbm>> -> memref<1x512xi32, #tpu.memory_space<hbm>>
        %dma_start3A_366 = tpu.memref_squeeze %dma_start3A_365 : memref<1x512xi32, #tpu.memory_space<hbm>> -> memref<512xi32, #tpu.memory_space<hbm>>
        tpu.enqueue_dma source(%dma_start3A_366 : memref<512xi32, #tpu.memory_space<hbm>>) target(%arg10 : memref<512xi32, #tpu.memory_space<vmem>>) target_semaphore(%run_scoped3A : memref<!tpu.dma_semaphore, #tpu.memory_space<semaphore_mem>>)
        %dma_wait3A_367 = tpu.memref_slice %arg3[%add3A, %mul3A_287] : memref<32x5120xi32, #tpu.memory_space<hbm>> -> memref<1x512xi32, #tpu.memory_space<hbm>>
        %dma_wait3A_368 = tpu.memref_squeeze %dma_wait3A_367 : memref<1x512xi32, #tpu.memory_space<hbm>> -> memref<512xi32, #tpu.memory_space<hbm>>
        %dma_wait3A_369 = tpu.memref_slice %arg3[%add3A, %mul3A_287] : memref<32x5120xi32, #tpu.memory_space<hbm>> -> memref<1x512xi32, #tpu.memory_space<hbm>>
        %dma_wait3A_370 = tpu.memref_squeeze %dma_wait3A_369 : memref<1x512xi32, #tpu.memory_space<hbm>> -> memref<512xi32, #tpu.memory_space<hbm>>
        tpu.wait_dma2 semaphore(%run_scoped3A : memref<!tpu.dma_semaphore, #tpu.memory_space<semaphore_mem>>) src(%dma_wait3A_370 : memref<512xi32, #tpu.memory_space<hbm>>) dst(%arg10 : memref<512xi32, #tpu.memory_space<vmem>>)
        tpu.yield
      }) : () -> ()
      %mul3A_288 = arith.constant 512 : i32
      %mul3A_289 = arith.muli %scan3A_285, %mul3A_288 : i32
      "tpu.region"() ({
        %run_scoped3A = tpu.sem_alloc : memref<!tpu.dma_semaphore, #tpu.memory_space<semaphore_mem>>
        %dma_start3A_363 = tpu.memref_slice %arg4[%add3A, %mul3A_289] : memref<32x5120xi32, #tpu.memory_space<hbm>> -> memref<1x512xi32, #tpu.memory_space<hbm>>
        %dma_start3A_364 = tpu.memref_squeeze %dma_start3A_363 : memref<1x512xi32, #tpu.memory_space<hbm>> -> memref<512xi32, #tpu.memory_space<hbm>>
        %dma_start3A_365 = tpu.memref_slice %arg4[%add3A, %mul3A_289] : memref<32x5120xi32, #tpu.memory_space<hbm>> -> memref<1x512xi32, #tpu.memory_space<hbm>>
        %dma_start3A_366 = tpu.memref_squeeze %dma_start3A_365 : memref<1x512xi32, #tpu.memory_space<hbm>> -> memref<512xi32, #tpu.memory_space<hbm>>
        tpu.enqueue_dma source(%dma_start3A_366 : memref<512xi32, #tpu.memory_space<hbm>>) target(%arg11 : memref<512xi32, #tpu.memory_space<vmem>>) target_semaphore(%run_scoped3A : memref<!tpu.dma_semaphore, #tpu.memory_space<semaphore_mem>>)
        %dma_wait3A_367 = tpu.memref_slice %arg4[%add3A, %mul3A_289] : memref<32x5120xi32, #tpu.memory_space<hbm>> -> memref<1x512xi32, #tpu.memory_space<hbm>>
        %dma_wait3A_368 = tpu.memref_squeeze %dma_wait3A_367 : memref<1x512xi32, #tpu.memory_space<hbm>> -> memref<512xi32, #tpu.memory_space<hbm>>
        %dma_wait3A_369 = tpu.memref_slice %arg4[%add3A, %mul3A_289] : memref<32x5120xi32, #tpu.memory_space<hbm>> -> memref<1x512xi32, #tpu.memory_space<hbm>>
        %dma_wait3A_370 = tpu.memref_squeeze %dma_wait3A_369 : memref<1x512xi32, #tpu.memory_space<hbm>> -> memref<512xi32, #tpu.memory_space<hbm>>
        tpu.wait_dma2 semaphore(%run_scoped3A : memref<!tpu.dma_semaphore, #tpu.memory_space<semaphore_mem>>) src(%dma_wait3A_370 : memref<512xi32, #tpu.memory_space<hbm>>) dst(%arg11 : memref<512xi32, #tpu.memory_space<vmem>>)
        tpu.yield
      }) : () -> ()
      %mul3A_290 = arith.constant 512 : i32
      %mul3A_291 = arith.muli %scan3A_285, %mul3A_290 : i32
      "tpu.region"() ({
        %run_scoped3A = tpu.sem_alloc : memref<!tpu.dma_semaphore, #tpu.memory_space<semaphore_mem>>
        %dma_start3A_363 = arith.constant 0 : i32
        %dma_start3A_364 = tpu.memref_slice %arg5[%add3A, %dma_start3A_363, %mul3A_291] : memref<32x4x5120xf32, #tpu.memory_space<hbm>> -> memref<1x4x512xf32, #tpu.memory_space<hbm>>
        %dma_start3A_365 = tpu.memref_squeeze %dma_start3A_364 : memref<1x4x512xf32, #tpu.memory_space<hbm>> -> memref<4x512xf32, #tpu.memory_space<hbm>>
        %dma_start3A_366 = arith.constant 0 : i32
        %dma_start3A_367 = tpu.memref_slice %arg5[%add3A, %dma_start3A_366, %mul3A_291] : memref<32x4x5120xf32, #tpu.memory_space<hbm>> -> memref<1x4x512xf32, #tpu.memory_space<hbm>>
        %dma_start3A_368 = tpu.memref_squeeze %dma_start3A_367 : memref<1x4x512xf32, #tpu.memory_space<hbm>> -> memref<4x512xf32, #tpu.memory_space<hbm>>
        tpu.enqueue_dma source(%dma_start3A_368 : memref<4x512xf32, #tpu.memory_space<hbm>>) target(%arg13 : memref<4x512xf32, #tpu.memory_space<vmem>>) target_semaphore(%run_scoped3A : memref<!tpu.dma_semaphore, #tpu.memory_space<semaphore_mem>>)
        %dma_wait3A_369 = arith.constant 0 : i32
        %dma_wait3A_370 = tpu.memref_slice %arg5[%add3A, %dma_wait3A_369, %mul3A_291] : memref<32x4x5120xf32, #tpu.memory_space<hbm>> -> memref<1x4x512xf32, #tpu.memory_space<hbm>>
        %dma_wait3A_371 = tpu.memref_squeeze %dma_wait3A_370 : memref<1x4x512xf32, #tpu.memory_space<hbm>> -> memref<4x512xf32, #tpu.memory_space<hbm>>
        %dma_wait3A_372 = arith.constant 0 : i32
        %dma_wait3A_373 = tpu.memref_slice %arg5[%add3A, %dma_wait3A_372, %mul3A_291] : memref<32x4x5120xf32, #tpu.memory_space<hbm>> -> memref<1x4x512xf32, #tpu.memory_space<hbm>>
        %dma_wait3A_374 = tpu.memref_squeeze %dma_wait3A_373 : memref<1x4x512xf32, #tpu.memory_space<hbm>> -> memref<4x512xf32, #tpu.memory_space<hbm>>
        tpu.wait_dma2 semaphore(%run_scoped3A : memref<!tpu.dma_semaphore, #tpu.memory_space<semaphore_mem>>) src(%dma_wait3A_374 : memref<4x512xf32, #tpu.memory_space<hbm>>) dst(%arg13 : memref<4x512xf32, #tpu.memory_space<vmem>>)
        tpu.yield
      }) : () -> ()
      %scan3A_292 = arith.constant 0 : i32
      %scan3A_293 = arith.constant 32 : i32
      %scan3A_294 = arith.addi %scan3A_292, %scan3A_293 : i32
      %scan3A_295 = arith.constant 1 : i32
      scf.for %scan3A_363 = %scan3A_292 to %scan3A_294 step %scan3A_295  : i32 {
        %mul3A_364 = arith.constant 16 : i32
        %mul3A_365 = arith.muli %scan3A_363, %mul3A_364 : i32
        %get3A = arith.index_cast %mul3A_365 : i32 to index
        %get3A_366 = tpu.vector_load %arg11[%get3A] {strides = array<i32>} : memref<512xi32, #tpu.memory_space<vmem>>, vector<16xi32>,
        %swap3A_367 = arith.index_cast %scan3A_363 : i32 to index
        %swap3A_368 = arith.constant 0 : index
        %swap3A_369 = tpu.vector_load %arg12[%swap3A_367, %swap3A_368] {strides = array<i32>} : memref<32x16xi32, #tpu.memory_space<vmem>>, vector<16xi32>,
        tpu.vector_store %arg12[%swap3A_367, %swap3A_368], %get3A_366 {strides = array<i32>} : memref<32x16xi32, #tpu.memory_space<vmem>>, vector<16xi32>,
      }
      %scan3A_296 = arith.constant 32 : i32
      %scan3A_297 = arith.constant 0 : i32
      %scan3A_298 = arith.constant 128 : i32
      %scan3A_299 = arith.addi %scan3A_297, %scan3A_298 : i32
      %scan3A_300 = arith.constant 1 : i32
      scf.for %scan3A_363 = %scan3A_297 to %scan3A_299 step %scan3A_300  : i32 {
        %jit3A_364 = arith.constant 8 : i32
        %div3A = arith.divsi %scan3A_363, %jit3A_364 : i32
        %sign3A = arith.constant 0 : i32
        %sign3A_365 = arith.cmpi sgt, %scan3A_363, %sign3A : i32
        %sign3A_366 = arith.extui %sign3A_365 : i1 to i32
        %sign3A_367 = arith.constant 0 : i32
        %sign3A_368 = arith.cmpi slt, %scan3A_363, %sign3A_367 : i32
        %sign3A_369 = arith.extui %sign3A_368 : i1 to i32
        %sign3A_370 = arith.subi %sign3A_366, %sign3A_369 : i32
        %sign3A_371 = arith.constant 0 : i32
        %sign3A_372 = arith.cmpi sgt, %jit3A_364, %sign3A_371 : i32
        %sign3A_373 = arith.extui %sign3A_372 : i1 to i32
        %sign3A_374 = arith.constant 0 : i32
        %sign3A_375 = arith.cmpi slt, %jit3A_364, %sign3A_374 : i32
        %sign3A_376 = arith.extui %sign3A_375 : i1 to i32
        %sign3A_377 = arith.subi %sign3A_373, %sign3A_376 : i32
        %ne3A = arith.cmpi ne, %sign3A_370, %sign3A_377 : i32
        %rem3A = arith.remsi %scan3A_363, %jit3A_364 : i32
        %ne3A_378 = arith.constant 0 : i32
        %ne3A_379 = arith.cmpi ne, %rem3A, %ne3A_378 : i32
        %and3A = arith.andi %ne3A, %ne3A_379 : i1
        %sub3A = arith.constant 1 : i32
        %sub3A_380 = arith.subi %div3A, %sub3A : i32
        %select_n3A_381 = arith.select %and3A, %sub3A_380, %div3A : i32
        %jit3A_382 = arith.constant 8 : i32
        %eq3A_383 = arith.constant 0 : i32
        %eq3A_384 = arith.cmpi eq, %jit3A_382, %eq3A_383 : i32
        %jit3A_385 = arith.constant 1 : i32
        %select_n3A_386 = arith.select %eq3A_384, %jit3A_385, %jit3A_382 : i32
        %rem3A_387 = arith.remsi %scan3A_363, %select_n3A_386 : i32
        %ne3A_388 = arith.constant 0 : i32
        %ne3A_389 = arith.cmpi ne, %rem3A_387, %ne3A_388 : i32
        %lt3A = arith.constant 0 : i32
        %lt3A_390 = arith.cmpi slt, %rem3A_387, %lt3A : i32
        %lt3A_391 = arith.constant 0 : i32
        %lt3A_392 = arith.cmpi slt, %select_n3A_386, %lt3A_391 : i32
        %ne3A_393 = arith.xori %lt3A_390, %lt3A_392 : i1
        %and3A_394 = arith.andi %ne3A_393, %ne3A_389 : i1
        %add3A_395 = arith.addi %rem3A_387, %select_n3A_386 : i32
        %select_n3A_396 = arith.select %and3A_394, %add3A_395, %rem3A_387 : i32
        %mul3A_397 = arith.constant 16 : i32
        %mul3A_398 = arith.muli %select_n3A_396, %mul3A_397 : i32
        %jit3A_399 = arith.constant 4 : i32
        %eq3A_400 = arith.constant 0 : i32
        %eq3A_401 = arith.cmpi eq, %jit3A_399, %eq3A_400 : i32
        %jit3A_402 = arith.constant 1 : i32
        %select_n3A_403 = arith.select %eq3A_401, %jit3A_402, %jit3A_399 : i32
        %rem3A_404 = arith.remsi %select_n3A_381, %select_n3A_403 : i32
        %ne3A_405 = arith.constant 0 : i32
        %ne3A_406 = arith.cmpi ne, %rem3A_404, %ne3A_405 : i32
        %lt3A_407 = arith.constant 0 : i32
        %lt3A_408 = arith.cmpi slt, %rem3A_404, %lt3A_407 : i32
        %lt3A_409 = arith.constant 0 : i32
        %lt3A_410 = arith.cmpi slt, %select_n3A_403, %lt3A_409 : i32
        %ne3A_411 = arith.xori %lt3A_408, %lt3A_410 : i1
        %and3A_412 = arith.andi %ne3A_411, %ne3A_406 : i1
        %add3A_413 = arith.addi %rem3A_404, %select_n3A_403 : i32
        %select_n3A_414 = arith.select %and3A_412, %add3A_413, %rem3A_404 : i32
        %mul3A_415 = arith.constant 128 : i32
        %mul3A_416 = arith.muli %select_n3A_414, %mul3A_415 : i32
        %add3A_417 = arith.addi %mul3A_416, %mul3A_398 : i32
        %get3A = arith.index_cast %add3A_417 : i32 to index
        %get3A_418 = tpu.vector_load %arg11[%get3A] {strides = array<i32>} : memref<512xi32, #tpu.memory_space<vmem>>, vector<16xi32>,
        %jit3A_419 = arith.constant 4 : i32
        %div3A_420 = arith.divsi %select_n3A_381, %jit3A_419 : i32
        %sign3A_421 = arith.constant 0 : i32
        %sign3A_422 = arith.cmpi sgt, %select_n3A_381, %sign3A_421 : i32
        %sign3A_423 = arith.extui %sign3A_422 : i1 to i32
        %sign3A_424 = arith.constant 0 : i32
        %sign3A_425 = arith.cmpi slt, %select_n3A_381, %sign3A_424 : i32
        %sign3A_426 = arith.extui %sign3A_425 : i1 to i32
        %sign3A_427 = arith.subi %sign3A_423, %sign3A_426 : i32
        %sign3A_428 = arith.constant 0 : i32
        %sign3A_429 = arith.cmpi sgt, %jit3A_419, %sign3A_428 : i32
        %sign3A_430 = arith.extui %sign3A_429 : i1 to i32
        %sign3A_431 = arith.constant 0 : i32
        %sign3A_432 = arith.cmpi slt, %jit3A_419, %sign3A_431 : i32
        %sign3A_433 = arith.extui %sign3A_432 : i1 to i32
        %sign3A_434 = arith.subi %sign3A_430, %sign3A_433 : i32
        %ne3A_435 = arith.cmpi ne, %sign3A_427, %sign3A_434 : i32
        %rem3A_436 = arith.remsi %select_n3A_381, %jit3A_419 : i32
        %ne3A_437 = arith.constant 0 : i32
        %ne3A_438 = arith.cmpi ne, %rem3A_436, %ne3A_437 : i32
        %and3A_439 = arith.andi %ne3A_435, %ne3A_438 : i1
        %sub3A_440 = arith.constant 1 : i32
        %sub3A_441 = arith.subi %div3A_420, %sub3A_440 : i32
        %select_n3A_442 = arith.select %and3A_439, %sub3A_441, %div3A_420 : i32
        %mul3A_443 = arith.constant 10000 : i32
        %mul3A_444 = arith.muli %select_n3A_442, %mul3A_443 : i32
        %add3A_445 = vector.broadcast %mul3A_444 : i32 to vector<16xi32>
        %add3A_446 = arith.addi %get3A_418, %add3A_445 : vector<16xi32>
        %swap3A_447 = arith.index_cast %select_n3A_381 : i32 to index
        %swap3A_448 = arith.index_cast %mul3A_398 : i32 to index
        %swap3A_449 = tpu.vector_load %arg14[%swap3A_447, %swap3A_448] {strides = array<i32>} : memref<16x128xi32, #tpu.memory_space<vmem>>, vector<16xi32>,
        tpu.vector_store %arg14[%swap3A_447, %swap3A_448], %add3A_446 {strides = array<i32>} : memref<16x128xi32, #tpu.memory_space<vmem>>, vector<16xi32>,
      }
      %scan3A_301 = arith.constant 128 : i32
      %scan3A_302 = arith.constant 0 : i32
      %scan3A_303 = arith.constant 16 : i32
      %scan3A_304 = arith.addi %scan3A_302, %scan3A_303 : i32
      %scan3A_305 = arith.constant 1 : i32
      scf.for %scan3A_363 = %scan3A_302 to %scan3A_304 step %scan3A_305  : i32 {
        %dma_start3A_364 = arith.constant 0 : i32
        %dma_start3A_365 = tpu.memref_slice %arg15[%scan3A_363, %dma_start3A_364] : memref<16x128xf32, #tpu.memory_space<vmem>> -> memref<1x128xf32, #tpu.memory_space<vmem>>
        %dma_start3A_366 = tpu.memref_squeeze %dma_start3A_365 : memref<1x128xf32, #tpu.memory_space<vmem>> -> memref<128xf32, #tpu.memory_space<vmem>>
        %dma_start3A_367 = arith.constant 0 : i32
        %dma_start3A_368 = tpu.memref_slice %arg14[%scan3A_363, %dma_start3A_367] : memref<16x128xi32, #tpu.memory_space<vmem>> -> memref<1x128xi32, #tpu.memory_space<vmem>>
        %dma_start3A_369 = tpu.memref_squeeze %dma_start3A_368 : memref<1x128xi32, #tpu.memory_space<vmem>> -> memref<128xi32, #tpu.memory_space<vmem>>
        %dma_start3A_370 = arith.constant 0 : i32
        %dma_start3A_371 = tpu.memref_slice %arg9[%dma_start3A_370] : memref<40960xf32, #tpu.memory_space<vmem_shared>> -> memref<40960xf32, #tpu.memory_space<vmem_shared>>
        tpu.enqueue_indirect_dma source(%dma_start3A_371 : memref<40960xf32, #tpu.memory_space<vmem_shared>>) target(%dma_start3A_366 : memref<128xf32, #tpu.memory_space<vmem>>) offsets(%dma_start3A_369 : memref<128xi32, #tpu.memory_space<vmem>>) semaphore(%arg19 : memref<!tpu.dma_semaphore, #tpu.memory_space<semaphore_mem>>)
      }
      %scan3A_306 = arith.constant 16 : i32
      %scan3A_307 = arith.constant 0 : i32
      %scan3A_308 = arith.constant 16 : i32
      %scan3A_309 = arith.addi %scan3A_307, %scan3A_308 : i32
      %scan3A_310 = arith.constant 1 : i32
      scf.for %scan3A_363 = %scan3A_307 to %scan3A_309 step %scan3A_310  : i32 {
        %dma_wait3A_364 = arith.constant 0 : i32
        %dma_wait3A_365 = tpu.memref_slice %arg15[%scan3A_363, %dma_wait3A_364] : memref<16x128xf32, #tpu.memory_space<vmem>> -> memref<1x128xf32, #tpu.memory_space<vmem>>
        %dma_wait3A_366 = tpu.memref_squeeze %dma_wait3A_365 : memref<1x128xf32, #tpu.memory_space<vmem>> -> memref<128xf32, #tpu.memory_space<vmem>>
        %dma_wait3A_367 = arith.constant 0 : i32
        %dma_wait3A_368 = tpu.memref_slice %arg14[%scan3A_363, %dma_wait3A_367] : memref<16x128xi32, #tpu.memory_space<vmem>> -> memref<1x128xi32, #tpu.memory_space<vmem>>
        %dma_wait3A_369 = tpu.memref_squeeze %dma_wait3A_368 : memref<1x128xi32, #tpu.memory_space<vmem>> -> memref<128xi32, #tpu.memory_space<vmem>>
        %dma_wait3A_370 = arith.constant 0 : i32
        %dma_wait3A_371 = tpu.memref_slice %arg9[%dma_wait3A_370] : memref<40960xf32, #tpu.memory_space<vmem_shared>> -> memref<40960xf32, #tpu.memory_space<vmem_shared>>
        tpu.wait_indirect_dma semaphore(%arg19 : memref<!tpu.dma_semaphore, #tpu.memory_space<semaphore_mem>>) src(%dma_wait3A_371 : memref<40960xf32, #tpu.memory_space<vmem_shared>>) dst(%dma_wait3A_366 : memref<128xf32, #tpu.memory_space<vmem>>)
      }
      %scan3A_311 = arith.constant 16 : i32
      %scan3A_312 = arith.constant 0 : i32
      %scan3A_313 = arith.constant 32 : i32
      %scan3A_314 = arith.addi %scan3A_312, %scan3A_313 : i32
      %scan3A_315 = arith.constant 1 : i32
      scf.for %scan3A_363 = %scan3A_312 to %scan3A_314 step %scan3A_315  : i32 {
        %mul3A_364 = arith.constant 16 : i32
        %mul3A_365 = arith.muli %scan3A_363, %mul3A_364 : i32
        %add3A_366 = arith.constant 0 : i32
        %add3A_367 = arith.addi %add3A_366, %mul3A_365 : i32
        %mul3A_368 = arith.constant 512 : i32
        %mul3A_369 = arith.muli %scan3A_285, %mul3A_368 : i32
        %add3A_370 = arith.addi %mul3A_369, %mul3A_365 : i32
        %add3A_371 = vector.broadcast %add3A_370 : i32 to vector<16xi32>
        %add3A_372 = arith.addi %add3A_371, %iota3A : vector<16xi32>
        %lt3A = arith.constant 5000 : i32
        %lt3A_373 = vector.broadcast %lt3A : i32 to vector<16xi32>
        %lt3A_374 = arith.cmpi slt, %add3A_372, %lt3A_373 : vector<16xi32>
        %get3A = arith.constant 0 : i32
        %get3A_375 = arith.index_cast %get3A : i32 to index
        %get3A_376 = arith.index_cast %mul3A_365 : i32 to index
        %get3A_377 = tpu.vector_load %arg13[%get3A_375, %get3A_376] {strides = array<i32>} : memref<4x512xf32, #tpu.memory_space<vmem>>, vector<16xf32>,
        %jit3A_378 = arith.constant 128 : i32
        %div3A = arith.divsi %add3A_367, %jit3A_378 : i32
        %sign3A = arith.constant 0 : i32
        %sign3A_379 = arith.cmpi sgt, %add3A_367, %sign3A : i32
        %sign3A_380 = arith.extui %sign3A_379 : i1 to i32
        %sign3A_381 = arith.constant 0 : i32
        %sign3A_382 = arith.cmpi slt, %add3A_367, %sign3A_381 : i32
        %sign3A_383 = arith.extui %sign3A_382 : i1 to i32
        %sign3A_384 = arith.subi %sign3A_380, %sign3A_383 : i32
        %sign3A_385 = arith.constant 0 : i32
        %sign3A_386 = arith.cmpi sgt, %jit3A_378, %sign3A_385 : i32
        %sign3A_387 = arith.extui %sign3A_386 : i1 to i32
        %sign3A_388 = arith.constant 0 : i32
        %sign3A_389 = arith.cmpi slt, %jit3A_378, %sign3A_388 : i32
        %sign3A_390 = arith.extui %sign3A_389 : i1 to i32
        %sign3A_391 = arith.subi %sign3A_387, %sign3A_390 : i32
        %ne3A = arith.cmpi ne, %sign3A_384, %sign3A_391 : i32
        %rem3A = arith.remsi %add3A_367, %jit3A_378 : i32
        %ne3A_392 = arith.constant 0 : i32
        %ne3A_393 = arith.cmpi ne, %rem3A, %ne3A_392 : i32
        %and3A = arith.andi %ne3A, %ne3A_393 : i1
        %sub3A = arith.constant 1 : i32
        %sub3A_394 = arith.subi %div3A, %sub3A : i32
        %select_n3A_395 = arith.select %and3A, %sub3A_394, %div3A : i32
        %jit3A_396 = arith.constant 128 : i32
        %eq3A_397 = arith.constant 0 : i32
        %eq3A_398 = arith.cmpi eq, %jit3A_396, %eq3A_397 : i32
        %jit3A_399 = arith.constant 1 : i32
        %select_n3A_400 = arith.select %eq3A_398, %jit3A_399, %jit3A_396 : i32
        %rem3A_401 = arith.remsi %add3A_367, %select_n3A_400 : i32
        %ne3A_402 = arith.constant 0 : i32
        %ne3A_403 = arith.cmpi ne, %rem3A_401, %ne3A_402 : i32
        %lt3A_404 = arith.constant 0 : i32
        %lt3A_405 = arith.cmpi slt, %rem3A_401, %lt3A_404 : i32
        %lt3A_406 = arith.constant 0 : i32
        %lt3A_407 = arith.cmpi slt, %select_n3A_400, %lt3A_406 : i32
        %ne3A_408 = arith.xori %lt3A_405, %lt3A_407 : i1
        %and3A_409 = arith.andi %ne3A_408, %ne3A_403 : i1
        %add3A_410 = arith.addi %rem3A_401, %select_n3A_400 : i32
        %select_n3A_411 = arith.select %and3A_409, %add3A_410, %rem3A_401 : i32
        %get3A_412 = arith.index_cast %select_n3A_395 : i32 to index
        %get3A_413 = arith.index_cast %select_n3A_411 : i32 to index
        %get3A_414 = tpu.vector_load %arg15[%get3A_412, %get3A_413] {strides = array<i32>} : memref<16x128xf32, #tpu.memory_space<vmem>>, vector<16xf32>,
        %mul3A_415 = arith.mulf %get3A_377, %get3A_414 : vector<16xf32>
        %jit3A_416 = arith.constant 0.000000e+00 : f32
        %broadcast_in_dim3A_417 = vector.broadcast %jit3A_416 : f32 to vector<16xf32>
        %select_n3A_418 = arith.select %lt3A_374, %mul3A_415, %broadcast_in_dim3A_417 : vector<16xi1>, vector<16xf32>
        %swap3A_419 = arith.constant 0 : i32
        %swap3A_420 = arith.index_cast %swap3A_419 : i32 to index
        %swap3A_421 = arith.index_cast %mul3A_365 : i32 to index
        %swap3A_422 = tpu.vector_load %arg13[%swap3A_420, %swap3A_421] {strides = array<i32>} : memref<4x512xf32, #tpu.memory_space<vmem>>, vector<16xf32>,
        tpu.vector_store %arg13[%swap3A_420, %swap3A_421], %select_n3A_418 {strides = array<i32>} : memref<4x512xf32, #tpu.memory_space<vmem>>, vector<16xf32>,
      }
      %scan3A_316 = arith.constant 32 : i32
      %scan3A_317 = arith.constant 0 : i32
      %scan3A_318 = arith.constant 32 : i32
      %scan3A_319 = arith.addi %scan3A_317, %scan3A_318 : i32
      %scan3A_320 = arith.constant 1 : i32
      scf.for %scan3A_363 = %scan3A_317 to %scan3A_319 step %scan3A_320  : i32 {
        %mul3A_364 = arith.constant 16 : i32
        %mul3A_365 = arith.muli %scan3A_363, %mul3A_364 : i32
        %add3A_366 = arith.constant 512 : i32
        %add3A_367 = arith.addi %add3A_366, %mul3A_365 : i32
        %mul3A_368 = arith.constant 512 : i32
        %mul3A_369 = arith.muli %scan3A_285, %mul3A_368 : i32
        %add3A_370 = arith.addi %mul3A_369, %mul3A_365 : i32
        %add3A_371 = vector.broadcast %add3A_370 : i32 to vector<16xi32>
        %add3A_372 = arith.addi %add3A_371, %iota3A : vector<16xi32>
        %lt3A = arith.constant 5000 : i32
        %lt3A_373 = vector.broadcast %lt3A : i32 to vector<16xi32>
        %lt3A_374 = arith.cmpi slt, %add3A_372, %lt3A_373 : vector<16xi32>
        %get3A = arith.constant 1 : i32
        %get3A_375 = arith.index_cast %get3A : i32 to index
        %get3A_376 = arith.index_cast %mul3A_365 : i32 to index
        %get3A_377 = tpu.vector_load %arg13[%get3A_375, %get3A_376] {strides = array<i32>} : memref<4x512xf32, #tpu.memory_space<vmem>>, vector<16xf32>,
        %jit3A_378 = arith.constant 128 : i32
        %div3A = arith.divsi %add3A_367, %jit3A_378 : i32
        %sign3A = arith.constant 0 : i32
        %sign3A_379 = arith.cmpi sgt, %add3A_367, %sign3A : i32
        %sign3A_380 = arith.extui %sign3A_379 : i1 to i32
        %sign3A_381 = arith.constant 0 : i32
        %sign3A_382 = arith.cmpi slt, %add3A_367, %sign3A_381 : i32
        %sign3A_383 = arith.extui %sign3A_382 : i1 to i32
        %sign3A_384 = arith.subi %sign3A_380, %sign3A_383 : i32
        %sign3A_385 = arith.constant 0 : i32
        %sign3A_386 = arith.cmpi sgt, %jit3A_378, %sign3A_385 : i32
        %sign3A_387 = arith.extui %sign3A_386 : i1 to i32
        %sign3A_388 = arith.constant 0 : i32
        %sign3A_389 = arith.cmpi slt, %jit3A_378, %sign3A_388 : i32
        %sign3A_390 = arith.extui %sign3A_389 : i1 to i32
        %sign3A_391 = arith.subi %sign3A_387, %sign3A_390 : i32
        %ne3A = arith.cmpi ne, %sign3A_384, %sign3A_391 : i32
        %rem3A = arith.remsi %add3A_367, %jit3A_378 : i32
        %ne3A_392 = arith.constant 0 : i32
        %ne3A_393 = arith.cmpi ne, %rem3A, %ne3A_392 : i32
        %and3A = arith.andi %ne3A, %ne3A_393 : i1
        %sub3A = arith.constant 1 : i32
        %sub3A_394 = arith.subi %div3A, %sub3A : i32
        %select_n3A_395 = arith.select %and3A, %sub3A_394, %div3A : i32
        %jit3A_396 = arith.constant 128 : i32
        %eq3A_397 = arith.constant 0 : i32
        %eq3A_398 = arith.cmpi eq, %jit3A_396, %eq3A_397 : i32
        %jit3A_399 = arith.constant 1 : i32
        %select_n3A_400 = arith.select %eq3A_398, %jit3A_399, %jit3A_396 : i32
        %rem3A_401 = arith.remsi %add3A_367, %select_n3A_400 : i32
        %ne3A_402 = arith.constant 0 : i32
        %ne3A_403 = arith.cmpi ne, %rem3A_401, %ne3A_402 : i32
        %lt3A_404 = arith.constant 0 : i32
        %lt3A_405 = arith.cmpi slt, %rem3A_401, %lt3A_404 : i32
        %lt3A_406 = arith.constant 0 : i32
        %lt3A_407 = arith.cmpi slt, %select_n3A_400, %lt3A_406 : i32
        %ne3A_408 = arith.xori %lt3A_405, %lt3A_407 : i1
        %and3A_409 = arith.andi %ne3A_408, %ne3A_403 : i1
        %add3A_410 = arith.addi %rem3A_401, %select_n3A_400 : i32
        %select_n3A_411 = arith.select %and3A_409, %add3A_410, %rem3A_401 : i32
        %get3A_412 = arith.index_cast %select_n3A_395 : i32 to index
        %get3A_413 = arith.index_cast %select_n3A_411 : i32 to index
        %get3A_414 = tpu.vector_load %arg15[%get3A_412, %get3A_413] {strides = array<i32>} : memref<16x128xf32, #tpu.memory_space<vmem>>, vector<16xf32>,
        %mul3A_415 = arith.mulf %get3A_377, %get3A_414 : vector<16xf32>
        %jit3A_416 = arith.constant 0.000000e+00 : f32
        %broadcast_in_dim3A_417 = vector.broadcast %jit3A_416 : f32 to vector<16xf32>
        %select_n3A_418 = arith.select %lt3A_374, %mul3A_415, %broadcast_in_dim3A_417 : vector<16xi1>, vector<16xf32>
        %swap3A_419 = arith.constant 1 : i32
        %swap3A_420 = arith.index_cast %swap3A_419 : i32 to index
        %swap3A_421 = arith.index_cast %mul3A_365 : i32 to index
        %swap3A_422 = tpu.vector_load %arg13[%swap3A_420, %swap3A_421] {strides = array<i32>} : memref<4x512xf32, #tpu.memory_space<vmem>>, vector<16xf32>,
        tpu.vector_store %arg13[%swap3A_420, %swap3A_421], %select_n3A_418 {strides = array<i32>} : memref<4x512xf32, #tpu.memory_space<vmem>>, vector<16xf32>,
      }
      %scan3A_321 = arith.constant 32 : i32
      %scan3A_322 = arith.constant 0 : i32
      %scan3A_323 = arith.constant 32 : i32
      %scan3A_324 = arith.addi %scan3A_322, %scan3A_323 : i32
      %scan3A_325 = arith.constant 1 : i32
      scf.for %scan3A_363 = %scan3A_322 to %scan3A_324 step %scan3A_325  : i32 {
        %mul3A_364 = arith.constant 16 : i32
        %mul3A_365 = arith.muli %scan3A_363, %mul3A_364 : i32
        %add3A_366 = arith.constant 1024 : i32
        %add3A_367 = arith.addi %add3A_366, %mul3A_365 : i32
        %mul3A_368 = arith.constant 512 : i32
        %mul3A_369 = arith.muli %scan3A_285, %mul3A_368 : i32
        %add3A_370 = arith.addi %mul3A_369, %mul3A_365 : i32
        %add3A_371 = vector.broadcast %add3A_370 : i32 to vector<16xi32>
        %add3A_372 = arith.addi %add3A_371, %iota3A : vector<16xi32>
        %lt3A = arith.constant 5000 : i32
        %lt3A_373 = vector.broadcast %lt3A : i32 to vector<16xi32>
        %lt3A_374 = arith.cmpi slt, %add3A_372, %lt3A_373 : vector<16xi32>
        %get3A = arith.constant 2 : i32
        %get3A_375 = arith.index_cast %get3A : i32 to index
        %get3A_376 = arith.index_cast %mul3A_365 : i32 to index
        %get3A_377 = tpu.vector_load %arg13[%get3A_375, %get3A_376] {strides = array<i32>} : memref<4x512xf32, #tpu.memory_space<vmem>>, vector<16xf32>,
        %jit3A_378 = arith.constant 128 : i32
        %div3A = arith.divsi %add3A_367, %jit3A_378 : i32
        %sign3A = arith.constant 0 : i32
        %sign3A_379 = arith.cmpi sgt, %add3A_367, %sign3A : i32
        %sign3A_380 = arith.extui %sign3A_379 : i1 to i32
        %sign3A_381 = arith.constant 0 : i32
        %sign3A_382 = arith.cmpi slt, %add3A_367, %sign3A_381 : i32
        %sign3A_383 = arith.extui %sign3A_382 : i1 to i32
        %sign3A_384 = arith.subi %sign3A_380, %sign3A_383 : i32
        %sign3A_385 = arith.constant 0 : i32
        %sign3A_386 = arith.cmpi sgt, %jit3A_378, %sign3A_385 : i32
        %sign3A_387 = arith.extui %sign3A_386 : i1 to i32
        %sign3A_388 = arith.constant 0 : i32
        %sign3A_389 = arith.cmpi slt, %jit3A_378, %sign3A_388 : i32
        %sign3A_390 = arith.extui %sign3A_389 : i1 to i32
        %sign3A_391 = arith.subi %sign3A_387, %sign3A_390 : i32
        %ne3A = arith.cmpi ne, %sign3A_384, %sign3A_391 : i32
        %rem3A = arith.remsi %add3A_367, %jit3A_378 : i32
        %ne3A_392 = arith.constant 0 : i32
        %ne3A_393 = arith.cmpi ne, %rem3A, %ne3A_392 : i32
        %and3A = arith.andi %ne3A, %ne3A_393 : i1
        %sub3A = arith.constant 1 : i32
        %sub3A_394 = arith.subi %div3A, %sub3A : i32
        %select_n3A_395 = arith.select %and3A, %sub3A_394, %div3A : i32
        %jit3A_396 = arith.constant 128 : i32
        %eq3A_397 = arith.constant 0 : i32
        %eq3A_398 = arith.cmpi eq, %jit3A_396, %eq3A_397 : i32
        %jit3A_399 = arith.constant 1 : i32
        %select_n3A_400 = arith.select %eq3A_398, %jit3A_399, %jit3A_396 : i32
        %rem3A_401 = arith.remsi %add3A_367, %select_n3A_400 : i32
        %ne3A_402 = arith.constant 0 : i32
        %ne3A_403 = arith.cmpi ne, %rem3A_401, %ne3A_402 : i32
        %lt3A_404 = arith.constant 0 : i32
        %lt3A_405 = arith.cmpi slt, %rem3A_401, %lt3A_404 : i32
        %lt3A_406 = arith.constant 0 : i32
        %lt3A_407 = arith.cmpi slt, %select_n3A_400, %lt3A_406 : i32
        %ne3A_408 = arith.xori %lt3A_405, %lt3A_407 : i1
        %and3A_409 = arith.andi %ne3A_408, %ne3A_403 : i1
        %add3A_410 = arith.addi %rem3A_401, %select_n3A_400 : i32
        %select_n3A_411 = arith.select %and3A_409, %add3A_410, %rem3A_401 : i32
        %get3A_412 = arith.index_cast %select_n3A_395 : i32 to index
        %get3A_413 = arith.index_cast %select_n3A_411 : i32 to index
        %get3A_414 = tpu.vector_load %arg15[%get3A_412, %get3A_413] {strides = array<i32>} : memref<16x128xf32, #tpu.memory_space<vmem>>, vector<16xf32>,
        %mul3A_415 = arith.mulf %get3A_377, %get3A_414 : vector<16xf32>
        %jit3A_416 = arith.constant 0.000000e+00 : f32
        %broadcast_in_dim3A_417 = vector.broadcast %jit3A_416 : f32 to vector<16xf32>
        %select_n3A_418 = arith.select %lt3A_374, %mul3A_415, %broadcast_in_dim3A_417 : vector<16xi1>, vector<16xf32>
        %swap3A_419 = arith.constant 2 : i32
        %swap3A_420 = arith.index_cast %swap3A_419 : i32 to index
        %swap3A_421 = arith.index_cast %mul3A_365 : i32 to index
        %swap3A_422 = tpu.vector_load %arg13[%swap3A_420, %swap3A_421] {strides = array<i32>} : memref<4x512xf32, #tpu.memory_space<vmem>>, vector<16xf32>,
        tpu.vector_store %arg13[%swap3A_420, %swap3A_421], %select_n3A_418 {strides = array<i32>} : memref<4x512xf32, #tpu.memory_space<vmem>>, vector<16xf32>,
      }
      %scan3A_326 = arith.constant 32 : i32
      %scan3A_327 = arith.constant 0 : i32
      %scan3A_328 = arith.constant 32 : i32
      %scan3A_329 = arith.addi %scan3A_327, %scan3A_328 : i32
      %scan3A_330 = arith.constant 1 : i32
      scf.for %scan3A_363 = %scan3A_327 to %scan3A_329 step %scan3A_330  : i32 {
        %mul3A_364 = arith.constant 16 : i32
        %mul3A_365 = arith.muli %scan3A_363, %mul3A_364 : i32
        %add3A_366 = arith.constant 1536 : i32
        %add3A_367 = arith.addi %add3A_366, %mul3A_365 : i32
        %mul3A_368 = arith.constant 512 : i32
        %mul3A_369 = arith.muli %scan3A_285, %mul3A_368 : i32
        %add3A_370 = arith.addi %mul3A_369, %mul3A_365 : i32
        %add3A_371 = vector.broadcast %add3A_370 : i32 to vector<16xi32>
        %add3A_372 = arith.addi %add3A_371, %iota3A : vector<16xi32>
        %lt3A = arith.constant 5000 : i32
        %lt3A_373 = vector.broadcast %lt3A : i32 to vector<16xi32>
        %lt3A_374 = arith.cmpi slt, %add3A_372, %lt3A_373 : vector<16xi32>
        %get3A = arith.constant 3 : i32
        %get3A_375 = arith.index_cast %get3A : i32 to index
        %get3A_376 = arith.index_cast %mul3A_365 : i32 to index
        %get3A_377 = tpu.vector_load %arg13[%get3A_375, %get3A_376] {strides = array<i32>} : memref<4x512xf32, #tpu.memory_space<vmem>>, vector<16xf32>,
        %jit3A_378 = arith.constant 128 : i32
        %div3A = arith.divsi %add3A_367, %jit3A_378 : i32
        %sign3A = arith.constant 0 : i32
        %sign3A_379 = arith.cmpi sgt, %add3A_367, %sign3A : i32
        %sign3A_380 = arith.extui %sign3A_379 : i1 to i32
        %sign3A_381 = arith.constant 0 : i32
        %sign3A_382 = arith.cmpi slt, %add3A_367, %sign3A_381 : i32
        %sign3A_383 = arith.extui %sign3A_382 : i1 to i32
        %sign3A_384 = arith.subi %sign3A_380, %sign3A_383 : i32
        %sign3A_385 = arith.constant 0 : i32
        %sign3A_386 = arith.cmpi sgt, %jit3A_378, %sign3A_385 : i32
        %sign3A_387 = arith.extui %sign3A_386 : i1 to i32
        %sign3A_388 = arith.constant 0 : i32
        %sign3A_389 = arith.cmpi slt, %jit3A_378, %sign3A_388 : i32
        %sign3A_390 = arith.extui %sign3A_389 : i1 to i32
        %sign3A_391 = arith.subi %sign3A_387, %sign3A_390 : i32
        %ne3A = arith.cmpi ne, %sign3A_384, %sign3A_391 : i32
        %rem3A = arith.remsi %add3A_367, %jit3A_378 : i32
        %ne3A_392 = arith.constant 0 : i32
        %ne3A_393 = arith.cmpi ne, %rem3A, %ne3A_392 : i32
        %and3A = arith.andi %ne3A, %ne3A_393 : i1
        %sub3A = arith.constant 1 : i32
        %sub3A_394 = arith.subi %div3A, %sub3A : i32
        %select_n3A_395 = arith.select %and3A, %sub3A_394, %div3A : i32
        %jit3A_396 = arith.constant 128 : i32
        %eq3A_397 = arith.constant 0 : i32
        %eq3A_398 = arith.cmpi eq, %jit3A_396, %eq3A_397 : i32
        %jit3A_399 = arith.constant 1 : i32
        %select_n3A_400 = arith.select %eq3A_398, %jit3A_399, %jit3A_396 : i32
        %rem3A_401 = arith.remsi %add3A_367, %select_n3A_400 : i32
        %ne3A_402 = arith.constant 0 : i32
        %ne3A_403 = arith.cmpi ne, %rem3A_401, %ne3A_402 : i32
        %lt3A_404 = arith.constant 0 : i32
        %lt3A_405 = arith.cmpi slt, %rem3A_401, %lt3A_404 : i32
        %lt3A_406 = arith.constant 0 : i32
        %lt3A_407 = arith.cmpi slt, %select_n3A_400, %lt3A_406 : i32
        %ne3A_408 = arith.xori %lt3A_405, %lt3A_407 : i1
        %and3A_409 = arith.andi %ne3A_408, %ne3A_403 : i1
        %add3A_410 = arith.addi %rem3A_401, %select_n3A_400 : i32
        %select_n3A_411 = arith.select %and3A_409, %add3A_410, %rem3A_401 : i32
        %get3A_412 = arith.index_cast %select_n3A_395 : i32 to index
        %get3A_413 = arith.index_cast %select_n3A_411 : i32 to index
        %get3A_414 = tpu.vector_load %arg15[%get3A_412, %get3A_413] {strides = array<i32>} : memref<16x128xf32, #tpu.memory_space<vmem>>, vector<16xf32>,
        %mul3A_415 = arith.mulf %get3A_377, %get3A_414 : vector<16xf32>
        %jit3A_416 = arith.constant 0.000000e+00 : f32
        %broadcast_in_dim3A_417 = vector.broadcast %jit3A_416 : f32 to vector<16xf32>
        %select_n3A_418 = arith.select %lt3A_374, %mul3A_415, %broadcast_in_dim3A_417 : vector<16xi1>, vector<16xf32>
        %swap3A_419 = arith.constant 3 : i32
        %swap3A_420 = arith.index_cast %swap3A_419 : i32 to index
        %swap3A_421 = arith.index_cast %mul3A_365 : i32 to index
        %swap3A_422 = tpu.vector_load %arg13[%swap3A_420, %swap3A_421] {strides = array<i32>} : memref<4x512xf32, #tpu.memory_space<vmem>>, vector<16xf32>,
        tpu.vector_store %arg13[%swap3A_420, %swap3A_421], %select_n3A_418 {strides = array<i32>} : memref<4x512xf32, #tpu.memory_space<vmem>>, vector<16xf32>,
      }
      %scan3A_331 = arith.constant 32 : i32
      %dma_start3A = arith.constant 0 : i32
      %dma_start3A_332 = arith.constant 0 : i32
      %dma_start3A_333 = tpu.memref_slice %arg16[%dma_start3A, %dma_start3A_332] : memref<32x512xf32, #tpu.memory_space<vmem>> -> memref<16x512xf32, #tpu.memory_space<vmem>>
      %dma_start3A_334 = arith.constant 0 : i32
      %dma_start3A_335 = tpu.memref_slice %arg10[%dma_start3A_334] : memref<512xi32, #tpu.memory_space<vmem>> -> memref<16xi32, #tpu.memory_space<vmem>>
      %dma_start3A_336 = arith.constant 0 : i32
      %dma_start3A_337 = arith.constant 0 : i32
      %dma_start3A_338 = tpu.memref_slice %arg2[%dma_start3A_336, %dma_start3A_337] : memref<10000x512xf32, #tpu.memory_space<hbm>> -> memref<10000x512xf32, #tpu.memory_space<hbm>>
      tpu.enqueue_indirect_dma source(%dma_start3A_338 : memref<10000x512xf32, #tpu.memory_space<hbm>>) target(%dma_start3A_333 : memref<16x512xf32, #tpu.memory_space<vmem>>) offsets(%dma_start3A_335 : memref<16xi32, #tpu.memory_space<vmem>>) semaphore(%arg19 : memref<!tpu.dma_semaphore, #tpu.memory_space<semaphore_mem>>)
      %scan3A_339 = arith.constant 0 : i32
      %scan3A_340 = arith.constant 32 : i32
      %scan3A_341 = arith.addi %scan3A_339, %scan3A_340 : i32
      %scan3A_342 = arith.constant 1 : i32
      scf.for %scan3A_363 = %scan3A_339 to %scan3A_341 step %scan3A_342  : i32 {
        %mul3A_364 = arith.constant 16 : i32
        %mul3A_365 = arith.muli %scan3A_363, %mul3A_364 : i32
        %jit3A_366 = arith.constant 2 : i32
        %eq3A_367 = arith.constant 0 : i32
        %eq3A_368 = arith.cmpi eq, %jit3A_366, %eq3A_367 : i32
        %jit3A_369 = arith.constant 1 : i32
        %select_n3A_370 = arith.select %eq3A_368, %jit3A_369, %jit3A_366 : i32
        %rem3A = arith.remsi %scan3A_363, %select_n3A_370 : i32
        %ne3A = arith.constant 0 : i32
        %ne3A_371 = arith.cmpi ne, %rem3A, %ne3A : i32
        %lt3A = arith.constant 0 : i32
        %lt3A_372 = arith.cmpi slt, %rem3A, %lt3A : i32
        %lt3A_373 = arith.constant 0 : i32
        %lt3A_374 = arith.cmpi slt, %select_n3A_370, %lt3A_373 : i32
        %ne3A_375 = arith.xori %lt3A_372, %lt3A_374 : i1
        %and3A = arith.andi %ne3A_375, %ne3A_371 : i1
        %add3A_376 = arith.addi %rem3A, %select_n3A_370 : i32
        %select_n3A_377 = arith.select %and3A, %add3A_376, %rem3A : i32
        %mul3A_378 = arith.constant 16 : i32
        %mul3A_379 = arith.muli %select_n3A_377, %mul3A_378 : i32
        %mul3A_380 = arith.constant 16 : i32
        %mul3A_381 = arith.muli %scan3A_363, %mul3A_380 : i32
        %dma_wait3A_382 = arith.constant 0 : i32
        %dma_wait3A_383 = tpu.memref_slice %arg16[%mul3A_379, %dma_wait3A_382] : memref<32x512xf32, #tpu.memory_space<vmem>> -> memref<16x512xf32, #tpu.memory_space<vmem>>
        %dma_wait3A_384 = tpu.memref_slice %arg10[%mul3A_381] : memref<512xi32, #tpu.memory_space<vmem>> -> memref<16xi32, #tpu.memory_space<vmem>>
        %dma_wait3A_385 = arith.constant 0 : i32
        %dma_wait3A_386 = arith.constant 0 : i32
        %dma_wait3A_387 = tpu.memref_slice %arg2[%dma_wait3A_385, %dma_wait3A_386] : memref<10000x512xf32, #tpu.memory_space<hbm>> -> memref<10000x512xf32, #tpu.memory_space<hbm>>
        tpu.wait_indirect_dma semaphore(%arg19 : memref<!tpu.dma_semaphore, #tpu.memory_space<semaphore_mem>>) src(%dma_wait3A_387 : memref<10000x512xf32, #tpu.memory_space<hbm>>) dst(%dma_wait3A_383 : memref<16x512xf32, #tpu.memory_space<vmem>>)
        %lt3A_388 = arith.constant 31 : i32
        %lt3A_389 = arith.cmpi slt, %scan3A_363, %lt3A_388 : i32
        %convert_element_type3A = arith.extui %lt3A_389 : i1 to i32
        %cond3A = arith.constant 0 : i32
        %cond3A_390 = arith.cmpi ne, %convert_element_type3A, %cond3A : i32
        scf.if %cond3A_390 {
          %add3A_487 = arith.constant 1 : i32
          %add3A_488 = arith.addi %scan3A_363, %add3A_487 : i32
          %sub3A = arith.constant 16 : i32
          %sub3A_489 = arith.subi %sub3A, %mul3A_379 : i32
          %mul3A_490 = arith.constant 16 : i32
          %mul3A_491 = arith.muli %add3A_488, %mul3A_490 : i32
          %dma_start3A_492 = arith.constant 0 : i32
          %dma_start3A_493 = tpu.memref_slice %arg16[%sub3A_489, %dma_start3A_492] : memref<32x512xf32, #tpu.memory_space<vmem>> -> memref<16x512xf32, #tpu.memory_space<vmem>>
          %dma_start3A_494 = tpu.memref_slice %arg10[%mul3A_491] : memref<512xi32, #tpu.memory_space<vmem>> -> memref<16xi32, #tpu.memory_space<vmem>>
          %dma_start3A_495 = arith.constant 0 : i32
          %dma_start3A_496 = arith.constant 0 : i32
          %dma_start3A_497 = tpu.memref_slice %arg2[%dma_start3A_495, %dma_start3A_496] : memref<10000x512xf32, #tpu.memory_space<hbm>> -> memref<10000x512xf32, #tpu.memory_space<hbm>>
          tpu.enqueue_indirect_dma source(%dma_start3A_497 : memref<10000x512xf32, #tpu.memory_space<hbm>>) target(%dma_start3A_493 : memref<16x512xf32, #tpu.memory_space<vmem>>) offsets(%dma_start3A_494 : memref<16xi32, #tpu.memory_space<vmem>>) semaphore(%arg19 : memref<!tpu.dma_semaphore, #tpu.memory_space<semaphore_mem>>)
        } else {
        }
        %ge3A = arith.constant 2 : i32
        %ge3A_391 = arith.cmpi sge, %scan3A_363, %ge3A : i32
        %jit3A_392 = arith.constant 2 : i32
        %eq3A_393 = arith.constant 0 : i32
        %eq3A_394 = arith.cmpi eq, %jit3A_392, %eq3A_393 : i32
        %jit3A_395 = arith.constant 1 : i32
        %select_n3A_396 = arith.select %eq3A_394, %jit3A_395, %jit3A_392 : i32
        %rem3A_397 = arith.remsi %scan3A_363, %select_n3A_396 : i32
        %ne3A_398 = arith.constant 0 : i32
        %ne3A_399 = arith.cmpi ne, %rem3A_397, %ne3A_398 : i32
        %lt3A_400 = arith.constant 0 : i32
        %lt3A_401 = arith.cmpi slt, %rem3A_397, %lt3A_400 : i32
        %lt3A_402 = arith.constant 0 : i32
        %lt3A_403 = arith.cmpi slt, %select_n3A_396, %lt3A_402 : i32
        %ne3A_404 = arith.xori %lt3A_401, %lt3A_403 : i1
        %and3A_405 = arith.andi %ne3A_404, %ne3A_399 : i1
        %add3A_406 = arith.addi %rem3A_397, %select_n3A_396 : i32
        %select_n3A_407 = arith.select %and3A_405, %add3A_406, %rem3A_397 : i32
        %eq3A_408 = arith.constant 0 : i32
        %eq3A_409 = arith.cmpi eq, %select_n3A_407, %eq3A_408 : i32
        %and3A_410 = arith.andi %ge3A_391, %eq3A_409 : i1
        %convert_element_type3A_411 = arith.extui %and3A_410 : i1 to i32
        %cond3A_412 = arith.constant 0 : i32
        %cond3A_413 = arith.cmpi ne, %convert_element_type3A_411, %cond3A_412 : i32
        scf.if %cond3A_413 {
          %dma_wait3A_487 = arith.constant 0 : i32
          %dma_wait3A_488 = arith.constant 0 : i32
          %dma_wait3A_489 = tpu.memref_slice %arg17[%dma_wait3A_487, %dma_wait3A_488] : memref<32x128xf32, #tpu.memory_space<vmem>> -> memref<16x128xf32, #tpu.memory_space<vmem>>
          %dma_wait3A_490 = arith.constant 0 : i32
          %dma_wait3A_491 = tpu.memref_slice %arg12[%scan3A_363, %dma_wait3A_490] : memref<32x16xi32, #tpu.memory_space<vmem>> -> memref<1x16xi32, #tpu.memory_space<vmem>>
          %dma_wait3A_492 = tpu.memref_squeeze %dma_wait3A_491 : memref<1x16xi32, #tpu.memory_space<vmem>> -> memref<16xi32, #tpu.memory_space<vmem>>
          %dma_wait3A_493 = arith.constant 0 : i32
          %dma_wait3A_494 = arith.constant 0 : i32
          %dma_wait3A_495 = tpu.memref_slice %arg8[%dma_wait3A_493, %dma_wait3A_494] : memref<10000x128xf32, #tpu.memory_space<vmem_shared>> -> memref<10000x128xf32, #tpu.memory_space<vmem_shared>>
          tpu.wait_indirect_dma semaphore(%arg20 : memref<!tpu.dma_semaphore, #tpu.memory_space<semaphore_mem>>) src(%dma_wait3A_489 : memref<16x128xf32, #tpu.memory_space<vmem>>) dst(%dma_wait3A_495 : memref<10000x128xf32, #tpu.memory_space<vmem_shared>>)
        } else {
        }
        %ge3A_414 = arith.constant 2 : i32
        %ge3A_415 = arith.cmpi sge, %scan3A_363, %ge3A_414 : i32
        %jit3A_416 = arith.constant 2 : i32
        %eq3A_417 = arith.constant 0 : i32
        %eq3A_418 = arith.cmpi eq, %jit3A_416, %eq3A_417 : i32
        %jit3A_419 = arith.constant 1 : i32
        %select_n3A_420 = arith.select %eq3A_418, %jit3A_419, %jit3A_416 : i32
        %rem3A_421 = arith.remsi %scan3A_363, %select_n3A_420 : i32
        %ne3A_422 = arith.constant 0 : i32
        %ne3A_423 = arith.cmpi ne, %rem3A_421, %ne3A_422 : i32
        %lt3A_424 = arith.constant 0 : i32
        %lt3A_425 = arith.cmpi slt, %rem3A_421, %lt3A_424 : i32
        %lt3A_426 = arith.constant 0 : i32
        %lt3A_427 = arith.cmpi slt, %select_n3A_420, %lt3A_426 : i32
        %ne3A_428 = arith.xori %lt3A_425, %lt3A_427 : i1
        %and3A_429 = arith.andi %ne3A_428, %ne3A_423 : i1
        %add3A_430 = arith.addi %rem3A_421, %select_n3A_420 : i32
        %select_n3A_431 = arith.select %and3A_429, %add3A_430, %rem3A_421 : i32
        %eq3A_432 = arith.constant 1 : i32
        %eq3A_433 = arith.cmpi eq, %select_n3A_431, %eq3A_432 : i32
        %and3A_434 = arith.andi %ge3A_415, %eq3A_433 : i1
        %convert_element_type3A_435 = arith.extui %and3A_434 : i1 to i32
        %cond3A_436 = arith.constant 0 : i32
        %cond3A_437 = arith.cmpi ne, %convert_element_type3A_435, %cond3A_436 : i32
        scf.if %cond3A_437 {
          %dma_wait3A_487 = arith.constant 16 : i32
          %dma_wait3A_488 = arith.constant 0 : i32
          %dma_wait3A_489 = tpu.memref_slice %arg17[%dma_wait3A_487, %dma_wait3A_488] : memref<32x128xf32, #tpu.memory_space<vmem>> -> memref<16x128xf32, #tpu.memory_space<vmem>>
          %dma_wait3A_490 = arith.constant 0 : i32
          %dma_wait3A_491 = tpu.memref_slice %arg12[%scan3A_363, %dma_wait3A_490] : memref<32x16xi32, #tpu.memory_space<vmem>> -> memref<1x16xi32, #tpu.memory_space<vmem>>
          %dma_wait3A_492 = tpu.memref_squeeze %dma_wait3A_491 : memref<1x16xi32, #tpu.memory_space<vmem>> -> memref<16xi32, #tpu.memory_space<vmem>>
          %dma_wait3A_493 = arith.constant 0 : i32
          %dma_wait3A_494 = arith.constant 0 : i32
          %dma_wait3A_495 = tpu.memref_slice %arg8[%dma_wait3A_493, %dma_wait3A_494] : memref<10000x128xf32, #tpu.memory_space<vmem_shared>> -> memref<10000x128xf32, #tpu.memory_space<vmem_shared>>
          tpu.wait_indirect_dma semaphore(%arg21 : memref<!tpu.dma_semaphore, #tpu.memory_space<semaphore_mem>>) src(%dma_wait3A_489 : memref<16x128xf32, #tpu.memory_space<vmem>>) dst(%dma_wait3A_495 : memref<10000x128xf32, #tpu.memory_space<vmem_shared>>)
        } else {
        }
        %broadcast_in_dim3A_438 = arith.constant 0 : i32
        %broadcast_in_dim3A_439 = vector.broadcast %broadcast_in_dim3A_438 : i32 to vector<16xi32>
        %scan3A_440 = arith.constant 0 : i32
        %scan3A_441 = arith.constant 16 : i32
        %scan3A_442 = arith.addi %scan3A_440, %scan3A_441 : i32
        %scan3A_443 = arith.constant 2 : i32
        scf.for %scan3A_487 = %scan3A_440 to %scan3A_442 step %scan3A_443  : i32 {
          %add3A_488 = vector.broadcast %mul3A_365 : i32 to vector<16xi32>
          %add3A_489 = arith.addi %broadcast_in_dim3A_439, %add3A_488 : vector<16xi32>
          %add3A_490 = vector.broadcast %scan3A_487 : i32 to vector<16xi32>
          %add3A_491 = arith.addi %add3A_489, %add3A_490 : vector<16xi32>
          %gather3A = tpu.vector_load_idx %arg13[%broadcast_in_dim3A_439, %add3A_491] : memref<4x512xf32, #tpu.memory_space<vmem>>[vector<16xi32>, vector<16xi32>], vector<16xf32>,
          %add3A_492 = arith.constant 1 : i32
          %add3A_493 = vector.broadcast %add3A_492 : i32 to vector<16xi32>
          %add3A_494 = arith.addi %broadcast_in_dim3A_439, %add3A_493 : vector<16xi32>
          %gather3A_495 = tpu.vector_load_idx %arg13[%add3A_494, %add3A_491] : memref<4x512xf32, #tpu.memory_space<vmem>>[vector<16xi32>, vector<16xi32>], vector<16xf32>,
          %add3A_496 = arith.constant 2 : i32
          %add3A_497 = vector.broadcast %add3A_496 : i32 to vector<16xi32>
          %add3A_498 = arith.addi %broadcast_in_dim3A_439, %add3A_497 : vector<16xi32>
          %gather3A_499 = tpu.vector_load_idx %arg13[%add3A_498, %add3A_491] : memref<4x512xf32, #tpu.memory_space<vmem>>[vector<16xi32>, vector<16xi32>], vector<16xf32>,
          %add3A_500 = arith.constant 3 : i32
          %add3A_501 = vector.broadcast %add3A_500 : i32 to vector<16xi32>
          %add3A_502 = arith.addi %broadcast_in_dim3A_439, %add3A_501 : vector<16xi32>
          %gather3A_503 = tpu.vector_load_idx %arg13[%add3A_502, %add3A_491] : memref<4x512xf32, #tpu.memory_space<vmem>>[vector<16xi32>, vector<16xi32>], vector<16xf32>,
          %add3A_504 = arith.addi %mul3A_379, %scan3A_487 : i32
          %get3A = arith.index_cast %add3A_504 : i32 to index
          %get3A_505 = arith.constant 0 : index
          %get3A_506 = tpu.vector_load %arg16[%get3A, %get3A_505] {strides = array<i32>} : memref<32x512xf32, #tpu.memory_space<vmem>>, vector<16xf32>,
          %mul3A_507 = arith.mulf %get3A_506, %gather3A : vector<16xf32>
          %get3A_508 = arith.index_cast %add3A_504 : i32 to index
          %get3A_509 = arith.constant 128 : index
          %get3A_510 = tpu.vector_load %arg16[%get3A_508, %get3A_509] {strides = array<i32>} : memref<32x512xf32, #tpu.memory_space<vmem>>, vector<16xf32>,
          %mul3A_511 = arith.mulf %get3A_510, %gather3A_495 : vector<16xf32>
          %add3A_512 = arith.addf %mul3A_507, %mul3A_511 : vector<16xf32>
          %get3A_513 = arith.index_cast %add3A_504 : i32 to index
          %get3A_514 = arith.constant 256 : index
          %get3A_515 = tpu.vector_load %arg16[%get3A_513, %get3A_514] {strides = array<i32>} : memref<32x512xf32, #tpu.memory_space<vmem>>, vector<16xf32>,
          %mul3A_516 = arith.mulf %get3A_515, %gather3A_499 : vector<16xf32>
          %add3A_517 = arith.addf %add3A_512, %mul3A_516 : vector<16xf32>
          %get3A_518 = arith.index_cast %add3A_504 : i32 to index
          %get3A_519 = arith.constant 384 : index
          %get3A_520 = tpu.vector_load %arg16[%get3A_518, %get3A_519] {strides = array<i32>} : memref<32x512xf32, #tpu.memory_space<vmem>>, vector<16xf32>,
          %mul3A_521 = arith.mulf %get3A_520, %gather3A_503 : vector<16xf32>
          %add3A_522 = arith.addf %add3A_517, %mul3A_521 : vector<16xf32>
          %swap3A_523 = arith.index_cast %add3A_504 : i32 to index
          %swap3A_524 = arith.constant 0 : index
          %swap3A_525 = tpu.vector_load %arg17[%swap3A_523, %swap3A_524] {strides = array<i32>} : memref<32x128xf32, #tpu.memory_space<vmem>>, vector<16xf32>,
          tpu.vector_store %arg17[%swap3A_523, %swap3A_524], %add3A_522 {strides = array<i32>} : memref<32x128xf32, #tpu.memory_space<vmem>>, vector<16xf32>,
          %get3A_526 = arith.index_cast %add3A_504 : i32 to index
          %get3A_527 = arith.constant 16 : index
          %get3A_528 = tpu.vector_load %arg16[%get3A_526, %get3A_527] {strides = array<i32>} : memref<32x512xf32, #tpu.memory_space<vmem>>, vector<16xf32>,
          %mul3A_529 = arith.mulf %get3A_528, %gather3A : vector<16xf32>
          %get3A_530 = arith.index_cast %add3A_504 : i32 to index
          %get3A_531 = arith.constant 144 : index
          %get3A_532 = tpu.vector_load %arg16[%get3A_530, %get3A_531] {strides = array<i32>} : memref<32x512xf32, #tpu.memory_space<vmem>>, vector<16xf32>,
          %mul3A_533 = arith.mulf %get3A_532, %gather3A_495 : vector<16xf32>
          %add3A_534 = arith.addf %mul3A_529, %mul3A_533 : vector<16xf32>
          %get3A_535 = arith.index_cast %add3A_504 : i32 to index
          %get3A_536 = arith.constant 272 : index
          %get3A_537 = tpu.vector_load %arg16[%get3A_535, %get3A_536] {strides = array<i32>} : memref<32x512xf32, #tpu.memory_space<vmem>>, vector<16xf32>,
          %mul3A_538 = arith.mulf %get3A_537, %gather3A_499 : vector<16xf32>
          %add3A_539 = arith.addf %add3A_534, %mul3A_538 : vector<16xf32>
          %get3A_540 = arith.index_cast %add3A_504 : i32 to index
          %get3A_541 = arith.constant 400 : index
          %get3A_542 = tpu.vector_load %arg16[%get3A_540, %get3A_541] {strides = array<i32>} : memref<32x512xf32, #tpu.memory_space<vmem>>, vector<16xf32>,
          %mul3A_543 = arith.mulf %get3A_542, %gather3A_503 : vector<16xf32>
          %add3A_544 = arith.addf %add3A_539, %mul3A_543 : vector<16xf32>
          %swap3A_545 = arith.index_cast %add3A_504 : i32 to index
          %swap3A_546 = arith.constant 16 : index
          %swap3A_547 = tpu.vector_load %arg17[%swap3A_545, %swap3A_546] {strides = array<i32>} : memref<32x128xf32, #tpu.memory_space<vmem>>, vector<16xf32>,
          tpu.vector_store %arg17[%swap3A_545, %swap3A_546], %add3A_544 {strides = array<i32>} : memref<32x128xf32, #tpu.memory_space<vmem>>, vector<16xf32>,
          %get3A_548 = arith.index_cast %add3A_504 : i32 to index
          %get3A_549 = arith.constant 32 : index
          %get3A_550 = tpu.vector_load %arg16[%get3A_548, %get3A_549] {strides = array<i32>} : memref<32x512xf32, #tpu.memory_space<vmem>>, vector<16xf32>,
          %mul3A_551 = arith.mulf %get3A_550, %gather3A : vector<16xf32>
          %get3A_552 = arith.index_cast %add3A_504 : i32 to index
          %get3A_553 = arith.constant 160 : index
          %get3A_554 = tpu.vector_load %arg16[%get3A_552, %get3A_553] {strides = array<i32>} : memref<32x512xf32, #tpu.memory_space<vmem>>, vector<16xf32>,
          %mul3A_555 = arith.mulf %get3A_554, %gather3A_495 : vector<16xf32>
          %add3A_556 = arith.addf %mul3A_551, %mul3A_555 : vector<16xf32>
          %get3A_557 = arith.index_cast %add3A_504 : i32 to index
          %get3A_558 = arith.constant 288 : index
          %get3A_559 = tpu.vector_load %arg16[%get3A_557, %get3A_558] {strides = array<i32>} : memref<32x512xf32, #tpu.memory_space<vmem>>, vector<16xf32>,
          %mul3A_560 = arith.mulf %get3A_559, %gather3A_499 : vector<16xf32>
          %add3A_561 = arith.addf %add3A_556, %mul3A_560 : vector<16xf32>
          %get3A_562 = arith.index_cast %add3A_504 : i32 to index
          %get3A_563 = arith.constant 416 : index
          %get3A_564 = tpu.vector_load %arg16[%get3A_562, %get3A_563] {strides = array<i32>} : memref<32x512xf32, #tpu.memory_space<vmem>>, vector<16xf32>,
          %mul3A_565 = arith.mulf %get3A_564, %gather3A_503 : vector<16xf32>
          %add3A_566 = arith.addf %add3A_561, %mul3A_565 : vector<16xf32>
          %swap3A_567 = arith.index_cast %add3A_504 : i32 to index
          %swap3A_568 = arith.constant 32 : index
          %swap3A_569 = tpu.vector_load %arg17[%swap3A_567, %swap3A_568] {strides = array<i32>} : memref<32x128xf32, #tpu.memory_space<vmem>>, vector<16xf32>,
          tpu.vector_store %arg17[%swap3A_567, %swap3A_568], %add3A_566 {strides = array<i32>} : memref<32x128xf32, #tpu.memory_space<vmem>>, vector<16xf32>,
          %get3A_570 = arith.index_cast %add3A_504 : i32 to index
          %get3A_571 = arith.constant 48 : index
          %get3A_572 = tpu.vector_load %arg16[%get3A_570, %get3A_571] {strides = array<i32>} : memref<32x512xf32, #tpu.memory_space<vmem>>, vector<16xf32>,
          %mul3A_573 = arith.mulf %get3A_572, %gather3A : vector<16xf32>
          %get3A_574 = arith.index_cast %add3A_504 : i32 to index
          %get3A_575 = arith.constant 176 : index
          %get3A_576 = tpu.vector_load %arg16[%get3A_574, %get3A_575] {strides = array<i32>} : memref<32x512xf32, #tpu.memory_space<vmem>>, vector<16xf32>,
          %mul3A_577 = arith.mulf %get3A_576, %gather3A_495 : vector<16xf32>
          %add3A_578 = arith.addf %mul3A_573, %mul3A_577 : vector<16xf32>
          %get3A_579 = arith.index_cast %add3A_504 : i32 to index
          %get3A_580 = arith.constant 304 : index
          %get3A_581 = tpu.vector_load %arg16[%get3A_579, %get3A_580] {strides = array<i32>} : memref<32x512xf32, #tpu.memory_space<vmem>>, vector<16xf32>,
          %mul3A_582 = arith.mulf %get3A_581, %gather3A_499 : vector<16xf32>
          %add3A_583 = arith.addf %add3A_578, %mul3A_582 : vector<16xf32>
          %get3A_584 = arith.index_cast %add3A_504 : i32 to index
          %get3A_585 = arith.constant 432 : index
          %get3A_586 = tpu.vector_load %arg16[%get3A_584, %get3A_585] {strides = array<i32>} : memref<32x512xf32, #tpu.memory_space<vmem>>, vector<16xf32>,
          %mul3A_587 = arith.mulf %get3A_586, %gather3A_503 : vector<16xf32>
          %add3A_588 = arith.addf %add3A_583, %mul3A_587 : vector<16xf32>
          %swap3A_589 = arith.index_cast %add3A_504 : i32 to index
          %swap3A_590 = arith.constant 48 : index
          %swap3A_591 = tpu.vector_load %arg17[%swap3A_589, %swap3A_590] {strides = array<i32>} : memref<32x128xf32, #tpu.memory_space<vmem>>, vector<16xf32>,
          tpu.vector_store %arg17[%swap3A_589, %swap3A_590], %add3A_588 {strides = array<i32>} : memref<32x128xf32, #tpu.memory_space<vmem>>, vector<16xf32>,
          %get3A_592 = arith.index_cast %add3A_504 : i32 to index
          %get3A_593 = arith.constant 64 : index
          %get3A_594 = tpu.vector_load %arg16[%get3A_592, %get3A_593] {strides = array<i32>} : memref<32x512xf32, #tpu.memory_space<vmem>>, vector<16xf32>,
          %mul3A_595 = arith.mulf %get3A_594, %gather3A : vector<16xf32>
          %get3A_596 = arith.index_cast %add3A_504 : i32 to index
          %get3A_597 = arith.constant 192 : index
          %get3A_598 = tpu.vector_load %arg16[%get3A_596, %get3A_597] {strides = array<i32>} : memref<32x512xf32, #tpu.memory_space<vmem>>, vector<16xf32>,
          %mul3A_599 = arith.mulf %get3A_598, %gather3A_495 : vector<16xf32>
          %add3A_600 = arith.addf %mul3A_595, %mul3A_599 : vector<16xf32>
          %get3A_601 = arith.index_cast %add3A_504 : i32 to index
          %get3A_602 = arith.constant 320 : index
          %get3A_603 = tpu.vector_load %arg16[%get3A_601, %get3A_602] {strides = array<i32>} : memref<32x512xf32, #tpu.memory_space<vmem>>, vector<16xf32>,
          %mul3A_604 = arith.mulf %get3A_603, %gather3A_499 : vector<16xf32>
          %add3A_605 = arith.addf %add3A_600, %mul3A_604 : vector<16xf32>
          %get3A_606 = arith.index_cast %add3A_504 : i32 to index
          %get3A_607 = arith.constant 448 : index
          %get3A_608 = tpu.vector_load %arg16[%get3A_606, %get3A_607] {strides = array<i32>} : memref<32x512xf32, #tpu.memory_space<vmem>>, vector<16xf32>,
          %mul3A_609 = arith.mulf %get3A_608, %gather3A_503 : vector<16xf32>
          %add3A_610 = arith.addf %add3A_605, %mul3A_609 : vector<16xf32>
          %swap3A_611 = arith.index_cast %add3A_504 : i32 to index
          %swap3A_612 = arith.constant 64 : index
          %swap3A_613 = tpu.vector_load %arg17[%swap3A_611, %swap3A_612] {strides = array<i32>} : memref<32x128xf32, #tpu.memory_space<vmem>>, vector<16xf32>,
          tpu.vector_store %arg17[%swap3A_611, %swap3A_612], %add3A_610 {strides = array<i32>} : memref<32x128xf32, #tpu.memory_space<vmem>>, vector<16xf32>,
          %get3A_614 = arith.index_cast %add3A_504 : i32 to index
          %get3A_615 = arith.constant 80 : index
          %get3A_616 = tpu.vector_load %arg16[%get3A_614, %get3A_615] {strides = array<i32>} : memref<32x512xf32, #tpu.memory_space<vmem>>, vector<16xf32>,
          %mul3A_617 = arith.mulf %get3A_616, %gather3A : vector<16xf32>
          %get3A_618 = arith.index_cast %add3A_504 : i32 to index
          %get3A_619 = arith.constant 208 : index
          %get3A_620 = tpu.vector_load %arg16[%get3A_618, %get3A_619] {strides = array<i32>} : memref<32x512xf32, #tpu.memory_space<vmem>>, vector<16xf32>,
          %mul3A_621 = arith.mulf %get3A_620, %gather3A_495 : vector<16xf32>
          %add3A_622 = arith.addf %mul3A_617, %mul3A_621 : vector<16xf32>
          %get3A_623 = arith.index_cast %add3A_504 : i32 to index
          %get3A_624 = arith.constant 336 : index
          %get3A_625 = tpu.vector_load %arg16[%get3A_623, %get3A_624] {strides = array<i32>} : memref<32x512xf32, #tpu.memory_space<vmem>>, vector<16xf32>,
          %mul3A_626 = arith.mulf %get3A_625, %gather3A_499 : vector<16xf32>
          %add3A_627 = arith.addf %add3A_622, %mul3A_626 : vector<16xf32>
          %get3A_628 = arith.index_cast %add3A_504 : i32 to index
          %get3A_629 = arith.constant 464 : index
          %get3A_630 = tpu.vector_load %arg16[%get3A_628, %get3A_629] {strides = array<i32>} : memref<32x512xf32, #tpu.memory_space<vmem>>, vector<16xf32>,
          %mul3A_631 = arith.mulf %get3A_630, %gather3A_503 : vector<16xf32>
          %add3A_632 = arith.addf %add3A_627, %mul3A_631 : vector<16xf32>
          %swap3A_633 = arith.index_cast %add3A_504 : i32 to index
          %swap3A_634 = arith.constant 80 : index
          %swap3A_635 = tpu.vector_load %arg17[%swap3A_633, %swap3A_634] {strides = array<i32>} : memref<32x128xf32, #tpu.memory_space<vmem>>, vector<16xf32>,
          tpu.vector_store %arg17[%swap3A_633, %swap3A_634], %add3A_632 {strides = array<i32>} : memref<32x128xf32, #tpu.memory_space<vmem>>, vector<16xf32>,
          %get3A_636 = arith.index_cast %add3A_504 : i32 to index
          %get3A_637 = arith.constant 96 : index
          %get3A_638 = tpu.vector_load %arg16[%get3A_636, %get3A_637] {strides = array<i32>} : memref<32x512xf32, #tpu.memory_space<vmem>>, vector<16xf32>,
          %mul3A_639 = arith.mulf %get3A_638, %gather3A : vector<16xf32>
          %get3A_640 = arith.index_cast %add3A_504 : i32 to index
          %get3A_641 = arith.constant 224 : index
          %get3A_642 = tpu.vector_load %arg16[%get3A_640, %get3A_641] {strides = array<i32>} : memref<32x512xf32, #tpu.memory_space<vmem>>, vector<16xf32>,
          %mul3A_643 = arith.mulf %get3A_642, %gather3A_495 : vector<16xf32>
          %add3A_644 = arith.addf %mul3A_639, %mul3A_643 : vector<16xf32>
          %get3A_645 = arith.index_cast %add3A_504 : i32 to index
          %get3A_646 = arith.constant 352 : index
          %get3A_647 = tpu.vector_load %arg16[%get3A_645, %get3A_646] {strides = array<i32>} : memref<32x512xf32, #tpu.memory_space<vmem>>, vector<16xf32>,
          %mul3A_648 = arith.mulf %get3A_647, %gather3A_499 : vector<16xf32>
          %add3A_649 = arith.addf %add3A_644, %mul3A_648 : vector<16xf32>
          %get3A_650 = arith.index_cast %add3A_504 : i32 to index
          %get3A_651 = arith.constant 480 : index
          %get3A_652 = tpu.vector_load %arg16[%get3A_650, %get3A_651] {strides = array<i32>} : memref<32x512xf32, #tpu.memory_space<vmem>>, vector<16xf32>,
          %mul3A_653 = arith.mulf %get3A_652, %gather3A_503 : vector<16xf32>
          %add3A_654 = arith.addf %add3A_649, %mul3A_653 : vector<16xf32>
          %swap3A_655 = arith.index_cast %add3A_504 : i32 to index
          %swap3A_656 = arith.constant 96 : index
          %swap3A_657 = tpu.vector_load %arg17[%swap3A_655, %swap3A_656] {strides = array<i32>} : memref<32x128xf32, #tpu.memory_space<vmem>>, vector<16xf32>,
          tpu.vector_store %arg17[%swap3A_655, %swap3A_656], %add3A_654 {strides = array<i32>} : memref<32x128xf32, #tpu.memory_space<vmem>>, vector<16xf32>,
          %get3A_658 = arith.index_cast %add3A_504 : i32 to index
          %get3A_659 = arith.constant 112 : index
          %get3A_660 = tpu.vector_load %arg16[%get3A_658, %get3A_659] {strides = array<i32>} : memref<32x512xf32, #tpu.memory_space<vmem>>, vector<16xf32>,
          %mul3A_661 = arith.mulf %get3A_660, %gather3A : vector<16xf32>
          %get3A_662 = arith.index_cast %add3A_504 : i32 to index
          %get3A_663 = arith.constant 240 : index
          %get3A_664 = tpu.vector_load %arg16[%get3A_662, %get3A_663] {strides = array<i32>} : memref<32x512xf32, #tpu.memory_space<vmem>>, vector<16xf32>,
          %mul3A_665 = arith.mulf %get3A_664, %gather3A_495 : vector<16xf32>
          %add3A_666 = arith.addf %mul3A_661, %mul3A_665 : vector<16xf32>
          %get3A_667 = arith.index_cast %add3A_504 : i32 to index
          %get3A_668 = arith.constant 368 : index
          %get3A_669 = tpu.vector_load %arg16[%get3A_667, %get3A_668] {strides = array<i32>} : memref<32x512xf32, #tpu.memory_space<vmem>>, vector<16xf32>,
          %mul3A_670 = arith.mulf %get3A_669, %gather3A_499 : vector<16xf32>
          %add3A_671 = arith.addf %add3A_666, %mul3A_670 : vector<16xf32>
          %get3A_672 = arith.index_cast %add3A_504 : i32 to index
          %get3A_673 = arith.constant 496 : index
          %get3A_674 = tpu.vector_load %arg16[%get3A_672, %get3A_673] {strides = array<i32>} : memref<32x512xf32, #tpu.memory_space<vmem>>, vector<16xf32>,
          %mul3A_675 = arith.mulf %get3A_674, %gather3A_503 : vector<16xf32>
          %add3A_676 = arith.addf %add3A_671, %mul3A_675 : vector<16xf32>
          %swap3A_677 = arith.index_cast %add3A_504 : i32 to index
          %swap3A_678 = arith.constant 112 : index
          %swap3A_679 = tpu.vector_load %arg17[%swap3A_677, %swap3A_678] {strides = array<i32>} : memref<32x128xf32, #tpu.memory_space<vmem>>, vector<16xf32>,
          tpu.vector_store %arg17[%swap3A_677, %swap3A_678], %add3A_676 {strides = array<i32>} : memref<32x128xf32, #tpu.memory_space<vmem>>, vector<16xf32>,
          %scan3A_680 = arith.constant 1 : i32
          %scan3A_681 = arith.addi %scan3A_487, %scan3A_680 : i32
          %add3A_682 = vector.broadcast %mul3A_365 : i32 to vector<16xi32>
          %add3A_683 = arith.addi %broadcast_in_dim3A_439, %add3A_682 : vector<16xi32>
          %add3A_684 = vector.broadcast %scan3A_681 : i32 to vector<16xi32>
          %add3A_685 = arith.addi %add3A_683, %add3A_684 : vector<16xi32>
          %gather3A_686 = tpu.vector_load_idx %arg13[%broadcast_in_dim3A_439, %add3A_685] : memref<4x512xf32, #tpu.memory_space<vmem>>[vector<16xi32>, vector<16xi32>], vector<16xf32>,
          %add3A_687 = arith.constant 1 : i32
          %add3A_688 = vector.broadcast %add3A_687 : i32 to vector<16xi32>
          %add3A_689 = arith.addi %broadcast_in_dim3A_439, %add3A_688 : vector<16xi32>
          %gather3A_690 = tpu.vector_load_idx %arg13[%add3A_689, %add3A_685] : memref<4x512xf32, #tpu.memory_space<vmem>>[vector<16xi32>, vector<16xi32>], vector<16xf32>,
          %add3A_691 = arith.constant 2 : i32
          %add3A_692 = vector.broadcast %add3A_691 : i32 to vector<16xi32>
          %add3A_693 = arith.addi %broadcast_in_dim3A_439, %add3A_692 : vector<16xi32>
          %gather3A_694 = tpu.vector_load_idx %arg13[%add3A_693, %add3A_685] : memref<4x512xf32, #tpu.memory_space<vmem>>[vector<16xi32>, vector<16xi32>], vector<16xf32>,
          %add3A_695 = arith.constant 3 : i32
          %add3A_696 = vector.broadcast %add3A_695 : i32 to vector<16xi32>
          %add3A_697 = arith.addi %broadcast_in_dim3A_439, %add3A_696 : vector<16xi32>
          %gather3A_698 = tpu.vector_load_idx %arg13[%add3A_697, %add3A_685] : memref<4x512xf32, #tpu.memory_space<vmem>>[vector<16xi32>, vector<16xi32>], vector<16xf32>,
          %add3A_699 = arith.addi %mul3A_379, %scan3A_681 : i32
          %get3A_700 = arith.index_cast %add3A_699 : i32 to index
          %get3A_701 = arith.constant 0 : index
          %get3A_702 = tpu.vector_load %arg16[%get3A_700, %get3A_701] {strides = array<i32>} : memref<32x512xf32, #tpu.memory_space<vmem>>, vector<16xf32>,
          %mul3A_703 = arith.mulf %get3A_702, %gather3A_686 : vector<16xf32>
          %get3A_704 = arith.index_cast %add3A_699 : i32 to index
          %get3A_705 = arith.constant 128 : index
          %get3A_706 = tpu.vector_load %arg16[%get3A_704, %get3A_705] {strides = array<i32>} : memref<32x512xf32, #tpu.memory_space<vmem>>, vector<16xf32>,
          %mul3A_707 = arith.mulf %get3A_706, %gather3A_690 : vector<16xf32>
          %add3A_708 = arith.addf %mul3A_703, %mul3A_707 : vector<16xf32>
          %get3A_709 = arith.index_cast %add3A_699 : i32 to index
          %get3A_710 = arith.constant 256 : index
          %get3A_711 = tpu.vector_load %arg16[%get3A_709, %get3A_710] {strides = array<i32>} : memref<32x512xf32, #tpu.memory_space<vmem>>, vector<16xf32>,
          %mul3A_712 = arith.mulf %get3A_711, %gather3A_694 : vector<16xf32>
          %add3A_713 = arith.addf %add3A_708, %mul3A_712 : vector<16xf32>
          %get3A_714 = arith.index_cast %add3A_699 : i32 to index
          %get3A_715 = arith.constant 384 : index
          %get3A_716 = tpu.vector_load %arg16[%get3A_714, %get3A_715] {strides = array<i32>} : memref<32x512xf32, #tpu.memory_space<vmem>>, vector<16xf32>,
          %mul3A_717 = arith.mulf %get3A_716, %gather3A_698 : vector<16xf32>
          %add3A_718 = arith.addf %add3A_713, %mul3A_717 : vector<16xf32>
          %swap3A_719 = arith.index_cast %add3A_699 : i32 to index
          %swap3A_720 = arith.constant 0 : index
          %swap3A_721 = tpu.vector_load %arg17[%swap3A_719, %swap3A_720] {strides = array<i32>} : memref<32x128xf32, #tpu.memory_space<vmem>>, vector<16xf32>,
          tpu.vector_store %arg17[%swap3A_719, %swap3A_720], %add3A_718 {strides = array<i32>} : memref<32x128xf32, #tpu.memory_space<vmem>>, vector<16xf32>,
          %get3A_722 = arith.index_cast %add3A_699 : i32 to index
          %get3A_723 = arith.constant 16 : index
          %get3A_724 = tpu.vector_load %arg16[%get3A_722, %get3A_723] {strides = array<i32>} : memref<32x512xf32, #tpu.memory_space<vmem>>, vector<16xf32>,
          %mul3A_725 = arith.mulf %get3A_724, %gather3A_686 : vector<16xf32>
          %get3A_726 = arith.index_cast %add3A_699 : i32 to index
          %get3A_727 = arith.constant 144 : index
          %get3A_728 = tpu.vector_load %arg16[%get3A_726, %get3A_727] {strides = array<i32>} : memref<32x512xf32, #tpu.memory_space<vmem>>, vector<16xf32>,
          %mul3A_729 = arith.mulf %get3A_728, %gather3A_690 : vector<16xf32>
          %add3A_730 = arith.addf %mul3A_725, %mul3A_729 : vector<16xf32>
          %get3A_731 = arith.index_cast %add3A_699 : i32 to index
          %get3A_732 = arith.constant 272 : index
          %get3A_733 = tpu.vector_load %arg16[%get3A_731, %get3A_732] {strides = array<i32>} : memref<32x512xf32, #tpu.memory_space<vmem>>, vector<16xf32>,
          %mul3A_734 = arith.mulf %get3A_733, %gather3A_694 : vector<16xf32>
          %add3A_735 = arith.addf %add3A_730, %mul3A_734 : vector<16xf32>
          %get3A_736 = arith.index_cast %add3A_699 : i32 to index
          %get3A_737 = arith.constant 400 : index
          %get3A_738 = tpu.vector_load %arg16[%get3A_736, %get3A_737] {strides = array<i32>} : memref<32x512xf32, #tpu.memory_space<vmem>>, vector<16xf32>,
          %mul3A_739 = arith.mulf %get3A_738, %gather3A_698 : vector<16xf32>
          %add3A_740 = arith.addf %add3A_735, %mul3A_739 : vector<16xf32>
          %swap3A_741 = arith.index_cast %add3A_699 : i32 to index
          %swap3A_742 = arith.constant 16 : index
          %swap3A_743 = tpu.vector_load %arg17[%swap3A_741, %swap3A_742] {strides = array<i32>} : memref<32x128xf32, #tpu.memory_space<vmem>>, vector<16xf32>,
          tpu.vector_store %arg17[%swap3A_741, %swap3A_742], %add3A_740 {strides = array<i32>} : memref<32x128xf32, #tpu.memory_space<vmem>>, vector<16xf32>,
          %get3A_744 = arith.index_cast %add3A_699 : i32 to index
          %get3A_745 = arith.constant 32 : index
          %get3A_746 = tpu.vector_load %arg16[%get3A_744, %get3A_745] {strides = array<i32>} : memref<32x512xf32, #tpu.memory_space<vmem>>, vector<16xf32>,
          %mul3A_747 = arith.mulf %get3A_746, %gather3A_686 : vector<16xf32>
          %get3A_748 = arith.index_cast %add3A_699 : i32 to index
          %get3A_749 = arith.constant 160 : index
          %get3A_750 = tpu.vector_load %arg16[%get3A_748, %get3A_749] {strides = array<i32>} : memref<32x512xf32, #tpu.memory_space<vmem>>, vector<16xf32>,
          %mul3A_751 = arith.mulf %get3A_750, %gather3A_690 : vector<16xf32>
          %add3A_752 = arith.addf %mul3A_747, %mul3A_751 : vector<16xf32>
          %get3A_753 = arith.index_cast %add3A_699 : i32 to index
          %get3A_754 = arith.constant 288 : index
          %get3A_755 = tpu.vector_load %arg16[%get3A_753, %get3A_754] {strides = array<i32>} : memref<32x512xf32, #tpu.memory_space<vmem>>, vector<16xf32>,
          %mul3A_756 = arith.mulf %get3A_755, %gather3A_694 : vector<16xf32>
          %add3A_757 = arith.addf %add3A_752, %mul3A_756 : vector<16xf32>
          %get3A_758 = arith.index_cast %add3A_699 : i32 to index
          %get3A_759 = arith.constant 416 : index
          %get3A_760 = tpu.vector_load %arg16[%get3A_758, %get3A_759] {strides = array<i32>} : memref<32x512xf32, #tpu.memory_space<vmem>>, vector<16xf32>,
          %mul3A_761 = arith.mulf %get3A_760, %gather3A_698 : vector<16xf32>
          %add3A_762 = arith.addf %add3A_757, %mul3A_761 : vector<16xf32>
          %swap3A_763 = arith.index_cast %add3A_699 : i32 to index
          %swap3A_764 = arith.constant 32 : index
          %swap3A_765 = tpu.vector_load %arg17[%swap3A_763, %swap3A_764] {strides = array<i32>} : memref<32x128xf32, #tpu.memory_space<vmem>>, vector<16xf32>,
          tpu.vector_store %arg17[%swap3A_763, %swap3A_764], %add3A_762 {strides = array<i32>} : memref<32x128xf32, #tpu.memory_space<vmem>>, vector<16xf32>,
          %get3A_766 = arith.index_cast %add3A_699 : i32 to index
          %get3A_767 = arith.constant 48 : index
          %get3A_768 = tpu.vector_load %arg16[%get3A_766, %get3A_767] {strides = array<i32>} : memref<32x512xf32, #tpu.memory_space<vmem>>, vector<16xf32>,
          %mul3A_769 = arith.mulf %get3A_768, %gather3A_686 : vector<16xf32>
          %get3A_770 = arith.index_cast %add3A_699 : i32 to index
          %get3A_771 = arith.constant 176 : index
          %get3A_772 = tpu.vector_load %arg16[%get3A_770, %get3A_771] {strides = array<i32>} : memref<32x512xf32, #tpu.memory_space<vmem>>, vector<16xf32>,
          %mul3A_773 = arith.mulf %get3A_772, %gather3A_690 : vector<16xf32>
          %add3A_774 = arith.addf %mul3A_769, %mul3A_773 : vector<16xf32>
          %get3A_775 = arith.index_cast %add3A_699 : i32 to index
          %get3A_776 = arith.constant 304 : index
          %get3A_777 = tpu.vector_load %arg16[%get3A_775, %get3A_776] {strides = array<i32>} : memref<32x512xf32, #tpu.memory_space<vmem>>, vector<16xf32>,
          %mul3A_778 = arith.mulf %get3A_777, %gather3A_694 : vector<16xf32>
          %add3A_779 = arith.addf %add3A_774, %mul3A_778 : vector<16xf32>
          %get3A_780 = arith.index_cast %add3A_699 : i32 to index
          %get3A_781 = arith.constant 432 : index
          %get3A_782 = tpu.vector_load %arg16[%get3A_780, %get3A_781] {strides = array<i32>} : memref<32x512xf32, #tpu.memory_space<vmem>>, vector<16xf32>,
          %mul3A_783 = arith.mulf %get3A_782, %gather3A_698 : vector<16xf32>
          %add3A_784 = arith.addf %add3A_779, %mul3A_783 : vector<16xf32>
          %swap3A_785 = arith.index_cast %add3A_699 : i32 to index
          %swap3A_786 = arith.constant 48 : index
          %swap3A_787 = tpu.vector_load %arg17[%swap3A_785, %swap3A_786] {strides = array<i32>} : memref<32x128xf32, #tpu.memory_space<vmem>>, vector<16xf32>,
          tpu.vector_store %arg17[%swap3A_785, %swap3A_786], %add3A_784 {strides = array<i32>} : memref<32x128xf32, #tpu.memory_space<vmem>>, vector<16xf32>,
          %get3A_788 = arith.index_cast %add3A_699 : i32 to index
          %get3A_789 = arith.constant 64 : index
          %get3A_790 = tpu.vector_load %arg16[%get3A_788, %get3A_789] {strides = array<i32>} : memref<32x512xf32, #tpu.memory_space<vmem>>, vector<16xf32>,
          %mul3A_791 = arith.mulf %get3A_790, %gather3A_686 : vector<16xf32>
          %get3A_792 = arith.index_cast %add3A_699 : i32 to index
          %get3A_793 = arith.constant 192 : index
          %get3A_794 = tpu.vector_load %arg16[%get3A_792, %get3A_793] {strides = array<i32>} : memref<32x512xf32, #tpu.memory_space<vmem>>, vector<16xf32>,
          %mul3A_795 = arith.mulf %get3A_794, %gather3A_690 : vector<16xf32>
          %add3A_796 = arith.addf %mul3A_791, %mul3A_795 : vector<16xf32>
          %get3A_797 = arith.index_cast %add3A_699 : i32 to index
          %get3A_798 = arith.constant 320 : index
          %get3A_799 = tpu.vector_load %arg16[%get3A_797, %get3A_798] {strides = array<i32>} : memref<32x512xf32, #tpu.memory_space<vmem>>, vector<16xf32>,
          %mul3A_800 = arith.mulf %get3A_799, %gather3A_694 : vector<16xf32>
          %add3A_801 = arith.addf %add3A_796, %mul3A_800 : vector<16xf32>
          %get3A_802 = arith.index_cast %add3A_699 : i32 to index
          %get3A_803 = arith.constant 448 : index
          %get3A_804 = tpu.vector_load %arg16[%get3A_802, %get3A_803] {strides = array<i32>} : memref<32x512xf32, #tpu.memory_space<vmem>>, vector<16xf32>,
          %mul3A_805 = arith.mulf %get3A_804, %gather3A_698 : vector<16xf32>
          %add3A_806 = arith.addf %add3A_801, %mul3A_805 : vector<16xf32>
          %swap3A_807 = arith.index_cast %add3A_699 : i32 to index
          %swap3A_808 = arith.constant 64 : index
          %swap3A_809 = tpu.vector_load %arg17[%swap3A_807, %swap3A_808] {strides = array<i32>} : memref<32x128xf32, #tpu.memory_space<vmem>>, vector<16xf32>,
          tpu.vector_store %arg17[%swap3A_807, %swap3A_808], %add3A_806 {strides = array<i32>} : memref<32x128xf32, #tpu.memory_space<vmem>>, vector<16xf32>,
          %get3A_810 = arith.index_cast %add3A_699 : i32 to index
          %get3A_811 = arith.constant 80 : index
          %get3A_812 = tpu.vector_load %arg16[%get3A_810, %get3A_811] {strides = array<i32>} : memref<32x512xf32, #tpu.memory_space<vmem>>, vector<16xf32>,
          %mul3A_813 = arith.mulf %get3A_812, %gather3A_686 : vector<16xf32>
          %get3A_814 = arith.index_cast %add3A_699 : i32 to index
          %get3A_815 = arith.constant 208 : index
          %get3A_816 = tpu.vector_load %arg16[%get3A_814, %get3A_815] {strides = array<i32>} : memref<32x512xf32, #tpu.memory_space<vmem>>, vector<16xf32>,
          %mul3A_817 = arith.mulf %get3A_816, %gather3A_690 : vector<16xf32>
          %add3A_818 = arith.addf %mul3A_813, %mul3A_817 : vector<16xf32>
          %get3A_819 = arith.index_cast %add3A_699 : i32 to index
          %get3A_820 = arith.constant 336 : index
          %get3A_821 = tpu.vector_load %arg16[%get3A_819, %get3A_820] {strides = array<i32>} : memref<32x512xf32, #tpu.memory_space<vmem>>, vector<16xf32>,
          %mul3A_822 = arith.mulf %get3A_821, %gather3A_694 : vector<16xf32>
          %add3A_823 = arith.addf %add3A_818, %mul3A_822 : vector<16xf32>
          %get3A_824 = arith.index_cast %add3A_699 : i32 to index
          %get3A_825 = arith.constant 464 : index
          %get3A_826 = tpu.vector_load %arg16[%get3A_824, %get3A_825] {strides = array<i32>} : memref<32x512xf32, #tpu.memory_space<vmem>>, vector<16xf32>,
          %mul3A_827 = arith.mulf %get3A_826, %gather3A_698 : vector<16xf32>
          %add3A_828 = arith.addf %add3A_823, %mul3A_827 : vector<16xf32>
          %swap3A_829 = arith.index_cast %add3A_699 : i32 to index
          %swap3A_830 = arith.constant 80 : index
          %swap3A_831 = tpu.vector_load %arg17[%swap3A_829, %swap3A_830] {strides = array<i32>} : memref<32x128xf32, #tpu.memory_space<vmem>>, vector<16xf32>,
          tpu.vector_store %arg17[%swap3A_829, %swap3A_830], %add3A_828 {strides = array<i32>} : memref<32x128xf32, #tpu.memory_space<vmem>>, vector<16xf32>,
          %get3A_832 = arith.index_cast %add3A_699 : i32 to index
          %get3A_833 = arith.constant 96 : index
          %get3A_834 = tpu.vector_load %arg16[%get3A_832, %get3A_833] {strides = array<i32>} : memref<32x512xf32, #tpu.memory_space<vmem>>, vector<16xf32>,
          %mul3A_835 = arith.mulf %get3A_834, %gather3A_686 : vector<16xf32>
          %get3A_836 = arith.index_cast %add3A_699 : i32 to index
          %get3A_837 = arith.constant 224 : index
          %get3A_838 = tpu.vector_load %arg16[%get3A_836, %get3A_837] {strides = array<i32>} : memref<32x512xf32, #tpu.memory_space<vmem>>, vector<16xf32>,
          %mul3A_839 = arith.mulf %get3A_838, %gather3A_690 : vector<16xf32>
          %add3A_840 = arith.addf %mul3A_835, %mul3A_839 : vector<16xf32>
          %get3A_841 = arith.index_cast %add3A_699 : i32 to index
          %get3A_842 = arith.constant 352 : index
          %get3A_843 = tpu.vector_load %arg16[%get3A_841, %get3A_842] {strides = array<i32>} : memref<32x512xf32, #tpu.memory_space<vmem>>, vector<16xf32>,
          %mul3A_844 = arith.mulf %get3A_843, %gather3A_694 : vector<16xf32>
          %add3A_845 = arith.addf %add3A_840, %mul3A_844 : vector<16xf32>
          %get3A_846 = arith.index_cast %add3A_699 : i32 to index
          %get3A_847 = arith.constant 480 : index
          %get3A_848 = tpu.vector_load %arg16[%get3A_846, %get3A_847] {strides = array<i32>} : memref<32x512xf32, #tpu.memory_space<vmem>>, vector<16xf32>,
          %mul3A_849 = arith.mulf %get3A_848, %gather3A_698 : vector<16xf32>
          %add3A_850 = arith.addf %add3A_845, %mul3A_849 : vector<16xf32>
          %swap3A_851 = arith.index_cast %add3A_699 : i32 to index
          %swap3A_852 = arith.constant 96 : index
          %swap3A_853 = tpu.vector_load %arg17[%swap3A_851, %swap3A_852] {strides = array<i32>} : memref<32x128xf32, #tpu.memory_space<vmem>>, vector<16xf32>,
          tpu.vector_store %arg17[%swap3A_851, %swap3A_852], %add3A_850 {strides = array<i32>} : memref<32x128xf32, #tpu.memory_space<vmem>>, vector<16xf32>,
          %get3A_854 = arith.index_cast %add3A_699 : i32 to index
          %get3A_855 = arith.constant 112 : index
          %get3A_856 = tpu.vector_load %arg16[%get3A_854, %get3A_855] {strides = array<i32>} : memref<32x512xf32, #tpu.memory_space<vmem>>, vector<16xf32>,
          %mul3A_857 = arith.mulf %get3A_856, %gather3A_686 : vector<16xf32>
          %get3A_858 = arith.index_cast %add3A_699 : i32 to index
          %get3A_859 = arith.constant 240 : index
          %get3A_860 = tpu.vector_load %arg16[%get3A_858, %get3A_859] {strides = array<i32>} : memref<32x512xf32, #tpu.memory_space<vmem>>, vector<16xf32>,
          %mul3A_861 = arith.mulf %get3A_860, %gather3A_690 : vector<16xf32>
          %add3A_862 = arith.addf %mul3A_857, %mul3A_861 : vector<16xf32>
          %get3A_863 = arith.index_cast %add3A_699 : i32 to index
          %get3A_864 = arith.constant 368 : index
          %get3A_865 = tpu.vector_load %arg16[%get3A_863, %get3A_864] {strides = array<i32>} : memref<32x512xf32, #tpu.memory_space<vmem>>, vector<16xf32>,
          %mul3A_866 = arith.mulf %get3A_865, %gather3A_694 : vector<16xf32>
          %add3A_867 = arith.addf %add3A_862, %mul3A_866 : vector<16xf32>
          %get3A_868 = arith.index_cast %add3A_699 : i32 to index
          %get3A_869 = arith.constant 496 : index
          %get3A_870 = tpu.vector_load %arg16[%get3A_868, %get3A_869] {strides = array<i32>} : memref<32x512xf32, #tpu.memory_space<vmem>>, vector<16xf32>,
          %mul3A_871 = arith.mulf %get3A_870, %gather3A_698 : vector<16xf32>
          %add3A_872 = arith.addf %add3A_867, %mul3A_871 : vector<16xf32>
          %swap3A_873 = arith.index_cast %add3A_699 : i32 to index
          %swap3A_874 = arith.constant 112 : index
          %swap3A_875 = tpu.vector_load %arg17[%swap3A_873, %swap3A_874] {strides = array<i32>} : memref<32x128xf32, #tpu.memory_space<vmem>>, vector<16xf32>,
          tpu.vector_store %arg17[%swap3A_873, %swap3A_874], %add3A_872 {strides = array<i32>} : memref<32x128xf32, #tpu.memory_space<vmem>>, vector<16xf32>,
        }
        %scan3A_444 = arith.constant 16 : i32
        %jit3A_445 = arith.constant 2 : i32
        %eq3A_446 = arith.constant 0 : i32
        %eq3A_447 = arith.cmpi eq, %jit3A_445, %eq3A_446 : i32
        %jit3A_448 = arith.constant 1 : i32
        %select_n3A_449 = arith.select %eq3A_447, %jit3A_448, %jit3A_445 : i32
        %rem3A_450 = arith.remsi %scan3A_363, %select_n3A_449 : i32
        %ne3A_451 = arith.constant 0 : i32
        %ne3A_452 = arith.cmpi ne, %rem3A_450, %ne3A_451 : i32
        %lt3A_453 = arith.constant 0 : i32
        %lt3A_454 = arith.cmpi slt, %rem3A_450, %lt3A_453 : i32
        %lt3A_455 = arith.constant 0 : i32
        %lt3A_456 = arith.cmpi slt, %select_n3A_449, %lt3A_455 : i32
        %ne3A_457 = arith.xori %lt3A_454, %lt3A_456 : i1
        %and3A_458 = arith.andi %ne3A_457, %ne3A_452 : i1
        %add3A_459 = arith.addi %rem3A_450, %select_n3A_449 : i32
        %select_n3A_460 = arith.select %and3A_458, %add3A_459, %rem3A_450 : i32
        %eq3A_461 = arith.constant 0 : i32
        %eq3A_462 = arith.cmpi eq, %select_n3A_460, %eq3A_461 : i32
        %convert_element_type3A_463 = arith.extui %eq3A_462 : i1 to i32
        %cond3A_464 = arith.constant 0 : i32
        %cond3A_465 = arith.cmpi ne, %convert_element_type3A_463, %cond3A_464 : i32
        scf.if %cond3A_465 {
          %dma_start3A_487 = arith.constant 0 : i32
          %dma_start3A_488 = arith.constant 0 : i32
          %dma_start3A_489 = tpu.memref_slice %arg17[%dma_start3A_487, %dma_start3A_488] : memref<32x128xf32, #tpu.memory_space<vmem>> -> memref<16x128xf32, #tpu.memory_space<vmem>>
          %dma_start3A_490 = arith.constant 0 : i32
          %dma_start3A_491 = tpu.memref_slice %arg12[%scan3A_363, %dma_start3A_490] : memref<32x16xi32, #tpu.memory_space<vmem>> -> memref<1x16xi32, #tpu.memory_space<vmem>>
          %dma_start3A_492 = tpu.memref_squeeze %dma_start3A_491 : memref<1x16xi32, #tpu.memory_space<vmem>> -> memref<16xi32, #tpu.memory_space<vmem>>
          %dma_start3A_493 = arith.constant 0 : i32
          %dma_start3A_494 = arith.constant 0 : i32
          %dma_start3A_495 = tpu.memref_slice %arg8[%dma_start3A_493, %dma_start3A_494] : memref<10000x128xf32, #tpu.memory_space<vmem_shared>> -> memref<10000x128xf32, #tpu.memory_space<vmem_shared>>
          tpu.enqueue_indirect_dma source(%dma_start3A_489 : memref<16x128xf32, #tpu.memory_space<vmem>>) target(%dma_start3A_495 : memref<10000x128xf32, #tpu.memory_space<vmem_shared>>) offsets(%dma_start3A_492 : memref<16xi32, #tpu.memory_space<vmem>>) semaphore(%arg20 : memref<!tpu.dma_semaphore, #tpu.memory_space<semaphore_mem>>) {add = true}
        } else {
        }
        %jit3A_466 = arith.constant 2 : i32
        %eq3A_467 = arith.constant 0 : i32
        %eq3A_468 = arith.cmpi eq, %jit3A_466, %eq3A_467 : i32
        %jit3A_469 = arith.constant 1 : i32
        %select_n3A_470 = arith.select %eq3A_468, %jit3A_469, %jit3A_466 : i32
        %rem3A_471 = arith.remsi %scan3A_363, %select_n3A_470 : i32
        %ne3A_472 = arith.constant 0 : i32
        %ne3A_473 = arith.cmpi ne, %rem3A_471, %ne3A_472 : i32
        %lt3A_474 = arith.constant 0 : i32
        %lt3A_475 = arith.cmpi slt, %rem3A_471, %lt3A_474 : i32
        %lt3A_476 = arith.constant 0 : i32
        %lt3A_477 = arith.cmpi slt, %select_n3A_470, %lt3A_476 : i32
        %ne3A_478 = arith.xori %lt3A_475, %lt3A_477 : i1
        %and3A_479 = arith.andi %ne3A_478, %ne3A_473 : i1
        %add3A_480 = arith.addi %rem3A_471, %select_n3A_470 : i32
        %select_n3A_481 = arith.select %and3A_479, %add3A_480, %rem3A_471 : i32
        %eq3A_482 = arith.constant 1 : i32
        %eq3A_483 = arith.cmpi eq, %select_n3A_481, %eq3A_482 : i32
        %convert_element_type3A_484 = arith.extui %eq3A_483 : i1 to i32
        %cond3A_485 = arith.constant 0 : i32
        %cond3A_486 = arith.cmpi ne, %convert_element_type3A_484, %cond3A_485 : i32
        scf.if %cond3A_486 {
          %dma_start3A_487 = arith.constant 16 : i32
          %dma_start3A_488 = arith.constant 0 : i32
          %dma_start3A_489 = tpu.memref_slice %arg17[%dma_start3A_487, %dma_start3A_488] : memref<32x128xf32, #tpu.memory_space<vmem>> -> memref<16x128xf32, #tpu.memory_space<vmem>>
          %dma_start3A_490 = arith.constant 0 : i32
          %dma_start3A_491 = tpu.memref_slice %arg12[%scan3A_363, %dma_start3A_490] : memref<32x16xi32, #tpu.memory_space<vmem>> -> memref<1x16xi32, #tpu.memory_space<vmem>>
          %dma_start3A_492 = tpu.memref_squeeze %dma_start3A_491 : memref<1x16xi32, #tpu.memory_space<vmem>> -> memref<16xi32, #tpu.memory_space<vmem>>
          %dma_start3A_493 = arith.constant 0 : i32
          %dma_start3A_494 = arith.constant 0 : i32
          %dma_start3A_495 = tpu.memref_slice %arg8[%dma_start3A_493, %dma_start3A_494] : memref<10000x128xf32, #tpu.memory_space<vmem_shared>> -> memref<10000x128xf32, #tpu.memory_space<vmem_shared>>
          tpu.enqueue_indirect_dma source(%dma_start3A_489 : memref<16x128xf32, #tpu.memory_space<vmem>>) target(%dma_start3A_495 : memref<10000x128xf32, #tpu.memory_space<vmem_shared>>) offsets(%dma_start3A_492 : memref<16xi32, #tpu.memory_space<vmem>>) semaphore(%arg21 : memref<!tpu.dma_semaphore, #tpu.memory_space<semaphore_mem>>) {add = true}
        } else {
        }
      }
      %scan3A_343 = arith.constant 32 : i32
      %dma_wait3A = arith.constant 0 : i32
      %dma_wait3A_344 = arith.constant 0 : i32
      %dma_wait3A_345 = arith.constant 0 : i32
      %dma_wait3A_346 = tpu.memref_slice %arg17[%dma_wait3A_344, %dma_wait3A_345] : memref<32x128xf32, #tpu.memory_space<vmem>> -> memref<16x128xf32, #tpu.memory_space<vmem>>
      %dma_wait3A_347 = arith.constant 0 : i32
      %dma_wait3A_348 = tpu.memref_slice %arg12[%dma_wait3A, %dma_wait3A_347] : memref<32x16xi32, #tpu.memory_space<vmem>> -> memref<1x16xi32, #tpu.memory_space<vmem>>
      %dma_wait3A_349 = tpu.memref_squeeze %dma_wait3A_348 : memref<1x16xi32, #tpu.memory_space<vmem>> -> memref<16xi32, #tpu.memory_space<vmem>>
      %dma_wait3A_350 = arith.constant 0 : i32
      %dma_wait3A_351 = arith.constant 0 : i32
      %dma_wait3A_352 = tpu.memref_slice %arg8[%dma_wait3A_350, %dma_wait3A_351] : memref<10000x128xf32, #tpu.memory_space<vmem_shared>> -> memref<10000x128xf32, #tpu.memory_space<vmem_shared>>
      tpu.wait_indirect_dma semaphore(%arg20 : memref<!tpu.dma_semaphore, #tpu.memory_space<semaphore_mem>>) src(%dma_wait3A_346 : memref<16x128xf32, #tpu.memory_space<vmem>>) dst(%dma_wait3A_352 : memref<10000x128xf32, #tpu.memory_space<vmem_shared>>)
      %dma_wait3A_353 = arith.constant 1 : i32
      %dma_wait3A_354 = arith.constant 16 : i32
      %dma_wait3A_355 = arith.constant 0 : i32
      %dma_wait3A_356 = tpu.memref_slice %arg17[%dma_wait3A_354, %dma_wait3A_355] : memref<32x128xf32, #tpu.memory_space<vmem>> -> memref<16x128xf32, #tpu.memory_space<vmem>>
      %dma_wait3A_357 = arith.constant 0 : i32
      %dma_wait3A_358 = tpu.memref_slice %arg12[%dma_wait3A_353, %dma_wait3A_357] : memref<32x16xi32, #tpu.memory_space<vmem>> -> memref<1x16xi32, #tpu.memory_space<vmem>>
      %dma_wait3A_359 = tpu.memref_squeeze %dma_wait3A_358 : memref<1x16xi32, #tpu.memory_space<vmem>> -> memref<16xi32, #tpu.memory_space<vmem>>
      %dma_wait3A_360 = arith.constant 0 : i32
      %dma_wait3A_361 = arith.constant 0 : i32
      %dma_wait3A_362 = tpu.memref_slice %arg8[%dma_wait3A_360, %dma_wait3A_361] : memref<10000x128xf32, #tpu.memory_space<vmem_shared>> -> memref<10000x128xf32, #tpu.memory_space<vmem_shared>>
      tpu.wait_indirect_dma semaphore(%arg21 : memref<!tpu.dma_semaphore, #tpu.memory_space<semaphore_mem>>) src(%dma_wait3A_356 : memref<16x128xf32, #tpu.memory_space<vmem>>) dst(%dma_wait3A_362 : memref<10000x128xf32, #tpu.memory_space<vmem_shared>>)
    }
    %scan3A_274 = arith.constant 10 : i32
    %barrier3A_275 = arith.constant 0 : index
    tpu.barrier barrier_id(%barrier3A_275)
    %while3A_276 = arith.constant 0 : i32
    %while3A_277 = arith.subi %select_n3A, %while3A_276 : i32
    %while3A_278 = arith.addi %while3A_276, %while3A_277 : i32
    %while3A_279 = arith.constant 1 : i32
    %while3A_280 = arith.divsi %while3A_277, %while3A_279 : i32
    %while3A_281 = arith.muli %while3A_280, %while3A_279 : i32
    %while3A_282 = arith.addi %while3A_276, %while3A_281 : i32
    %while3A_283 = arith.constant 1 : i32
    scf.for %while3A_285 = %while3A_276 to %while3A_282 step %while3A_283  : i32 {
      %mul3A_286 = arith.constant 624 : i32
      %mul3A_287 = arith.muli %arg1, %mul3A_286 : i32
      %mul3A_288 = arith.constant 8 : i32
      %mul3A_289 = arith.muli %while3A_285, %mul3A_288 : i32
      %add3A_290 = arith.addi %mul3A_287, %mul3A_289 : i32
      "tpu.region"() ({
        %run_scoped3A = tpu.sem_alloc : memref<!tpu.dma_semaphore, #tpu.memory_space<semaphore_mem>>
        %dma_start3A = arith.constant 0 : i32
        %dma_start3A_291 = tpu.memref_slice %arg7[%arg0, %add3A_290, %dma_start3A] : memref<2x10000x128xf32, #tpu.memory_space<hbm>> -> memref<1x8x128xf32, #tpu.memory_space<hbm>>
        %dma_start3A_292 = tpu.memref_squeeze %dma_start3A_291 : memref<1x8x128xf32, #tpu.memory_space<hbm>> -> memref<8x128xf32, #tpu.memory_space<hbm>>
        %dma_start3A_293 = arith.constant 0 : i32
        %dma_start3A_294 = tpu.memref_slice %arg8[%add3A_290, %dma_start3A_293] : memref<10000x128xf32, #tpu.memory_space<vmem_shared>> -> memref<8x128xf32, #tpu.memory_space<vmem_shared>>
        tpu.enqueue_dma source(%dma_start3A_294 : memref<8x128xf32, #tpu.memory_space<vmem_shared>>) target(%dma_start3A_292 : memref<8x128xf32, #tpu.memory_space<hbm>>) target_semaphore(%run_scoped3A : memref<!tpu.dma_semaphore, #tpu.memory_space<semaphore_mem>>)
        %dma_wait3A = arith.constant 0 : i32
        %dma_wait3A_295 = tpu.memref_slice %arg7[%arg0, %add3A_290, %dma_wait3A] : memref<2x10000x128xf32, #tpu.memory_space<hbm>> -> memref<1x8x128xf32, #tpu.memory_space<hbm>>
        %dma_wait3A_296 = tpu.memref_squeeze %dma_wait3A_295 : memref<1x8x128xf32, #tpu.memory_space<hbm>> -> memref<8x128xf32, #tpu.memory_space<hbm>>
        %dma_wait3A_297 = arith.constant 0 : i32
        %dma_wait3A_298 = tpu.memref_slice %arg8[%add3A_290, %dma_wait3A_297] : memref<10000x128xf32, #tpu.memory_space<vmem_shared>> -> memref<8x128xf32, #tpu.memory_space<vmem_shared>>
        tpu.wait_dma2 semaphore(%run_scoped3A : memref<!tpu.dma_semaphore, #tpu.memory_space<semaphore_mem>>) src(%dma_wait3A_298 : memref<8x128xf32, #tpu.memory_space<vmem_shared>>) dst(%dma_wait3A_296 : memref<8x128xf32, #tpu.memory_space<hbm>>)
        tpu.yield
      }) : () -> ()
    }
    %while3A_284 = arith.constant 1 : i32
    scf.for %while3A_285 = %while3A_282 to %while3A_278 step %while3A_284  : i32 {
      %mul3A_286 = arith.constant 624 : i32
      %mul3A_287 = arith.muli %arg1, %mul3A_286 : i32
      %mul3A_288 = arith.constant 8 : i32
      %mul3A_289 = arith.muli %while3A_285, %mul3A_288 : i32
      %add3A_290 = arith.addi %mul3A_287, %mul3A_289 : i32
      "tpu.region"() ({
        %run_scoped3A = tpu.sem_alloc : memref<!tpu.dma_semaphore, #tpu.memory_space<semaphore_mem>>
        %dma_start3A = arith.constant 0 : i32
        %dma_start3A_291 = tpu.memref_slice %arg7[%arg0, %add3A_290, %dma_start3A] : memref<2x10000x128xf32, #tpu.memory_space<hbm>> -> memref<1x8x128xf32, #tpu.memory_space<hbm>>
        %dma_start3A_292 = tpu.memref_squeeze %dma_start3A_291 : memref<1x8x128xf32, #tpu.memory_space<hbm>> -> memref<8x128xf32, #tpu.memory_space<hbm>>
        %dma_start3A_293 = arith.constant 0 : i32
        %dma_start3A_294 = tpu.memref_slice %arg8[%add3A_290, %dma_start3A_293] : memref<10000x128xf32, #tpu.memory_space<vmem_shared>> -> memref<8x128xf32, #tpu.memory_space<vmem_shared>>
        tpu.enqueue_dma source(%dma_start3A_294 : memref<8x128xf32, #tpu.memory_space<vmem_shared>>) target(%dma_start3A_292 : memref<8x128xf32, #tpu.memory_space<hbm>>) target_semaphore(%run_scoped3A : memref<!tpu.dma_semaphore, #tpu.memory_space<semaphore_mem>>)
        %dma_wait3A = arith.constant 0 : i32
        %dma_wait3A_295 = tpu.memref_slice %arg7[%arg0, %add3A_290, %dma_wait3A] : memref<2x10000x128xf32, #tpu.memory_space<hbm>> -> memref<1x8x128xf32, #tpu.memory_space<hbm>>
        %dma_wait3A_296 = tpu.memref_squeeze %dma_wait3A_295 : memref<1x8x128xf32, #tpu.memory_space<hbm>> -> memref<8x128xf32, #tpu.memory_space<hbm>>
        %dma_wait3A_297 = arith.constant 0 : i32
        %dma_wait3A_298 = tpu.memref_slice %arg8[%add3A_290, %dma_wait3A_297] : memref<10000x128xf32, #tpu.memory_space<vmem_shared>> -> memref<8x128xf32, #tpu.memory_space<vmem_shared>>
        tpu.wait_dma2 semaphore(%run_scoped3A : memref<!tpu.dma_semaphore, #tpu.memory_space<semaphore_mem>>) src(%dma_wait3A_298 : memref<8x128xf32, #tpu.memory_space<vmem_shared>>) dst(%dma_wait3A_296 : memref<8x128xf32, #tpu.memory_space<hbm>>)
        tpu.yield
      }) : () -> ()
    }
    return
  }
}

module attributes {stable_mosaic.version = 14 : i64} {
  func.func @_proj_body(%arg0: i32, %arg1: memref<400x1536xf32, #tpu.memory_space<vmem>>, %arg2: memref<1536x1664xf32, #tpu.memory_space<vmem>>, %arg3: memref<1x1664xf32, #tpu.memory_space<vmem>>, %arg4: memref<400x512xf32, #tpu.memory_space<vmem>>, %arg5: memref<400x512xf32, #tpu.memory_space<vmem>>, %arg6: memref<400x512xf32, #tpu.memory_space<vmem>>, %arg7: memref<400x128xf32, #tpu.memory_space<vmem>>) attributes {dimension_semantics = [#tpu.dimension_semantics<arbitrary>], iteration_bounds = array<i64: 25>, scalar_prefetch = 0 : i64, scratch_operands = 0 : i64, tpu.core_type = #tpu.core_type<tc>, window_params = [{transform_indices = @transform_0, window_bounds = array<i64: 400, 1536>}, {pipeline_mode = #tpu.pipeline_mode<synchronous>, transform_indices = @transform_1, window_bounds = array<i64: 1536, 1664>}, {pipeline_mode = #tpu.pipeline_mode<synchronous>, transform_indices = @transform_2, window_bounds = array<i64: 1, 1664>}, {transform_indices = @transform_3, window_bounds = array<i64: 400, 512>}, {transform_indices = @transform_4, window_bounds = array<i64: 400, 512>}, {transform_indices = @transform_5, window_bounds = array<i64: 400, 512>}, {transform_indices = @transform_6, window_bounds = array<i64: 400, 128>}]} {
    %get3A = arith.constant 0 : index
    %get3A_0 = arith.constant 0 : index
    %get3A_1 = vector.load %arg1[%get3A, %get3A_0] : memref<400x1536xf32, #tpu.memory_space<vmem>>, vector<400x1536xf32>
    %get3A_2 = arith.constant 0 : index
    %get3A_3 = arith.constant 0 : index
    %get3A_4 = vector.load %arg2[%get3A_2, %get3A_3] : memref<1536x1664xf32, #tpu.memory_space<vmem>>, vector<1536x1664xf32>
    %dot_general3A = arith.constant dense<0.000000e+00> : vector<400x1664xf32>
    %dot_general3A_5 = tpu.matmul %get3A_1, %get3A_4, %dot_general3A {dimension_numbers = #tpu.dot_dimension_numbers<[1], [0], [0], [1], [0, 0, 1, 1], [], []>, transpose_lhs_hint = false} : vector<400x1536xf32>, vector<1536x1664xf32>, vector<400x1664xf32> -> vector<400x1664xf32>
    %get3A_6 = arith.constant 0 : index
    %get3A_7 = arith.constant 0 : index
    %get3A_8 = vector.load %arg3[%get3A_6, %get3A_7] : memref<1x1664xf32, #tpu.memory_space<vmem>>, vector<1x1664xf32>
    %add3A = vector.broadcast %get3A_8 : vector<1x1664xf32> to vector<400x1664xf32>
    %add3A_9 = arith.addf %dot_general3A_5, %add3A : vector<400x1664xf32>
    %slice3A = vector.extract_strided_slice %add3A_9 {offsets = [0, 0], sizes = [400, 512], strides = [1, 1]} : vector<400x1664xf32> to vector<400x512xf32>
    %swap3A = arith.constant 0 : index
    %swap3A_10 = arith.constant 0 : index
    %swap3A_11 = vector.load %arg4[%swap3A, %swap3A_10] : memref<400x512xf32, #tpu.memory_space<vmem>>, vector<400x512xf32>
    tpu.vector_store %arg4[%swap3A, %swap3A_10], %slice3A {strides = array<i32>} : memref<400x512xf32, #tpu.memory_space<vmem>>, vector<400x512xf32>,
    %slice3A_12 = vector.extract_strided_slice %add3A_9 {offsets = [0, 512], sizes = [400, 512], strides = [1, 1]} : vector<400x1664xf32> to vector<400x512xf32>
    %swap3A_13 = arith.constant 0 : index
    %swap3A_14 = arith.constant 0 : index
    %swap3A_15 = vector.load %arg5[%swap3A_13, %swap3A_14] : memref<400x512xf32, #tpu.memory_space<vmem>>, vector<400x512xf32>
    tpu.vector_store %arg5[%swap3A_13, %swap3A_14], %slice3A_12 {strides = array<i32>} : memref<400x512xf32, #tpu.memory_space<vmem>>, vector<400x512xf32>,
    %slice3A_16 = vector.extract_strided_slice %add3A_9 {offsets = [0, 1024], sizes = [400, 512], strides = [1, 1]} : vector<400x1664xf32> to vector<400x512xf32>
    %swap3A_17 = arith.constant 0 : index
    %swap3A_18 = arith.constant 0 : index
    %swap3A_19 = vector.load %arg6[%swap3A_17, %swap3A_18] : memref<400x512xf32, #tpu.memory_space<vmem>>, vector<400x512xf32>
    tpu.vector_store %arg6[%swap3A_17, %swap3A_18], %slice3A_16 {strides = array<i32>} : memref<400x512xf32, #tpu.memory_space<vmem>>, vector<400x512xf32>,
    %slice3A_20 = vector.extract_strided_slice %add3A_9 {offsets = [0, 1536], sizes = [400, 128], strides = [1, 1]} : vector<400x1664xf32> to vector<400x128xf32>
    %swap3A_21 = arith.constant 0 : index
    %swap3A_22 = arith.constant 0 : index
    %swap3A_23 = vector.load %arg7[%swap3A_21, %swap3A_22] : memref<400x128xf32, #tpu.memory_space<vmem>>, vector<400x128xf32>
    tpu.vector_store %arg7[%swap3A_21, %swap3A_22], %slice3A_20 {strides = array<i32>} : memref<400x128xf32, #tpu.memory_space<vmem>>, vector<400x128xf32>,
    return
  }
  func.func @transform_0(%arg0: i32) -> (i32, i32) {
    %c0_i32 = arith.constant 0 : i32
    %c0_i32_0 = arith.constant 0 : i32
    return %arg0, %c0_i32 : i32, i32
  }
  func.func @transform_1(%arg0: i32) -> (i32, i32) {
    %c0_i32 = arith.constant 0 : i32
    %c0_i32_0 = arith.constant 0 : i32
    %c0_i32_1 = arith.constant 0 : i32
    return %c0_i32, %c0_i32_0 : i32, i32
  }
  func.func @transform_2(%arg0: i32) -> (i32, i32) {
    %c0_i32 = arith.constant 0 : i32
    %c0_i32_0 = arith.constant 0 : i32
    %c0_i32_1 = arith.constant 0 : i32
    return %c0_i32, %c0_i32_0 : i32, i32
  }
  func.func @transform_3(%arg0: i32) -> (i32, i32) {
    %c0_i32 = arith.constant 0 : i32
    %c0_i32_0 = arith.constant 0 : i32
    return %arg0, %c0_i32 : i32, i32
  }
  func.func @transform_4(%arg0: i32) -> (i32, i32) {
    %c0_i32 = arith.constant 0 : i32
    %c0_i32_0 = arith.constant 0 : i32
    return %arg0, %c0_i32 : i32, i32
  }
  func.func @transform_5(%arg0: i32) -> (i32, i32) {
    %c0_i32 = arith.constant 0 : i32
    %c0_i32_0 = arith.constant 0 : i32
    return %arg0, %c0_i32 : i32, i32
  }
  func.func @transform_6(%arg0: i32) -> (i32, i32) {
    %c0_i32 = arith.constant 0 : i32
    %c0_i32_0 = arith.constant 0 : i32
    return %arg0, %c0_i32 : i32, i32
  }
}

module attributes {stable_mosaic.version = 14 : i64} {
  func.func @_invd_body(%arg0: i32, %arg1: memref<2x8x5120xf32, #tpu.memory_space<vmem>>, %arg2: memref<8x5120xf32, #tpu.memory_space<vmem>>) attributes {dimension_semantics = [#tpu.dimension_semantics<arbitrary>], iteration_bounds = array<i64: 1>, scalar_prefetch = 0 : i64, scratch_operands = 0 : i64, tpu.core_type = #tpu.core_type<tc>, window_params = [{pipeline_mode = #tpu.pipeline_mode<synchronous>, transform_indices = @transform_0, window_bounds = array<i64: 2, 8, 5120>}, {pipeline_mode = #tpu.pipeline_mode<synchronous>, transform_indices = @transform_1, window_bounds = array<i64: 8, 5120>}]} {
    %get3A = arith.constant 0 : index
    %get3A_0 = arith.constant 0 : index
    %get3A_1 = arith.constant 0 : index
    %get3A_2 = vector.load %arg1[%get3A, %get3A_0, %get3A_1] : memref<2x8x5120xf32, #tpu.memory_space<vmem>>, vector<1x8x5120xf32>
    %get3A_3 = vector.shape_cast %get3A_2 : vector<1x8x5120xf32> to vector<8x5120xf32>
    %get3A_4 = arith.constant 1 : index
    %get3A_5 = arith.constant 0 : index
    %get3A_6 = arith.constant 0 : index
    %get3A_7 = vector.load %arg1[%get3A_4, %get3A_5, %get3A_6] : memref<2x8x5120xf32, #tpu.memory_space<vmem>>, vector<1x8x5120xf32>
    %get3A_8 = vector.shape_cast %get3A_7 : vector<1x8x5120xf32> to vector<8x5120xf32>
    %add3A = arith.addf %get3A_3, %get3A_8 : vector<8x5120xf32>
    %add3A_9 = arith.constant 1.000000e-16 : f32
    %add3A_10 = vector.broadcast %add3A_9 : f32 to vector<8x5120xf32>
    %add3A_11 = arith.addf %add3A, %add3A_10 : vector<8x5120xf32>
    %div3A = arith.constant 2.500000e-01 : f32
    %div3A_12 = vector.broadcast %div3A : f32 to vector<8x5120xf32>
    %div3A_13 = arith.divf %div3A_12, %add3A_11 : vector<8x5120xf32>
    %swap3A = arith.constant 0 : index
    %swap3A_14 = arith.constant 0 : index
    %swap3A_15 = vector.load %arg2[%swap3A, %swap3A_14] : memref<8x5120xf32, #tpu.memory_space<vmem>>, vector<8x5120xf32>
    tpu.vector_store %arg2[%swap3A, %swap3A_14], %div3A_13 {strides = array<i32>} : memref<8x5120xf32, #tpu.memory_space<vmem>>, vector<8x5120xf32>,
    return
  }
  func.func @transform_0(%arg0: i32) -> (i32, i32, i32) {
    %c0_i32 = arith.constant 0 : i32
    %c0_i32_0 = arith.constant 0 : i32
    %c0_i32_1 = arith.constant 0 : i32
    %c0_i32_2 = arith.constant 0 : i32
    return %c0_i32, %c0_i32_0, %c0_i32_1 : i32, i32, i32
  }
  func.func @transform_1(%arg0: i32) -> (i32, i32) {
    %c0_i32 = arith.constant 0 : i32
    %c0_i32_0 = arith.constant 0 : i32
    %c0_i32_1 = arith.constant 0 : i32
    return %c0_i32, %c0_i32_0 : i32, i32
  }
}

module attributes {stable_mosaic.version = 14 : i64} {
  func.func @_text_body(%arg0: i32, %arg1: memref<1024x1536xf32, #tpu.memory_space<vmem>>, %arg2: memref<1536x128xf32, #tpu.memory_space<vmem>>, %arg3: memref<1x128xf32, #tpu.memory_space<vmem>>, %arg4: memref<128x300xf32, #tpu.memory_space<vmem>>, %arg5: memref<1x300xf32, #tpu.memory_space<vmem>>, %arg6: memref<1024x300xf32, #tpu.memory_space<vmem>>) attributes {dimension_semantics = [#tpu.dimension_semantics<arbitrary>], iteration_bounds = array<i64: 1>, scalar_prefetch = 0 : i64, scratch_operands = 0 : i64, tpu.core_type = #tpu.core_type<tc>, window_params = [{pipeline_mode = #tpu.pipeline_mode<synchronous>, transform_indices = @transform_0, window_bounds = array<i64: 1024, 1536>}, {pipeline_mode = #tpu.pipeline_mode<synchronous>, transform_indices = @transform_1, window_bounds = array<i64: 1536, 128>}, {pipeline_mode = #tpu.pipeline_mode<synchronous>, transform_indices = @transform_2, window_bounds = array<i64: 1, 128>}, {pipeline_mode = #tpu.pipeline_mode<synchronous>, transform_indices = @transform_3, window_bounds = array<i64: 128, 300>}, {pipeline_mode = #tpu.pipeline_mode<synchronous>, transform_indices = @transform_4, window_bounds = array<i64: 1, 300>}, {pipeline_mode = #tpu.pipeline_mode<synchronous>, transform_indices = @transform_5, window_bounds = array<i64: 1024, 300>}]} {
    %get3A = arith.constant 0 : index
    %get3A_0 = arith.constant 0 : index
    %get3A_1 = vector.load %arg1[%get3A, %get3A_0] : memref<1024x1536xf32, #tpu.memory_space<vmem>>, vector<1024x1536xf32>
    %get3A_2 = arith.constant 0 : index
    %get3A_3 = arith.constant 0 : index
    %get3A_4 = vector.load %arg2[%get3A_2, %get3A_3] : memref<1536x128xf32, #tpu.memory_space<vmem>>, vector<1536x128xf32>
    %dot_general3A = arith.constant dense<0.000000e+00> : vector<1024x128xf32>
    %dot_general3A_5 = tpu.matmul %get3A_1, %get3A_4, %dot_general3A {dimension_numbers = #tpu.dot_dimension_numbers<[1], [0], [0], [1], [0, 0, 1, 1], [], []>, transpose_lhs_hint = false} : vector<1024x1536xf32>, vector<1536x128xf32>, vector<1024x128xf32> -> vector<1024x128xf32>
    %get3A_6 = arith.constant 0 : index
    %get3A_7 = arith.constant 0 : index
    %get3A_8 = vector.load %arg3[%get3A_6, %get3A_7] : memref<1x128xf32, #tpu.memory_space<vmem>>, vector<1x128xf32>
    %add3A = vector.broadcast %get3A_8 : vector<1x128xf32> to vector<1024x128xf32>
    %add3A_9 = arith.addf %dot_general3A_5, %add3A : vector<1024x128xf32>
    %max3A = arith.constant 0.000000e+00 : f32
    %max3A_10 = vector.broadcast %max3A : f32 to vector<1024x128xf32>
    %max3A_11 = arith.maximumf %add3A_9, %max3A_10 : vector<1024x128xf32>
    %get3A_12 = arith.constant 0 : index
    %get3A_13 = arith.constant 0 : index
    %get3A_14 = vector.load %arg4[%get3A_12, %get3A_13] : memref<128x300xf32, #tpu.memory_space<vmem>>, vector<128x300xf32>
    %dot_general3A_15 = arith.constant dense<0.000000e+00> : vector<1024x300xf32>
    %dot_general3A_16 = tpu.matmul %max3A_11, %get3A_14, %dot_general3A_15 {dimension_numbers = #tpu.dot_dimension_numbers<[1], [0], [0], [1], [0, 0, 1, 1], [], []>, transpose_lhs_hint = false} : vector<1024x128xf32>, vector<128x300xf32>, vector<1024x300xf32> -> vector<1024x300xf32>
    %get3A_17 = arith.constant 0 : index
    %get3A_18 = arith.constant 0 : index
    %get3A_19 = vector.load %arg5[%get3A_17, %get3A_18] : memref<1x300xf32, #tpu.memory_space<vmem>>, vector<1x300xf32>
    %add3A_20 = vector.broadcast %get3A_19 : vector<1x300xf32> to vector<1024x300xf32>
    %add3A_21 = arith.addf %dot_general3A_16, %add3A_20 : vector<1024x300xf32>
    %max3A_22 = arith.constant 0.000000e+00 : f32
    %max3A_23 = vector.broadcast %max3A_22 : f32 to vector<1024x300xf32>
    %max3A_24 = arith.maximumf %add3A_21, %max3A_23 : vector<1024x300xf32>
    %swap3A = arith.constant 0 : index
    %swap3A_25 = arith.constant 0 : index
    %swap3A_26 = vector.load %arg6[%swap3A, %swap3A_25] : memref<1024x300xf32, #tpu.memory_space<vmem>>, vector<1024x300xf32>
    tpu.vector_store %arg6[%swap3A, %swap3A_25], %max3A_24 {strides = array<i32>} : memref<1024x300xf32, #tpu.memory_space<vmem>>, vector<1024x300xf32>,
    return
  }
  func.func @transform_0(%arg0: i32) -> (i32, i32) {
    %c0_i32 = arith.constant 0 : i32
    %c0_i32_0 = arith.constant 0 : i32
    %c0_i32_1 = arith.constant 0 : i32
    return %c0_i32, %c0_i32_0 : i32, i32
  }
  func.func @transform_1(%arg0: i32) -> (i32, i32) {
    %c0_i32 = arith.constant 0 : i32
    %c0_i32_0 = arith.constant 0 : i32
    %c0_i32_1 = arith.constant 0 : i32
    return %c0_i32, %c0_i32_0 : i32, i32
  }
  func.func @transform_2(%arg0: i32) -> (i32, i32) {
    %c0_i32 = arith.constant 0 : i32
    %c0_i32_0 = arith.constant 0 : i32
    %c0_i32_1 = arith.constant 0 : i32
    return %c0_i32, %c0_i32_0 : i32, i32
  }
  func.func @transform_3(%arg0: i32) -> (i32, i32) {
    %c0_i32 = arith.constant 0 : i32
    %c0_i32_0 = arith.constant 0 : i32
    %c0_i32_1 = arith.constant 0 : i32
    return %c0_i32, %c0_i32_0 : i32, i32
  }
  func.func @transform_4(%arg0: i32) -> (i32, i32) {
    %c0_i32 = arith.constant 0 : i32
    %c0_i32_0 = arith.constant 0 : i32
    %c0_i32_1 = arith.constant 0 : i32
    return %c0_i32, %c0_i32_0 : i32, i32
  }
  func.func @transform_5(%arg0: i32) -> (i32, i32) {
    %c0_i32 = arith.constant 0 : i32
    %c0_i32_0 = arith.constant 0 : i32
    %c0_i32_1 = arith.constant 0 : i32
    return %c0_i32, %c0_i32_0 : i32, i32
  }
}

module attributes {stable_mosaic.version = 14 : i64} {
  func.func @_mlp_body(%arg0: i32, %arg1: memref<2x400x128xf32, #tpu.memory_space<vmem>>, %arg2: memref<400x128xf32, #tpu.memory_space<vmem>>, %arg3: memref<128x1024xf32, #tpu.memory_space<vmem>>, %arg4: memref<1x1024xf32, #tpu.memory_space<vmem>>, %arg5: memref<1024x300xf32, #tpu.memory_space<vmem>>, %arg6: memref<1x300xf32, #tpu.memory_space<vmem>>, %arg7: memref<1x300xf32, #tpu.memory_space<vmem>>) attributes {dimension_semantics = [#tpu.dimension_semantics<arbitrary>], iteration_bounds = array<i64: 25>, scalar_prefetch = 0 : i64, scratch_operands = 0 : i64, tpu.core_type = #tpu.core_type<tc>, window_params = [{transform_indices = @transform_0, window_bounds = array<i64: 2, 400, 128>}, {transform_indices = @transform_1, window_bounds = array<i64: 400, 128>}, {pipeline_mode = #tpu.pipeline_mode<synchronous>, transform_indices = @transform_2, window_bounds = array<i64: 128, 1024>}, {pipeline_mode = #tpu.pipeline_mode<synchronous>, transform_indices = @transform_3, window_bounds = array<i64: 1, 1024>}, {pipeline_mode = #tpu.pipeline_mode<synchronous>, transform_indices = @transform_4, window_bounds = array<i64: 1024, 300>}, {pipeline_mode = #tpu.pipeline_mode<synchronous>, transform_indices = @transform_5, window_bounds = array<i64: 1, 300>}, {pipeline_mode = #tpu.pipeline_mode<synchronous>, transform_indices = @transform_6, window_bounds = array<i64: 1, 300>}]} {
    %get3A = arith.constant 0 : index
    %get3A_0 = arith.constant 0 : index
    %get3A_1 = arith.constant 0 : index
    %get3A_2 = vector.load %arg1[%get3A, %get3A_0, %get3A_1] : memref<2x400x128xf32, #tpu.memory_space<vmem>>, vector<1x400x128xf32>
    %get3A_3 = vector.shape_cast %get3A_2 : vector<1x400x128xf32> to vector<400x128xf32>
    %get3A_4 = arith.constant 1 : index
    %get3A_5 = arith.constant 0 : index
    %get3A_6 = arith.constant 0 : index
    %get3A_7 = vector.load %arg1[%get3A_4, %get3A_5, %get3A_6] : memref<2x400x128xf32, #tpu.memory_space<vmem>>, vector<1x400x128xf32>
    %get3A_8 = vector.shape_cast %get3A_7 : vector<1x400x128xf32> to vector<400x128xf32>
    %add3A = arith.addf %get3A_3, %get3A_8 : vector<400x128xf32>
    %get3A_9 = arith.constant 0 : index
    %get3A_10 = arith.constant 0 : index
    %get3A_11 = vector.load %arg2[%get3A_9, %get3A_10] : memref<400x128xf32, #tpu.memory_space<vmem>>, vector<400x128xf32>
    %add3A_12 = arith.addf %add3A, %get3A_11 : vector<400x128xf32>
    %max3A = arith.constant 0.000000e+00 : f32
    %max3A_13 = vector.broadcast %max3A : f32 to vector<400x128xf32>
    %max3A_14 = arith.maximumf %add3A_12, %max3A_13 : vector<400x128xf32>
    %get3A_15 = arith.constant 0 : index
    %get3A_16 = arith.constant 0 : index
    %get3A_17 = vector.load %arg3[%get3A_15, %get3A_16] : memref<128x1024xf32, #tpu.memory_space<vmem>>, vector<128x1024xf32>
    %dot_general3A = arith.constant dense<0.000000e+00> : vector<400x1024xf32>
    %dot_general3A_18 = tpu.matmul %max3A_14, %get3A_17, %dot_general3A {dimension_numbers = #tpu.dot_dimension_numbers<[1], [0], [0], [1], [0, 0, 1, 1], [], []>, transpose_lhs_hint = false} : vector<400x128xf32>, vector<128x1024xf32>, vector<400x1024xf32> -> vector<400x1024xf32>
    %get3A_19 = arith.constant 0 : index
    %get3A_20 = arith.constant 0 : index
    %get3A_21 = vector.load %arg4[%get3A_19, %get3A_20] : memref<1x1024xf32, #tpu.memory_space<vmem>>, vector<1x1024xf32>
    %add3A_22 = vector.broadcast %get3A_21 : vector<1x1024xf32> to vector<400x1024xf32>
    %add3A_23 = arith.addf %dot_general3A_18, %add3A_22 : vector<400x1024xf32>
    %max3A_24 = arith.constant 0.000000e+00 : f32
    %max3A_25 = vector.broadcast %max3A_24 : f32 to vector<400x1024xf32>
    %max3A_26 = arith.maximumf %add3A_23, %max3A_25 : vector<400x1024xf32>
    %get3A_27 = arith.constant 0 : index
    %get3A_28 = arith.constant 0 : index
    %get3A_29 = vector.load %arg5[%get3A_27, %get3A_28] : memref<1024x300xf32, #tpu.memory_space<vmem>>, vector<1024x300xf32>
    %dot_general3A_30 = arith.constant dense<0.000000e+00> : vector<400x300xf32>
    %dot_general3A_31 = tpu.matmul %max3A_26, %get3A_29, %dot_general3A_30 {dimension_numbers = #tpu.dot_dimension_numbers<[1], [0], [0], [1], [0, 0, 1, 1], [], []>, transpose_lhs_hint = false} : vector<400x1024xf32>, vector<1024x300xf32>, vector<400x300xf32> -> vector<400x300xf32>
    %get3A_32 = arith.constant 0 : index
    %get3A_33 = arith.constant 0 : index
    %get3A_34 = vector.load %arg6[%get3A_32, %get3A_33] : memref<1x300xf32, #tpu.memory_space<vmem>>, vector<1x300xf32>
    %add3A_35 = vector.broadcast %get3A_34 : vector<1x300xf32> to vector<400x300xf32>
    %add3A_36 = arith.addf %dot_general3A_31, %add3A_35 : vector<400x300xf32>
    %max3A_37 = arith.constant 0.000000e+00 : f32
    %max3A_38 = vector.broadcast %max3A_37 : f32 to vector<400x300xf32>
    %max3A_39 = arith.maximumf %add3A_36, %max3A_38 : vector<400x300xf32>
    %reduce_sum3A = arith.constant dense<0.000000e+00> : vector<300xf32>
    %reduce_sum3A_40 = vector.multi_reduction <add>, %max3A_39, %reduce_sum3A [0] : vector<400x300xf32> to vector<300xf32>
    %broadcast_in_dim3A = vector.shape_cast %reduce_sum3A_40 : vector<300xf32> to vector<1x300xf32>
    %mul3A = arith.constant 9.99999974E-5 : f32
    %mul3A_41 = vector.broadcast %mul3A : f32 to vector<1x300xf32>
    %mul3A_42 = arith.mulf %broadcast_in_dim3A, %mul3A_41 : vector<1x300xf32>
    %eq3A = arith.constant 0 : i32
    %eq3A_43 = arith.cmpi eq, %arg0, %eq3A : i32
    %convert_element_type3A = arith.extui %eq3A_43 : i1 to i32
    %cond3A = arith.constant 0 : i32
    %cond3A_44 = arith.cmpi ne, %convert_element_type3A, %cond3A : i32
    scf.if %cond3A_44 {
      %broadcast_in_dim3A_51 = arith.constant 0.000000e+00 : f32
      %broadcast_in_dim3A_52 = vector.broadcast %broadcast_in_dim3A_51 : f32 to vector<1x300xf32>
      %swap3A_53 = arith.constant 0 : index
      %swap3A_54 = arith.constant 0 : index
      %swap3A_55 = vector.load %arg7[%swap3A_53, %swap3A_54] : memref<1x300xf32, #tpu.memory_space<vmem>>, vector<1x300xf32>
      tpu.vector_store %arg7[%swap3A_53, %swap3A_54], %broadcast_in_dim3A_52 {strides = array<i32>} : memref<1x300xf32, #tpu.memory_space<vmem>>, vector<1x300xf32>,
    } else {
    }
    %get3A_45 = arith.constant 0 : index
    %get3A_46 = arith.constant 0 : index
    %get3A_47 = vector.load %arg7[%get3A_45, %get3A_46] : memref<1x300xf32, #tpu.memory_space<vmem>>, vector<1x300xf32>
    %add3A_48 = arith.addf %get3A_47, %mul3A_42 : vector<1x300xf32>
    %swap3A = arith.constant 0 : index
    %swap3A_49 = arith.constant 0 : index
    %swap3A_50 = vector.load %arg7[%swap3A, %swap3A_49] : memref<1x300xf32, #tpu.memory_space<vmem>>, vector<1x300xf32>
    tpu.vector_store %arg7[%swap3A, %swap3A_49], %add3A_48 {strides = array<i32>} : memref<1x300xf32, #tpu.memory_space<vmem>>, vector<1x300xf32>,
    return
  }
  func.func @transform_0(%arg0: i32) -> (i32, i32, i32) {
    %c0_i32 = arith.constant 0 : i32
    %c0_i32_0 = arith.constant 0 : i32
    %c0_i32_1 = arith.constant 0 : i32
    return %c0_i32, %arg0, %c0_i32_0 : i32, i32, i32
  }
  func.func @transform_1(%arg0: i32) -> (i32, i32) {
    %c0_i32 = arith.constant 0 : i32
    %c0_i32_0 = arith.constant 0 : i32
    return %arg0, %c0_i32 : i32, i32
  }
  func.func @transform_2(%arg0: i32) -> (i32, i32) {
    %c0_i32 = arith.constant 0 : i32
    %c0_i32_0 = arith.constant 0 : i32
    %c0_i32_1 = arith.constant 0 : i32
    return %c0_i32, %c0_i32_0 : i32, i32
  }
  func.func @transform_3(%arg0: i32) -> (i32, i32) {
    %c0_i32 = arith.constant 0 : i32
    %c0_i32_0 = arith.constant 0 : i32
    %c0_i32_1 = arith.constant 0 : i32
    return %c0_i32, %c0_i32_0 : i32, i32
  }
  func.func @transform_4(%arg0: i32) -> (i32, i32) {
    %c0_i32 = arith.constant 0 : i32
    %c0_i32_0 = arith.constant 0 : i32
    %c0_i32_1 = arith.constant 0 : i32
    return %c0_i32, %c0_i32_0 : i32, i32
  }
  func.func @transform_5(%arg0: i32) -> (i32, i32) {
    %c0_i32 = arith.constant 0 : i32
    %c0_i32_0 = arith.constant 0 : i32
    %c0_i32_1 = arith.constant 0 : i32
    return %c0_i32, %c0_i32_0 : i32, i32
  }
  func.func @transform_6(%arg0: i32) -> (i32, i32) {
    %c0_i32 = arith.constant 0 : i32
    %c0_i32_0 = arith.constant 0 : i32
    %c0_i32_1 = arith.constant 0 : i32
    return %c0_i32, %c0_i32_0 : i32, i32
  }
}

</mosaic_0001>

<sc_bundles>
// kernel: kernel.11.cloned.1.call-start
scs
__scs_entry_jumppad:
0x0: {  	(pc) =	sbr.rel $0x88, $3  }
0x1: {  	(tag) =	ssettag $0x0;
	lr =	simm.s32 $0x1  }
0x2: {  	[smem:$0x3F8E] =	sst lr;
	_ =	strace $0xD0000000  }
0x3: {  	_ = 	snop  }
0x4: {  	_ = 	snop  }
0x5: {  	_ = 	snop  }
0x6: {  	_ = 	snop  }
0x7: {  	_ = 	snop  }
__scs_overlays_trampoline_lowered:
0x8: {  	[smem:$0x3F9D] =	sst s0  }
0x9: {  	[smem:$0x3F9E] =	sst s1  }
0xa: {  	[smem:$0x3F9F] =	sst s2  }
0xb: {  	[smem:$0x3FA0] =	sst s3  }
0xc: {  	[smem:$0x3FA1] =	sst s4  }
0xd: {  	[smem:$0x3FA2] =	sst s5  }
0xe: {  	[smem:$0x3FA3] =	sst s6  }
0xf: {  	[smem:$0x3FA4] =	sst s7  }
0x10: {  	[smem:$0x3FA5] =	sst s8  }
0x11: {  	[smem:$0x3FA6] =	sst s9;
	s0 =	simm.s32 @!p0 $0x0  }
0x12: {  	s1 =	sld [smem:$0x3F8C];
	s0 =	simm.s32 @p0 $0x1  }
0x13: {  	[smem:$0x3FA7] =	sst s0;
	s0 =	simm.s32 @!p1 $0x0  }
0x14: {  	s2 =	sld [smem:$0x3F8B];
	s0 =	simm.s32 @p1 $0x1  }
0x15: {  	[smem:$0x3FA8] =	sst s0;
	s0 =	simm.s32 @!p2 $0x0  }
0x16: {  	s3 =	sld [smem:$0x3FDB];
	s0 =	simm.s32 @p2 $0x1  }
0x17: {  	s4 =	simm.s32 $0x1BF5;
	[smem:$0x3FAA] =	sst s0  }
0x18: {  	s0 =	sld [smem:$0x3F8D];
	_ =	swait.ge [sflag:s4], $0x0  }
0x19: {  	s7 =	sld [smem:$0x3F8E]  }
0x1a: {  	s8 =	sadd.s32 $0xFFFFE003, lr  }
0x1b: {  	s9 =	sadd.s32 $0xFFFFFEF7, lr;
	s5 =	simm.s32 $0xFFFFFFFF;
	p2 =	slt.u32 s8, $0xFFFFF086  }
0x1c: {  	p1 =	slt.u32 s9, $0xF7A;
	s5 =	simm.s32 @!p2 $0x0  }
0x1d: {  	s5 =	simm.s32 @p1 $0x1;
	p0 =	seq.s32 s7, s2  }
0x1e: {  	s7 =	smul.u32 @!p0 $0xF7A, s2;
	p2 =	seq.s32 @!p0 s5, $0x0  }
0x1f: {  	s9 =	smul.u32 $0xF7A, s1;
	s8 =	simm.s32 @!p0 $0x1BF5;
	p2 =	por !p2, p0  }
0x20: {  	[sflag:s8] =	ssyncset.s32 @!p0 $0xFFFFF086;
	s6 =	sadd.s32 @!p0 s3, s7;
	s7 =	simm.s32 @!p0 $0x108  }
0x21: {  	s3 =	sadd.s32 s3, s9;
	s6 =	sadd.s32 @!p0 $0x88, s6;
	s7 =	simm.s32 @p2 $0x1082  }
0x22: {  	[simem:s7], [sflag:s8] =	dma.local @!p0 [hbm:s6], $0xF7A  }
0x23: {  	s9 =	sor.u32 $0xD0000000, s2;
	s6 =	simm.s32 $0x108;
	_ =	swait.ge @!p0 [sflag:s8], $0x0  }
0x24: {  	s3 =	sadd.s32 $0x88, s3;
	s6 =	simm.s32 @!p1 $0x1082;
	[sflag:s4] =	ssyncset.s32 $0xFFFFF086  }
0x25: {  	[simem:s6], [sflag:s4] =	dma.local [hbm:s3], $0xF7A  }
0x26: {  	[smem:$0x3F8E] =	sst s1;
	(tag) =	ssettag s2;
	_ =	strace s9  }
0x27: {  	s1 =	sld [smem:$0x3F9E]  }
0x28: {  	s2 =	sld [smem:$0x3F9F]  }
0x29: {  	s4 =	sld [smem:$0x3FA1]  }
0x2a: {  	p0 =	seq.s32 s5, $0x0;
	s5 =	sld [smem:$0x3FA2]  }
0x2b: {  	s6 =	sld [smem:$0x3FA3]  }
0x2c: {  	s7 =	sld [smem:$0x3FA4]  }
0x2d: {  	s3 =	simm.s32 $0x108;
	s8 =	sld [smem:$0x3FA5]  }
0x2e: {  	s3 =	simm.s32 @!p0 $0x1082;
	s9 =	sld [smem:$0x3FA6]  }
0x2f: {  	lr =	sadd.s32 s0, s3;
	s0 =	sld [smem:$0x3F9D]  }
0x30: {  	s3 =	sld [smem:$0x3FA0]  }
0x31: {  	[smem:$0x3FA9] =	sst s10  }
0x32: {  	s10 =	sld [smem:$0x3FA7];
	_ =	sdelay $0x3  }
0x33: {  	p0 =	seq.s32 s10, $0x1;
	s10 =	sld [smem:$0x3FA9];
	_ =	sdelay $0x3  }
0x34: {  	[smem:$0x3FA9] =	sst s10  }
0x35: {  	s10 =	sld [smem:$0x3FA8];
	_ =	sdelay $0x3  }
0x36: {  	p1 =	seq.s32 s10, $0x1;
	s10 =	sld [smem:$0x3FA9];
	_ =	sdelay $0x3  }
0x37: {  	[smem:$0x3FA9] =	sst s10  }
0x38: {  	s10 =	sld [smem:$0x3FAA]  }
0x39: {  	_ = 	snop;
	(pc) =	sbr.ind lr, $3  }
0x3a: {  	_ = 	snop  }
0x3b: {  	_ = 	snop  }
0x3c: {  	p2 =	seq.s32 s10, $0x1;
	s10 =	sld [smem:$0x3FA9]  }
0x3d: {  	_ =	shalt  }
0x3e: {  	_ =	shalt  }
0x3f: {  	_ =	shalt  }
0x40: {  	_ =	shalt  }
0x41: {  	_ =	shalt  }
0x42: {  	_ =	shalt  }
0x43: {  	_ =	shalt  }
0x44: {  	_ =	shalt  }
0x45: {  	_ =	shalt  }
0x46: {  	_ =	shalt  }
0x47: {  	_ =	shalt  }
0x48: {  	_ =	shalt  }
0x49: {  	_ =	shalt  }
0x4a: {  	_ =	shalt  }
0x4b: {  	_ =	shalt  }
0x4c: {  	_ =	shalt  }
0x4d: {  	_ =	shalt  }
0x4e: {  	_ =	shalt  }
0x4f: {  	_ =	shalt  }
0x50: {  	_ =	shalt  }
0x51: {  	_ =	shalt  }
0x52: {  	_ =	shalt  }
0x53: {  	_ =	shalt  }
0x54: {  	_ =	shalt  }
0x55: {  	_ =	shalt  }
0x56: {  	_ =	shalt  }
0x57: {  	_ =	shalt  }
0x58: {  	_ =	shalt  }
0x59: {  	_ =	shalt  }
0x5a: {  	_ =	shalt  }
0x5b: {  	_ =	shalt  }
0x5c: {  	_ =	shalt  }
0x5d: {  	_ =	shalt  }
0x5e: {  	_ =	shalt  }
0x5f: {  	_ =	shalt  }
0x60: {  	_ =	shalt  }
0x61: {  	_ =	shalt  }
0x62: {  	_ =	shalt  }
0x63: {  	_ =	shalt  }
0x64: {  	_ =	shalt  }
0x65: {  	_ =	shalt  }
0x66: {  	_ =	shalt  }
0x67: {  	_ =	shalt  }
0x68: {  	_ =	shalt  }
0x69: {  	_ =	shalt  }
0x6a: {  	_ =	shalt  }
0x6b: {  	_ =	shalt  }
0x6c: {  	_ =	shalt  }
0x6d: {  	_ =	shalt  }
0x6e: {  	_ =	shalt  }
0x6f: {  	_ =	shalt  }
0x70: {  	_ =	shalt  }
0x71: {  	_ =	shalt  }
0x72: {  	_ =	shalt  }
0x73: {  	_ =	shalt  }
0x74: {  	_ =	shalt  }
0x75: {  	_ =	shalt  }
0x76: {  	_ =	shalt  }
0x77: {  	_ =	shalt  }
0x78: {  	_ =	shalt  }
0x79: {  	_ =	shalt  }
0x7a: {  	_ =	shalt  }
0x7b: {  	_ =	shalt  }
0x7c: {  	_ =	shalt  }
0x7d: {  	_ =	shalt  }
0x7e: {  	_ =	shalt  }
0x7f: {  	_ =	shalt  }
0x80: {  	_ =	shalt  }
0x81: {  	_ =	shalt  }
0x82: {  	_ =	shalt  }
0x83: {  	_ =	shalt  }
0x84: {  	_ =	shalt  }
0x85: {  	_ =	shalt  }
0x86: {  	_ =	shalt  }
0x87: {  	_ =	shalt  }
.Lfunc_end0:
.L_simem_size_0:
called_computation.1_lowered:
.L_overlay_start_0:
0x88: {  	s2 =	sld [smem:$0x3FD9]  }
0x89: {  	s3 =	sld [smem:$0x3FFE];
	_ =	sdelay $0x1  }
0x8a: {  	s1 =	srdreg.scid  }
0x8b: {  	s0 =	sand.u32 $0x1, s1  }
0x8c: {  	s16 =	sshll.u32 s0, $0xA;
	s2 =	sadd.s32 s3, s2  }
0x8d: {  	s2 =	sadd.s32 s2, s16  }
0x8e: {  	[smem:$0x3FB5] =	sst s2  }
0x8f: {  	_ = 	snop  }
0x90: {  	(tm) =	ssettm $0x1  }
0x91: {  	s17 =	sld [smem:$0x3FFB];
	_ =	sdelay $0x3  }
0x92: {  	_ =	strace s17  }
0x93: {  	s2 =	sld [smem:$0x3FFC];
	_ =	sdelay $0x3  }
0x94: {  	_ =	strace s2  }
0x95: {  	s2 =	sld [smem:$0x3FFD];
	_ =	sdelay $0x3  }
0x96: {  	_ =	strace s2  }
0x97: {  	_ =	strace $0x8FFFFFFF  }
0x98: {  	s18 =	sld [smem:$0x3FDB];
	_ =	sdelay $0x1  }
0x99: {  	s19 =	simm.s32 $_scs_section_size  }
0x9a: {  	s4 =	simm.s32 $_size__tile_overlayer_lowered;
	s5 =	simm.s32 $_tile_overlayer_lowered  }
0x9b: {  	s22 =	simm.s32 $0x1BFF;
	s21 =	sshll.u32 s5, $0x1;
	s2 =	sadd.s32 s19, s18  }
0x9c: {  	s6 =	simm.s32 $0x0;
	s20 =	sshll.u32 s4, $0x1;
	s4 =	sadd.s32 s21, s2  }
0x9d: {  	[timem:s6], [sflag:s22] =	dma.local [hbm:s4], s20  }
0x9e: {  	_ =	swait.ge [sflag:s22], s20  }
0x9f: {  	s3 =	ssub.s32 $0x0, s20;
	[sflag:s22] =	ssyncset.done $0x0  }
0xa0: {  	[sflag:s22] =	ssyncadd.s32 s3;
	_ =	sdelay $0x1  }
0xa1: {  	s23 =	simm.s32 $0x1B8B  }
0xa2: {  	_ =	swait.ge [sflag:s23], $0x1  }
0xa3: {  	[sflag:s23] =	ssyncset.done $0x0  }
0xa4: {  	s25 =	simm.s32 $0x1B8E;
	s24 =	sld [smem:$0x3FFE];
	[sflag:s23] =	ssyncadd.s32 $0xFFFFFFFF  }
0xa5: {  	s26 =	simm.s32 $execute0_lowered;
	[smem:$0x3FD2] =	sst s25  }
0xa6: {  	s4 =	sshll.u32 s26, $0x1;
	_ =	strace $0x80000049;
	[dreg:$0x1] =	wrdreg $0xFFFFFFFF  }
0xa7: {  	s28 =	simm.s32 $_size_execute0_lowered;
	s2 =	sadd.s32 s2, s4;
	[dreg:$0x0] =	wrdreg $0x0  }
0xa8: {  	s4 =	sshll.u32 s28, $0x1;
	[dreg:$0x2] =	wrdreg s2  }
0xa9: {  	[dreg:$0x3] =	wrdreg s4  }
0xaa: {  	[dreg:$0x4] =	wrdreg $0xC0  }
0xab: {  	_ =	task [dreg:s6], $0x5FFFF  }
0xac: {  	[dreg:$0x1] =	wrdreg $0xFFFFFFFF  }
0xad: {  	[dreg:$0x0] =	wrdreg $0x60  }
0xae: {  	[dreg:$0x2] =	wrdreg s24  }
0xaf: {  	[dreg:$0x3] =	wrdreg $0x0  }
0xb0: {  	[dreg:$0x4] =	wrdreg $0x138800  }
0xb1: {  	[dreg:$0x5] =	wrdreg $0x9  }
0xb2: {  	_ =	task.clear_ibuf [dreg:s6], $0x6FFFF;
	_ =	strace $0x90000049  }
0xb3: {  	s29 =	simm.s32 $0x9;
	_ =	strace $0x8000004B  }
0xb4: {  	_ =	swait.ge [sflag:s29], $0x1  }
0xb5: {  	[sflag:s29] =	ssyncadd.s32 $0xFFFFFFFF  }
0xb6: {  	_ =	strace $0x9000004B  }
0xb7: {  	_ =	sfence  }
0xb8: {  	s30 =	sld [smem:$0x0];
	_ =	sdelay $0x2  }
0xb9: {  	s31 =	sshll.u32 s1, $0xD;
	s1 =	sshrl.u32 s1, $0x2  }
0xba: {  	s3 =	sand.u32 $0x4000, s31;
	s1 =	sadd.s32 s1, s30  }
0xbb: {  	s0 =	sor.u32 s3, s0;
	s1 =	sshll.u32 s1, $0x11  }
0xbc: {  	s0 =	sor.u32 s1, s0  }
0xbd: {  	s0 =	sadd.s32 $0x8F2B, s0  }
0xbe: {  	[sflag:s0] =	ssyncadd.remote.s32 $0x1  }
0xbf: {  	_ =	sfence.sel $0xFFFF  }
0xc0: {  	[dreg:$0x0] =	wrdreg $0xFFFFFFFF;
	(pc) =	sbr.abs _section_cstart, $3  }
0xc1: {  	[dreg:$0x1] =	wrdreg $0xFFFFFFFF  }
0xc2: {  	_ =	task.clear_ibuf [dreg:s6], $0x2FFFF;
	_ =	strace $0x9FFFFFFF  }
0xc3: {  	(tm) =	ssettm $0x7FFFFFFF  }
tec
execute0_lowered:
.L_overlay_start_1:
0x0: {  	(tag) =	ssettag $0x1  }
0x1: {  	s0 =	rddreg [dreg:$0x0]  }
0x2: {  	s1 =	rddreg [dreg:$0x1]  }
0x3: {  	s2 =	rddreg [dreg:$0x2]  }
0x4: {  	s16 =	simm.s32 $0x0;
	s3 =	srdreg.scid;
	s15 =	stileid.u32  }
0x5: {  	s20 =	simm.s32 $0x50;
	s17 =	simm.s32 $0x1BE80;
	s18 =	simm.s32 $0x4  }
0x6: {  	s21 =	simm.s32 $0x80;
	s5 =	sadd.s32 $0x13FC00, s0;
	s9 =	smul.u32 $0x13800, s15  }
0x7: {  	[smem:$0x7FF] =	sst s16;
	s6 =	sadd.s32 $0x1F2800, s0;
	s10 =	smul.u32 $0xA00, s15  }
0x8: {  	s3 =	sand.u32 $0x1, s3;
	s7 =	sadd.s32 $0x1F7800, s0;
	s8 =	sadd.s32 $0x1DE800, s0  }
0x9: {  	s23 =	smul.u32 $0x4E000, s15;
	p0 =	seq.s32 s15, $0xF;
	s25 =	sshll.u32 s15, $0x7  }
0xa: {  	s14 =	sadd.s32 $0x13FD00, s0;
	s30 =	sshll.u32 s15, $0x6;
	_ =	strace $0x8000004A  }
0xb: {  	s4 =	smul.u32 $0x138800, s3;
	s11 =	ssub.s32 $0x2, s3;
	s3 =	sshll.u32 s3, $0x4  }
0xc: {  	s20 =	simm.s32 @!p0 $0x4E;
	s26 =	sand.u32 $0x380, s25;
	s19 =	sor.u32 $0x1C04, s30  }
0xd: {  	s25 =	simm.s32 $0x15680;
	s22 =	sshrl.u32 s10, $0x3;
	s12 =	sshrl.u32 s11, $0x1  }
0xe: {  	s3 =	sor.u32 s15, s3;
	s10 =	sadd.s32 s10, s2;
	s15 =	simm.s32 $0x3  }
0xf: {  	[dreg:$0x5] =	wrdreg s20;
	s4 =	sadd.s32 s9, s4;
	s9 =	sadd.s32 s22, s0  }
0x10: {  	s11 =	ssub.s32 s11, s12;
	s12 =	sshrl.u32 s23, $0x2;
	s13 =	sshrl.u32 s3, $0x3  }
0x11: {  	s31 =	sshrl.u32 s10, $0x3;
	s22 =	simm.s32 $0x400;
	s4 =	sshrl.u32 s4, $0x3  }
0x12: {  	s23 =	sadd.s32 s12, s1;
	s9 =	sadd.s32 $0x1DC000, s9;
	[dreg:$0xa] =	wrdreg s31  }
0x13: {  	v4 =	vlaneseq.u32;
	s24 =	smul.u32 $0xA000, s13;
	s28 =	smax.u32 s11, $0x1;
	[dreg:$0x7] =	wrdreg s9  }
0x14: {  	v0 =	vimm.f32 $0.0e+00;
	v1 =	vmul.u32 $0xFFFFFFFF, v4;
	s13 =	smul.u32 $0x5000, s3;
	s4 =	sadd.s32 s4, s0;
	[dreg:$0x8] =	wrdreg s28  }
0x15: {  	vm0 =	vmmov $0xffff;
	v2 =	vand.u32 $0x7, v4;
	v3 =	vshrl.u32 v4, $0x3;
	s11 =	simm.s32 $0x2;
	[dreg:$0x6] =	wrdreg s23;
	s29 =	sadd.s32 $0x2400, s4  }
0x16: {  	v4 =	vor.u32 $0x8, v4;
	v3 =	vmul.u32 $0x8, v3;
	v1 =	vadd.s32 $0x1388, v1;
	s12 =	sor.u32 s26, s24;
	s26 =	simm.s32 $0x1;
	[dreg:$0x9] =	wrdreg s29  }
.LBB2_1:
0x17: {  	[tilespmem:$0x1BE80] =	vst v0  }
0x18: {  	[tilespmem:$0x1BE90] =	vst v0  }
0x19: {  	[tilespmem:$0x1BEA0] =	vst v0  }
0x1a: {  	[tilespmem:$0x1BEB0] =	vst v0  }
0x1b: {  	[tilespmem:$0x1BEC0] =	vst v0  }
0x1c: {  	[tilespmem:$0x1BED0] =	vst v0  }
0x1d: {  	[tilespmem:$0x1BEE0] =	vst v0  }
0x1e: {  	[tilespmem:$0x1BEF0] =	vst v0  }
0x1f: {  	[tilespmem:$0x1BF00] =	vst v0  }
0x20: {  	[tilespmem:$0x1BF10] =	vst v0  }
0x21: {  	[tilespmem:$0x1BF20] =	vst v0  }
0x22: {  	[tilespmem:$0x1BF30] =	vst v0  }
0x23: {  	[tilespmem:$0x1BF40] =	vst v0  }
0x24: {  	[tilespmem:$0x1BF50] =	vst v0  }
0x25: {  	[tilespmem:$0x1BF60] =	vst v0  }
0x26: {  	[tilespmem:$0x1BF70] =	vst v0  }
0x27: {  	[tilespmem:$0x1BF80] =	vst v0  }
0x28: {  	[tilespmem:$0x1BF90] =	vst v0  }
0x29: {  	[tilespmem:$0x1BFA0] =	vst v0  }
0x2a: {  	[tilespmem:$0x1BFB0] =	vst v0  }
0x2b: {  	[tilespmem:$0x1BFC0] =	vst v0  }
0x2c: {  	[tilespmem:$0x1BFD0] =	vst v0  }
0x2d: {  	[tilespmem:$0x1BFE0] =	vst v0  }
0x2e: {  	[tilespmem:$0x1BFF0] =	vst v0  }
0x2f: {  	[tilespmem:$0x1C000] =	vst v0  }
0x30: {  	[tilespmem:$0x1C010] =	vst v0  }
0x31: {  	[tilespmem:$0x1C020] =	vst v0  }
0x32: {  	[tilespmem:$0x1C030] =	vst v0  }
0x33: {  	[tilespmem:$0x1C040] =	vst v0  }
0x34: {  	[tilespmem:$0x1C050] =	vst v0  }
0x35: {  	[tilespmem:$0x1C060] =	vst v0  }
0x36: {  	[tilespmem:$0x1C070] =	vst v0  }
0x37: {  	[tilespmem:$0x1C080] =	vst v0  }
0x38: {  	[tilespmem:$0x1C090] =	vst v0  }
0x39: {  	[tilespmem:$0x1C0A0] =	vst v0  }
0x3a: {  	[tilespmem:$0x1C0B0] =	vst v0  }
0x3b: {  	[tilespmem:$0x1C0C0] =	vst v0  }
0x3c: {  	[tilespmem:$0x1C0D0] =	vst v0  }
0x3d: {  	[tilespmem:$0x1C0E0] =	vst v0  }
0x3e: {  	[tilespmem:$0x1C0F0] =	vst v0  }
0x3f: {  	[tilespmem:$0x1C100] =	vst v0  }
0x40: {  	[tilespmem:$0x1C110] =	vst v0  }
0x41: {  	[tilespmem:$0x1C120] =	vst v0  }
0x42: {  	[tilespmem:$0x1C130] =	vst v0  }
0x43: {  	[tilespmem:$0x1C140] =	vst v0  }
0x44: {  	[tilespmem:$0x1C150] =	vst v0  }
0x45: {  	[tilespmem:$0x1C160] =	vst v0  }
0x46: {  	[tilespmem:$0x1C170] =	vst v0  }
0x47: {  	[tilespmem:$0x1C180] =	vst v0  }
0x48: {  	[tilespmem:$0x1C190] =	vst v0  }
0x49: {  	[tilespmem:$0x1C1A0] =	vst v0  }
0x4a: {  	[tilespmem:$0x1C1B0] =	vst v0  }
0x4b: {  	[tilespmem:$0x1C1C0] =	vst v0  }
0x4c: {  	[tilespmem:$0x1C1D0] =	vst v0  }
0x4d: {  	[tilespmem:$0x1C1E0] =	vst v0  }
0x4e: {  	[tilespmem:$0x1C1F0] =	vst v0  }
0x4f: {  	[tilespmem:$0x1C200] =	vst v0  }
0x50: {  	[tilespmem:$0x1C210] =	vst v0  }
0x51: {  	[tilespmem:$0x1C220] =	vst v0  }
0x52: {  	[tilespmem:$0x1C230] =	vst v0  }
0x53: {  	[tilespmem:$0x1C240] =	vst v0  }
0x54: {  	[tilespmem:$0x1C250] =	vst v0  }
0x55: {  	[tilespmem:$0x1C260] =	vst v0;
	p0 =	sne.s32 s20, $0x1  }
.Ltmp0:
0x56: {  	[tilespmem:$0x1C270] =	vst v0;
	(pc) =	sbr.rel @!p0 .LBB2_3-.Ltmp0, $4  }
0x57: {  	[spmem:s23] =	stream.linear.scatter [tilespmem:s17], [sflag:$0x4], $0x400, $0x38;
	[tilespmem:$0x1C280] =	vst v63  }
0x58: {  	[dreg:$0x4] =	wrdreg s16;
	s4 =	simm.s32 @!p0 $0x0  }
0x59: {  	s0 =	sadd.s32 $0xFFFFFFFF, s20;
	_ =	swait.ge [sflag:s18], $0x400;
	s4 =	simm.s32 @p0 $0x1  }
0x5a: {  	s3 =	smov.u32 s23;
	[sflag:s18] =	ssyncset.done $0x0;
	[smem:$0x7FD] =	sst s4  }
.LBB2_2:
0x5b: {  	p0 =	sne.s32 s0, $0x1;
	[sflag:s18] =	ssyncadd.s32 $0xFFFFFC00;
	s3 =	sadd.s32 $0x400, s3  }
.Ltmp1:
0x5c: {  	s0 =	sadd.s32 $0xFFFFFFFF, s0;
	(pc) =	sbr.rel @p0 .LBB2_2-.Ltmp1, $4  }
0x5d: {  	_ = 	snop  }
0x5e: {  	[spmem:s3] =	stream.linear.scatter [tilespmem:s17], [sflag:$0x4], $0x400, $0x38;
	[tilespmem:$0x1C280] =	vst v63  }
0x5f: {  	_ =	swait.ge [sflag:s18], $0x400  }
0x60: {  	[sflag:s18] =	ssyncset.done $0x0  }
.LBB2_3:
0x61: {  	s0 =	rddreg [dreg:$0x7]  }
0x62: {  	[sflag:s18] =	ssyncadd.s32 $0xFFFFFC00;
	s3 =	rddreg [dreg:$0xa]  }
0x63: {  	[spmem:s3], [sflag:s19] =	dma.local [hbm:s0], $0x140  }
0x64: {  	_ =	swait.ge [sflag:s18], $0x140  }
0x65: {  	[sflag:s18] =	ssyncset.done $0x0  }
0x66: {  	[sflag:s18] =	ssyncadd.s32 $0xFFFFFEC0  }
0x67: {  	s16 =	simm.s32 $0x0;
	s9 =	simm.s32 $0x0;
	[bflag:$0x0] =	sbarrier.arrive $0xFFFF  }
.LBB2_4:
0x68: {  	s0 =	sshll.u32 s9, $0xC  }
0x69: {  	s0 =	sadd.s32 s12, s0  }
0x6a: {  	s0 =	sshrl.u32 s0, $0x3  }
0x6b: {  	s4 =	simm.s32 $0x14280;
	s3 =	sadd.s32 s6, s0  }
0x6c: {  	[tilespmem:s4], [sflag:$0x4] =	stream.strided.gather [hbm4b:s3+s21], $0x200, s22, s21, $0x38;
	[tilespmem:$0x1C280] =	vst v63  }
0x6d: {  	_ =	swait.ge [sflag:s18], $0x200  }
0x6e: {  	s28 =	simm.s32 $0x14480;
	[sflag:s18] =	ssyncset.done $0x0  }
0x6f: {  	s29 =	sshll.u32 s9, $0xB;
	s0 =	sadd.s32 s7, s0;
	[sflag:s18] =	ssyncadd.s32 $0xFFFFFE00  }
0x70: {  	[tilespmem:s28], [sflag:$0x4] =	stream.strided.gather [hbm4b:s0+s21], $0x200, s22, s21, $0x38;
	[tilespmem:$0x1C280] =	vst v63  }
0x71: {  	s0 =	sadd.s32 s13, s29;
	_ =	swait.ge [sflag:s18], $0x200  }
0x72: {  	s0 =	sshrl.u32 s0, $0x3;
	[sflag:s18] =	ssyncset.done $0x0  }
0x73: {  	s30 =	simm.s32 $0x0;
	s0 =	sadd.s32 s8, s0;
	[sflag:s18] =	ssyncadd.s32 $0xFFFFFE00  }
0x74: {  	[tilespmem:s25], [sflag:$0x4] =	stream.linear.gather [hbm4b:s0+s30], $0x800, $0x38;
	[tilespmem:$0x1C280] =	vst v63  }
0x75: {  	_ =	swait.ge [sflag:s18], $0x800  }
0x76: {  	[sflag:s18] =	ssyncset.done $0x0  }
0x77: {  	s31 =	simm.s32 $0x0;
	[sflag:s18] =	ssyncadd.s32 $0xFFFFF800  }
0x78: {  	v5 =	vld [tilespmem:s31+$0x14480];
	_ =	sdelay $0x3  }
0x79: {  	s10 =	simm.s32 $0x14680;
	s0 =	simm.s32 $0x40  }
.LBB2_5:
0x7a: {  	s3 =	sshra.s32 s0, $0x2;
	p0 =	sne.s32 s0, $0x7C0;
	s0 =	sadd.s32 $0x40, s0;
	[tilespmem:s10+$0x0] =	vst v5  }
.Ltmp2:
0x7b: {  	v5 =	vld [tilespmem:s3+$0x14480];
	(pc) =	sbr.rel @p0 .LBB2_5-.Ltmp2, $2  }
0x7c: {  	_ =	sdelay $0x2  }
0x7d: {  	s10 =	sadd.s32 $0x80, s10  }
0x7e: {  	s0 =	simm.s32 $0x0  }
0x7f: {  	p1 =	por $0x1, $0x1;
	s3 =	sand.u32 $0x18, s0  }
0x80: {  	s24 =	simm.s32 $0x1;
	s23 =	simm.s32 $0x10;
	p0 =	sne.s32 s3, $0x0  }
0x81: {  	s28 =	simm.s32 $0x0;
	s3 =	simm.s32 $0x0;
	p0 =	por !p1, !p0  }
0x82: {  	s4 =	sand.u32 $0x70, s0;
	s20 =	sand.u32 $0x180, s3;
	p0 =	por !p0, !p0  }
0x83: {  	[tilespmem:s10+$0x0] =	vst v5;
	s0 =	simm.s32 $0x1;
	s20 =	sor.u32 s4, s20;
	s24 =	simm.s32 @!p0 $0x0  }
0x84: {  	s10 =	sand.u32 $0x70, s23;
	s29 =	sand.u32 $0x18, s0;
	v5 =	vld [tilespmem:s20+$0x14480];
	s30 =	ssub.s32 $0x0, s24  }
0x85: {  	p2 =	sne.s32 s29, $0x0;
	s24 =	simm.s32 $0x2;
	s29 =	smul.u32 $0x2710, s30  }
.LBB2_7:
0x86: {  	p1 =	sne.s32 s24, $0x7F  }
0x87: {  	s20 =	sand.u32 $0x3FFFFF80, s3;
	s3 =	sshll.u32 s28, $0x7;
	s30 =	smov.u32 s0  }
0x88: {  	s0 =	smov.u32 s24;
	p0 =	seq.s32 s28, $0x0;
	s23 =	sadd.s32 $0x10, s23  }
0x89: {  	s31 =	sand.u32 $0x180, s3;
	v5 =	vadd.s32 s29, v5;
	s4 =	sor.u32 s4, s20;
	p0 =	por !p0, !p2  }
.Ltmp3:
0x8a: {  	s29 =	sshrl.u32 s30, $0x5;
	s20 =	sor.u32 s10, s31;
	[tilespmem:s4+$0x15E80] =	vst v5;
	(pc) =	sbr.rel @p1 .LBB2_7-.Ltmp3, $4  }
0x8b: {  	s30 =	simm.s32 $0x1;
	p0 =	por !p0, !p0;
	s4 =	smov.u32 s10;
	v5 =	vld [tilespmem:s20+$0x14480]  }
0x8c: {  	s20 =	sand.u32 $0x18, s24;
	s30 =	simm.s32 @!p0 $0x0  }
0x8d: {  	s28 =	sshrl.u32 s24, $0x3;
	s10 =	sand.u32 $0x70, s23;
	s29 =	ssub.s32 s29, s30  }
0x8e: {  	s24 =	sadd.s32 $0x1, s24;
	p2 =	sne.s32 s20, $0x0;
	s29 =	smul.u32 $0x2710, s29  }
0x8f: {  	s20 =	sshll.u32 s28, $0x7;
	s3 =	sand.u32 $0x3FFFFF80, s3  }
0x90: {  	p0 =	seq.s32 s28, $0x0;
	s23 =	sand.u32 $0x180, s20;
	v5 =	vadd.s32 s29, v5;
	s3 =	sor.u32 s4, s3  }
0x91: {  	p0 =	por !p0, !p2;
	s24 =	sor.u32 s10, s23;
	[tilespmem:s3+$0x15E80] =	vst v5  }
0x92: {  	p0 =	por !p0, !p0;
	s3 =	simm.s32 $0x1;
	v5 =	vld [tilespmem:s24+$0x14480]  }
0x93: {  	s0 =	sshrl.u32 s0, $0x5;
	s3 =	simm.s32 @!p0 $0x0  }
0x94: {  	s0 =	ssub.s32 s0, s3  }
0x95: {  	s0 =	smul.u32 $0x2710, s0  }
0x96: {  	s23 =	sand.u32 $0x3FFFFF80, s20  }
0x97: {  	s24 =	sor.u32 s10, s23;
	v5 =	vadd.s32 s0, v5  }
0x98: {  	s4 =	simm.s32 $0x16680;
	s3 =	simm.s32 $0x15E80;
	[tilespmem:s24+$0x15E80] =	vst v5  }
0x99: {  	[tilespmem:s4], [sflag:$0x1] =	stream.indirect.gather [spmem:s2], $0x1, s3, s21, $0xb8;
	[tilespmem:$0x1C280] =	vst v63  }
0x9a: {  	s20 =	simm.s32 $0x16700;
	s10 =	simm.s32 $0x15F00  }
0x9b: {  	[tilespmem:s20], [sflag:$0x1] =	stream.indirect.gather [spmem:s2], $0x1, s10, s21, $0xb8;
	[tilespmem:$0x1C280] =	vst v63  }
0x9c: {  	s23 =	simm.s32 $0x15F80;
	s24 =	simm.s32 $0x16780  }
0x9d: {  	[tilespmem:s24], [sflag:$0x1] =	stream.indirect.gather [spmem:s2], $0x1, s23, s21, $0xb8;
	[tilespmem:$0x1C280] =	vst v63  }
0x9e: {  	s3 =	simm.s32 $0x16000;
	s4 =	simm.s32 $0x16800  }
0x9f: {  	[tilespmem:s4], [sflag:$0x1] =	stream.indirect.gather [spmem:s2], $0x1, s3, s21, $0xb8;
	[tilespmem:$0x1C280] =	vst v63  }
0xa0: {  	s10 =	simm.s32 $0x16080;
	s20 =	simm.s32 $0x16880  }
0xa1: {  	[tilespmem:s20], [sflag:$0x1] =	stream.indirect.gather [spmem:s2], $0x1, s10, s21, $0xb8;
	[tilespmem:$0x1C280] =	vst v63  }
0xa2: {  	s23 =	simm.s32 $0x16100;
	s24 =	simm.s32 $0x16900  }
0xa3: {  	[tilespmem:s24], [sflag:$0x1] =	stream.indirect.gather [spmem:s2], $0x1, s23, s21, $0xb8;
	[tilespmem:$0x1C280] =	vst v63  }
0xa4: {  	s3 =	simm.s32 $0x16180;
	s4 =	simm.s32 $0x16980  }
0xa5: {  	[tilespmem:s4], [sflag:$0x1] =	stream.indirect.gather [spmem:s2], $0x1, s3, s21, $0xb8;
	[tilespmem:$0x1C280] =	vst v63  }
0xa6: {  	s10 =	simm.s32 $0x16200;
	s20 =	simm.s32 $0x16A00  }
0xa7: {  	[tilespmem:s20], [sflag:$0x1] =	stream.indirect.gather [spmem:s2], $0x1, s10, s21, $0xb8;
	[tilespmem:$0x1C280] =	vst v63  }
0xa8: {  	s23 =	simm.s32 $0x16280;
	s24 =	simm.s32 $0x16A80  }
0xa9: {  	[tilespmem:s24], [sflag:$0x1] =	stream.indirect.gather [spmem:s2], $0x1, s23, s21, $0xb8;
	[tilespmem:$0x1C280] =	vst v63  }
0xaa: {  	s3 =	simm.s32 $0x16300;
	s4 =	simm.s32 $0x16B00  }
0xab: {  	[tilespmem:s4], [sflag:$0x1] =	stream.indirect.gather [spmem:s2], $0x1, s3, s21, $0xb8;
	[tilespmem:$0x1C280] =	vst v63  }
0xac: {  	s10 =	simm.s32 $0x16380;
	s20 =	simm.s32 $0x16B80  }
0xad: {  	[tilespmem:s20], [sflag:$0x1] =	stream.indirect.gather [spmem:s2], $0x1, s10, s21, $0xb8;
	[tilespmem:$0x1C280] =	vst v63  }
0xae: {  	s23 =	simm.s32 $0x16400;
	s24 =	simm.s32 $0x16C00  }
0xaf: {  	[tilespmem:s24], [sflag:$0x1] =	stream.indirect.gather [spmem:s2], $0x1, s23, s21, $0xb8;
	[tilespmem:$0x1C280] =	vst v63  }
0xb0: {  	s3 =	simm.s32 $0x16480;
	s4 =	simm.s32 $0x16C80  }
0xb1: {  	[tilespmem:s4], [sflag:$0x1] =	stream.indirect.gather [spmem:s2], $0x1, s3, s21, $0xb8;
	[tilespmem:$0x1C280] =	vst v63  }
0xb2: {  	s10 =	simm.s32 $0x16500;
	s20 =	simm.s32 $0x16D00  }
0xb3: {  	[tilespmem:s20], [sflag:$0x1] =	stream.indirect.gather [spmem:s2], $0x1, s10, s21, $0xb8;
	[tilespmem:$0x1C280] =	vst v63  }
0xb4: {  	s23 =	simm.s32 $0x16580;
	s24 =	simm.s32 $0x16D80  }
0xb5: {  	[tilespmem:s24], [sflag:$0x1] =	stream.indirect.gather [spmem:s2], $0x1, s23, s21, $0xb8;
	[tilespmem:$0x1C280] =	vst v63  }
0xb6: {  	s4 =	simm.s32 $0x16600;
	s10 =	simm.s32 $0x16E00  }
0xb7: {  	[tilespmem:s10], [sflag:$0x1] =	stream.indirect.gather [spmem:s2], $0x1, s4, s21, $0xb8;
	[tilespmem:$0x1C280] =	vst v63  }
0xb8: {  	_ =	swait.ge [sflag:s26], $0x80  }
0xb9: {  	[sflag:s26] =	ssyncset.done $0x0  }
0xba: {  	[sflag:s26] =	ssyncadd.s32 $0xFFFFFF80  }
0xbb: {  	_ =	swait.ge [sflag:s26], $0x80  }
0xbc: {  	[sflag:s26] =	ssyncset.done $0x0  }
0xbd: {  	[sflag:s26] =	ssyncadd.s32 $0xFFFFFF80  }
0xbe: {  	_ =	swait.ge [sflag:s26], $0x80  }
0xbf: {  	[sflag:s26] =	ssyncset.done $0x0  }
0xc0: {  	[sflag:s26] =	ssyncadd.s32 $0xFFFFFF80  }
0xc1: {  	_ =	swait.ge [sflag:s26], $0x80  }
0xc2: {  	[sflag:s26] =	ssyncset.done $0x0  }
0xc3: {  	[sflag:s26] =	ssyncadd.s32 $0xFFFFFF80  }
0xc4: {  	_ =	swait.ge [sflag:s26], $0x80  }
0xc5: {  	[sflag:s26] =	ssyncset.done $0x0  }
0xc6: {  	[sflag:s26] =	ssyncadd.s32 $0xFFFFFF80  }
0xc7: {  	_ =	swait.ge [sflag:s26], $0x80  }
0xc8: {  	[sflag:s26] =	ssyncset.done $0x0  }
0xc9: {  	[sflag:s26] =	ssyncadd.s32 $0xFFFFFF80  }
0xca: {  	_ =	swait.ge [sflag:s26], $0x80  }
0xcb: {  	[sflag:s26] =	ssyncset.done $0x0  }
0xcc: {  	[sflag:s26] =	ssyncadd.s32 $0xFFFFFF80  }
0xcd: {  	_ =	swait.ge [sflag:s26], $0x80  }
0xce: {  	[sflag:s26] =	ssyncset.done $0x0  }
0xcf: {  	[sflag:s26] =	ssyncadd.s32 $0xFFFFFF80  }
0xd0: {  	_ =	swait.ge [sflag:s26], $0x80  }
0xd1: {  	[sflag:s26] =	ssyncset.done $0x0  }
0xd2: {  	[sflag:s26] =	ssyncadd.s32 $0xFFFFFF80  }
0xd3: {  	_ =	swait.ge [sflag:s26], $0x80  }
0xd4: {  	[sflag:s26] =	ssyncset.done $0x0  }
0xd5: {  	[sflag:s26] =	ssyncadd.s32 $0xFFFFFF80  }
0xd6: {  	_ =	swait.ge [sflag:s26], $0x80  }
0xd7: {  	[sflag:s26] =	ssyncset.done $0x0  }
0xd8: {  	[sflag:s26] =	ssyncadd.s32 $0xFFFFFF80  }
0xd9: {  	_ =	swait.ge [sflag:s26], $0x80  }
0xda: {  	[sflag:s26] =	ssyncset.done $0x0  }
0xdb: {  	[sflag:s26] =	ssyncadd.s32 $0xFFFFFF80  }
0xdc: {  	_ =	swait.ge [sflag:s26], $0x80  }
0xdd: {  	[sflag:s26] =	ssyncset.done $0x0  }
0xde: {  	[sflag:s26] =	ssyncadd.s32 $0xFFFFFF80  }
0xdf: {  	_ =	swait.ge [sflag:s26], $0x80  }
0xe0: {  	[sflag:s26] =	ssyncset.done $0x0  }
0xe1: {  	[sflag:s26] =	ssyncadd.s32 $0xFFFFFF80  }
0xe2: {  	_ =	swait.ge [sflag:s26], $0x80  }
0xe3: {  	[sflag:s26] =	ssyncset.done $0x0  }
0xe4: {  	s20 =	simm.s32 $0x0;
	[sflag:s26] =	ssyncadd.s32 $0xFFFFFF80  }
0xe5: {  	s3 =	sand.u32 $0x600, s20;
	_ =	swait.ge [sflag:s26], $0x80  }
0xe6: {  	s23 =	sshrl.u32 s3, $0x2;
	s4 =	sand.u32 $0x70, s20;
	[sflag:s26] =	ssyncset.done $0x0  }
0xe7: {  	s10 =	sor.u32 s4, s23;
	[sflag:s26] =	ssyncadd.s32 $0xFFFFFF80  }
0xe8: {  	s23 =	sor.u32 s4, s3;
	v5 =	vld [tilespmem:s10+$0x16680]  }
0xe9: {  	v6 =	vld [tilespmem:s23+$0x15680];
	_ =	sdelay $0x3  }
0xea: {  	s24 =	sadd.s32 $0x0, s16  }
0xeb: {  	v7 =	vmov s24;
	s24 =	simm.s32 $0x40;
	v5 =	vmul.f32 v5, v6  }
0xec: {  	s28 =	simm.s32 $0x10;
	s0 =	simm.s32 $0x10;
	s30 =	sand.u32 $0x600, s24;
	vm1 =	vlt.u32 v7, v1  }
0xed: {  	s29 =	simm.s32 $0x20;
	s31 =	sand.u32 $0x70, s0;
	s20 =	sshrl.u32 s30, $0x2;
	v5 =	vnsel vm1, $0x0, v5  }
.LBB2_9:
0xee: {  	p1 =	sne.s32 s29, $0x1F0;
	s20 =	sor.u32 s31, s20;
	[tilespmem:s23+$0x15680] =	vst v5  }
0xef: {  	s23 =	sor.u32 s31, s30;
	v5 =	vld [tilespmem:s20+$0x16680]  }
0xf0: {  	v6 =	vld [tilespmem:s23+$0x15680];
	_ =	sdelay $0x2  }
.Ltmp4:
0xf1: {  	(pc) =	sbr.rel @p1 .LBB2_9-.Ltmp4, $4  }
0xf2: {  	s20 =	sadd.s32 s28, s16;
	s28 =	smov.u32 s29  }
0xf3: {  	s24 =	sadd.s32 $0x40, s24;
	v7 =	vmov s20;
	v5 =	vmul.f32 v5, v6  }
0xf4: {  	s30 =	sand.u32 $0x600, s24;
	vm2 =	vlt.u32 v7, v1  }
0xf5: {  	s29 =	sadd.s32 $0x10, s29;
	s31 =	sand.u32 $0x70, s28;
	s20 =	sshrl.u32 s30, $0x2;
	v5 =	vnsel vm2, $0x0, v5  }
0xf6: {  	s20 =	sor.u32 s31, s20;
	[tilespmem:s23+$0x15680] =	vst v5  }
0xf7: {  	s30 =	sor.u32 s31, s30;
	v5 =	vld [tilespmem:s20+$0x16680]  }
0xf8: {  	v6 =	vld [tilespmem:s30+$0x15680];
	_ =	sdelay $0x3  }
0xf9: {  	s31 =	sadd.s32 s28, s16  }
0xfa: {  	v7 =	vmov s31;
	v5 =	vmul.f32 v5, v6  }
0xfb: {  	vm2 =	vlt.u32 v7, v1  }
0xfc: {  	v5 =	vnsel vm2, $0x0, v5  }
0xfd: {  	[tilespmem:s30+$0x15680] =	vst v5  }
0xfe: {  	s3 =	sor.u32 s4, s3;
	v5 =	vld [tilespmem:s10+$0x16880]  }
0xff: {  	v6 =	vld [tilespmem:s3+$0x15700];
	_ =	sdelay $0x4  }
0x100: {  	s4 =	simm.s32 $0x40;
	v5 =	vmul.f32 v5, v6  }
0x101: {  	s23 =	sand.u32 $0x600, s4  }
0x102: {  	s24 =	sand.u32 $0x70, s0;
	s20 =	sshrl.u32 s23, $0x2;
	s10 =	simm.s32 $0x20;
	v5 =	vnsel vm1, $0x0, v5  }
.LBB2_11:
0x103: {  	p1 =	sne.s32 s10, $0x1F0;
	s20 =	sor.u32 s24, s20;
	[tilespmem:s3+$0x15700] =	vst v5  }
0x104: {  	s3 =	sor.u32 s24, s23;
	v5 =	vld [tilespmem:s20+$0x16880]  }
0x105: {  	v6 =	vld [tilespmem:s3+$0x15700];
	_ =	sdelay $0x2  }
.Ltmp5:
0x106: {  	(pc) =	sbr.rel @p1 .LBB2_11-.Ltmp5, $4  }
0x107: {  	s20 =	sadd.s32 s0, s16;
	s0 =	smov.u32 s10  }
0x108: {  	s4 =	sadd.s32 $0x40, s4;
	v7 =	vmov s20;
	v5 =	vmul.f32 v5, v6  }
0x109: {  	s23 =	sand.u32 $0x600, s4;
	vm1 =	vlt.u32 v7, v1  }
0x10a: {  	s10 =	sadd.s32 $0x10, s10;
	s24 =	sand.u32 $0x70, s0;
	s20 =	sshrl.u32 s23, $0x2;
	v5 =	vnsel vm1, $0x0, v5  }
0x10b: {  	s4 =	sor.u32 s24, s20;
	[tilespmem:s3+$0x15700] =	vst v5  }
0x10c: {  	s10 =	sor.u32 s24, s23;
	v5 =	vld [tilespmem:s4+$0x16880]  }
0x10d: {  	v6 =	vld [tilespmem:s10+$0x15700];
	_ =	sdelay $0x3  }
0x10e: {  	s0 =	sadd.s32 s0, s16  }
0x10f: {  	s20 =	simm.s32 $0x0;
	v7 =	vmov s0;
	v5 =	vmul.f32 v5, v6  }
0x110: {  	s3 =	sand.u32 $0x600, s20;
	vm1 =	vlt.u32 v7, v1  }
0x111: {  	s4 =	sand.u32 $0x70, s20;
	s23 =	sshrl.u32 s3, $0x2;
	v5 =	vnsel vm1, $0x0, v5  }
0x112: {  	[tilespmem:s10+$0x15700] =	vst v5;
	s10 =	sor.u32 s4, s23  }
0x113: {  	s23 =	sor.u32 s4, s3;
	v5 =	vld [tilespmem:s10+$0x16A80]  }
0x114: {  	v6 =	vld [tilespmem:s23+$0x15780];
	_ =	sdelay $0x3  }
0x115: {  	s24 =	sadd.s32 $0x0, s16  }
0x116: {  	v7 =	vmov s24;
	s24 =	simm.s32 $0x40;
	v5 =	vmul.f32 v5, v6  }
0x117: {  	s29 =	simm.s32 $0x20;
	s0 =	simm.s32 $0x10;
	s30 =	sand.u32 $0x600, s24;
	vm1 =	vlt.u32 v7, v1  }
0x118: {  	s28 =	simm.s32 $0x10;
	s31 =	sand.u32 $0x70, s0;
	s20 =	sshrl.u32 s30, $0x2;
	v5 =	vnsel vm1, $0x0, v5  }
.LBB2_13:
0x119: {  	p1 =	sne.s32 s29, $0x1F0;
	s20 =	sor.u32 s31, s20;
	[tilespmem:s23+$0x15780] =	vst v5  }
0x11a: {  	s23 =	sor.u32 s31, s30;
	v5 =	vld [tilespmem:s20+$0x16A80]  }
0x11b: {  	v6 =	vld [tilespmem:s23+$0x15780];
	_ =	sdelay $0x2  }
.Ltmp6:
0x11c: {  	(pc) =	sbr.rel @p1 .LBB2_13-.Ltmp6, $4  }
0x11d: {  	s20 =	sadd.s32 s28, s16;
	s28 =	smov.u32 s29  }
0x11e: {  	s24 =	sadd.s32 $0x40, s24;
	v7 =	vmov s20;
	v5 =	vmul.f32 v5, v6  }
0x11f: {  	s30 =	sand.u32 $0x600, s24;
	vm2 =	vlt.u32 v7, v1  }
0x120: {  	s29 =	sadd.s32 $0x10, s29;
	s31 =	sand.u32 $0x70, s28;
	s20 =	sshrl.u32 s30, $0x2;
	v5 =	vnsel vm2, $0x0, v5  }
0x121: {  	s20 =	sor.u32 s31, s20;
	[tilespmem:s23+$0x15780] =	vst v5  }
0x122: {  	s30 =	sor.u32 s31, s30;
	v5 =	vld [tilespmem:s20+$0x16A80]  }
0x123: {  	v6 =	vld [tilespmem:s30+$0x15780];
	_ =	sdelay $0x3  }
0x124: {  	s31 =	sadd.s32 s28, s16  }
0x125: {  	v7 =	vmov s31;
	v5 =	vmul.f32 v5, v6  }
0x126: {  	vm2 =	vlt.u32 v7, v1  }
0x127: {  	v5 =	vnsel vm2, $0x0, v5  }
0x128: {  	[tilespmem:s30+$0x15780] =	vst v5  }
0x129: {  	s3 =	sor.u32 s4, s3;
	v5 =	vld [tilespmem:s10+$0x16C80]  }
0x12a: {  	v6 =	vld [tilespmem:s3+$0x15800];
	_ =	sdelay $0x4  }
0x12b: {  	s4 =	simm.s32 $0x40;
	v5 =	vmul.f32 v5, v6  }
0x12c: {  	s23 =	sand.u32 $0x600, s4  }
0x12d: {  	s24 =	sand.u32 $0x70, s0;
	s20 =	sshrl.u32 s23, $0x2;
	s10 =	simm.s32 $0x20;
	v5 =	vnsel vm1, $0x0, v5  }
.LBB2_15:
0x12e: {  	p1 =	sne.s32 s10, $0x1F0;
	s20 =	sor.u32 s24, s20;
	[tilespmem:s3+$0x15800] =	vst v5  }
0x12f: {  	s3 =	sor.u32 s24, s23;
	v5 =	vld [tilespmem:s20+$0x16C80]  }
0x130: {  	v6 =	vld [tilespmem:s3+$0x15800];
	_ =	sdelay $0x2  }
.Ltmp7:
0x131: {  	(pc) =	sbr.rel @p1 .LBB2_15-.Ltmp7, $4  }
0x132: {  	s20 =	sadd.s32 s0, s16;
	s0 =	smov.u32 s10  }
0x133: {  	s4 =	sadd.s32 $0x40, s4;
	v7 =	vmov s20;
	v5 =	vmul.f32 v5, v6  }
0x134: {  	s23 =	sand.u32 $0x600, s4;
	vm1 =	vlt.u32 v7, v1  }
0x135: {  	s10 =	sadd.s32 $0x10, s10;
	s24 =	sand.u32 $0x70, s0;
	s20 =	sshrl.u32 s23, $0x2;
	v5 =	vnsel vm1, $0x0, v5  }
0x136: {  	s4 =	sor.u32 s24, s20;
	[tilespmem:s3+$0x15800] =	vst v5  }
0x137: {  	s24 =	sor.u32 s24, s23;
	v5 =	vld [tilespmem:s4+$0x16C80]  }
0x138: {  	v6 =	vld [tilespmem:s24+$0x15800];
	_ =	sdelay $0x3  }
0x139: {  	s0 =	sadd.s32 s0, s16  }
0x13a: {  	v7 =	vmov s0;
	v5 =	vmul.f32 v5, v6  }
0x13b: {  	vm1 =	vlt.u32 v7, v1  }
0x13c: {  	v5 =	vnsel vm1, $0x0, v5  }
0x13d: {  	[tilespmem:s24+$0x15800] =	vst v5  }
0x13e: {  	v5 =	vld [tilespmem:$0x14280];
	_ =	sdelay $0x4  }
0x13f: {  	v6 =	vshll.u32 v5, $0x2  }
0x140: {  	v5 =	vand.u32 $0x7, v5;
	v6 =	vand.u32 $0xFFFFFFE0, v6  }
0x141: {  	v5 =	vor.u32 v5, v6  }
0x142: {  	v6 =	vperm.xlane v5, v2;
	_ =	sdelay $0x1  }
0x143: {  	v6 =	vadd.s32 v3, v6;
	_ =	sdelay $0x1  }
0x144: {  	v5 =	vperm.xlane v5, v4;
	_ =	sdelay $0x1  }
0x145: {  	s10 =	simm.s32 $0x0;
	s28 =	simm.s32 $0x16E80;
	v5 =	vadd.s32 v3, v5  }
0x146: {  	[tilespmem:s28], [sflag:$0x1] =	stream.indirect_vreg.gather [hbm4b:s5+s10], $0x80, v6, vm0, $0xb8;
	[tilespmem:$0x1C280] =	vst v63  }
0x147: {  	s29 =	simm.s32 $0x17680  }
0x148: {  	[tilespmem:s29], [sflag:$0x1] =	stream.indirect_vreg.gather [hbm4b:s14+s10], $0x80, v6, vm0, $0xb8;
	[tilespmem:$0x1C280] =	vst v63  }
0x149: {  	s30 =	simm.s32 $0x17E80  }
0x14a: {  	[tilespmem:s30], [sflag:$0x1] =	stream.indirect_vreg.gather [hbm4b:s5+s10], $0x80, v5, vm0, $0xb8;
	[tilespmem:$0x1C280] =	vst v63  }
0x14b: {  	s31 =	simm.s32 $0x18680;
	p1 =	por $0x0, $0x0;
	s3 =	simm.s32 $0x0  }
0x14c: {  	[tilespmem:s31], [sflag:$0x1] =	stream.indirect_vreg.gather [hbm4b:s14+s10], $0x80, v5, vm0, $0xb8;
	[tilespmem:$0x1C280] =	vst v63  }
.LBB2_17:
0x14d: {  	s0 =	simm.s32 @!p1 $0x0  }
0x14e: {  	s0 =	simm.s32 @p1 $0x1  }
0x14f: {  	[smem:$0x7FB] =	sst s0  }
0x150: {  	p4 =	seq.s32 s3, $0x1F;
	_ =	swait.ge [sflag:s26], $0x2000  }
0x151: {  	s0 =	sshll.u32 @!p4 s3, $0x4;
	[sflag:s26] =	ssyncset.done $0x0  }
0x152: {  	s0 =	sand.u32 @!p4 $0x3FFFFFF0, s0;
	[sflag:s26] =	ssyncadd.s32 $0xFFFFE000  }
0x153: {  	v5 =	vld @!p4 [tilespmem:s0+$0x14290];
	_ =	sdelay $0x4  }
0x154: {  	v6 =	vshll.u32 @!p4 v5, $0x2  }
0x155: {  	v7 =	vlaneseq.u32 @!p4;
	v5 =	vand.u32 @!p4 $0x7, v5;
	v6 =	vand.u32 @!p4 $0xFFFFFFE0, v6  }
0x156: {  	v8 =	vshrl.u32 @!p4 v7, $0x3;
	v5 =	vor.u32 @!p4 v5, v6;
	v6 =	vand.u32 @!p4 $0x7, v7  }
0x157: {  	v8 =	vmul.u32 @!p4 $0x8, v8;
	v6 =	vperm.xlane @!p4 v5, v6;
	_ =	sdelay $0x1  }
0x158: {  	p2 =	slt.u32 @!p4 s3, $0x2;
	v6 =	vadd.s32 @!p4 v8, v6  }
0x159: {  	s29 =	sand.u32 $0x1, s3;
	p0 =	por p2, p4;
	v7 =	vor.u32 @!p4 $0x8, v7  }
0x15a: {  	s20 =	simm.s32 @!p4 $0x0;
	p5 =	sgt.u32 @!p4 s3, $0x1;
	p3 =	sne.s32 @!p0 s29, $0x0;
	v5 =	vperm.xlane @!p4 v5, v7  }
0x15b: {  	p0 =	por @!p4 p3, p2;
	p1 =	por @!p4 !p3, p2;
	s0 =	sshll.u32 @!p4 s29, $0xD  }
0x15c: {  	vm1 =	vmmov @!p4 $0xffff;
	p0 =	por p0, p4;
	p3 =	por !p1, p4;
	s4 =	ssub.s32 @!p4 $0x18E80, s0;
	v5 =	vadd.s32 @!p4 v8, v5  }
0x15d: {  	[tilespmem:s4], [sflag:$0x1] =	stream.indirect_vreg.gather @!p4 [hbm4b:s5+s20], $0x80, v6, vm1, $0xb8;
	[tilespmem:$0x1C280] =	vst v63  }
0x15e: {  	p1 =	por p5, p5;
	p6 =	por @!p0 $0x1, $0x1;
	s4 =	ssub.s32 @!p4 $0x19680, s0  }
0x15f: {  	[tilespmem:s4], [sflag:$0x1] =	stream.indirect_vreg.gather @!p4 [hbm4b:s14+s20], $0x80, v6, vm1, $0xb8;
	[tilespmem:$0x1C280] =	vst v63  }
0x160: {  	p1 =	por @!p3 p6, p6;
	s4 =	ssub.s32 @!p4 $0x19E80, s0  }
0x161: {  	[tilespmem:s4], [sflag:$0x1] =	stream.indirect_vreg.gather @!p4 [hbm4b:s5+s20], $0x80, v5, vm1, $0xb8;
	[tilespmem:$0x1C280] =	vst v63  }
0x162: {  	p6 =	por p3, p3;
	p3 =	por @!p0 $0x1, $0x1;
	s0 =	sxor.u32 @!p4 $0x1A680, s0  }
0x163: {  	[tilespmem:s0], [sflag:$0x1] =	stream.indirect_vreg.gather @!p4 [hbm4b:s14+s20], $0x80, v5, vm1, $0xb8;
	[tilespmem:$0x1C280] =	vst v63  }
0x164: {  	s0 =	simm.s32 @!p3 $0x0  }
0x165: {  	s0 =	simm.s32 @p3 $0x1  }
0x166: {  	s20 =	simm.s32 @!p0 $0x2;
	[smem:$0x7FC] =	sst s0  }
0x167: {  	_ =	swait.ge @!p0 [sflag:s20], $0x800  }
0x168: {  	s23 =	sshll.u32 s3, $0x4;
	s24 =	sld [smem:$0x7FB]  }
0x169: {  	p3 =	por !p2, p4;
	s0 =	sadd.s32 $0x0, s23  }
0x16a: {  	s4 =	simm.s32 $0x1;
	p1 =	por @!p3 p5, p5;
	p5 =	por $0x1, $0x1;
	v5 =	vmov s0  }
0x16b: {  	p2 =	seq.s32 s29, $0x1;
	p5 =	por @!p4 p1, p1;
	v6 =	vshll.u32 v5, $0x2;
	p1 =	seq.s32 s24, $0x1  }
0x16c: {  	[sflag:s20] =	ssyncset.done @!p0 $0x0;
	v5 =	vand.u32 $0x7E, v5;
	v6 =	vand.u32 $0x7FFFFE00, v6;
	s4 =	simm.s32 @!p1 $0x0;
	p1 =	por !p2, !p5  }
0x16d: {  	[sflag:s20] =	ssyncadd.s32 @!p0 $0xFFFFF800;
	v5 =	vor.u32 v5, v6;
	s24 =	sshll.u32 s4, $0xD;
	s4 =	simm.s32 @!p1 $0x3  }
0x16e: {  	s28 =	sand.u32 $0x300, s10;
	v6 =	vor.u32 $0x80, v5;
	_ =	swait.ge @!p1 [sflag:s4], $0x800;
	s20 =	sand.u32 $0x3000, s24  }
0x16f: {  	[sflag:s4] =	ssyncset.done @!p1 $0x0;
	s20 =	sor.u32 s28, s20  }
0x170: {  	v7 =	vor.u32 $0x100, v5;
	[sflag:s4] =	ssyncadd.s32 @!p1 $0xFFFFF800;
	s4 =	sadd.s32 $0x16E80, s20  }
0x171: {  	v8 =	vld [tilespmem:s4+$0x400]  }
0x172: {  	v9 =	vld.idx.msk [tilespmem:v5+s25+$0x0], $0xffff  }
0x173: {  	s28 =	sand.u32 $0x3, s10;
	v5 =	vor.u32 $0x180, v5;
	v6 =	vld.idx.msk [tilespmem:v6+s25+$0x0], $0xffff  }
0x174: {  	v10 =	vld [tilespmem:s20+$0x16E80];
	s20 =	sshll.u32 s28, $0x8  }
0x175: {  	v7 =	vld.idx.msk [tilespmem:v7+s25+$0x0], $0xffff;
	s30 =	sadd.s32 s20, s24  }
0x176: {  	v11 =	vld [tilespmem:s4+$0x800];
	s20 =	sor.u32 $0xC00, s30  }
0x177: {  	v12 =	vld [tilespmem:s20+$0x16E80]  }
0x178: {  	v5 =	vld.idx.msk [tilespmem:v5+s25+$0x0], $0xffff  }
0x179: {  	v10 =	vmul.f32 v10, v9;
	v8 =	vmul.f32 v8, v6;
	_ =	sdelay $0x1  }
0x17a: {  	v8 =	vadd.f32 v8, v10;
	v10 =	vmul.f32 v11, v7;
	_ =	sdelay $0x1  }
0x17b: {  	v8 =	vadd.f32 v10, v8;
	v10 =	vmul.f32 v12, v5;
	_ =	sdelay $0x1  }
0x17c: {  	v8 =	vadd.f32 v10, v8  }
0x17d: {  	s28 =	sshra.s32 s24, $0x2  }
0x17e: {  	[tilespmem:s28+$0x1AE80] =	vst v8  }
0x17f: {  	v8 =	vld [tilespmem:s4+$0x10]  }
0x180: {  	v10 =	vld [tilespmem:s4+$0x410];
	_ =	sdelay $0x1  }
0x181: {  	v11 =	vld [tilespmem:s4+$0x810]  }
0x182: {  	s20 =	sor.u32 $0xC10, s30  }
0x183: {  	v50 =	vld [tilespmem:s20+$0x16E80]  }
0x184: {  	v8 =	vmul.f32 v8, v9;
	v10 =	vmul.f32 v10, v6;
	_ =	sdelay $0x1  }
0x185: {  	v11 =	vmul.f32 v11, v7;
	v8 =	vadd.f32 v10, v8;
	_ =	sdelay $0x1  }
0x186: {  	v10 =	vmul.f32 v50, v5;
	v8 =	vadd.f32 v11, v8;
	_ =	sdelay $0x1  }
0x187: {  	v8 =	vadd.f32 v10, v8;
	_ =	sdelay $0x1  }
0x188: {  	[tilespmem:s28+$0x1AE90] =	vst v8  }
0x189: {  	v8 =	vld [tilespmem:s4+$0x20]  }
0x18a: {  	v10 =	vld [tilespmem:s4+$0x420];
	_ =	sdelay $0x1  }
0x18b: {  	v11 =	vld [tilespmem:s4+$0x820]  }
0x18c: {  	s20 =	sor.u32 $0xC20, s30  }
0x18d: {  	v51 =	vld [tilespmem:s20+$0x16E80]  }
0x18e: {  	v8 =	vmul.f32 v8, v9;
	v10 =	vmul.f32 v10, v6;
	_ =	sdelay $0x1  }
0x18f: {  	v11 =	vmul.f32 v11, v7;
	v8 =	vadd.f32 v10, v8;
	_ =	sdelay $0x1  }
0x190: {  	v10 =	vmul.f32 v51, v5;
	v8 =	vadd.f32 v11, v8;
	_ =	sdelay $0x1  }
0x191: {  	v8 =	vadd.f32 v10, v8;
	_ =	sdelay $0x1  }
0x192: {  	[tilespmem:s28+$0x1AEA0] =	vst v8  }
0x193: {  	v8 =	vld [tilespmem:s4+$0x30]  }
0x194: {  	v10 =	vld [tilespmem:s4+$0x430];
	_ =	sdelay $0x1  }
0x195: {  	v11 =	vld [tilespmem:s4+$0x830]  }
0x196: {  	s20 =	sor.u32 $0xC30, s30  }
0x197: {  	v52 =	vld [tilespmem:s20+$0x16E80]  }
0x198: {  	v8 =	vmul.f32 v8, v9;
	v10 =	vmul.f32 v10, v6;
	_ =	sdelay $0x1  }
0x199: {  	v8 =	vadd.f32 v10, v8;
	v10 =	vmul.f32 v11, v7;
	_ =	sdelay $0x1  }
0x19a: {  	v8 =	vadd.f32 v10, v8;
	v10 =	vmul.f32 v52, v5;
	_ =	sdelay $0x1  }
0x19b: {  	v8 =	vadd.f32 v10, v8;
	_ =	sdelay $0x1  }
0x19c: {  	[tilespmem:s28+$0x1AEB0] =	vst v8  }
0x19d: {  	v8 =	vld [tilespmem:s4+$0x440]  }
0x19e: {  	v10 =	vld [tilespmem:s4+$0x40];
	_ =	sdelay $0x1  }
0x19f: {  	v11 =	vld [tilespmem:s4+$0x840]  }
0x1a0: {  	s20 =	sor.u32 $0xC40, s30  }
0x1a1: {  	v53 =	vld [tilespmem:s20+$0x16E80]  }
0x1a2: {  	v8 =	vmul.f32 v8, v6;
	v10 =	vmul.f32 v10, v9;
	_ =	sdelay $0x1  }
0x1a3: {  	v8 =	vadd.f32 v8, v10;
	v10 =	vmul.f32 v11, v7;
	_ =	sdelay $0x1  }
0x1a4: {  	v8 =	vadd.f32 v10, v8;
	v10 =	vmul.f32 v53, v5;
	_ =	sdelay $0x1  }
0x1a5: {  	v8 =	vadd.f32 v10, v8;
	_ =	sdelay $0x1  }
0x1a6: {  	[tilespmem:s28+$0x1AEC0] =	vst v8  }
0x1a7: {  	v8 =	vld [tilespmem:s4+$0x50]  }
0x1a8: {  	v10 =	vld [tilespmem:s4+$0x450];
	_ =	sdelay $0x1  }
0x1a9: {  	v11 =	vld [tilespmem:s4+$0x850]  }
0x1aa: {  	s20 =	sor.u32 $0xC50, s30  }
0x1ab: {  	v54 =	vld [tilespmem:s20+$0x16E80]  }
0x1ac: {  	v8 =	vmul.f32 v8, v9;
	v10 =	vmul.f32 v10, v6;
	_ =	sdelay $0x1  }
0x1ad: {  	v11 =	vmul.f32 v11, v7;
	v8 =	vadd.f32 v10, v8;
	_ =	sdelay $0x1  }
0x1ae: {  	v10 =	vmul.f32 v54, v5;
	v8 =	vadd.f32 v11, v8;
	_ =	sdelay $0x1  }
0x1af: {  	v8 =	vadd.f32 v10, v8;
	_ =	sdelay $0x1  }
0x1b0: {  	[tilespmem:s28+$0x1AED0] =	vst v8  }
0x1b1: {  	v8 =	vld [tilespmem:s4+$0x60]  }
0x1b2: {  	v10 =	vld [tilespmem:s4+$0x460];
	_ =	sdelay $0x1  }
0x1b3: {  	v11 =	vld [tilespmem:s4+$0x860]  }
0x1b4: {  	s20 =	sor.u32 $0xC60, s30  }
0x1b5: {  	v55 =	vld [tilespmem:s20+$0x16E80]  }
0x1b6: {  	v8 =	vmul.f32 v8, v9;
	v10 =	vmul.f32 v10, v6;
	_ =	sdelay $0x1  }
0x1b7: {  	v11 =	vmul.f32 v11, v7;
	v8 =	vadd.f32 v10, v8;
	_ =	sdelay $0x1  }
0x1b8: {  	v10 =	vmul.f32 v55, v5;
	v8 =	vadd.f32 v11, v8;
	_ =	sdelay $0x1  }
0x1b9: {  	v8 =	vadd.f32 v10, v8;
	_ =	sdelay $0x1  }
0x1ba: {  	[tilespmem:s28+$0x1AEE0] =	vst v8  }
0x1bb: {  	v8 =	vld [tilespmem:s4+$0x70]  }
0x1bc: {  	v10 =	vld [tilespmem:s4+$0x470];
	_ =	sdelay $0x1  }
0x1bd: {  	s20 =	sor.u32 $0xC70, s30;
	v11 =	vld [tilespmem:s4+$0x870]  }
0x1be: {  	v56 =	vld [tilespmem:s20+$0x16E80];
	_ =	sdelay $0x1  }
0x1bf: {  	v8 =	vmul.f32 v8, v9;
	v6 =	vmul.f32 v10, v6  }
0x1c0: {  	s0 =	sadd.s32 $0x1, s0  }
0x1c1: {  	v9 =	vmov s0;
	v7 =	vmul.f32 v11, v7;
	v6 =	vadd.f32 v6, v8  }
0x1c2: {  	v5 =	vmul.f32 v56, v5;
	v10 =	vshll.u32 v9, $0x2  }
0x1c3: {  	v8 =	vand.u32 $0x7FFFFE00, v10;
	v6 =	vadd.f32 v7, v6;
	v7 =	vand.u32 $0x7F, v9  }
0x1c4: {  	v7 =	vor.u32 v7, v8  }
0x1c5: {  	s4 =	sadd.s32 $0x200, s24;
	s20 =	simm.s32 $0x80;
	v5 =	vadd.f32 v5, v6  }
0x1c6: {  	s0 =	sand.u32 $0x3000, s4;
	s4 =	sand.u32 $0x380, s20;
	v6 =	vor.u32 $0x80, v7  }
0x1c7: {  	s0 =	sor.u32 s4, s0;
	[tilespmem:s28+$0x1AEF0] =	vst v5  }
0x1c8: {  	v8 =	vor.u32 $0x100, v7;
	v9 =	vld [tilespmem:s0+$0x16E80]  }
0x1c9: {  	s0 =	sadd.s32 $0x16E80, s0;
	v5 =	vld.idx.msk [tilespmem:v7+s25+$0x0], $0xffff  }
0x1ca: {  	v7 =	vor.u32 $0x180, v7;
	v10 =	vld [tilespmem:s0+$0x400]  }
0x1cb: {  	v6 =	vld.idx.msk [tilespmem:v6+s25+$0x0], $0xffff  }
0x1cc: {  	v11 =	vld [tilespmem:s0+$0x800]  }
0x1cd: {  	v8 =	vld.idx.msk [tilespmem:v8+s25+$0x0], $0xffff  }
0x1ce: {  	v57 =	vld [tilespmem:s0+$0xC00]  }
0x1cf: {  	v7 =	vld.idx.msk [tilespmem:v7+s25+$0x0], $0xffff  }
0x1d0: {  	v9 =	vmul.f32 v9, v5;
	v10 =	vmul.f32 v10, v6;
	_ =	sdelay $0x1  }
0x1d1: {  	v9 =	vadd.f32 v10, v9;
	v10 =	vmul.f32 v11, v8;
	_ =	sdelay $0x1  }
0x1d2: {  	v9 =	vadd.f32 v10, v9;
	v10 =	vmul.f32 v57, v7;
	_ =	sdelay $0x1  }
0x1d3: {  	v9 =	vadd.f32 v10, v9;
	_ =	sdelay $0x1  }
0x1d4: {  	[tilespmem:s28+$0x1AF00] =	vst v9  }
0x1d5: {  	v9 =	vld [tilespmem:s0+$0x10]  }
0x1d6: {  	v10 =	vld [tilespmem:s0+$0x410];
	_ =	sdelay $0x1  }
0x1d7: {  	v11 =	vld [tilespmem:s0+$0x810];
	_ =	sdelay $0x1  }
0x1d8: {  	v58 =	vld [tilespmem:s0+$0xC10]  }
0x1d9: {  	v9 =	vmul.f32 v9, v5;
	v10 =	vmul.f32 v10, v6;
	_ =	sdelay $0x1  }
0x1da: {  	v9 =	vadd.f32 v10, v9;
	v10 =	vmul.f32 v11, v8;
	_ =	sdelay $0x1  }
0x1db: {  	v9 =	vadd.f32 v10, v9;
	v10 =	vmul.f32 v58, v7;
	_ =	sdelay $0x1  }
0x1dc: {  	v9 =	vadd.f32 v10, v9;
	_ =	sdelay $0x1  }
0x1dd: {  	[tilespmem:s28+$0x1AF10] =	vst v9  }
0x1de: {  	v9 =	vld [tilespmem:s0+$0x20]  }
0x1df: {  	v10 =	vld [tilespmem:s0+$0x420];
	_ =	sdelay $0x1  }
0x1e0: {  	v11 =	vld [tilespmem:s0+$0x820];
	_ =	sdelay $0x1  }
0x1e1: {  	v59 =	vld [tilespmem:s0+$0xC20]  }
0x1e2: {  	v9 =	vmul.f32 v9, v5;
	v10 =	vmul.f32 v10, v6;
	_ =	sdelay $0x1  }
0x1e3: {  	v11 =	vmul.f32 v11, v8;
	v9 =	vadd.f32 v10, v9;
	_ =	sdelay $0x1  }
0x1e4: {  	v10 =	vmul.f32 v59, v7;
	v9 =	vadd.f32 v11, v9;
	_ =	sdelay $0x1  }
0x1e5: {  	v9 =	vadd.f32 v10, v9;
	_ =	sdelay $0x1  }
0x1e6: {  	[tilespmem:s28+$0x1AF20] =	vst v9  }
0x1e7: {  	v9 =	vld [tilespmem:s0+$0x30]  }
0x1e8: {  	v10 =	vld [tilespmem:s0+$0x430];
	_ =	sdelay $0x1  }
0x1e9: {  	v11 =	vld [tilespmem:s0+$0x830];
	_ =	sdelay $0x1  }
0x1ea: {  	v60 =	vld [tilespmem:s0+$0xC30]  }
0x1eb: {  	v9 =	vmul.f32 v9, v5;
	v10 =	vmul.f32 v10, v6;
	_ =	sdelay $0x1  }
0x1ec: {  	v11 =	vmul.f32 v11, v8;
	v9 =	vadd.f32 v10, v9;
	_ =	sdelay $0x1  }
0x1ed: {  	v10 =	vmul.f32 v60, v7;
	v9 =	vadd.f32 v11, v9;
	_ =	sdelay $0x1  }
0x1ee: {  	v9 =	vadd.f32 v10, v9;
	_ =	sdelay $0x1  }
0x1ef: {  	[tilespmem:s28+$0x1AF30] =	vst v9  }
0x1f0: {  	v9 =	vld [tilespmem:s0+$0x40]  }
0x1f1: {  	v10 =	vld [tilespmem:s0+$0x440];
	_ =	sdelay $0x1  }
0x1f2: {  	v11 =	vld [tilespmem:s0+$0x840];
	_ =	sdelay $0x1  }
0x1f3: {  	v61 =	vld [tilespmem:s0+$0xC40]  }
0x1f4: {  	v9 =	vmul.f32 v9, v5;
	v10 =	vmul.f32 v10, v6;
	_ =	sdelay $0x1  }
0x1f5: {  	v11 =	vmul.f32 v11, v8;
	v9 =	vadd.f32 v10, v9;
	_ =	sdelay $0x1  }
0x1f6: {  	v10 =	vmul.f32 v61, v7;
	v9 =	vadd.f32 v11, v9;
	_ =	sdelay $0x1  }
0x1f7: {  	v9 =	vadd.f32 v10, v9;
	_ =	sdelay $0x1  }
0x1f8: {  	[tilespmem:s28+$0x1AF40] =	vst v9  }
0x1f9: {  	v9 =	vld [tilespmem:s0+$0x50]  }
0x1fa: {  	v10 =	vld [tilespmem:s0+$0x450];
	_ =	sdelay $0x1  }
0x1fb: {  	v11 =	vld [tilespmem:s0+$0x850];
	_ =	sdelay $0x1  }
0x1fc: {  	v62 =	vld [tilespmem:s0+$0xC50]  }
0x1fd: {  	v9 =	vmul.f32 v9, v5;
	v10 =	vmul.f32 v10, v6;
	_ =	sdelay $0x1  }
0x1fe: {  	v11 =	vmul.f32 v11, v8;
	v9 =	vadd.f32 v10, v9;
	_ =	sdelay $0x1  }
0x1ff: {  	v10 =	vmul.f32 v62, v7;
	v9 =	vadd.f32 v11, v9;
	_ =	sdelay $0x1  }
0x200: {  	v9 =	vadd.f32 v10, v9;
	_ =	sdelay $0x1  }
0x201: {  	[tilespmem:s28+$0x1AF50] =	vst v9  }
0x202: {  	v9 =	vld [tilespmem:s0+$0x60]  }
0x203: {  	v10 =	vld [tilespmem:s0+$0x460];
	_ =	sdelay $0x1  }
0x204: {  	v11 =	vld [tilespmem:s0+$0x860]  }
0x205: {  	s20 =	sld [smem:$0x7FC]  }
0x206: {  	v63 =	vld [tilespmem:s0+$0xC60]  }
0x207: {  	p0 =	seq.s32 @!p4 s29, $0x0;
	v9 =	vmul.f32 v9, v5;
	v10 =	vmul.f32 v10, v6  }
0x208: {  	p5 =	por p2, p2;
	p1 =	por p0, p0;
	p2 =	seq.s32 s20, $0x1  }
0x209: {  	p1 =	por @!p6 p2, p2;
	v11 =	vmul.f32 v11, v8;
	v9 =	vadd.f32 v10, v9  }
0x20a: {  	s31 =	simm.s32 $0x0;
	p1 =	por @!p3 p0, p0;
	p3 =	por $0x0, $0x0  }
0x20b: {  	s29 =	simm.s32 $0x2;
	s30 =	simm.s32 $0x0;
	p3 =	por @!p4 p1, p1;
	v10 =	vmul.f32 v63, v7;
	v9 =	vadd.f32 v11, v9  }
.LBB2_18:
0x20c: {  	s24 =	sadd.s32 $0x400, s24;
	s30 =	sadd.s32 $0x1, s30;
	s31 =	sadd.s32 $0x100, s31  }
0x20d: {  	p4 =	slt.u32 s29, $0xE;
	s4 =	smov.u32 s29;
	s29 =	sadd.s32 $0x2, s29;
	v9 =	vadd.f32 v10, v9  }
0x20e: {  	_ = 	snop  }
0x20f: {  	[tilespmem:s28+$0x1AF60] =	vst v9  }
0x210: {  	v9 =	vld [tilespmem:s0+$0x70]  }
0x211: {  	v10 =	vld [tilespmem:s0+$0x470]  }
0x212: {  	v11 =	vld [tilespmem:s0+$0x870]  }
0x213: {  	v12 =	vld [tilespmem:s0+$0xC70];
	_ =	sdelay $0x1  }
0x214: {  	v5 =	vmul.f32 v9, v5  }
0x215: {  	v6 =	vmul.f32 v10, v6  }
0x216: {  	s0 =	sadd.s32 s23, s4;
	v8 =	vmul.f32 v11, v8  }
0x217: {  	v9 =	vmov s0;
	s0 =	sadd.s32 $0x1, s0;
	v6 =	vadd.f32 v6, v5  }
0x218: {  	v10 =	vshll.u32 v9, $0x2;
	v5 =	vmov s0;
	v7 =	vmul.f32 v12, v7  }
0x219: {  	v9 =	vand.u32 $0x7E, v9;
	v10 =	vand.u32 $0x7FFFFE00, v10;
	v6 =	vadd.f32 v8, v6  }
0x21a: {  	v8 =	vor.u32 v9, v10;
	v9 =	vshll.u32 v5, $0x2  }
0x21b: {  	s4 =	sand.u32 $0x300, s31;
	s0 =	sand.u32 $0x3000, s24;
	v10 =	vor.u32 $0x80, v8;
	v11 =	vor.u32 $0x100, v8;
	v7 =	vadd.f32 v7, v6  }
0x21c: {  	s4 =	sor.u32 s4, s0;
	v6 =	vand.u32 $0x7FFFFE00, v9  }
0x21d: {  	s0 =	sadd.s32 $0x16E80, s4;
	[tilespmem:s28+$0x1AF70] =	vst v7  }
0x21e: {  	v12 =	vld [tilespmem:s0+$0x400]  }
0x21f: {  	v13 =	vor.u32 $0x180, v8;
	v7 =	vld.idx.msk [tilespmem:v8+s25+$0x0], $0xffff  }
0x220: {  	v8 =	vld.idx.msk [tilespmem:v10+s25+$0x0], $0xffff  }
0x221: {  	s20 =	sand.u32 $0x3, s30;
	v14 =	vld [tilespmem:s4+$0x16E80]  }
0x222: {  	s4 =	sshll.u32 s20, $0x8;
	v9 =	vld.idx.msk [tilespmem:v11+s25+$0x0], $0xffff  }
0x223: {  	s4 =	sadd.s32 s4, s24;
	v11 =	vld [tilespmem:s0+$0x800]  }
0x224: {  	s20 =	sor.u32 $0xC00, s4;
	v10 =	vld.idx.msk [tilespmem:v13+s25+$0x0], $0xffff  }
0x225: {  	v13 =	vld [tilespmem:s20+$0x16E80]  }
0x226: {  	v12 =	vmul.f32 v12, v8;
	v14 =	vmul.f32 v14, v7;
	_ =	sdelay $0x1  }
0x227: {  	v12 =	vadd.f32 v12, v14;
	v11 =	vmul.f32 v11, v9;
	_ =	sdelay $0x1  }
0x228: {  	v11 =	vadd.f32 v11, v12;
	v12 =	vmul.f32 v13, v10;
	_ =	sdelay $0x1  }
0x229: {  	v11 =	vadd.f32 v12, v11  }
0x22a: {  	s28 =	sshra.s32 s24, $0x2  }
0x22b: {  	[tilespmem:s28+$0x1AE80] =	vst v11  }
0x22c: {  	v11 =	vld [tilespmem:s0+$0x10]  }
0x22d: {  	v12 =	vld [tilespmem:s0+$0x410]  }
0x22e: {  	v13 =	vld [tilespmem:s0+$0x810]  }
0x22f: {  	s20 =	sor.u32 $0xC10, s4  }
0x230: {  	v14 =	vld [tilespmem:s20+$0x16E80]  }
0x231: {  	v11 =	vmul.f32 v11, v7  }
0x232: {  	v12 =	vmul.f32 v12, v8  }
0x233: {  	v13 =	vmul.f32 v13, v9  }
0x234: {  	v11 =	vadd.f32 v12, v11  }
0x235: {  	v12 =	vmul.f32 v14, v10  }
0x236: {  	v11 =	vadd.f32 v13, v11;
	_ =	sdelay $0x1  }
0x237: {  	v11 =	vadd.f32 v12, v11;
	_ =	sdelay $0x1  }
0x238: {  	[tilespmem:s28+$0x1AE90] =	vst v11  }
0x239: {  	v11 =	vld [tilespmem:s0+$0x820]  }
0x23a: {  	v12 =	vld [tilespmem:s0+$0x20]  }
0x23b: {  	v13 =	vld [tilespmem:s0+$0x420];
	_ =	sdelay $0x2  }
0x23c: {  	s20 =	sor.u32 $0xC20, s4  }
0x23d: {  	v11 =	vmul.f32 v11, v9;
	v12 =	vmul.f32 v12, v7;
	v14 =	vld [tilespmem:s20+$0x16E80]  }
0x23e: {  	v13 =	vmul.f32 v13, v8;
	_ =	sdelay $0x1  }
0x23f: {  	v12 =	vadd.f32 v13, v12;
	_ =	sdelay $0x1  }
0x240: {  	v11 =	vadd.f32 v11, v12;
	v12 =	vmul.f32 v14, v10;
	_ =	sdelay $0x1  }
0x241: {  	v11 =	vadd.f32 v12, v11;
	_ =	sdelay $0x1  }
0x242: {  	[tilespmem:s28+$0x1AEA0] =	vst v11  }
0x243: {  	v11 =	vld [tilespmem:s0+$0x30]  }
0x244: {  	v12 =	vld [tilespmem:s0+$0x430];
	_ =	sdelay $0x1  }
0x245: {  	v13 =	vld [tilespmem:s0+$0x830]  }
0x246: {  	s20 =	sor.u32 $0xC30, s4  }
0x247: {  	v11 =	vmul.f32 v11, v7;
	v14 =	vld [tilespmem:s20+$0x16E80]  }
0x248: {  	v12 =	vmul.f32 v12, v8;
	_ =	sdelay $0x1  }
0x249: {  	v11 =	vadd.f32 v12, v11;
	v12 =	vmul.f32 v13, v9;
	_ =	sdelay $0x1  }
0x24a: {  	v11 =	vadd.f32 v12, v11;
	v12 =	vmul.f32 v14, v10;
	_ =	sdelay $0x1  }
0x24b: {  	v11 =	vadd.f32 v12, v11;
	_ =	sdelay $0x1  }
0x24c: {  	[tilespmem:s28+$0x1AEB0] =	vst v11  }
0x24d: {  	v11 =	vld [tilespmem:s0+$0x440]  }
0x24e: {  	v12 =	vld [tilespmem:s0+$0x40];
	_ =	sdelay $0x1  }
0x24f: {  	v13 =	vld [tilespmem:s0+$0x840]  }
0x250: {  	s20 =	sor.u32 $0xC40, s4  }
0x251: {  	v11 =	vmul.f32 v11, v8;
	v14 =	vld [tilespmem:s20+$0x16E80]  }
0x252: {  	v12 =	vmul.f32 v12, v7;
	_ =	sdelay $0x1  }
0x253: {  	v11 =	vadd.f32 v11, v12;
	v12 =	vmul.f32 v13, v9;
	_ =	sdelay $0x1  }
0x254: {  	v11 =	vadd.f32 v12, v11;
	v12 =	vmul.f32 v14, v10;
	_ =	sdelay $0x1  }
0x255: {  	v11 =	vadd.f32 v12, v11;
	_ =	sdelay $0x1  }
0x256: {  	[tilespmem:s28+$0x1AEC0] =	vst v11  }
0x257: {  	v11 =	vld [tilespmem:s0+$0x50]  }
0x258: {  	v12 =	vld [tilespmem:s0+$0x450]  }
0x259: {  	s20 =	sor.u32 $0xC50, s4;
	v13 =	vld [tilespmem:s0+$0x850]  }
0x25a: {  	v14 =	vld [tilespmem:s20+$0x16E80];
	_ =	sdelay $0x1  }
0x25b: {  	v11 =	vmul.f32 v11, v7  }
0x25c: {  	v12 =	vmul.f32 v12, v8  }
0x25d: {  	v13 =	vmul.f32 v13, v9  }
0x25e: {  	v11 =	vadd.f32 v12, v11  }
0x25f: {  	v12 =	vmul.f32 v14, v10  }
0x260: {  	v11 =	vadd.f32 v13, v11;
	_ =	sdelay $0x1  }
0x261: {  	s20 =	sor.u32 $0xC60, s4;
	v11 =	vadd.f32 v12, v11;
	_ =	sdelay $0x1  }
0x262: {  	[tilespmem:s28+$0x1AED0] =	vst v11  }
0x263: {  	v11 =	vld [tilespmem:s20+$0x16E80]  }
0x264: {  	v12 =	vld [tilespmem:s0+$0x60]  }
0x265: {  	v13 =	vld [tilespmem:s0+$0x460]  }
0x266: {  	v14 =	vld [tilespmem:s0+$0x860];
	_ =	sdelay $0x1  }
0x267: {  	v11 =	vmul.f32 v11, v10  }
0x268: {  	v12 =	vmul.f32 v12, v7  }
0x269: {  	v13 =	vmul.f32 v13, v8  }
0x26a: {  	v14 =	vmul.f32 v14, v9  }
0x26b: {  	v12 =	vadd.f32 v13, v12;
	_ =	sdelay $0x1  }
0x26c: {  	v12 =	vadd.f32 v14, v12;
	_ =	sdelay $0x1  }
0x26d: {  	v11 =	vadd.f32 v11, v12;
	_ =	sdelay $0x1  }
0x26e: {  	[tilespmem:s28+$0x1AEE0] =	vst v11  }
0x26f: {  	v11 =	vld [tilespmem:s0+$0x70]  }
0x270: {  	v12 =	vld [tilespmem:s0+$0x470]  }
0x271: {  	v13 =	vld [tilespmem:s0+$0x870];
	s0 =	sor.u32 $0xC70, s4  }
0x272: {  	v14 =	vld [tilespmem:s0+$0x16E80];
	_ =	sdelay $0x1  }
0x273: {  	v7 =	vmul.f32 v11, v7  }
0x274: {  	v8 =	vmul.f32 v12, v8  }
0x275: {  	v9 =	vmul.f32 v13, v9  }
0x276: {  	v7 =	vadd.f32 v8, v7;
	v8 =	vmul.f32 v14, v10;
	_ =	sdelay $0x1  }
0x277: {  	v5 =	vand.u32 $0x7F, v5;
	v7 =	vadd.f32 v9, v7  }
0x278: {  	v6 =	vor.u32 v5, v6  }
0x279: {  	s4 =	sadd.s32 $0x80, s31;
	s0 =	sadd.s32 $0x200, s24;
	v5 =	vadd.f32 v8, v7;
	v7 =	vor.u32 $0x80, v6  }
0x27a: {  	s4 =	sand.u32 $0x380, s4;
	s0 =	sand.u32 $0x3000, s0  }
0x27b: {  	s0 =	sor.u32 s4, s0;
	v8 =	vor.u32 $0x100, v6;
	[tilespmem:s28+$0x1AEF0] =	vst v5  }
0x27c: {  	v9 =	vld [tilespmem:s0+$0x16E80]  }
0x27d: {  	v10 =	vor.u32 $0x180, v6;
	v5 =	vld.idx.msk [tilespmem:v6+s25+$0x0], $0xffff  }
0x27e: {  	s0 =	sadd.s32 $0x16E80, s0;
	v6 =	vld.idx.msk [tilespmem:v7+s25+$0x0], $0xffff  }
0x27f: {  	v11 =	vld [tilespmem:s0+$0x400]  }
0x280: {  	v8 =	vld.idx.msk [tilespmem:v8+s25+$0x0], $0xffff  }
0x281: {  	v12 =	vld [tilespmem:s0+$0x800]  }
0x282: {  	v7 =	vld.idx.msk [tilespmem:v10+s25+$0x0], $0xffff  }
0x283: {  	v9 =	vmul.f32 v9, v5;
	v10 =	vld [tilespmem:s0+$0xC00]  }
0x284: {  	v11 =	vmul.f32 v11, v6;
	_ =	sdelay $0x1  }
0x285: {  	v9 =	vadd.f32 v11, v9;
	v11 =	vmul.f32 v12, v8;
	_ =	sdelay $0x1  }
0x286: {  	v9 =	vadd.f32 v11, v9;
	v10 =	vmul.f32 v10, v7;
	_ =	sdelay $0x1  }
0x287: {  	v9 =	vadd.f32 v10, v9;
	_ =	sdelay $0x1  }
0x288: {  	[tilespmem:s28+$0x1AF00] =	vst v9  }
0x289: {  	v9 =	vld [tilespmem:s0+$0x10]  }
0x28a: {  	v10 =	vld [tilespmem:s0+$0x410]  }
0x28b: {  	v11 =	vld [tilespmem:s0+$0x810]  }
0x28c: {  	v12 =	vld [tilespmem:s0+$0xC10];
	_ =	sdelay $0x1  }
0x28d: {  	v9 =	vmul.f32 v9, v5  }
0x28e: {  	v10 =	vmul.f32 v10, v6;
	_ =	sdelay $0x1  }
0x28f: {  	v9 =	vadd.f32 v10, v9;
	v10 =	vmul.f32 v11, v8;
	_ =	sdelay $0x1  }
0x290: {  	v9 =	vadd.f32 v10, v9;
	v10 =	vmul.f32 v12, v7;
	_ =	sdelay $0x1  }
0x291: {  	v9 =	vadd.f32 v10, v9;
	_ =	sdelay $0x1  }
0x292: {  	[tilespmem:s28+$0x1AF10] =	vst v9  }
0x293: {  	v9 =	vld [tilespmem:s0+$0x20]  }
0x294: {  	v10 =	vld [tilespmem:s0+$0x420]  }
0x295: {  	v11 =	vld [tilespmem:s0+$0x820]  }
0x296: {  	v12 =	vld [tilespmem:s0+$0xC20];
	_ =	sdelay $0x1  }
0x297: {  	v9 =	vmul.f32 v9, v5  }
0x298: {  	v10 =	vmul.f32 v10, v6  }
0x299: {  	v11 =	vmul.f32 v11, v8  }
0x29a: {  	v9 =	vadd.f32 v10, v9;
	_ =	sdelay $0x1  }
0x29b: {  	v10 =	vmul.f32 v12, v7;
	v9 =	vadd.f32 v11, v9;
	_ =	sdelay $0x1  }
0x29c: {  	v9 =	vadd.f32 v10, v9;
	_ =	sdelay $0x1  }
0x29d: {  	[tilespmem:s28+$0x1AF20] =	vst v9  }
0x29e: {  	v9 =	vld [tilespmem:s0+$0x30]  }
0x29f: {  	v10 =	vld [tilespmem:s0+$0x430]  }
0x2a0: {  	v11 =	vld [tilespmem:s0+$0x830]  }
0x2a1: {  	v12 =	vld [tilespmem:s0+$0xC30];
	_ =	sdelay $0x1  }
0x2a2: {  	v9 =	vmul.f32 v9, v5  }
0x2a3: {  	v10 =	vmul.f32 v10, v6  }
0x2a4: {  	v11 =	vmul.f32 v11, v8  }
0x2a5: {  	v9 =	vadd.f32 v10, v9;
	_ =	sdelay $0x1  }
0x2a6: {  	v10 =	vmul.f32 v12, v7;
	v9 =	vadd.f32 v11, v9;
	_ =	sdelay $0x1  }
0x2a7: {  	v9 =	vadd.f32 v10, v9;
	_ =	sdelay $0x1  }
0x2a8: {  	[tilespmem:s28+$0x1AF30] =	vst v9  }
0x2a9: {  	v9 =	vld [tilespmem:s0+$0x40]  }
0x2aa: {  	v10 =	vld [tilespmem:s0+$0x440]  }
0x2ab: {  	v11 =	vld [tilespmem:s0+$0x840]  }
0x2ac: {  	v12 =	vld [tilespmem:s0+$0xC40];
	_ =	sdelay $0x1  }
0x2ad: {  	v9 =	vmul.f32 v9, v5  }
0x2ae: {  	v10 =	vmul.f32 v10, v6  }
0x2af: {  	v11 =	vmul.f32 v11, v8  }
0x2b0: {  	v9 =	vadd.f32 v10, v9;
	_ =	sdelay $0x1  }
0x2b1: {  	v10 =	vmul.f32 v12, v7;
	v9 =	vadd.f32 v11, v9;
	_ =	sdelay $0x1  }
0x2b2: {  	v9 =	vadd.f32 v10, v9;
	_ =	sdelay $0x1  }
0x2b3: {  	[tilespmem:s28+$0x1AF40] =	vst v9  }
0x2b4: {  	v9 =	vld [tilespmem:s0+$0x50]  }
0x2b5: {  	v10 =	vld [tilespmem:s0+$0x450]  }
0x2b6: {  	v11 =	vld [tilespmem:s0+$0x850]  }
0x2b7: {  	v12 =	vld [tilespmem:s0+$0xC50];
	_ =	sdelay $0x1  }
0x2b8: {  	v9 =	vmul.f32 v9, v5  }
0x2b9: {  	v10 =	vmul.f32 v10, v6  }
0x2ba: {  	v11 =	vmul.f32 v11, v8  }
0x2bb: {  	v9 =	vadd.f32 v10, v9;
	_ =	sdelay $0x1  }
0x2bc: {  	v10 =	vmul.f32 v12, v7;
	v9 =	vadd.f32 v11, v9;
	_ =	sdelay $0x1  }
0x2bd: {  	v9 =	vadd.f32 v10, v9;
	_ =	sdelay $0x1  }
0x2be: {  	[tilespmem:s28+$0x1AF50] =	vst v9  }
0x2bf: {  	v9 =	vld [tilespmem:s0+$0x60]  }
0x2c0: {  	v10 =	vld [tilespmem:s0+$0x460]  }
0x2c1: {  	v11 =	vld [tilespmem:s0+$0x860]  }
0x2c2: {  	v12 =	vld [tilespmem:s0+$0xC60];
	_ =	sdelay $0x1  }
0x2c3: {  	v9 =	vmul.f32 v9, v5  }
.Ltmp8:
0x2c4: {  	v10 =	vmul.f32 v10, v6;
	(pc) =	sbr.rel @p4 .LBB2_18-.Ltmp8, $3  }
0x2c5: {  	v11 =	vmul.f32 v11, v8  }
0x2c6: {  	v9 =	vadd.f32 v10, v9;
	_ =	sdelay $0x1  }
0x2c7: {  	v10 =	vmul.f32 v12, v7;
	v9 =	vadd.f32 v11, v9  }
0x2c8: {  	_ = 	snop  }
0x2c9: {  	v9 =	vadd.f32 v10, v9;
	_ =	sdelay $0x1  }
0x2ca: {  	[tilespmem:s28+$0x1AF60] =	vst v9  }
0x2cb: {  	v9 =	vld [tilespmem:s0+$0x70]  }
0x2cc: {  	v63 =	vld [tilespmem:s0+$0x470];
	_ =	sdelay $0x1  }
0x2cd: {  	v11 =	vld [tilespmem:s0+$0x870];
	_ =	sdelay $0x1  }
0x2ce: {  	v12 =	vld [tilespmem:s0+$0xC70]  }
0x2cf: {  	v5 =	vmul.f32 v9, v5;
	v6 =	vmul.f32 v63, v6;
	_ =	sdelay $0x1  }
0x2d0: {  	v8 =	vmul.f32 v11, v8;
	v5 =	vadd.f32 v6, v5;
	_ =	sdelay $0x1  }
0x2d1: {  	v6 =	vmul.f32 v12, v7;
	v5 =	vadd.f32 v8, v5;
	_ =	sdelay $0x1  }
0x2d2: {  	s0 =	sshll.u32 @p3 s3, $0x7;
	v5 =	vadd.f32 v6, v5  }
0x2d3: {  	s0 =	sand.u32 @p3 $0x3FFFFF80, s0  }
0x2d4: {  	s4 =	simm.s32 @p3 $0x10;
	s20 =	simm.s32 @p3 $0x1AE80;
	s0 =	sadd.s32 @p3 $0x14680, s0;
	[tilespmem:s28+$0x1AF70] =	vst v5  }
0x2d5: {  	[spmem:s1] =	stream.indirect.scatter.add.f32 @p3 [tilespmem:s20], [sflag:$0x2], $0x80, s0, s4, $0xb8;
	[tilespmem:$0x1C280] =	vst v63  }
0x2d6: {  	s31 =	sld [smem:$0x7FB];
	s0 =	sshll.u32 @p5 s3, $0x7;
	s3 =	sadd.s32 $0x1, s3  }
0x2d7: {  	p0 =	sne.s32 s3, $0x20  }
.Ltmp9:
0x2d8: {  	_ = 	snop;
	(pc) =	sbr.rel @p0 .LBB2_17-.Ltmp9, $4  }
0x2d9: {  	p1 =	seq.s32 s31, $0x1  }
0x2da: {  	p1 =	por !p1, !p1;
	s0 =	sand.u32 @p5 $0x3FFFFF80, s0  }
0x2db: {  	s4 =	simm.s32 @p5 $0x10;
	s20 =	simm.s32 @p5 $0x1B680;
	s0 =	sadd.s32 @p5 $0x14680, s0  }
0x2dc: {  	[spmem:s1] =	stream.indirect.scatter.add.f32 @p5 [tilespmem:s20], [sflag:$0x3], $0x80, s0, s4, $0xb8;
	[tilespmem:$0x1C280] =	vst v63  }
0x2dd: {  	s9 =	sadd.s32 $0x1, s9  }
0x2de: {  	_ =	swait.ge [sflag:s11], $0x800;
	p0 =	sne.s32 s9, $0xA  }
.Ltmp10:
0x2df: {  	[sflag:s11] =	ssyncset.done $0x0;
	(pc) =	sbr.rel @p0 .LBB2_4-.Ltmp10, $4  }
0x2e0: {  	[sflag:s11] =	ssyncadd.s32 $0xFFFFF800  }
0x2e1: {  	_ =	swait.ge [sflag:s15], $0x800  }
0x2e2: {  	[sflag:s15] =	ssyncset.done $0x0  }
0x2e3: {  	s16 =	sadd.s32 $0x200, s16;
	[sflag:s15] =	ssyncadd.s32 $0xFFFFF800  }
0x2e4: {  	[bflag:$0x0] =	sbarrier.arrive $0xFFFF  }
0x2e5: {  	s23 =	rddreg [dreg:$0x6]  }
0x2e6: {  	s4 =	rddreg [dreg:$0x9];
	s0 =	sshrl.u32 s23, $0x3  }
0x2e7: {  	[hbm:s4], [sflag:s19] =	dma.local [spmem:s0], $0x80  }
0x2e8: {  	_ =	swait.ge [sflag:s18], $0x80  }
0x2e9: {  	s9 =	sld [smem:$0x7FD];
	_ =	sdelay $0x2  }
0x2ea: {  	p0 =	seq.s32 s9, $0x1  }
.Ltmp11:
0x2eb: {  	_ = 	snop;
	(pc) =	sbr.rel @!p0 .LBB2_23-.Ltmp11, $3  }
0x2ec: {  	_ =	sdelay $0x1  }
0x2ed: {  	s20 =	rddreg [dreg:$0x5]  }
0x2ee: {  	s3 =	sadd.s32 $0x400, s23;
	[sflag:s18] =	ssyncset.done $0x0;
	s0 =	sadd.s32 $0xFFFFFFFF, s20  }
.LBB2_22:
0x2ef: {  	s9 =	sshrl.u32 s3, $0x3  }
0x2f0: {  	[sflag:s18] =	ssyncadd.s32 $0xFFFFFF80;
	s4 =	sadd.s32 $0x80, s4;
	p0 =	sne.s32 s0, $0x1  }
0x2f1: {  	[hbm:s4], [sflag:s19] =	dma.local [spmem:s9], $0x80  }
.Ltmp12:
0x2f2: {  	_ = 	snop;
	(pc) =	sbr.rel @p0 .LBB2_22-.Ltmp12, $4  }
0x2f3: {  	_ = 	snop  }
0x2f4: {  	s0 =	sadd.s32 $0xFFFFFFFF, s0  }
0x2f5: {  	_ =	swait.ge [sflag:s18], $0x80  }
0x2f6: {  	s3 =	sadd.s32 $0x400, s3;
	[sflag:s18] =	ssyncset.done $0x0  }
.LBB2_23:
0x2f7: {  	s16 =	rddreg [dreg:$0x4]  }
0x2f8: {  	s0 =	rddreg [dreg:$0x8];
	s16 =	sadd.s32 $0x1, s16  }
0x2f9: {  	p0 =	sne.s32 s16, s0  }
.Ltmp13:
0x2fa: {  	_ = 	snop;
	(pc) =	sbr.rel @p0 .LBB2_1-.Ltmp13, $2  }
0x2fb: {  	_ =	sdelay $0x2  }
0x2fc: {  	[sflag:s18] =	ssyncadd.s32 $0xFFFFFF80  }
0x2fd: {  	_ =	sfence.sel $0x180000  }
0x2fe: {  	[bflag:$0x0] =	sbarrier.arrive $0xFFFF  }
0x2ff: {  	_ =	strace $0x9000004A  }
0x300: {  	s0 =	stileid.u32;
	[bflag:$0x2] =	sbarrier.arrive $0xFFFF  }
0x301: {  	p0 =	sne.s32 s0, $0x0;
	s0 =	rddreg [dreg:$0x3]  }
0x302: {  	s0 =	sadd.s32 @!p0 $0x100000, s0  }
0x303: {  	[sflag:s0] =	ssyncadd.tile.s32 @!p0 $0x1;
	_ =	shalt  }
.Lfunc_end2:
_tile_overlayer_lowered:
.L_overlay_start_2:
0x304: {  	(tag) =	ssettag $0x2  }
0x305: {  	s0 =	rddreg [dreg:$0x0];
	s2 =	stileid.u32  }
0x306: {  	s1 =	rddreg [dreg:$0x1];
	p0 =	sne.s32 s2, $0x0  }
0x307: {  	s3 =	rddreg [dreg:$0x2];
	[bflag:$0x3] =	sbarrier.arrive $0xFFFF;
	s2 =	simm.s32 @!p0 $0x1C04  }
0x308: {  	[timem:s3], [sflag:s2] =	dma.local @!p0 [hbm:s0], s1  }
0x309: {  	s0 =	simm.s32 @!p0 $0x4  }
0x30a: {  	_ =	swait.ge @!p0 [sflag:s0], s1  }
0x30b: {  	s1 =	ssub.s32 @!p0 $0x0, s1;
	[sflag:s0] =	ssyncset.done @!p0 $0x0  }
0x30c: {  	[sflag:s0] =	ssyncadd.s32 @!p0 s1  }
0x30d: {  	[bflag:$0x3] =	sbarrier.arrive $0xFFFF  }
0x30e: {  	_ =	shalt  }

// kernel: kernel.8.cloned.1.call-start
scs
__scs_entry_jumppad:
0x0: {  	(pc) =	sbr.rel $0x88, $3  }
0x1: {  	(tag) =	ssettag $0x0;
	lr =	simm.s32 $0x1  }
0x2: {  	[smem:$0x3F8E] =	sst lr;
	_ =	strace $0xD0000000  }
0x3: {  	_ = 	snop  }
0x4: {  	_ = 	snop  }
0x5: {  	_ = 	snop  }
0x6: {  	_ = 	snop  }
0x7: {  	_ = 	snop  }
__scs_overlays_trampoline_lowered:
0x8: {  	[smem:$0x3F9D] =	sst s0  }
0x9: {  	[smem:$0x3F9E] =	sst s1  }
0xa: {  	[smem:$0x3F9F] =	sst s2  }
0xb: {  	[smem:$0x3FA0] =	sst s3  }
0xc: {  	[smem:$0x3FA1] =	sst s4  }
0xd: {  	[smem:$0x3FA2] =	sst s5  }
0xe: {  	[smem:$0x3FA3] =	sst s6  }
0xf: {  	[smem:$0x3FA4] =	sst s7  }
0x10: {  	[smem:$0x3FA5] =	sst s8  }
0x11: {  	[smem:$0x3FA6] =	sst s9;
	s0 =	simm.s32 @!p0 $0x0  }
0x12: {  	s1 =	sld [smem:$0x3F8C];
	s0 =	simm.s32 @p0 $0x1  }
0x13: {  	[smem:$0x3FA7] =	sst s0;
	s0 =	simm.s32 @!p1 $0x0  }
0x14: {  	s2 =	sld [smem:$0x3F8B];
	s0 =	simm.s32 @p1 $0x1  }
0x15: {  	[smem:$0x3FA8] =	sst s0;
	s0 =	simm.s32 @!p2 $0x0  }
0x16: {  	s3 =	sld [smem:$0x3FDB];
	s0 =	simm.s32 @p2 $0x1  }
0x17: {  	s4 =	simm.s32 $0x1BF5;
	[smem:$0x3FAA] =	sst s0  }
0x18: {  	s0 =	sld [smem:$0x3F8D];
	_ =	swait.ge [sflag:s4], $0x0  }
0x19: {  	s7 =	sld [smem:$0x3F8E]  }
0x1a: {  	s8 =	sadd.s32 $0xFFFFE003, lr  }
0x1b: {  	s9 =	sadd.s32 $0xFFFFFEF7, lr;
	s5 =	simm.s32 $0xFFFFFFFF;
	p2 =	slt.u32 s8, $0xFFFFF086  }
0x1c: {  	p1 =	slt.u32 s9, $0xF7A;
	s5 =	simm.s32 @!p2 $0x0  }
0x1d: {  	s5 =	simm.s32 @p1 $0x1;
	p0 =	seq.s32 s7, s2  }
0x1e: {  	s7 =	smul.u32 @!p0 $0xF7A, s2;
	p2 =	seq.s32 @!p0 s5, $0x0  }
0x1f: {  	s9 =	smul.u32 $0xF7A, s1;
	s8 =	simm.s32 @!p0 $0x1BF5;
	p2 =	por !p2, p0  }
0x20: {  	[sflag:s8] =	ssyncset.s32 @!p0 $0xFFFFF086;
	s6 =	sadd.s32 @!p0 s3, s7;
	s7 =	simm.s32 @!p0 $0x108  }
0x21: {  	s3 =	sadd.s32 s3, s9;
	s6 =	sadd.s32 @!p0 $0x88, s6;
	s7 =	simm.s32 @p2 $0x1082  }
0x22: {  	[simem:s7], [sflag:s8] =	dma.local @!p0 [hbm:s6], $0xF7A  }
0x23: {  	s9 =	sor.u32 $0xD0000000, s2;
	s6 =	simm.s32 $0x108;
	_ =	swait.ge @!p0 [sflag:s8], $0x0  }
0x24: {  	s3 =	sadd.s32 $0x88, s3;
	s6 =	simm.s32 @!p1 $0x1082;
	[sflag:s4] =	ssyncset.s32 $0xFFFFF086  }
0x25: {  	[simem:s6], [sflag:s4] =	dma.local [hbm:s3], $0xF7A  }
0x26: {  	[smem:$0x3F8E] =	sst s1;
	(tag) =	ssettag s2;
	_ =	strace s9  }
0x27: {  	s1 =	sld [smem:$0x3F9E]  }
0x28: {  	s2 =	sld [smem:$0x3F9F]  }
0x29: {  	s4 =	sld [smem:$0x3FA1]  }
0x2a: {  	p0 =	seq.s32 s5, $0x0;
	s5 =	sld [smem:$0x3FA2]  }
0x2b: {  	s6 =	sld [smem:$0x3FA3]  }
0x2c: {  	s7 =	sld [smem:$0x3FA4]  }
0x2d: {  	s3 =	simm.s32 $0x108;
	s8 =	sld [smem:$0x3FA5]  }
0x2e: {  	s3 =	simm.s32 @!p0 $0x1082;
	s9 =	sld [smem:$0x3FA6]  }
0x2f: {  	lr =	sadd.s32 s0, s3;
	s0 =	sld [smem:$0x3F9D]  }
0x30: {  	s3 =	sld [smem:$0x3FA0]  }
0x31: {  	[smem:$0x3FA9] =	sst s10  }
0x32: {  	s10 =	sld [smem:$0x3FA7];
	_ =	sdelay $0x3  }
0x33: {  	p0 =	seq.s32 s10, $0x1;
	s10 =	sld [smem:$0x3FA9];
	_ =	sdelay $0x3  }
0x34: {  	[smem:$0x3FA9] =	sst s10  }
0x35: {  	s10 =	sld [smem:$0x3FA8];
	_ =	sdelay $0x3  }
0x36: {  	p1 =	seq.s32 s10, $0x1;
	s10 =	sld [smem:$0x3FA9];
	_ =	sdelay $0x3  }
0x37: {  	[smem:$0x3FA9] =	sst s10  }
0x38: {  	s10 =	sld [smem:$0x3FAA]  }
0x39: {  	_ = 	snop;
	(pc) =	sbr.ind lr, $3  }
0x3a: {  	_ = 	snop  }
0x3b: {  	_ = 	snop  }
0x3c: {  	p2 =	seq.s32 s10, $0x1;
	s10 =	sld [smem:$0x3FA9]  }
0x3d: {  	_ =	shalt  }
0x3e: {  	_ =	shalt  }
0x3f: {  	_ =	shalt  }
0x40: {  	_ =	shalt  }
0x41: {  	_ =	shalt  }
0x42: {  	_ =	shalt  }
0x43: {  	_ =	shalt  }
0x44: {  	_ =	shalt  }
0x45: {  	_ =	shalt  }
0x46: {  	_ =	shalt  }
0x47: {  	_ =	shalt  }
0x48: {  	_ =	shalt  }
0x49: {  	_ =	shalt  }
0x4a: {  	_ =	shalt  }
0x4b: {  	_ =	shalt  }
0x4c: {  	_ =	shalt  }
0x4d: {  	_ =	shalt  }
0x4e: {  	_ =	shalt  }
0x4f: {  	_ =	shalt  }
0x50: {  	_ =	shalt  }
0x51: {  	_ =	shalt  }
0x52: {  	_ =	shalt  }
0x53: {  	_ =	shalt  }
0x54: {  	_ =	shalt  }
0x55: {  	_ =	shalt  }
0x56: {  	_ =	shalt  }
0x57: {  	_ =	shalt  }
0x58: {  	_ =	shalt  }
0x59: {  	_ =	shalt  }
0x5a: {  	_ =	shalt  }
0x5b: {  	_ =	shalt  }
0x5c: {  	_ =	shalt  }
0x5d: {  	_ =	shalt  }
0x5e: {  	_ =	shalt  }
0x5f: {  	_ =	shalt  }
0x60: {  	_ =	shalt  }
0x61: {  	_ =	shalt  }
0x62: {  	_ =	shalt  }
0x63: {  	_ =	shalt  }
0x64: {  	_ =	shalt  }
0x65: {  	_ =	shalt  }
0x66: {  	_ =	shalt  }
0x67: {  	_ =	shalt  }
0x68: {  	_ =	shalt  }
0x69: {  	_ =	shalt  }
0x6a: {  	_ =	shalt  }
0x6b: {  	_ =	shalt  }
0x6c: {  	_ =	shalt  }
0x6d: {  	_ =	shalt  }
0x6e: {  	_ =	shalt  }
0x6f: {  	_ =	shalt  }
0x70: {  	_ =	shalt  }
0x71: {  	_ =	shalt  }
0x72: {  	_ =	shalt  }
0x73: {  	_ =	shalt  }
0x74: {  	_ =	shalt  }
0x75: {  	_ =	shalt  }
0x76: {  	_ =	shalt  }
0x77: {  	_ =	shalt  }
0x78: {  	_ =	shalt  }
0x79: {  	_ =	shalt  }
0x7a: {  	_ =	shalt  }
0x7b: {  	_ =	shalt  }
0x7c: {  	_ =	shalt  }
0x7d: {  	_ =	shalt  }
0x7e: {  	_ =	shalt  }
0x7f: {  	_ =	shalt  }
0x80: {  	_ =	shalt  }
0x81: {  	_ =	shalt  }
0x82: {  	_ =	shalt  }
0x83: {  	_ =	shalt  }
0x84: {  	_ =	shalt  }
0x85: {  	_ =	shalt  }
0x86: {  	_ =	shalt  }
0x87: {  	_ =	shalt  }
.Lfunc_end0:
.L_simem_size_0:
called_computation_lowered:
.L_overlay_start_0:
0x88: {  	s2 =	sld [smem:$0x3FD9]  }
0x89: {  	s3 =	sld [smem:$0x3FFE];
	_ =	sdelay $0x1  }
0x8a: {  	s1 =	srdreg.scid  }
0x8b: {  	s0 =	sand.u32 $0x1, s1  }
0x8c: {  	s14 =	sshll.u32 s0, $0xA;
	s2 =	sadd.s32 s3, s2  }
0x8d: {  	s2 =	sadd.s32 s2, s14  }
0x8e: {  	[smem:$0x3FB5] =	sst s2  }
0x8f: {  	_ = 	snop  }
0x90: {  	s2 =	sld [smem:$0x3FD0];
	_ =	sdelay $0x2  }
0x91: {  	s15 =	simm.s32 $0xA;
	s4 =	simm.s32 $0x10  }
0x92: {  	[smem:s4], [sflag:s15] =	dma.local [hbm:s2], $0x1  }
0x93: {  	_ =	swait.eq [sflag:s15], $0x1  }
0x94: {  	[sflag:s15] =	ssyncset.done $0x0  }
0x95: {  	[sflag:s15] =	ssyncadd.s32 $0xFFFFFFFF  }
0x96: {  	s16 =	sld [smem:$0x10];
	(tm) =	ssettm $0x1  }
0x97: {  	s17 =	sld [smem:$0x3FFB];
	_ =	sdelay $0x3  }
0x98: {  	_ =	strace s17  }
0x99: {  	s3 =	sld [smem:$0x3FFC];
	_ =	sdelay $0x3  }
0x9a: {  	_ =	strace s3  }
0x9b: {  	s3 =	sld [smem:$0x3FFD];
	_ =	sdelay $0x3  }
0x9c: {  	_ =	strace s3  }
0x9d: {  	_ =	strace $0x8FFFFFFF  }
0x9e: {  	s18 =	sld [smem:$0x3FDB];
	_ =	sdelay $0x1  }
0x9f: {  	s19 =	simm.s32 $_scs_section_size  }
0xa0: {  	s5 =	simm.s32 $_size__tile_overlayer_lowered;
	s6 =	simm.s32 $_tile_overlayer_lowered  }
0xa1: {  	s22 =	simm.s32 $0x1BFF;
	s21 =	sshll.u32 s6, $0x1;
	s3 =	sadd.s32 s19, s18  }
0xa2: {  	s7 =	simm.s32 $0x0;
	s20 =	sshll.u32 s5, $0x1;
	s5 =	sadd.s32 s21, s3  }
0xa3: {  	[timem:s7], [sflag:s22] =	dma.local [hbm:s5], s20  }
0xa4: {  	_ =	swait.ge [sflag:s22], s20  }
0xa5: {  	s4 =	ssub.s32 $0x0, s20;
	[sflag:s22] =	ssyncset.done $0x0  }
0xa6: {  	[sflag:s22] =	ssyncadd.s32 s4;
	_ =	sdelay $0x1  }
0xa7: {  	s23 =	simm.s32 $0x1B8B  }
0xa8: {  	_ =	swait.ge [sflag:s23], $0x1  }
0xa9: {  	[sflag:s23] =	ssyncset.done $0x0  }
0xaa: {  	s25 =	simm.s32 $0x1B8E;
	s24 =	sld [smem:$0x3FFE];
	[sflag:s23] =	ssyncadd.s32 $0xFFFFFFFF  }
0xab: {  	s26 =	simm.s32 $execute0_lowered;
	[smem:$0x3FD2] =	sst s25  }
0xac: {  	s5 =	sshll.u32 s26, $0x1;
	_ =	strace $0x80000046;
	[dreg:$0x1] =	wrdreg $0xFFFFFFFF  }
0xad: {  	s28 =	simm.s32 $_size_execute0_lowered;
	s3 =	sadd.s32 s3, s5;
	[dreg:$0x0] =	wrdreg $0x0  }
0xae: {  	s5 =	sshll.u32 s28, $0x1;
	[dreg:$0x2] =	wrdreg s3  }
0xaf: {  	[dreg:$0x3] =	wrdreg s5  }
0xb0: {  	[dreg:$0x4] =	wrdreg $0xC0  }
0xb1: {  	_ =	task [dreg:s7], $0x5FFFF  }
0xb2: {  	[dreg:$0x1] =	wrdreg $0xFFFFFFFF  }
0xb3: {  	[dreg:$0x0] =	wrdreg $0x60  }
0xb4: {  	[dreg:$0x2] =	wrdreg s24  }
0xb5: {  	[dreg:$0x3] =	wrdreg s16  }
0xb6: {  	[dreg:$0x4] =	wrdreg $0x0  }
0xb7: {  	[dreg:$0x5] =	wrdreg $0x9  }
0xb8: {  	_ =	task.clear_ibuf [dreg:s7], $0x6FFFF;
	_ =	strace $0x90000046  }
0xb9: {  	s29 =	simm.s32 $0x9;
	_ =	strace $0x80000048  }
0xba: {  	_ =	swait.ge [sflag:s29], $0x1  }
0xbb: {  	[sflag:s29] =	ssyncadd.s32 $0xFFFFFFFF  }
0xbc: {  	_ =	strace $0x90000048  }
0xbd: {  	_ =	sfence  }
0xbe: {  	s30 =	sld [smem:$0x0];
	_ =	sdelay $0x2  }
0xbf: {  	s31 =	sshll.u32 s1, $0xD;
	s1 =	sshrl.u32 s1, $0x2  }
0xc0: {  	s3 =	sand.u32 $0x4000, s31;
	s1 =	sadd.s32 s1, s30  }
0xc1: {  	s0 =	sor.u32 s3, s0;
	s1 =	sshll.u32 s1, $0x11  }
0xc2: {  	s0 =	sor.u32 s1, s0  }
0xc3: {  	s0 =	sadd.s32 $0x8F2B, s0  }
0xc4: {  	[sflag:s0] =	ssyncadd.remote.s32 $0x1  }
0xc5: {  	_ =	sfence.sel $0xFFFF  }
0xc6: {  	[dreg:$0x0] =	wrdreg $0xFFFFFFFF;
	(pc) =	sbr.abs _section_cstart, $3  }
0xc7: {  	[dreg:$0x1] =	wrdreg $0xFFFFFFFF  }
0xc8: {  	_ =	task.clear_ibuf [dreg:s7], $0x2FFFF;
	_ =	strace $0x9FFFFFFF  }
0xc9: {  	(tm) =	ssettm $0x7FFFFFFF  }
tec
execute0_lowered:
.L_overlay_start_1:
0x0: {  	(tag) =	ssettag $0x1  }
0x1: {  	s0 =	rddreg [dreg:$0x0];
	v0 =	vimm.f32 $0.0e+00;
	v1 =	vimm.s32 $0x0;
	v2 =	vlaneseq.u32  }
0x2: {  	s1 =	srdreg.scid;
	s3 =	rddreg [dreg:$0x1];
	vm0 =	vmmov $0xffff;
	v5 =	vshrl.u32 v2, $0x3;
	v7 =	vmul.u32 $0xFFFFFFFF, v2  }
0x3: {  	s2 =	rddreg [dreg:$0x2];
	s22 =	stileid.u32;
	s5 =	simm.s32 $0x0;
	v3 =	vmul.u32 $0x10, v2;
	v4 =	vand.u32 $0x7, v2;
	v6 =	vor.u32 $0x8, v2  }
0x4: {  	s15 =	simm.s32 $0x2;
	s28 =	simm.s32 $0xB200;
	s29 =	simm.s32 $0x10600;
	v39 =	vor.u32 $0x10, v2;
	v5 =	vmul.u32 $0x8, v5;
	v7 =	vadd.s32 $0x1388, v7  }
0x5: {  	s30 =	simm.s32 $0x10680;
	s31 =	simm.s32 $0x80;
	s16 =	simm.s32 $0x0;
	v8 =	vor.u32 $0x1, v3;
	v9 =	vor.u32 $0x2, v3;
	v10 =	vor.u32 $0x3, v3  }
0x6: {  	s6 =	sand.u32 $0x1, s1;
	[smem:$0x7FF] =	sst s5;
	s9 =	smul.u32 $0x1400, s22;
	v11 =	vor.u32 $0x4, v3;
	v12 =	vor.u32 $0x5, v3;
	v13 =	vor.u32 $0x6, v3  }
0x7: {  	s5 =	sadd.s32 $0xA3800, s0;
	s23 =	smul.u32 $0x2800, s22;
	s4 =	sshll.u32 s6, $0x4;
	v14 =	vor.u32 $0x7, v3;
	v15 =	vor.u32 $0x8, v3;
	v16 =	vor.u32 $0x9, v3  }
0x8: {  	_ =	strace $0x80000047;
	s10 =	sshll.u32 s6, $0x7;
	s6 =	ssub.s32 $0x2, s6;
	v17 =	vor.u32 $0xA, v3;
	v18 =	vor.u32 $0xB, v3;
	v19 =	vor.u32 $0xC, v3  }
0x9: {  	s7 =	sor.u32 s22, s4;
	s4 =	sadd.s32 $0x7400, s0;
	s9 =	sor.u32 s10, s9;
	v20 =	vor.u32 $0xD, v3;
	v21 =	vor.u32 $0xE, v3;
	v22 =	vor.u32 $0xF, v3  }
0xa: {  	s25 =	sshrl.u32 s6, $0x1;
	s26 =	sshrl.u32 s23, $0x2;
	v23 =	vor.u32 $0x100, v3;
	v24 =	vor.u32 $0x101, v3;
	v25 =	vor.u32 $0x102, v3;
	s8 =	smul.u32 $0x271, s7  }
0xb: {  	s10 =	sadd.s32 $0xA3900, s0;
	v26 =	vor.u32 $0x103, v3;
	v27 =	vor.u32 $0x104, v3;
	v28 =	vor.u32 $0x105, v3;
	s7 =	smul.u32 $0xA00, s7;
	s24 =	sshrl.u32 s9, $0x3  }
0xc: {  	v29 =	vor.u32 $0x106, v3;
	v30 =	vor.u32 $0x107, v3;
	v31 =	vor.u32 $0x108, v3;
	s14 =	ssub.s32 s6, s25;
	s6 =	sadd.s32 s26, s2;
	s9 =	sadd.s32 $0x7500, s0  }
0xd: {  	v32 =	vor.u32 $0x109, v3;
	v33 =	vor.u32 $0x10A, v3;
	v34 =	vor.u32 $0x10B, v3;
	s26 =	simm.s32 $0x1;
	s13 =	sadd.s32 s24, s0;
	s11 =	sadd.s32 s8, s0  }
0xe: {  	v35 =	vor.u32 $0x10C, v3;
	v36 =	vor.u32 $0x10D, v3;
	v37 =	vor.u32 $0x10E, v3;
	s12 =	sadd.s32 s7, s0;
	s8 =	sadd.s32 s3, s8;
	s0 =	simm.s32 $0xB600  }
0xf: {  	v38 =	vor.u32 $0x10F, v3;
	v40 =	vor.u32 $0x200, v3;
	v41 =	vor.u32 $0x201, v3;
	s3 =	simm.s32 $0x20;
	s7 =	sadd.s32 $0x2400, s11;
	s11 =	sadd.s32 $0x1DE800, s12  }
0x10: {  	v42 =	vor.u32 $0x202, v3;
	v43 =	vor.u32 $0x203, v3;
	v44 =	vor.u32 $0x204, v3;
	s12 =	sadd.s32 $0x1DC000, s13;
	s13 =	smax.u32 s14, $0x1;
	s14 =	simm.s32 $0x10  }
.LBB2_1:
0x11: {  	s17 =	simm.s32 $0x40;
	s18 =	simm.s32 $0x0  }
.LBB2_2:
0x12: {  	p0 =	sne.s32 s17, $0x27C0;
	[tilespmem:s18+$0x10700] =	vst v0;
	s18 =	smov.u32 s17;
	s17 =	sadd.s32 $0x40, s17  }
.Ltmp0:
0x13: {  	(pc) =	sbr.rel @p0 .LBB2_2-.Ltmp0, $2  }
0x14: {  	_ =	sdelay $0x2  }
0x15: {  	s18 =	sshra.s32 s18, $0x2  }
0x16: {  	[tilespmem:s18+$0x10700] =	vst v0;
	s1 =	simm.s32 $0x10700  }
0x17: {  	[spmem:s6] =	stream.linear.scatter [tilespmem:s1], [sflag:$0x2], $0xA00, $0x38;
	[tilespmem:$0x11100] =	vst v63  }
0x18: {  	_ =	swait.ge [sflag:s15], $0xA00  }
0x19: {  	[sflag:s15] =	ssyncset.done $0x0  }
0x1a: {  	[sflag:s15] =	ssyncadd.s32 $0xFFFFF600  }
0x1b: {  	[bflag:$0x0] =	sbarrier.arrive $0xFFFF  }
0x1c: {  	s17 =	simm.s32 $0x0;
	s24 =	simm.s32 $0xA00;
	[tilespmem:$0x1D80] =	vst v1  }
0x1d: {  	[tilespmem:s24], [sflag:$0x2] =	stream.linear.gather [hbm4b:s7+s17], $0x1388, $0x38;
	[tilespmem:$0x11100] =	vst v63  }
0x1e: {  	_ =	swait.ge [sflag:s15], $0x1388  }
0x1f: {  	[sflag:s15] =	ssyncset.done $0x0  }
0x20: {  	[sflag:s15] =	ssyncadd.s32 $0xFFFFEC78  }
0x21: {  	s25 =	simm.s32 $0x1E00;
	[tilespmem:$0x3180] =	vst v1  }
0x22: {  	[tilespmem:s25], [sflag:$0x2] =	stream.linear.gather [hbm4b:s8+s17], $0x1388, $0x38;
	[tilespmem:$0x11100] =	vst v63  }
0x23: {  	_ =	swait.ge [sflag:s15], $0x1388  }
0x24: {  	[sflag:s15] =	ssyncset.done $0x0  }
0x25: {  	[sflag:s15] =	ssyncadd.s32 $0xFFFFEC78  }
0x26: {  	[tilespmem:$0x10600] =	vst v1  }
0x27: {  	[tilespmem:$0x10680] =	vst v0;
	v45 =	vld [tilespmem:$0x1E00]  }
0x28: {  	[tilespmem:$0x10610] =	vst v1  }
0x29: {  	[tilespmem:$0x10690] =	vst v0  }
0x2a: {  	[tilespmem:$0x10620] =	vst v1  }
0x2b: {  	[tilespmem:$0x106A0] =	vst v0  }
0x2c: {  	[tilespmem:$0x10630] =	vst v1;
	v46 =	vshll.u32 v45, $0x2  }
0x2d: {  	[tilespmem:$0x106B0] =	vst v0;
	v45 =	vand.u32 $0x7, v45;
	v46 =	vand.u32 $0xFFFFFFE0, v46  }
0x2e: {  	[tilespmem:$0x10640] =	vst v1;
	v45 =	vor.u32 v45, v46  }
0x2f: {  	[tilespmem:$0x106C0] =	vst v0;
	v46 =	vperm.xlane v45, v4  }
0x30: {  	[tilespmem:$0x10650] =	vst v1  }
0x31: {  	[tilespmem:$0x106D0] =	vst v0;
	v46 =	vadd.s32 v5, v46  }
0x32: {  	[tilespmem:$0x10660] =	vst v1  }
0x33: {  	[tilespmem:$0x106E0] =	vst v0;
	v45 =	vperm.xlane v45, v6  }
0x34: {  	[tilespmem:$0x10670] =	vst v1  }
0x35: {  	s18 =	simm.s32 $0x3200;
	[tilespmem:$0x106F0] =	vst v0;
	v45 =	vadd.s32 v5, v45  }
0x36: {  	[tilespmem:s18], [sflag:$0x1] =	stream.indirect_vreg.gather [hbm4b:s4+s17], $0x80, v46, vm0, $0xb8;
	[tilespmem:$0x11100] =	vst v63  }
0x37: {  	s19 =	simm.s32 $0x3A00  }
0x38: {  	[tilespmem:s19], [sflag:$0x1] =	stream.indirect_vreg.gather [hbm4b:s9+s17], $0x80, v46, vm0, $0xb8;
	[tilespmem:$0x11100] =	vst v63  }
0x39: {  	s20 =	simm.s32 $0x4200  }
0x3a: {  	[tilespmem:s20], [sflag:$0x1] =	stream.indirect_vreg.gather [hbm4b:s4+s17], $0x80, v45, vm0, $0xb8;
	[tilespmem:$0x11100] =	vst v63  }
0x3b: {  	s21 =	simm.s32 $0x4A00  }
0x3c: {  	[tilespmem:s21], [sflag:$0x1] =	stream.indirect_vreg.gather [hbm4b:s9+s17], $0x80, v45, vm0, $0xb8;
	[tilespmem:$0x11100] =	vst v63  }
0x3d: {  	v45 =	vld [tilespmem:$0xA00];
	_ =	sdelay $0x4  }
0x3e: {  	v63 =	vshll.u32 v45, $0x2  }
0x3f: {  	v45 =	vand.u32 $0x7, v45;
	v46 =	vand.u32 $0xFFFFFFE0, v63  }
0x40: {  	v45 =	vor.u32 v45, v46  }
0x41: {  	v46 =	vperm.xlane v45, v4;
	_ =	sdelay $0x1  }
0x42: {  	v46 =	vadd.s32 v5, v46;
	_ =	sdelay $0x1  }
0x43: {  	v45 =	vperm.xlane v45, v6;
	_ =	sdelay $0x1  }
0x44: {  	s22 =	simm.s32 $0x7200;
	v45 =	vadd.s32 v5, v45  }
0x45: {  	[tilespmem:s22], [sflag:$0x1] =	stream.indirect_vreg.gather [hbm4b:s5+s17], $0x80, v46, vm0, $0xb8;
	[tilespmem:$0x11100] =	vst v63  }
0x46: {  	s23 =	simm.s32 $0x7A00  }
0x47: {  	[tilespmem:s23], [sflag:$0x1] =	stream.indirect_vreg.gather [hbm4b:s10+s17], $0x80, v46, vm0, $0xb8;
	[tilespmem:$0x11100] =	vst v63  }
0x48: {  	s24 =	simm.s32 $0x8200  }
0x49: {  	[tilespmem:s24], [sflag:$0x1] =	stream.indirect_vreg.gather [hbm4b:s5+s17], $0x80, v45, vm0, $0xb8;
	[tilespmem:$0x11100] =	vst v63  }
0x4a: {  	s25 =	simm.s32 $0x8A00;
	s18 =	simm.s32 $0x0  }
0x4b: {  	[tilespmem:s25], [sflag:$0x1] =	stream.indirect_vreg.gather [hbm4b:s10+s17], $0x80, v45, vm0, $0xb8;
	[tilespmem:$0x11100] =	vst v63  }
.LBB2_4:
0x4c: {  	_ =	swait.ge [sflag:s26], $0x2000  }
0x4d: {  	[sflag:s26] =	ssyncset.done $0x0  }
0x4e: {  	[sflag:s26] =	ssyncadd.s32 $0xFFFFE000  }
0x4f: {  	_ =	swait.ge [sflag:s26], $0x2000  }
0x50: {  	[sflag:s26] =	ssyncset.done $0x0  }
0x51: {  	s19 =	sshll.u32 s18, $0x4;
	p0 =	seq.s32 s18, $0x138;
	[sflag:s26] =	ssyncadd.s32 $0xFFFFE000  }
0x52: {  	v45 =	vld @!p0 [tilespmem:s19+$0x1E10];
	_ =	sdelay $0x4  }
0x53: {  	v46 =	vshll.u32 @!p0 v45, $0x2  }
0x54: {  	v47 =	vlaneseq.u32 @!p0;
	v45 =	vand.u32 @!p0 $0x7, v45;
	v46 =	vand.u32 @!p0 $0xFFFFFFE0, v46  }
0x55: {  	v48 =	vshrl.u32 @!p0 v47, $0x3;
	v45 =	vor.u32 @!p0 v45, v46;
	v46 =	vand.u32 @!p0 $0x7, v47  }
0x56: {  	v48 =	vmul.u32 @!p0 $0x8, v48;
	v49 =	vperm.xlane @!p0 v45, v46;
	_ =	sdelay $0x1  }
0x57: {  	v49 =	vadd.s32 @!p0 v48, v49  }
0x58: {  	s20 =	sshll.u32 @!p0 s18, $0xD;
	v47 =	vor.u32 @!p0 $0x8, v47  }
0x59: {  	s21 =	sxor.u32 @!p0 $0xFFFFFFFF, s20;
	v45 =	vperm.xlane @!p0 v45, v47  }
0x5a: {  	s21 =	sand.u32 @!p0 $0x2000, s21  }
0x5b: {  	vm1 =	vmmov @!p0 $0xffff;
	s23 =	simm.s32 @!p0 $0x0;
	s22 =	sadd.s32 @!p0 $0x3200, s21;
	v45 =	vadd.s32 @!p0 v48, v45  }
0x5c: {  	[tilespmem:s22], [sflag:$0x1] =	stream.indirect_vreg.gather @!p0 [hbm4b:s4+s23], $0x80, v49, vm1, $0xb8;
	[tilespmem:$0x11100] =	vst v63  }
0x5d: {  	s22 =	sadd.s32 @!p0 $0x3A00, s21  }
0x5e: {  	[tilespmem:s22], [sflag:$0x1] =	stream.indirect_vreg.gather @!p0 [hbm4b:s9+s23], $0x80, v49, vm1, $0xb8;
	[tilespmem:$0x11100] =	vst v63  }
0x5f: {  	s22 =	sor.u32 @!p0 $0x4200, s21  }
0x60: {  	[tilespmem:s22], [sflag:$0x1] =	stream.indirect_vreg.gather @!p0 [hbm4b:s4+s23], $0x80, v45, vm1, $0xb8;
	[tilespmem:$0x11100] =	vst v63  }
0x61: {  	s22 =	sor.u32 @!p0 $0x4A00, s21  }
0x62: {  	[tilespmem:s22], [sflag:$0x1] =	stream.indirect_vreg.gather @!p0 [hbm4b:s9+s23], $0x80, v45, vm1, $0xb8;
	[tilespmem:$0x11100] =	vst v63  }
0x63: {  	v45 =	vld @!p0 [tilespmem:s19+$0xA10];
	_ =	sdelay $0x4  }
0x64: {  	v49 =	vshll.u32 @!p0 v45, $0x2  }
0x65: {  	v45 =	vand.u32 @!p0 $0x7, v45;
	v49 =	vand.u32 @!p0 $0xFFFFFFE0, v49  }
0x66: {  	v45 =	vor.u32 @!p0 v45, v49  }
0x67: {  	v46 =	vperm.xlane @!p0 v45, v46;
	_ =	sdelay $0x1  }
0x68: {  	v46 =	vadd.s32 @!p0 v48, v46;
	_ =	sdelay $0x1  }
0x69: {  	v45 =	vperm.xlane @!p0 v45, v47;
	_ =	sdelay $0x1  }
0x6a: {  	s22 =	sadd.s32 @!p0 $0x7200, s21;
	v45 =	vadd.s32 @!p0 v48, v45  }
0x6b: {  	[tilespmem:s22], [sflag:$0x1] =	stream.indirect_vreg.gather @!p0 [hbm4b:s5+s23], $0x80, v46, vm1, $0xb8;
	[tilespmem:$0x11100] =	vst v63  }
0x6c: {  	s22 =	sadd.s32 @!p0 $0x7A00, s21  }
0x6d: {  	[tilespmem:s22], [sflag:$0x1] =	stream.indirect_vreg.gather @!p0 [hbm4b:s10+s23], $0x80, v46, vm1, $0xb8;
	[tilespmem:$0x11100] =	vst v63  }
0x6e: {  	s22 =	sor.u32 @!p0 $0x8200, s21  }
0x6f: {  	[tilespmem:s22], [sflag:$0x1] =	stream.indirect_vreg.gather @!p0 [hbm4b:s5+s23], $0x80, v45, vm1, $0xb8;
	[tilespmem:$0x11100] =	vst v63  }
0x70: {  	s20 =	simm.s32 @p0 $0x270000;
	s21 =	sor.u32 @!p0 $0x8A00, s21  }
0x71: {  	[tilespmem:s21], [sflag:$0x1] =	stream.indirect_vreg.gather @!p0 [hbm4b:s10+s23], $0x80, v45, vm1, $0xb8;
	[tilespmem:$0x11100] =	vst v63  }
0x72: {  	s22 =	sand.u32 $0x3000, s20;
	s23 =	sand.u32 $0x380, s17  }
0x73: {  	s24 =	sor.u32 s23, s22  }
0x74: {  	v45 =	vld [tilespmem:s24+$0x3200]  }
0x75: {  	v46 =	vld [tilespmem:s24+$0x7200]  }
0x76: {  	v59 =	vld [tilespmem:s24+$0x3210]  }
0x77: {  	v60 =	vld [tilespmem:s24+$0x7210]  }
0x78: {  	v61 =	vld [tilespmem:s24+$0x7220]  }
0x79: {  	v50 =	vld [tilespmem:s24+$0x3220]  }
0x7a: {  	v62 =	vld [tilespmem:s24+$0x7230];
	v45 =	vmul.f32 v46, v45  }
0x7b: {  	v51 =	vld [tilespmem:s24+$0x3230]  }
0x7c: {  	v63 =	vld [tilespmem:s24+$0x7240];
	v47 =	vmul.f32 v60, v59;
	v45 =	vadd.f32 $0.0e+00, v45  }
0x7d: {  	v52 =	vld [tilespmem:s24+$0x3240]  }
0x7e: {  	v57 =	vld [tilespmem:s24+$0x7250];
	v56 =	vmul.f32 v61, v50;
	v45 =	vadd.f32 v47, v45  }
0x7f: {  	v58 =	vld [tilespmem:s24+$0x3250]  }
0x80: {  	v46 =	vmul.f32 v62, v51;
	v59 =	vld [tilespmem:s24+$0x7260];
	v45 =	vadd.f32 v56, v45  }
0x81: {  	v60 =	vld [tilespmem:s24+$0x3260]  }
0x82: {  	v61 =	vmul.f32 v63, v52;
	v62 =	vld [tilespmem:s24+$0x7270];
	v45 =	vadd.f32 v46, v45  }
0x83: {  	v63 =	vld [tilespmem:s24+$0x3270]  }
0x84: {  	v50 =	vmul.f32 v57, v58;
	v45 =	vadd.f32 v61, v45;
	_ =	sdelay $0x1  }
0x85: {  	v53 =	vmul.f32 v59, v60;
	v45 =	vadd.f32 v50, v45;
	_ =	sdelay $0x1  }
0x86: {  	v54 =	vmul.f32 v62, v63;
	v45 =	vadd.f32 v53, v45;
	_ =	sdelay $0x1  }
0x87: {  	v45 =	vadd.f32 v54, v45  }
0x88: {  	s21 =	simm.s32 $0xB200  }
0x89: {  	[tilespmem:s21+$0x0] =	vst v45  }
0x8a: {  	v45 =	vld [tilespmem:s24+$0x3600]  }
0x8b: {  	v55 =	vld [tilespmem:s24+$0x7600]  }
0x8c: {  	v56 =	vld [tilespmem:s24+$0x7610]  }
0x8d: {  	v57 =	vld [tilespmem:s24+$0x3610]  }
0x8e: {  	v58 =	vld [tilespmem:s24+$0x7620]  }
0x8f: {  	v59 =	vld [tilespmem:s24+$0x3620]  }
0x90: {  	v60 =	vld [tilespmem:s24+$0x7630];
	v45 =	vmul.f32 v55, v45  }
0x91: {  	v61 =	vld [tilespmem:s24+$0x3630]  }
0x92: {  	v62 =	vld [tilespmem:s24+$0x7640];
	v47 =	vmul.f32 v56, v57;
	v45 =	vadd.f32 $0.0e+00, v45  }
0x93: {  	v63 =	vld [tilespmem:s24+$0x3640]  }
0x94: {  	v56 =	vmul.f32 v58, v59;
	v57 =	vld [tilespmem:s24+$0x7650];
	v45 =	vadd.f32 v47, v45  }
0x95: {  	v58 =	vld [tilespmem:s24+$0x3650]  }
0x96: {  	v46 =	vmul.f32 v60, v61;
	v59 =	vld [tilespmem:s24+$0x7660];
	v45 =	vadd.f32 v56, v45  }
0x97: {  	v60 =	vld [tilespmem:s24+$0x3660]  }
0x98: {  	v61 =	vmul.f32 v62, v63;
	v62 =	vld [tilespmem:s24+$0x7670];
	v45 =	vadd.f32 v46, v45  }
0x99: {  	v63 =	vld [tilespmem:s24+$0x3670]  }
0x9a: {  	v50 =	vmul.f32 v57, v58;
	v45 =	vadd.f32 v61, v45;
	_ =	sdelay $0x1  }
0x9b: {  	v53 =	vmul.f32 v59, v60;
	v45 =	vadd.f32 v50, v45;
	_ =	sdelay $0x1  }
0x9c: {  	v54 =	vmul.f32 v62, v63;
	v45 =	vadd.f32 v53, v45;
	_ =	sdelay $0x1  }
0x9d: {  	v45 =	vadd.f32 v54, v45  }
0x9e: {  	s25 =	sand.u32 $0xF0, s17  }
0x9f: {  	[tilespmem:s25+$0xB300] =	vst v45  }
0xa0: {  	v45 =	vld [tilespmem:s24+$0x3A00]  }
0xa1: {  	v55 =	vld [tilespmem:s24+$0x7A00]  }
0xa2: {  	v56 =	vld [tilespmem:s24+$0x3A10]  }
0xa3: {  	v57 =	vld [tilespmem:s24+$0x7A10]  }
0xa4: {  	v58 =	vld [tilespmem:s24+$0x3A20]  }
0xa5: {  	v59 =	vld [tilespmem:s24+$0x7A20]  }
0xa6: {  	v60 =	vld [tilespmem:s24+$0x3A30];
	v45 =	vmul.f32 v55, v45  }
0xa7: {  	v61 =	vld [tilespmem:s24+$0x7A30]  }
0xa8: {  	v62 =	vld [tilespmem:s24+$0x3A40];
	v47 =	vmul.f32 v57, v56;
	v45 =	vadd.f32 $0.0e+00, v45  }
0xa9: {  	v63 =	vld [tilespmem:s24+$0x7A40]  }
0xaa: {  	v56 =	vmul.f32 v59, v58;
	v57 =	vld [tilespmem:s24+$0x3A50];
	v45 =	vadd.f32 v47, v45  }
0xab: {  	v58 =	vld [tilespmem:s24+$0x7A50]  }
0xac: {  	v46 =	vmul.f32 v61, v60;
	v59 =	vld [tilespmem:s24+$0x3A60];
	v45 =	vadd.f32 v56, v45  }
0xad: {  	v60 =	vld [tilespmem:s24+$0x7A60]  }
0xae: {  	v61 =	vmul.f32 v63, v62;
	v62 =	vld [tilespmem:s24+$0x3A70];
	v45 =	vadd.f32 v46, v45  }
0xaf: {  	v63 =	vld [tilespmem:s24+$0x7A70]  }
0xb0: {  	v53 =	vmul.f32 v58, v57;
	v45 =	vadd.f32 v61, v45;
	_ =	sdelay $0x1  }
0xb1: {  	v54 =	vmul.f32 v60, v59;
	v45 =	vadd.f32 v53, v45;
	_ =	sdelay $0x1  }
0xb2: {  	v55 =	vmul.f32 v63, v62;
	v45 =	vadd.f32 v54, v45;
	_ =	sdelay $0x1  }
0xb3: {  	v45 =	vadd.f32 v55, v45;
	_ =	sdelay $0x1  }
0xb4: {  	[tilespmem:s25+$0xB400] =	vst v45  }
0xb5: {  	v45 =	vld [tilespmem:s24+$0x3E00]  }
0xb6: {  	v56 =	vld [tilespmem:s24+$0x7E00]  }
0xb7: {  	v57 =	vld [tilespmem:s24+$0x3E10]  }
0xb8: {  	v58 =	vld [tilespmem:s24+$0x7E10]  }
0xb9: {  	v59 =	vld [tilespmem:s24+$0x3E20]  }
0xba: {  	v60 =	vld [tilespmem:s24+$0x7E20]  }
0xbb: {  	v61 =	vld [tilespmem:s24+$0x3E30];
	v45 =	vmul.f32 v56, v45  }
0xbc: {  	v62 =	vld [tilespmem:s24+$0x7E30]  }
0xbd: {  	v63 =	vld [tilespmem:s24+$0x3E40];
	v47 =	vmul.f32 v58, v57;
	v45 =	vadd.f32 $0.0e+00, v45  }
0xbe: {  	v56 =	vld [tilespmem:s24+$0x7E40]  }
0xbf: {  	v57 =	vmul.f32 v60, v59;
	v45 =	vadd.f32 v47, v45  }
0xc0: {  	v58 =	vld [tilespmem:s24+$0x3E50]  }
0xc1: {  	v59 =	vld [tilespmem:s24+$0x7E50];
	v46 =	vmul.f32 v62, v61;
	v45 =	vadd.f32 v57, v45  }
0xc2: {  	v53 =	vld [tilespmem:s24+$0x7E60]  }
0xc3: {  	v60 =	vld [tilespmem:s24+$0x3E60];
	v61 =	vmul.f32 v56, v63;
	v45 =	vadd.f32 v46, v45  }
0xc4: {  	v46 =	vld [tilespmem:s24+$0x7E70]  }
0xc5: {  	v62 =	vadd.f32 v61, v45;
	v45 =	vld [tilespmem:s24+$0x3E70]  }
0xc6: {  	v63 =	vmul.f32 v59, v58;
	_ =	sdelay $0x1  }
0xc7: {  	s22 =	simm.s32 $0x80;
	s23 =	simm.s32 $0x0;
	v48 =	vmul.f32 v53, v60;
	v47 =	vadd.f32 v63, v62  }
.LBB2_5:
0xc8: {  	s23 =	sadd.s32 $0x10, s23;
	s21 =	sadd.s32 $0x10, s21;
	s20 =	sadd.s32 $0x200, s20  }
0xc9: {  	p0 =	sne.s32 s22, $0x780;
	s24 =	smov.u32 s22;
	s22 =	sadd.s32 $0x80, s22;
	v47 =	vadd.f32 v48, v47;
	v45 =	vmul.f32 v46, v45  }
0xca: {  	_ = 	snop  }
0xcb: {  	v45 =	vadd.f32 v45, v47  }
0xcc: {  	s1 =	sand.u32 $0x3000, s20;
	s24 =	sand.u32 $0x380, s24  }
0xcd: {  	s24 =	sor.u32 s24, s1;
	[tilespmem:s25+$0xB500] =	vst v45  }
0xce: {  	v45 =	vld [tilespmem:s24+$0x3210]  }
0xcf: {  	v46 =	vld [tilespmem:s24+$0x3200]  }
0xd0: {  	v47 =	vld [tilespmem:s24+$0x7200];
	_ =	sdelay $0x1  }
0xd1: {  	v48 =	vld [tilespmem:s24+$0x7210]  }
0xd2: {  	v49 =	vld [tilespmem:s24+$0x7220]  }
0xd3: {  	v50 =	vld [tilespmem:s24+$0x3220]  }
0xd4: {  	v46 =	vmul.f32 v47, v46;
	v47 =	vld [tilespmem:s24+$0x7230]  }
0xd5: {  	v51 =	vld [tilespmem:s24+$0x3230]  }
0xd6: {  	v46 =	vadd.f32 $0.0e+00, v46;
	v45 =	vmul.f32 v48, v45;
	v48 =	vld [tilespmem:s24+$0x7240]  }
0xd7: {  	v52 =	vld [tilespmem:s24+$0x3240]  }
0xd8: {  	v45 =	vadd.f32 v45, v46;
	v46 =	vmul.f32 v49, v50;
	v49 =	vld [tilespmem:s24+$0x7250]  }
0xd9: {  	v50 =	vld [tilespmem:s24+$0x3250]  }
0xda: {  	v45 =	vadd.f32 v46, v45;
	v46 =	vmul.f32 v47, v51;
	v47 =	vld [tilespmem:s24+$0x7260]  }
0xdb: {  	v51 =	vld [tilespmem:s24+$0x3260]  }
0xdc: {  	v45 =	vadd.f32 v46, v45;
	v46 =	vmul.f32 v48, v52;
	v48 =	vld [tilespmem:s24+$0x7270]  }
0xdd: {  	v52 =	vld [tilespmem:s24+$0x3270]  }
0xde: {  	v45 =	vadd.f32 v46, v45;
	v46 =	vmul.f32 v49, v50;
	_ =	sdelay $0x1  }
0xdf: {  	v45 =	vadd.f32 v46, v45;
	v46 =	vmul.f32 v47, v51;
	_ =	sdelay $0x1  }
0xe0: {  	v45 =	vadd.f32 v46, v45;
	v46 =	vmul.f32 v48, v52;
	_ =	sdelay $0x1  }
0xe1: {  	v45 =	vadd.f32 v46, v45;
	_ =	sdelay $0x1  }
0xe2: {  	[tilespmem:s21+$0x0] =	vst v45  }
0xe3: {  	v45 =	vld [tilespmem:s24+$0x3600]  }
0xe4: {  	v46 =	vld [tilespmem:s24+$0x7600]  }
0xe5: {  	v47 =	vld [tilespmem:s24+$0x7610]  }
0xe6: {  	v48 =	vld [tilespmem:s24+$0x3610]  }
0xe7: {  	v49 =	vld [tilespmem:s24+$0x7620]  }
0xe8: {  	v50 =	vld [tilespmem:s24+$0x3620]  }
0xe9: {  	v45 =	vmul.f32 v46, v45;
	v46 =	vld [tilespmem:s24+$0x7630]  }
0xea: {  	v51 =	vld [tilespmem:s24+$0x3630]  }
0xeb: {  	v45 =	vadd.f32 $0.0e+00, v45;
	v47 =	vmul.f32 v47, v48;
	v48 =	vld [tilespmem:s24+$0x7640]  }
0xec: {  	v52 =	vld [tilespmem:s24+$0x3640]  }
0xed: {  	v45 =	vadd.f32 v47, v45;
	v47 =	vmul.f32 v49, v50;
	v49 =	vld [tilespmem:s24+$0x7650]  }
0xee: {  	v50 =	vld [tilespmem:s24+$0x3650]  }
0xef: {  	v45 =	vadd.f32 v47, v45;
	v46 =	vmul.f32 v46, v51;
	v47 =	vld [tilespmem:s24+$0x7660]  }
0xf0: {  	v51 =	vld [tilespmem:s24+$0x3660]  }
0xf1: {  	v45 =	vadd.f32 v46, v45;
	v46 =	vmul.f32 v48, v52;
	v48 =	vld [tilespmem:s24+$0x7670]  }
0xf2: {  	v52 =	vld [tilespmem:s24+$0x3670]  }
0xf3: {  	v45 =	vadd.f32 v46, v45;
	v46 =	vmul.f32 v49, v50;
	_ =	sdelay $0x1  }
0xf4: {  	v45 =	vadd.f32 v46, v45;
	v46 =	vmul.f32 v47, v51;
	_ =	sdelay $0x1  }
0xf5: {  	v45 =	vadd.f32 v46, v45;
	v46 =	vmul.f32 v48, v52;
	_ =	sdelay $0x1  }
0xf6: {  	v45 =	vadd.f32 v46, v45  }
0xf7: {  	s25 =	sand.u32 $0xF0, s23  }
0xf8: {  	[tilespmem:s25+$0xB300] =	vst v45  }
0xf9: {  	v45 =	vld [tilespmem:s24+$0x3A00]  }
0xfa: {  	v46 =	vld [tilespmem:s24+$0x7A00]  }
0xfb: {  	v47 =	vld [tilespmem:s24+$0x3A10]  }
0xfc: {  	v48 =	vld [tilespmem:s24+$0x7A10]  }
0xfd: {  	v49 =	vld [tilespmem:s24+$0x3A20]  }
0xfe: {  	v50 =	vld [tilespmem:s24+$0x7A20]  }
0xff: {  	v45 =	vmul.f32 v46, v45;
	v46 =	vld [tilespmem:s24+$0x3A30]  }
0x100: {  	v51 =	vld [tilespmem:s24+$0x7A30]  }
0x101: {  	v45 =	vadd.f32 $0.0e+00, v45;
	v47 =	vmul.f32 v48, v47;
	v48 =	vld [tilespmem:s24+$0x3A40]  }
0x102: {  	v52 =	vld [tilespmem:s24+$0x7A40]  }
0x103: {  	v45 =	vadd.f32 v47, v45;
	v47 =	vmul.f32 v50, v49;
	v49 =	vld [tilespmem:s24+$0x3A50]  }
0x104: {  	v50 =	vld [tilespmem:s24+$0x7A50]  }
0x105: {  	v45 =	vadd.f32 v47, v45;
	v46 =	vmul.f32 v51, v46;
	v47 =	vld [tilespmem:s24+$0x3A60]  }
0x106: {  	v51 =	vld [tilespmem:s24+$0x7A60]  }
0x107: {  	v45 =	vadd.f32 v46, v45;
	v46 =	vmul.f32 v52, v48;
	v48 =	vld [tilespmem:s24+$0x3A70]  }
0x108: {  	v52 =	vld [tilespmem:s24+$0x7A70]  }
0x109: {  	v45 =	vadd.f32 v46, v45;
	v46 =	vmul.f32 v50, v49;
	_ =	sdelay $0x1  }
0x10a: {  	v45 =	vadd.f32 v46, v45;
	v46 =	vmul.f32 v51, v47;
	_ =	sdelay $0x1  }
0x10b: {  	v45 =	vadd.f32 v46, v45;
	v46 =	vmul.f32 v52, v48;
	_ =	sdelay $0x1  }
0x10c: {  	v45 =	vadd.f32 v46, v45;
	_ =	sdelay $0x1  }
0x10d: {  	[tilespmem:s25+$0xB400] =	vst v45  }
0x10e: {  	v45 =	vld [tilespmem:s24+$0x3E00]  }
0x10f: {  	v46 =	vld [tilespmem:s24+$0x7E00]  }
0x110: {  	v47 =	vld [tilespmem:s24+$0x3E10]  }
0x111: {  	v48 =	vld [tilespmem:s24+$0x7E10]  }
0x112: {  	v49 =	vld [tilespmem:s24+$0x3E20]  }
0x113: {  	v50 =	vld [tilespmem:s24+$0x7E20]  }
0x114: {  	v45 =	vmul.f32 v46, v45;
	v46 =	vld [tilespmem:s24+$0x3E30]  }
0x115: {  	v51 =	vld [tilespmem:s24+$0x7E30]  }
0x116: {  	v45 =	vadd.f32 $0.0e+00, v45;
	v47 =	vmul.f32 v48, v47;
	v48 =	vld [tilespmem:s24+$0x3E40]  }
0x117: {  	v52 =	vld [tilespmem:s24+$0x7E40]  }
0x118: {  	v45 =	vadd.f32 v47, v45;
	v47 =	vmul.f32 v50, v49;
	v49 =	vld [tilespmem:s24+$0x3E50]  }
0x119: {  	v50 =	vld [tilespmem:s24+$0x7E50]  }
0x11a: {  	v45 =	vadd.f32 v47, v45;
	v46 =	vmul.f32 v51, v46;
	v51 =	vld [tilespmem:s24+$0x3E60]  }
0x11b: {  	v53 =	vld [tilespmem:s24+$0x7E60]  }
.Ltmp1:
0x11c: {  	v47 =	vadd.f32 v46, v45;
	v48 =	vmul.f32 v52, v48;
	v45 =	vld [tilespmem:s24+$0x3E70];
	(pc) =	sbr.rel @p0 .LBB2_5-.Ltmp1, $3  }
0x11d: {  	v46 =	vld [tilespmem:s24+$0x7E70]  }
0x11e: {  	v47 =	vadd.f32 v48, v47;
	v48 =	vmul.f32 v50, v49;
	_ =	sdelay $0x1  }
0x11f: {  	v47 =	vadd.f32 v48, v47;
	v48 =	vmul.f32 v53, v51  }
0x120: {  	_ = 	snop  }
0x121: {  	v47 =	vadd.f32 v48, v47;
	v45 =	vmul.f32 v46, v45;
	_ =	sdelay $0x1  }
0x122: {  	v45 =	vadd.f32 v45, v47;
	_ =	sdelay $0x1  }
0x123: {  	[tilespmem:s25+$0xB500] =	vst v45  }
0x124: {  	v45 =	vld.idx.msk [tilespmem:v3+s28+$0x0], $0xffff;
	_ =	sdelay $0x1  }
0x125: {  	v57 =	vld.idx.msk [tilespmem:v8+s28+$0x0], $0xffff;
	_ =	sdelay $0x1  }
0x126: {  	v58 =	vld.idx.msk [tilespmem:v9+s28+$0x0], $0xffff  }
0x127: {  	v45 =	vadd.f32 $0.0e+00, v45  }
0x128: {  	v59 =	vld.idx.msk [tilespmem:v10+s28+$0x0], $0xffff  }
0x129: {  	v45 =	vadd.f32 v57, v45  }
0x12a: {  	v60 =	vld.idx.msk [tilespmem:v11+s28+$0x0], $0xffff  }
0x12b: {  	v45 =	vadd.f32 v58, v45  }
0x12c: {  	v61 =	vld.idx.msk [tilespmem:v12+s28+$0x0], $0xffff  }
0x12d: {  	v45 =	vadd.f32 v59, v45  }
0x12e: {  	v62 =	vld.idx.msk [tilespmem:v13+s28+$0x0], $0xffff  }
0x12f: {  	v45 =	vadd.f32 v60, v45  }
0x130: {  	v63 =	vld.idx.msk [tilespmem:v14+s28+$0x0], $0xffff  }
0x131: {  	v45 =	vadd.f32 v61, v45  }
0x132: {  	v52 =	vld.idx.msk [tilespmem:v15+s28+$0x0], $0xffff  }
0x133: {  	v45 =	vadd.f32 v62, v45  }
0x134: {  	v53 =	vld.idx.msk [tilespmem:v16+s28+$0x0], $0xffff  }
0x135: {  	v45 =	vadd.f32 v63, v45  }
0x136: {  	v54 =	vld.idx.msk [tilespmem:v17+s28+$0x0], $0xffff  }
0x137: {  	v45 =	vadd.f32 v52, v45  }
0x138: {  	v55 =	vld.idx.msk [tilespmem:v18+s28+$0x0], $0xffff  }
0x139: {  	v45 =	vadd.f32 v53, v45  }
0x13a: {  	v56 =	vld.idx.msk [tilespmem:v19+s28+$0x0], $0xffff  }
0x13b: {  	v45 =	vadd.f32 v54, v45  }
0x13c: {  	v57 =	vld.idx.msk [tilespmem:v20+s28+$0x0], $0xffff  }
0x13d: {  	v45 =	vadd.f32 v55, v45  }
0x13e: {  	v58 =	vld.idx.msk [tilespmem:v21+s28+$0x0], $0xffff  }
0x13f: {  	v45 =	vadd.f32 v56, v45  }
0x140: {  	v59 =	vld.idx.msk [tilespmem:v22+s28+$0x0], $0xffff  }
0x141: {  	v45 =	vadd.f32 v57, v45;
	_ =	sdelay $0x1  }
0x142: {  	v45 =	vadd.f32 v58, v45;
	_ =	sdelay $0x1  }
0x143: {  	v45 =	vadd.f32 v59, v45;
	_ =	sdelay $0x1  }
0x144: {  	v45 =	vmul.f32 $1.442695020e+00, v45;
	_ =	sdelay $0x1  }
0x145: {  	(erf) = vpow2.f32 v45;
	_ =	sdelay $0x6  }
0x146: {  	s1 =	sshll.u32 s18, $0x6  }
0x147: {  	s20 =	sand.u32 $0x70, s19;
	s1 =	sand.u32 $0x7E00, s1  }
0x148: {  	s20 =	sor.u32 s20, s1;
	v45 =	vpop (erf)  }
0x149: {  	[tilespmem:s20+$0xB600] =	vst v45  }
0x14a: {  	v60 =	vld [tilespmem:s19+$0x1E00];
	_ =	sdelay $0x2  }
0x14b: {  	v61 =	vmov s19  }
0x14c: {  	vm1 =	vlt.u32 v61, v7  }
0x14d: {  	v45 =	vnsel vm1, $0x0, v45;
	[tilespmem:v2+s29+$0x0] =	vst.idx.msk $0xffff, v60  }
0x14e: {  	[tilespmem:v2+s30+$0x0] =	vst.idx.msk $0xffff, v45  }
0x14f: {  	v45 =	vld.idx.msk [tilespmem:v23+s28+$0x0], $0xffff;
	_ =	sdelay $0x1  }
0x150: {  	v46 =	vld.idx.msk [tilespmem:v24+s28+$0x0], $0xffff;
	_ =	sdelay $0x1  }
0x151: {  	v62 =	vld.idx.msk [tilespmem:v25+s28+$0x0], $0xffff  }
0x152: {  	v45 =	vadd.f32 $0.0e+00, v45  }
0x153: {  	v63 =	vld.idx.msk [tilespmem:v26+s28+$0x0], $0xffff  }
0x154: {  	v45 =	vadd.f32 v46, v45  }
0x155: {  	v52 =	vld.idx.msk [tilespmem:v27+s28+$0x0], $0xffff  }
0x156: {  	v45 =	vadd.f32 v62, v45  }
0x157: {  	v53 =	vld.idx.msk [tilespmem:v28+s28+$0x0], $0xffff  }
0x158: {  	v45 =	vadd.f32 v63, v45  }
0x159: {  	v54 =	vld.idx.msk [tilespmem:v29+s28+$0x0], $0xffff  }
0x15a: {  	v45 =	vadd.f32 v52, v45  }
0x15b: {  	v55 =	vld.idx.msk [tilespmem:v30+s28+$0x0], $0xffff  }
0x15c: {  	v45 =	vadd.f32 v53, v45  }
0x15d: {  	v56 =	vld.idx.msk [tilespmem:v31+s28+$0x0], $0xffff  }
0x15e: {  	v45 =	vadd.f32 v54, v45  }
0x15f: {  	v57 =	vld.idx.msk [tilespmem:v32+s28+$0x0], $0xffff  }
0x160: {  	v45 =	vadd.f32 v55, v45  }
0x161: {  	v58 =	vld.idx.msk [tilespmem:v33+s28+$0x0], $0xffff  }
0x162: {  	v45 =	vadd.f32 v56, v45  }
0x163: {  	v59 =	vld.idx.msk [tilespmem:v34+s28+$0x0], $0xffff  }
0x164: {  	v45 =	vadd.f32 v57, v45  }
0x165: {  	v60 =	vld.idx.msk [tilespmem:v35+s28+$0x0], $0xffff  }
0x166: {  	v45 =	vadd.f32 v58, v45  }
0x167: {  	v61 =	vld.idx.msk [tilespmem:v36+s28+$0x0], $0xffff  }
0x168: {  	v45 =	vadd.f32 v59, v45  }
0x169: {  	v62 =	vld.idx.msk [tilespmem:v37+s28+$0x0], $0xffff  }
0x16a: {  	v45 =	vadd.f32 v60, v45  }
0x16b: {  	v63 =	vld.idx.msk [tilespmem:v38+s28+$0x0], $0xffff  }
0x16c: {  	v45 =	vadd.f32 v61, v45;
	_ =	sdelay $0x1  }
0x16d: {  	v45 =	vadd.f32 v62, v45;
	_ =	sdelay $0x1  }
0x16e: {  	v45 =	vadd.f32 v63, v45;
	_ =	sdelay $0x1  }
0x16f: {  	v45 =	vmul.f32 $1.442695020e+00, v45;
	_ =	sdelay $0x1  }
0x170: {  	(erf) = vpow2.f32 v45;
	_ =	sdelay $0x8  }
0x171: {  	v45 =	vpop (erf)  }
0x172: {  	[tilespmem:s20+$0xB680] =	vst v45  }
0x173: {  	v51 =	vld [tilespmem:s19+$0x1E00];
	_ =	sdelay $0x4  }
0x174: {  	v46 =	vadd.s32 $0x2710, v51  }
0x175: {  	v45 =	vnsel vm1, $0x0, v45;
	[tilespmem:v39+s29+$0x0] =	vst.idx.msk $0xffff, v46  }
0x176: {  	[tilespmem:v39+s30+$0x0] =	vst.idx.msk $0xffff, v45  }
0x177: {  	v45 =	vld.idx.msk [tilespmem:v40+s28+$0x0], $0xffff;
	_ =	sdelay $0x1  }
0x178: {  	v46 =	vld.idx.msk [tilespmem:v41+s28+$0x0], $0xffff;
	_ =	sdelay $0x1  }
0x179: {  	v52 =	vld.idx.msk [tilespmem:v42+s28+$0x0], $0xffff  }
0x17a: {  	v53 =	vor.u32 $0x205, v3;
	v45 =	vadd.f32 $0.0e+00, v45  }
0x17b: {  	v49 =	vld.idx.msk [tilespmem:v43+s28+$0x0], $0xffff  }
0x17c: {  	v54 =	vor.u32 $0x206, v3;
	v45 =	vadd.f32 v46, v45  }
0x17d: {  	v50 =	vld.idx.msk [tilespmem:v44+s28+$0x0], $0xffff  }
0x17e: {  	v55 =	vor.u32 $0x207, v3;
	v45 =	vadd.f32 v52, v45  }
0x17f: {  	v48 =	vld.idx.msk [tilespmem:v53+s28+$0x0], $0xffff  }
0x180: {  	v56 =	vor.u32 $0x208, v3;
	v45 =	vadd.f32 v49, v45  }
0x181: {  	v46 =	vld.idx.msk [tilespmem:v54+s28+$0x0], $0xffff  }
0x182: {  	v57 =	vor.u32 $0x209, v3;
	v45 =	vadd.f32 v50, v45  }
0x183: {  	v47 =	vld.idx.msk [tilespmem:v55+s28+$0x0], $0xffff  }
0x184: {  	v58 =	vor.u32 $0x20A, v3;
	v45 =	vadd.f32 v48, v45  }
0x185: {  	v49 =	vld.idx.msk [tilespmem:v56+s28+$0x0], $0xffff  }
0x186: {  	v59 =	vor.u32 $0x20B, v3;
	v45 =	vadd.f32 v46, v45  }
0x187: {  	v50 =	vld.idx.msk [tilespmem:v57+s28+$0x0], $0xffff  }
0x188: {  	v60 =	vor.u32 $0x20C, v3;
	v45 =	vadd.f32 v47, v45  }
0x189: {  	v48 =	vld.idx.msk [tilespmem:v58+s28+$0x0], $0xffff  }
0x18a: {  	v61 =	vor.u32 $0x20D, v3;
	v45 =	vadd.f32 v49, v45  }
0x18b: {  	v46 =	vld.idx.msk [tilespmem:v59+s28+$0x0], $0xffff  }
0x18c: {  	v62 =	vor.u32 $0x20E, v3;
	v45 =	vadd.f32 v50, v45  }
0x18d: {  	v47 =	vld.idx.msk [tilespmem:v60+s28+$0x0], $0xffff  }
0x18e: {  	v63 =	vor.u32 $0x20F, v3;
	v45 =	vadd.f32 v48, v45  }
0x18f: {  	v49 =	vld.idx.msk [tilespmem:v61+s28+$0x0], $0xffff  }
0x190: {  	v45 =	vadd.f32 v46, v45  }
0x191: {  	v51 =	vld.idx.msk [tilespmem:v62+s28+$0x0], $0xffff  }
0x192: {  	v45 =	vadd.f32 v47, v45  }
0x193: {  	v52 =	vld.idx.msk [tilespmem:v63+s28+$0x0], $0xffff  }
0x194: {  	v45 =	vadd.f32 v49, v45;
	_ =	sdelay $0x1  }
0x195: {  	v45 =	vadd.f32 v51, v45;
	_ =	sdelay $0x1  }
0x196: {  	v45 =	vadd.f32 v52, v45;
	_ =	sdelay $0x1  }
0x197: {  	v45 =	vmul.f32 $1.442695020e+00, v45;
	_ =	sdelay $0x1  }
0x198: {  	(erf) = vpow2.f32 v45;
	_ =	sdelay $0x8  }
0x199: {  	v45 =	vpop (erf)  }
0x19a: {  	[tilespmem:s20+$0xB700] =	vst v45  }
0x19b: {  	v53 =	vld [tilespmem:s19+$0x1E00]  }
0x19c: {  	v54 =	vor.u32 $0x20, v2;
	_ =	sdelay $0x1  }
0x19d: {  	v55 =	vor.u32 $0x300, v3;
	_ =	sdelay $0x1  }
0x19e: {  	v56 =	vor.u32 $0x301, v3;
	v46 =	vadd.s32 $0x4E20, v53  }
0x19f: {  	v45 =	vnsel vm1, $0x0, v45;
	[tilespmem:v54+s29+$0x0] =	vst.idx.msk $0xffff, v46  }
0x1a0: {  	v57 =	vor.u32 $0x302, v3;
	[tilespmem:v54+s30+$0x0] =	vst.idx.msk $0xffff, v45  }
0x1a1: {  	v46 =	vld.idx.msk [tilespmem:v55+s28+$0x0], $0xffff  }
0x1a2: {  	v58 =	vor.u32 $0x303, v3  }
0x1a3: {  	v59 =	vld.idx.msk [tilespmem:v56+s28+$0x0], $0xffff  }
0x1a4: {  	v60 =	vor.u32 $0x304, v3  }
0x1a5: {  	v45 =	vld.idx.msk [tilespmem:v57+s28+$0x0], $0xffff  }
0x1a6: {  	v61 =	vor.u32 $0x305, v3;
	v46 =	vadd.f32 $0.0e+00, v46  }
0x1a7: {  	v47 =	vld.idx.msk [tilespmem:v58+s28+$0x0], $0xffff  }
0x1a8: {  	v62 =	vor.u32 $0x306, v3;
	v46 =	vadd.f32 v59, v46  }
0x1a9: {  	v49 =	vld.idx.msk [tilespmem:v60+s28+$0x0], $0xffff  }
0x1aa: {  	v63 =	vor.u32 $0x307, v3;
	v45 =	vadd.f32 v45, v46  }
0x1ab: {  	v50 =	vld.idx.msk [tilespmem:v61+s28+$0x0], $0xffff  }
0x1ac: {  	v52 =	vor.u32 $0x308, v3;
	v45 =	vadd.f32 v47, v45  }
0x1ad: {  	v48 =	vld.idx.msk [tilespmem:v62+s28+$0x0], $0xffff  }
0x1ae: {  	v53 =	vor.u32 $0x309, v3;
	v45 =	vadd.f32 v49, v45  }
0x1af: {  	v46 =	vld.idx.msk [tilespmem:v63+s28+$0x0], $0xffff  }
0x1b0: {  	v54 =	vor.u32 $0x30A, v3;
	v45 =	vadd.f32 v50, v45  }
0x1b1: {  	v47 =	vld.idx.msk [tilespmem:v52+s28+$0x0], $0xffff  }
0x1b2: {  	v55 =	vor.u32 $0x30B, v3;
	v45 =	vadd.f32 v48, v45  }
0x1b3: {  	v49 =	vld.idx.msk [tilespmem:v53+s28+$0x0], $0xffff  }
0x1b4: {  	v56 =	vor.u32 $0x30C, v3;
	v45 =	vadd.f32 v46, v45  }
0x1b5: {  	v50 =	vld.idx.msk [tilespmem:v54+s28+$0x0], $0xffff  }
0x1b6: {  	v57 =	vor.u32 $0x30D, v3;
	v45 =	vadd.f32 v47, v45  }
0x1b7: {  	v48 =	vld.idx.msk [tilespmem:v55+s28+$0x0], $0xffff  }
0x1b8: {  	v58 =	vor.u32 $0x30E, v3;
	v45 =	vadd.f32 v49, v45  }
0x1b9: {  	v46 =	vld.idx.msk [tilespmem:v56+s28+$0x0], $0xffff  }
0x1ba: {  	v59 =	vor.u32 $0x30F, v3;
	v45 =	vadd.f32 v50, v45  }
0x1bb: {  	v47 =	vld.idx.msk [tilespmem:v57+s28+$0x0], $0xffff  }
0x1bc: {  	v45 =	vadd.f32 v48, v45  }
0x1bd: {  	v60 =	vld.idx.msk [tilespmem:v58+s28+$0x0], $0xffff  }
0x1be: {  	v45 =	vadd.f32 v46, v45  }
0x1bf: {  	v61 =	vld.idx.msk [tilespmem:v59+s28+$0x0], $0xffff  }
0x1c0: {  	v45 =	vadd.f32 v47, v45;
	_ =	sdelay $0x1  }
0x1c1: {  	v45 =	vadd.f32 v60, v45;
	_ =	sdelay $0x1  }
0x1c2: {  	v45 =	vadd.f32 v61, v45;
	_ =	sdelay $0x1  }
0x1c3: {  	v45 =	vmul.f32 $1.442695020e+00, v45;
	_ =	sdelay $0x1  }
0x1c4: {  	(erf) = vpow2.f32 v45;
	_ =	sdelay $0x8  }
0x1c5: {  	v45 =	vpop (erf)  }
0x1c6: {  	[tilespmem:s20+$0xB780] =	vst v45  }
0x1c7: {  	v62 =	vld [tilespmem:s19+$0x1E00]  }
0x1c8: {  	v63 =	vor.u32 $0x30, v2;
	_ =	sdelay $0x3  }
0x1c9: {  	s18 =	sadd.s32 $0x1, s18;
	v46 =	vadd.s32 $0x7530, v62  }
0x1ca: {  	p0 =	sne.s32 s18, $0x139;
	v45 =	vnsel vm1, $0x0, v45;
	[tilespmem:v63+s29+$0x0] =	vst.idx.msk $0xffff, v46  }
.Ltmp2:
0x1cb: {  	[tilespmem:v63+s30+$0x0] =	vst.idx.msk $0xffff, v45;
	(pc) =	sbr.rel @p0 .LBB2_4-.Ltmp2, $4  }
0x1cc: {  	[spmem:s2] =	stream.indirect.scatter.add.f32 [tilespmem:s30], [sflag:$0x2], $0x1, s29, s31, $0xb8;
	[tilespmem:$0x11100] =	vst v63  }
0x1cd: {  	_ =	swait.ge [sflag:s15], $0x80  }
0x1ce: {  	[sflag:s15] =	ssyncset.done $0x0  }
0x1cf: {  	[sflag:s15] =	ssyncadd.s32 $0xFFFFFF80  }
0x1d0: {  	s1 =	simm.s32 $0x0  }
0x1d1: {  	[hbm4b:s11+s1] =	stream.linear.scatter [tilespmem:s0], [sflag:$0x2], $0x5000, $0x38;
	[tilespmem:$0x11100] =	vst v63  }
0x1d2: {  	s25 =	stileid.u32;
	_ =	swait.ge [sflag:s15], $0x5000  }
0x1d3: {  	s17 =	sshrl.u32 s6, $0x3;
	s16 =	sadd.s32 $0x1, s16;
	[sflag:s15] =	ssyncset.done $0x0  }
0x1d4: {  	s1 =	sshll.u32 s25, $0x6;
	p0 =	sne.s32 s16, s13;
	[sflag:s15] =	ssyncadd.s32 $0xFFFFB000  }
.Ltmp3:
0x1d5: {  	s1 =	sor.u32 $0x1C02, s1;
	[bflag:$0x0] =	sbarrier.arrive $0xFFFF;
	(pc) =	sbr.rel @p0 .LBB2_1-.Ltmp3, $4  }
0x1d6: {  	[hbm:s12@s3], [sflag:s1] =	dma.strided [spmem:s17@s14], $0x140, s26, $0x10   }
0x1d7: {  	_ =	swait.ge [sflag:s15], $0x140  }
0x1d8: {  	[sflag:s15] =	ssyncset.done $0x0  }
0x1d9: {  	[sflag:s15] =	ssyncadd.s32 $0xFFFFFEC0  }
0x1da: {  	_ =	sfence.sel $0x180000  }
0x1db: {  	[bflag:$0x0] =	sbarrier.arrive $0xFFFF  }
0x1dc: {  	_ =	strace $0x90000047  }
0x1dd: {  	s0 =	stileid.u32;
	[bflag:$0x2] =	sbarrier.arrive $0xFFFF  }
0x1de: {  	p0 =	sne.s32 s0, $0x0;
	s0 =	rddreg [dreg:$0x3]  }
0x1df: {  	s0 =	sadd.s32 @!p0 $0x100000, s0  }
0x1e0: {  	[sflag:s0] =	ssyncadd.tile.s32 @!p0 $0x1;
	_ =	shalt  }
.Lfunc_end2:
_tile_overlayer_lowered:
.L_overlay_start_2:
0x1e1: {  	(tag) =	ssettag $0x2  }
0x1e2: {  	s0 =	rddreg [dreg:$0x0];
	s2 =	stileid.u32  }
0x1e3: {  	s1 =	rddreg [dreg:$0x1];
	p0 =	sne.s32 s2, $0x0  }
0x1e4: {  	s3 =	rddreg [dreg:$0x2];
	[bflag:$0x3] =	sbarrier.arrive $0xFFFF;
	s2 =	simm.s32 @!p0 $0x1C02  }
0x1e5: {  	[timem:s3], [sflag:s2] =	dma.local @!p0 [hbm:s0], s1  }
0x1e6: {  	s0 =	simm.s32 @!p0 $0x2  }
0x1e7: {  	_ =	swait.ge @!p0 [sflag:s0], s1  }
0x1e8: {  	s1 =	ssub.s32 @!p0 $0x0, s1;
	[sflag:s0] =	ssyncset.done @!p0 $0x0  }
0x1e9: {  	[sflag:s0] =	ssyncadd.s32 @!p0 s1  }
0x1ea: {  	[bflag:$0x3] =	sbarrier.arrive $0xFFFF  }
0x1eb: {  	_ =	shalt  }

</sc_bundles>
